<compile_context>
chip_gen: v7x
topology: tpu7x:2x2x1
jax: 0.10.2.dev20260603
libtpu: 0.0.44.dev20260713+nightly
codegen_flags: <defaults>
</compile_context>

<pallas_src>
import functools

import jax
import jax.numpy as jnp
import numpy as np
from jax import lax
from jax.experimental import pallas as pl
from jax.experimental.pallas import tpu as pltpu
from jax.experimental.pallas import tpu_sc as plsc

N = 10000
E = 320000
F = 128
EPS = 1e-8

NC, NS = 2, 16
NW = NC * NS
EPW = E // NW
CB = 40
NBLK = EPW // CB
NQ = 5
CPQ = NBLK // NQ
N_PAD = 10240
RPT = N_PAD // NS

_ACC_PERM = np.concatenate(
    [np.concatenate([32 * m + 2 * np.arange(16),
                     32 * m + 2 * np.arange(16) + 1]) for m in range(4)])


def _mm_body(a_ref, w_ref, b_ref, o_ref):
    o_ref[...] = jnp.dot(a_ref[...].astype(jnp.bfloat16),
                         w_ref[...].astype(jnp.bfloat16),
                         preferred_element_type=jnp.float32) + b_ref[...]


def _matmul_bias(a, w, b2d, blk):
    g = a.shape[0] // blk
    return pl.pallas_call(
        _mm_body,
        grid=(g,),
        in_specs=[
            pl.BlockSpec((blk, a.shape[1]), lambda i: (i, 0)),
            pl.BlockSpec(w.shape, lambda i: (0, 0)),
            pl.BlockSpec((1, b2d.shape[1]), lambda i: (0, 0)),
        ],
        out_specs=pl.BlockSpec((blk, w.shape[1]), lambda i: (i, 0)),
        out_shape=jax.ShapeDtypeStruct((a.shape[0], w.shape[1]), jnp.float32),
    )(a, w, b2d)


def _sc_body(eaw_hbm, xw_hbm, col_hbm, row_hbm, acc_out, cnt_out,
             col_v, row_v, ea_v0, ea_v1, xg_v0, xg_v1, h_v0, h_v1,
             ones_v, zbs_v, acc_sh, cnt_sh,
             sem_ld0, sem_ld1, sem_sc0, sem_sc1):
    cid = lax.axis_index("c")
    sid = lax.axis_index("s")
    wid = cid * NS + sid

    ea_v = (ea_v0, ea_v1)
    xg_v = (xg_v0, xg_v1)
    h_v = (h_v0, h_v1)
    sem_ld = (sem_ld0, sem_ld1)
    sem_sc = (sem_sc0, sem_sc1)

    zf = jnp.zeros((16,), jnp.float32)
    of = jnp.ones((16,), jnp.float32)

    def zero_h(i, _):
        for k in range(F // 16):
            h_v0[i, pl.ds(k * 16, 16)] = zf
        return 0
    lax.fori_loop(0, CB, zero_h, 0)

    def fill_ones(i, _):
        ones_v[i, :] = of
        zbs_v[i, :] = zf
        return 0
    lax.fori_loop(0, CB, fill_ones, 0)

    for m in range(RPT // CB):
        pltpu.sync_copy(h_v0, acc_sh.at[pl.ds(sid * RPT + m * CB, CB)])
        pltpu.sync_copy(zbs_v, cnt_sh.at[pl.ds(sid * RPT + m * CB, CB)])
    plsc.subcore_barrier()

    def wait_load(p):
        pltpu.make_async_copy(eaw_hbm.at[pl.ds(0, CB)], ea_v[p], sem_ld[p]).wait()
        pltpu.make_async_copy(xw_hbm.at[col_v.at[0]], xg_v[p], sem_ld[p]).wait()

    def wait_scatter(p):
        pltpu.make_async_copy(h_v[p], acc_sh.at[row_v.at[0]], sem_sc[p]).wait()
        pltpu.make_async_copy(ones_v, cnt_sh.at[row_v.at[0]], sem_sc[p]).wait()

    for q in range(NQ):
        pltpu.sync_copy(col_hbm.at[wid, q], col_v)
        pltpu.sync_copy(row_hbm.at[wid, q], row_v)

        def start_load(j, p):
            e0 = wid * EPW + (q * CPQ + j) * CB
            pltpu.async_copy(eaw_hbm.at[pl.ds(e0, CB)], ea_v[p], sem_ld[p])
            pltpu.async_copy(xw_hbm.at[col_v.at[j]], xg_v[p], sem_ld[p])

        def process(j, m, p):
            wait_load(p)

            @pl.when(m > 0)
            def _():
                wait_scatter(p)

            def rowfn(i, _):
                for k in range(F // 16):
                    s = pl.ds(k * 16, 16)
                    h_v[p][i, s] = jnp.maximum(xg_v[p][i, s] + ea_v[p][i, s],
                                               0.0)
                return 0
            lax.fori_loop(0, CB, rowfn, 0)
            pltpu.async_copy(h_v[p], acc_sh.at[row_v.at[j]], sem_sc[p],
                             add=True)
            pltpu.async_copy(ones_v, cnt_sh.at[row_v.at[j]], sem_sc[p],
                             add=True)

        start_load(0, 0)

        def pair(m, _):
            start_load(2 * m + 1, 1)
            process(2 * m, m, 0)

            @pl.when(m < CPQ // 2 - 1)
            def _():
                start_load(2 * m + 2, 0)
            process(2 * m + 1, m, 1)
            return 0
        lax.fori_loop(0, CPQ // 2, pair, 0)
        wait_scatter(0)
        wait_scatter(1)

    plsc.subcore_barrier()
    pltpu.sync_copy(acc_sh.at[pl.ds(sid * RPT, RPT)],
                    acc_out.at[cid, pl.ds(sid * RPT, RPT)])
    pltpu.sync_copy(cnt_sh.at[pl.ds(sid * RPT, RPT)],
                    cnt_out.at[cid, pl.ds(sid * RPT, RPT)])


@functools.lru_cache(maxsize=1)
def _make_sc_call():
  return pl.kernel(
    _sc_body,
    out_type=[
        jax.ShapeDtypeStruct((NC, N_PAD, F), jnp.float32),
        jax.ShapeDtypeStruct((NC, N_PAD, 16), jnp.float32),
    ],
    mesh=plsc.VectorSubcoreMesh(core_axis_name="c", subcore_axis_name="s",
                                num_cores=NC, num_subcores=NS),
    scratch_types=(
        [pltpu.VMEM((CPQ, CB), jnp.int32)] * 2
        + [pltpu.VMEM((CB, F), jnp.float32)] * 6
        + [pltpu.VMEM((CB, 16), jnp.float32),
           pltpu.VMEM((CB, 16), jnp.float32),
           pltpu.VMEM_SHARED((N_PAD, F), jnp.float32),
           pltpu.VMEM_SHARED((N_PAD, 16), jnp.float32)]
        + [pltpu.SemaphoreType.DMA] * 4
    ),
    compiler_params=pltpu.CompilerParams(use_tc_tiling_on_sc=False),
  )


def _cross_ratio(m):
    a, b, c, d = m[0], m[1], m[2], m[3]
    d13 = jnp.sqrt(jnp.sum((a - c) ** 2)) + EPS
    d24 = jnp.sqrt(jnp.sum((b - d) ** 2)) + EPS
    d14 = jnp.sqrt(jnp.sum((a - d) ** 2)) + EPS
    d23 = jnp.sqrt(jnp.sum((b - c) ** 2)) + EPS
    return (d13 * d24) / (d14 * d23)


def _finish_body(acc_ref, cnt_ref, x_ref, wm2_ref, bm2_ref, wu1_ref, bu1_ref,
                 wu2_ref, bu2_ref, o_ref, scale_ref):
    i = pl.program_id(0)
    agg = acc_ref[0] + acc_ref[1]
    cnt = cnt_ref[0, :, 0] + cnt_ref[1, :, 0]
    denom = (cnt + EPS)[:, None]
    mean = (jnp.dot(agg, wm2_ref[...], preferred_element_type=jnp.float32)
            + cnt[:, None] * bm2_ref[...]) / denom
    xb = x_ref[...]
    u = jnp.maximum(
        jnp.dot(xb, wu1_ref[:F], preferred_element_type=jnp.float32)
        + jnp.dot(mean, wu1_ref[F:], preferred_element_type=jnp.float32)
        + bu1_ref[...], 0.0)
    y = jnp.dot(u, wu2_ref[...], preferred_element_type=jnp.float32) + bu2_ref[...]
    nrm = jnp.sqrt(jnp.sum(y * y, axis=1, keepdims=True))
    ynorm = y / (nrm + EPS)

    @pl.when(i == 0)
    def _():
        cr_t = _cross_ratio(xb)
        cr_n = _cross_ratio(ynorm)
        scale_ref[0] = jnp.sqrt(jnp.abs(cr_t / (cr_n + EPS)))

    o_ref[...] = ynorm * scale_ref[0]


def _finish(acc, cnt, x, wm2, bm2_2d, wu1, bu1_2d, wu2, bu2_2d):
    blk = 1000
    return pl.pallas_call(
        _finish_body,
        grid=(N // blk,),
        in_specs=[
            pl.BlockSpec((NC, blk, F), lambda i: (0, i, 0)),
            pl.BlockSpec((NC, blk, 16), lambda i: (0, i, 0)),
            pl.BlockSpec((blk, F), lambda i: (i, 0)),
            pl.BlockSpec((F, F), lambda i: (0, 0)),
            pl.BlockSpec((1, F), lambda i: (0, 0)),
            pl.BlockSpec((2 * F, F), lambda i: (0, 0)),
            pl.BlockSpec((1, F), lambda i: (0, 0)),
            pl.BlockSpec((F, F), lambda i: (0, 0)),
            pl.BlockSpec((1, F), lambda i: (0, 0)),
        ],
        out_specs=pl.BlockSpec((blk, F), lambda i: (i, 0)),
        out_shape=jax.ShapeDtypeStruct((N, F), jnp.float32),
        scratch_shapes=[pltpu.SMEM((1,), jnp.float32)],
    )(acc, cnt, x, wm2, bm2_2d, wu1, bu1_2d, wu2, bu2_2d)


def kernel(x, edge_index, edge_attr, Wm1, bm1, Wm2, bm2, Wu1, bu1, Wu2, bu2):
    xw = _matmul_bias(x, Wm1[:F], jnp.zeros((1, F), jnp.float32), 1000)
    eaw = _matmul_bias(edge_attr, Wm1[F:], bm1.reshape(1, F), 16000)
    col2 = edge_index[1].reshape(NW, NQ, CPQ, CB)
    row2 = edge_index[0].reshape(NW, NQ, CPQ, CB)
    acc, cnt = _make_sc_call()(eaw, xw, col2, row2)
    return _finish(acc, cnt, x, Wm2, bm2.reshape(1, F), Wu1,
                   bu1.reshape(1, F), Wu2, bu2.reshape(1, F))

# --- scband reference (transcript-rebuilt; emitter-appended) ---
"""Pipeline reference for scband-hyperbolic-message-passing-65438121721898 (READ-ONLY COPY).

The authoritative reference and input builder live on the scoring server;
editing this copy changes nothing except your own understanding.
"""

import jax, jax.numpy as jnp
import numpy as np

N = 10000
E = 320000
F_IN = 128
F_OUT = 128
EPS = 1e-8


def compute_cross_ratio(a, b, c, d):
    d13 = jnp.linalg.norm(a - c) + EPS
    d24 = jnp.linalg.norm(b - d) + EPS
    d14 = jnp.linalg.norm(a - d) + EPS
    d23 = jnp.linalg.norm(b - c) + EPS
    return (d13 * d24) / (d14 * d23)


def restore_cross_ratio(x, cr_target):
    cr_now = compute_cross_ratio(x[0], x[1], x[2], x[3])
    scale = jnp.sqrt(jnp.abs(cr_target / (cr_now + EPS)))
    return x * scale


def uhg_project(x):
    # projective normalization onto the unit sphere (scale-equivalence class rep)
    return x / (jnp.linalg.norm(x, axis=-1, keepdims=True) + EPS)


def setup_inputs(seed: int = 0) -> dict:
    key = jax.random.key(seed)
    ks = jax.random.split(key, 12)
    x = jax.random.normal(ks[0], (N, F_IN), dtype=jnp.float32)
    edge_index = jax.random.randint(ks[1], (2, E), 0, N, dtype=jnp.int32)
    edge_attr = jax.random.normal(ks[2], (E, F_IN), dtype=jnp.float32)
    # message_mlp: Linear(2*F_IN -> F_OUT), ReLU, Linear(F_OUT -> F_OUT)
    Wm1 = jax.random.normal(ks[3], (2 * F_IN, F_OUT), dtype=jnp.float32) / np.sqrt(2 * F_IN)
    bm1 = jnp.zeros((F_OUT,), dtype=jnp.float32)
    Wm2 = jax.random.normal(ks[4], (F_OUT, F_OUT), dtype=jnp.float32) / np.sqrt(F_OUT)
    bm2 = jnp.zeros((F_OUT,), dtype=jnp.float32)
    # update_mlp: Linear(F_IN + F_OUT -> F_OUT), ReLU, Linear(F_OUT -> F_OUT)
    Wu1 = jax.random.normal(ks[5], (F_IN + F_OUT, F_OUT), dtype=jnp.float32) / np.sqrt(F_IN + F_OUT)
    bu1 = jnp.zeros((F_OUT,), dtype=jnp.float32)
    Wu2 = jax.random.normal(ks[6], (F_OUT, F_OUT), dtype=jnp.float32) / np.sqrt(F_OUT)
    bu2 = jnp.zeros((F_OUT,), dtype=jnp.float32)
    return {"x": x, "edge_index": edge_index, "edge_attr": edge_attr,
            "Wm1": Wm1, "bm1": bm1, "Wm2": Wm2, "bm2": bm2,
            "Wu1": Wu1, "bu1": bu1, "Wu2": Wu2, "bu2": bu2}


def reference(x, edge_index, edge_attr, Wm1, bm1, Wm2, bm2, Wu1, bu1, Wu2, bu2):
    n = x.shape[0]
    cr_initial = compute_cross_ratio(x[0], x[1], x[2], x[3])  # has_cr: N > 3
    row = edge_index[0]
    col = edge_index[1]
    # message: MLP(cat([x[col], edge_attr]))
    msg_in = jnp.concatenate([x[col], edge_attr], axis=-1)
    h = jnp.maximum(msg_in @ Wm1 + bm1, 0.0)
    messages = h @ Wm2 + bm2
    # mean aggregation via scatter-add + degree count
    out = jax.ops.segment_sum(messages, row, num_segments=n)
    count = jax.ops.segment_sum(jnp.ones((row.shape[0],), dtype=jnp.float32), row, num_segments=n)
    out = out / (count[:, None] + EPS)
    # update: MLP(cat([x, out]))
    upd_in = jnp.concatenate([x, out], axis=-1)
    u = jnp.maximum(upd_in @ Wu1 + bu1, 0.0)
    out = u @ Wu2 + bu2
    out = uhg_project(out)
    out = restore_cross_ratio(out, cr_initial)
    return out

if __name__ == "__main__":
    import jax
    _d = setup_inputs()
    print(jax.jit(kernel)(*tuple(_d.values())))

</pallas_src>

<mosaic_0001>
#map = affine_map<(d0, d1) -> (0, 0)>
#map1 = affine_map<(d0, d1) -> (0, 0, 0, 0)>
#map2 = affine_map<(d0, d1) -> (0, 0, 0)>
module attributes {stable_mosaic.version = 14 : i64} {
  func.func @_sc_body(%arg0: i32, %arg1: i32, %arg2: memref<320000x128xf32, #tpu.memory_space<hbm>>, %arg3: memref<10000x128xf32, #tpu.memory_space<hbm>>, %arg4: memref<32x5x50x40xi32, #tpu.memory_space<hbm>>, %arg5: memref<32x5x50x40xi32, #tpu.memory_space<hbm>>, %arg6: memref<2x10240x128xf32, #tpu.memory_space<hbm>>, %arg7: memref<2x10240x16xf32, #tpu.memory_space<hbm>>, %arg8: memref<50x40xi32, #tpu.memory_space<vmem>>, %arg9: memref<50x40xi32, #tpu.memory_space<vmem>>, %arg10: memref<40x128xf32, #tpu.memory_space<vmem>>, %arg11: memref<40x128xf32, #tpu.memory_space<vmem>>, %arg12: memref<40x128xf32, #tpu.memory_space<vmem>>, %arg13: memref<40x128xf32, #tpu.memory_space<vmem>>, %arg14: memref<40x128xf32, #tpu.memory_space<vmem>>, %arg15: memref<40x128xf32, #tpu.memory_space<vmem>>, %arg16: memref<40x16xf32, #tpu.memory_space<vmem>>, %arg17: memref<40x16xf32, #tpu.memory_space<vmem>>, %arg18: memref<10240x128xf32, #tpu.memory_space<vmem_shared>>, %arg19: memref<10240x16xf32, #tpu.memory_space<vmem_shared>>, %arg20: memref<!tpu.dma_semaphore, #tpu.memory_space<semaphore_mem>>, %arg21: memref<!tpu.dma_semaphore, #tpu.memory_space<semaphore_mem>>, %arg22: memref<!tpu.dma_semaphore, #tpu.memory_space<semaphore_mem>>, %arg23: memref<!tpu.dma_semaphore, #tpu.memory_space<semaphore_mem>>) attributes {dimension_semantics = [#tpu.dimension_semantics<core_parallel>, #tpu.dimension_semantics<subcore_parallel>], iteration_bounds = array<i64: 2, 16>, scalar_prefetch = 0 : i64, scratch_operands = 16 : i64, tpu.core_type = #tpu.core_type<sc_vector_subcore>, window_params = [{transform_indices = #map}, {transform_indices = #map}, {transform_indices = #map1}, {transform_indices = #map1}, {transform_indices = #map2}, {transform_indices = #map2}]} {
    %mul3A = arith.constant 16 : i32
    %mul3A_0 = arith.muli %arg0, %mul3A : i32
    %add3A = arith.addi %mul3A_0, %arg1 : i32
    %broadcast_in_dim3A = arith.constant 0.000000e+00 : f32
    %broadcast_in_dim3A_1 = vector.broadcast %broadcast_in_dim3A : f32 to vector<16xf32>
    %broadcast_in_dim3A_2 = arith.constant 1.000000e+00 : f32
    %broadcast_in_dim3A_3 = vector.broadcast %broadcast_in_dim3A_2 : f32 to vector<16xf32>
    %scan3A = arith.constant 0 : i32
    %scan3A_4 = arith.constant 0 : i32
    %scan3A_5 = arith.constant 40 : i32
    %scan3A_6 = arith.addi %scan3A_4, %scan3A_5 : i32
    %scan3A_7 = arith.constant 1 : i32
    %scan3A_8 = scf.for %scan3A_411 = %scan3A_4 to %scan3A_6 step %scan3A_7 iter_args(%scan3A_412 = %scan3A) -> (i32)  : i32 {
      %swap3A = arith.index_cast %scan3A_411 : i32 to index
      %swap3A_413 = arith.constant 0 : index
      %swap3A_414 = tpu.vector_load %arg14[%swap3A, %swap3A_413] {strides = array<i32>} : memref<40x128xf32, #tpu.memory_space<vmem>>, vector<1x16xf32>,
      %swap3A_415 = vector.shape_cast %swap3A_414 : vector<1x16xf32> to vector<16xf32>
      %swap3A_416 = vector.shape_cast %broadcast_in_dim3A_1 : vector<16xf32> to vector<1x16xf32>
      tpu.vector_store %arg14[%swap3A, %swap3A_413], %swap3A_416 {strides = array<i32>} : memref<40x128xf32, #tpu.memory_space<vmem>>, vector<1x16xf32>,
      %swap3A_417 = arith.index_cast %scan3A_411 : i32 to index
      %swap3A_418 = arith.constant 16 : index
      %swap3A_419 = tpu.vector_load %arg14[%swap3A_417, %swap3A_418] {strides = array<i32>} : memref<40x128xf32, #tpu.memory_space<vmem>>, vector<1x16xf32>,
      %swap3A_420 = vector.shape_cast %swap3A_419 : vector<1x16xf32> to vector<16xf32>
      %swap3A_421 = vector.shape_cast %broadcast_in_dim3A_1 : vector<16xf32> to vector<1x16xf32>
      tpu.vector_store %arg14[%swap3A_417, %swap3A_418], %swap3A_421 {strides = array<i32>} : memref<40x128xf32, #tpu.memory_space<vmem>>, vector<1x16xf32>,
      %swap3A_422 = arith.index_cast %scan3A_411 : i32 to index
      %swap3A_423 = arith.constant 32 : index
      %swap3A_424 = tpu.vector_load %arg14[%swap3A_422, %swap3A_423] {strides = array<i32>} : memref<40x128xf32, #tpu.memory_space<vmem>>, vector<1x16xf32>,
      %swap3A_425 = vector.shape_cast %swap3A_424 : vector<1x16xf32> to vector<16xf32>
      %swap3A_426 = vector.shape_cast %broadcast_in_dim3A_1 : vector<16xf32> to vector<1x16xf32>
      tpu.vector_store %arg14[%swap3A_422, %swap3A_423], %swap3A_426 {strides = array<i32>} : memref<40x128xf32, #tpu.memory_space<vmem>>, vector<1x16xf32>,
      %swap3A_427 = arith.index_cast %scan3A_411 : i32 to index
      %swap3A_428 = arith.constant 48 : index
      %swap3A_429 = tpu.vector_load %arg14[%swap3A_427, %swap3A_428] {strides = array<i32>} : memref<40x128xf32, #tpu.memory_space<vmem>>, vector<1x16xf32>,
      %swap3A_430 = vector.shape_cast %swap3A_429 : vector<1x16xf32> to vector<16xf32>
      %swap3A_431 = vector.shape_cast %broadcast_in_dim3A_1 : vector<16xf32> to vector<1x16xf32>
      tpu.vector_store %arg14[%swap3A_427, %swap3A_428], %swap3A_431 {strides = array<i32>} : memref<40x128xf32, #tpu.memory_space<vmem>>, vector<1x16xf32>,
      %swap3A_432 = arith.index_cast %scan3A_411 : i32 to index
      %swap3A_433 = arith.constant 64 : index
      %swap3A_434 = tpu.vector_load %arg14[%swap3A_432, %swap3A_433] {strides = array<i32>} : memref<40x128xf32, #tpu.memory_space<vmem>>, vector<1x16xf32>,
      %swap3A_435 = vector.shape_cast %swap3A_434 : vector<1x16xf32> to vector<16xf32>
      %swap3A_436 = vector.shape_cast %broadcast_in_dim3A_1 : vector<16xf32> to vector<1x16xf32>
      tpu.vector_store %arg14[%swap3A_432, %swap3A_433], %swap3A_436 {strides = array<i32>} : memref<40x128xf32, #tpu.memory_space<vmem>>, vector<1x16xf32>,
      %swap3A_437 = arith.index_cast %scan3A_411 : i32 to index
      %swap3A_438 = arith.constant 80 : index
      %swap3A_439 = tpu.vector_load %arg14[%swap3A_437, %swap3A_438] {strides = array<i32>} : memref<40x128xf32, #tpu.memory_space<vmem>>, vector<1x16xf32>,
      %swap3A_440 = vector.shape_cast %swap3A_439 : vector<1x16xf32> to vector<16xf32>
      %swap3A_441 = vector.shape_cast %broadcast_in_dim3A_1 : vector<16xf32> to vector<1x16xf32>
      tpu.vector_store %arg14[%swap3A_437, %swap3A_438], %swap3A_441 {strides = array<i32>} : memref<40x128xf32, #tpu.memory_space<vmem>>, vector<1x16xf32>,
      %swap3A_442 = arith.index_cast %scan3A_411 : i32 to index
      %swap3A_443 = arith.constant 96 : index
      %swap3A_444 = tpu.vector_load %arg14[%swap3A_442, %swap3A_443] {strides = array<i32>} : memref<40x128xf32, #tpu.memory_space<vmem>>, vector<1x16xf32>,
      %swap3A_445 = vector.shape_cast %swap3A_444 : vector<1x16xf32> to vector<16xf32>
      %swap3A_446 = vector.shape_cast %broadcast_in_dim3A_1 : vector<16xf32> to vector<1x16xf32>
      tpu.vector_store %arg14[%swap3A_442, %swap3A_443], %swap3A_446 {strides = array<i32>} : memref<40x128xf32, #tpu.memory_space<vmem>>, vector<1x16xf32>,
      %swap3A_447 = arith.index_cast %scan3A_411 : i32 to index
      %swap3A_448 = arith.constant 112 : index
      %swap3A_449 = tpu.vector_load %arg14[%swap3A_447, %swap3A_448] {strides = array<i32>} : memref<40x128xf32, #tpu.memory_space<vmem>>, vector<1x16xf32>,
      %swap3A_450 = vector.shape_cast %swap3A_449 : vector<1x16xf32> to vector<16xf32>
      %swap3A_451 = vector.shape_cast %broadcast_in_dim3A_1 : vector<16xf32> to vector<1x16xf32>
      tpu.vector_store %arg14[%swap3A_447, %swap3A_448], %swap3A_451 {strides = array<i32>} : memref<40x128xf32, #tpu.memory_space<vmem>>, vector<1x16xf32>,
      %scan3A_452 = arith.constant 0 : i32
      scf.yield %scan3A_452 : i32
    }
    %scan3A_9 = arith.constant 40 : i32
    %scan3A_10 = arith.constant 0 : i32
    %scan3A_11 = arith.constant 0 : i32
    %scan3A_12 = arith.constant 40 : i32
    %scan3A_13 = arith.addi %scan3A_11, %scan3A_12 : i32
    %scan3A_14 = arith.constant 1 : i32
    %scan3A_15 = scf.for %scan3A_411 = %scan3A_11 to %scan3A_13 step %scan3A_14 iter_args(%scan3A_412 = %scan3A_10) -> (i32)  : i32 {
      %swap3A = arith.index_cast %scan3A_411 : i32 to index
      %swap3A_413 = arith.constant 0 : index
      %swap3A_414 = tpu.vector_load %arg16[%swap3A, %swap3A_413] {strides = array<i32>} : memref<40x16xf32, #tpu.memory_space<vmem>>, vector<1x16xf32>,
      %swap3A_415 = vector.shape_cast %swap3A_414 : vector<1x16xf32> to vector<16xf32>
      %swap3A_416 = vector.shape_cast %broadcast_in_dim3A_3 : vector<16xf32> to vector<1x16xf32>
      tpu.vector_store %arg16[%swap3A, %swap3A_413], %swap3A_416 {strides = array<i32>} : memref<40x16xf32, #tpu.memory_space<vmem>>, vector<1x16xf32>,
      %swap3A_417 = arith.index_cast %scan3A_411 : i32 to index
      %swap3A_418 = arith.constant 0 : index
      %swap3A_419 = tpu.vector_load %arg17[%swap3A_417, %swap3A_418] {strides = array<i32>} : memref<40x16xf32, #tpu.memory_space<vmem>>, vector<1x16xf32>,
      %swap3A_420 = vector.shape_cast %swap3A_419 : vector<1x16xf32> to vector<16xf32>
      %swap3A_421 = vector.shape_cast %broadcast_in_dim3A_1 : vector<16xf32> to vector<1x16xf32>
      tpu.vector_store %arg17[%swap3A_417, %swap3A_418], %swap3A_421 {strides = array<i32>} : memref<40x16xf32, #tpu.memory_space<vmem>>, vector<1x16xf32>,
      %scan3A_422 = arith.constant 0 : i32
      scf.yield %scan3A_422 : i32
    }
    %scan3A_16 = arith.constant 40 : i32
    %mul3A_17 = arith.constant 640 : i32
    %mul3A_18 = arith.muli %arg1, %mul3A_17 : i32
    %add3A_19 = arith.constant 0 : i32
    %add3A_20 = arith.addi %mul3A_18, %add3A_19 : i32
    "tpu.region"() ({
      %run_scoped3A_411 = tpu.sem_alloc : memref<!tpu.dma_semaphore, #tpu.memory_space<semaphore_mem>>
      %dma_start3A_412 = arith.constant 0 : i32
      %dma_start3A_413 = tpu.memref_slice %arg18[%add3A_20, %dma_start3A_412] : memref<10240x128xf32, #tpu.memory_space<vmem_shared>> -> memref<40x128xf32, #tpu.memory_space<vmem_shared>>
      %dma_start3A_414 = arith.constant 0 : i32
      %dma_start3A_415 = tpu.memref_slice %arg18[%add3A_20, %dma_start3A_414] : memref<10240x128xf32, #tpu.memory_space<vmem_shared>> -> memref<40x128xf32, #tpu.memory_space<vmem_shared>>
      tpu.enqueue_dma source(%arg14 : memref<40x128xf32, #tpu.memory_space<vmem>>) target(%dma_start3A_415 : memref<40x128xf32, #tpu.memory_space<vmem_shared>>) target_semaphore(%run_scoped3A_411 : memref<!tpu.dma_semaphore, #tpu.memory_space<semaphore_mem>>)
      %dma_wait3A_416 = arith.constant 0 : i32
      %dma_wait3A_417 = tpu.memref_slice %arg18[%add3A_20, %dma_wait3A_416] : memref<10240x128xf32, #tpu.memory_space<vmem_shared>> -> memref<40x128xf32, #tpu.memory_space<vmem_shared>>
      %dma_wait3A_418 = arith.constant 0 : i32
      %dma_wait3A_419 = tpu.memref_slice %arg18[%add3A_20, %dma_wait3A_418] : memref<10240x128xf32, #tpu.memory_space<vmem_shared>> -> memref<40x128xf32, #tpu.memory_space<vmem_shared>>
      tpu.wait_dma2 semaphore(%run_scoped3A_411 : memref<!tpu.dma_semaphore, #tpu.memory_space<semaphore_mem>>) src(%arg14 : memref<40x128xf32, #tpu.memory_space<vmem>>) dst(%dma_wait3A_419 : memref<40x128xf32, #tpu.memory_space<vmem_shared>>)
      tpu.yield
    }) : () -> ()
    %mul3A_21 = arith.constant 640 : i32
    %mul3A_22 = arith.muli %arg1, %mul3A_21 : i32
    %add3A_23 = arith.constant 0 : i32
    %add3A_24 = arith.addi %mul3A_22, %add3A_23 : i32
    "tpu.region"() ({
      %run_scoped3A_411 = tpu.sem_alloc : memref<!tpu.dma_semaphore, #tpu.memory_space<semaphore_mem>>
      %dma_start3A_412 = arith.constant 0 : i32
      %dma_start3A_413 = tpu.memref_slice %arg19[%add3A_24, %dma_start3A_412] : memref<10240x16xf32, #tpu.memory_space<vmem_shared>> -> memref<40x16xf32, #tpu.memory_space<vmem_shared>>
      %dma_start3A_414 = arith.constant 0 : i32
      %dma_start3A_415 = tpu.memref_slice %arg19[%add3A_24, %dma_start3A_414] : memref<10240x16xf32, #tpu.memory_space<vmem_shared>> -> memref<40x16xf32, #tpu.memory_space<vmem_shared>>
      tpu.enqueue_dma source(%arg17 : memref<40x16xf32, #tpu.memory_space<vmem>>) target(%dma_start3A_415 : memref<40x16xf32, #tpu.memory_space<vmem_shared>>) target_semaphore(%run_scoped3A_411 : memref<!tpu.dma_semaphore, #tpu.memory_space<semaphore_mem>>)
      %dma_wait3A_416 = arith.constant 0 : i32
      %dma_wait3A_417 = tpu.memref_slice %arg19[%add3A_24, %dma_wait3A_416] : memref<10240x16xf32, #tpu.memory_space<vmem_shared>> -> memref<40x16xf32, #tpu.memory_space<vmem_shared>>
      %dma_wait3A_418 = arith.constant 0 : i32
      %dma_wait3A_419 = tpu.memref_slice %arg19[%add3A_24, %dma_wait3A_418] : memref<10240x16xf32, #tpu.memory_space<vmem_shared>> -> memref<40x16xf32, #tpu.memory_space<vmem_shared>>
      tpu.wait_dma2 semaphore(%run_scoped3A_411 : memref<!tpu.dma_semaphore, #tpu.memory_space<semaphore_mem>>) src(%arg17 : memref<40x16xf32, #tpu.memory_space<vmem>>) dst(%dma_wait3A_419 : memref<40x16xf32, #tpu.memory_space<vmem_shared>>)
      tpu.yield
    }) : () -> ()
    %mul3A_25 = arith.constant 640 : i32
    %mul3A_26 = arith.muli %arg1, %mul3A_25 : i32
    %add3A_27 = arith.constant 40 : i32
    %add3A_28 = arith.addi %mul3A_26, %add3A_27 : i32
    "tpu.region"() ({
      %run_scoped3A_411 = tpu.sem_alloc : memref<!tpu.dma_semaphore, #tpu.memory_space<semaphore_mem>>
      %dma_start3A_412 = arith.constant 0 : i32
      %dma_start3A_413 = tpu.memref_slice %arg18[%add3A_28, %dma_start3A_412] : memref<10240x128xf32, #tpu.memory_space<vmem_shared>> -> memref<40x128xf32, #tpu.memory_space<vmem_shared>>
      %dma_start3A_414 = arith.constant 0 : i32
      %dma_start3A_415 = tpu.memref_slice %arg18[%add3A_28, %dma_start3A_414] : memref<10240x128xf32, #tpu.memory_space<vmem_shared>> -> memref<40x128xf32, #tpu.memory_space<vmem_shared>>
      tpu.enqueue_dma source(%arg14 : memref<40x128xf32, #tpu.memory_space<vmem>>) target(%dma_start3A_415 : memref<40x128xf32, #tpu.memory_space<vmem_shared>>) target_semaphore(%run_scoped3A_411 : memref<!tpu.dma_semaphore, #tpu.memory_space<semaphore_mem>>)
      %dma_wait3A_416 = arith.constant 0 : i32
      %dma_wait3A_417 = tpu.memref_slice %arg18[%add3A_28, %dma_wait3A_416] : memref<10240x128xf32, #tpu.memory_space<vmem_shared>> -> memref<40x128xf32, #tpu.memory_space<vmem_shared>>
      %dma_wait3A_418 = arith.constant 0 : i32
      %dma_wait3A_419 = tpu.memref_slice %arg18[%add3A_28, %dma_wait3A_418] : memref<10240x128xf32, #tpu.memory_space<vmem_shared>> -> memref<40x128xf32, #tpu.memory_space<vmem_shared>>
      tpu.wait_dma2 semaphore(%run_scoped3A_411 : memref<!tpu.dma_semaphore, #tpu.memory_space<semaphore_mem>>) src(%arg14 : memref<40x128xf32, #tpu.memory_space<vmem>>) dst(%dma_wait3A_419 : memref<40x128xf32, #tpu.memory_space<vmem_shared>>)
      tpu.yield
    }) : () -> ()
    %mul3A_29 = arith.constant 640 : i32
    %mul3A_30 = arith.muli %arg1, %mul3A_29 : i32
    %add3A_31 = arith.constant 40 : i32
    %add3A_32 = arith.addi %mul3A_30, %add3A_31 : i32
    "tpu.region"() ({
      %run_scoped3A_411 = tpu.sem_alloc : memref<!tpu.dma_semaphore, #tpu.memory_space<semaphore_mem>>
      %dma_start3A_412 = arith.constant 0 : i32
      %dma_start3A_413 = tpu.memref_slice %arg19[%add3A_32, %dma_start3A_412] : memref<10240x16xf32, #tpu.memory_space<vmem_shared>> -> memref<40x16xf32, #tpu.memory_space<vmem_shared>>
      %dma_start3A_414 = arith.constant 0 : i32
      %dma_start3A_415 = tpu.memref_slice %arg19[%add3A_32, %dma_start3A_414] : memref<10240x16xf32, #tpu.memory_space<vmem_shared>> -> memref<40x16xf32, #tpu.memory_space<vmem_shared>>
      tpu.enqueue_dma source(%arg17 : memref<40x16xf32, #tpu.memory_space<vmem>>) target(%dma_start3A_415 : memref<40x16xf32, #tpu.memory_space<vmem_shared>>) target_semaphore(%run_scoped3A_411 : memref<!tpu.dma_semaphore, #tpu.memory_space<semaphore_mem>>)
      %dma_wait3A_416 = arith.constant 0 : i32
      %dma_wait3A_417 = tpu.memref_slice %arg19[%add3A_32, %dma_wait3A_416] : memref<10240x16xf32, #tpu.memory_space<vmem_shared>> -> memref<40x16xf32, #tpu.memory_space<vmem_shared>>
      %dma_wait3A_418 = arith.constant 0 : i32
      %dma_wait3A_419 = tpu.memref_slice %arg19[%add3A_32, %dma_wait3A_418] : memref<10240x16xf32, #tpu.memory_space<vmem_shared>> -> memref<40x16xf32, #tpu.memory_space<vmem_shared>>
      tpu.wait_dma2 semaphore(%run_scoped3A_411 : memref<!tpu.dma_semaphore, #tpu.memory_space<semaphore_mem>>) src(%arg17 : memref<40x16xf32, #tpu.memory_space<vmem>>) dst(%dma_wait3A_419 : memref<40x16xf32, #tpu.memory_space<vmem_shared>>)
      tpu.yield
    }) : () -> ()
    %mul3A_33 = arith.constant 640 : i32
    %mul3A_34 = arith.muli %arg1, %mul3A_33 : i32
    %add3A_35 = arith.constant 80 : i32
    %add3A_36 = arith.addi %mul3A_34, %add3A_35 : i32
    "tpu.region"() ({
      %run_scoped3A_411 = tpu.sem_alloc : memref<!tpu.dma_semaphore, #tpu.memory_space<semaphore_mem>>
      %dma_start3A_412 = arith.constant 0 : i32
      %dma_start3A_413 = tpu.memref_slice %arg18[%add3A_36, %dma_start3A_412] : memref<10240x128xf32, #tpu.memory_space<vmem_shared>> -> memref<40x128xf32, #tpu.memory_space<vmem_shared>>
      %dma_start3A_414 = arith.constant 0 : i32
      %dma_start3A_415 = tpu.memref_slice %arg18[%add3A_36, %dma_start3A_414] : memref<10240x128xf32, #tpu.memory_space<vmem_shared>> -> memref<40x128xf32, #tpu.memory_space<vmem_shared>>
      tpu.enqueue_dma source(%arg14 : memref<40x128xf32, #tpu.memory_space<vmem>>) target(%dma_start3A_415 : memref<40x128xf32, #tpu.memory_space<vmem_shared>>) target_semaphore(%run_scoped3A_411 : memref<!tpu.dma_semaphore, #tpu.memory_space<semaphore_mem>>)
      %dma_wait3A_416 = arith.constant 0 : i32
      %dma_wait3A_417 = tpu.memref_slice %arg18[%add3A_36, %dma_wait3A_416] : memref<10240x128xf32, #tpu.memory_space<vmem_shared>> -> memref<40x128xf32, #tpu.memory_space<vmem_shared>>
      %dma_wait3A_418 = arith.constant 0 : i32
      %dma_wait3A_419 = tpu.memref_slice %arg18[%add3A_36, %dma_wait3A_418] : memref<10240x128xf32, #tpu.memory_space<vmem_shared>> -> memref<40x128xf32, #tpu.memory_space<vmem_shared>>
      tpu.wait_dma2 semaphore(%run_scoped3A_411 : memref<!tpu.dma_semaphore, #tpu.memory_space<semaphore_mem>>) src(%arg14 : memref<40x128xf32, #tpu.memory_space<vmem>>) dst(%dma_wait3A_419 : memref<40x128xf32, #tpu.memory_space<vmem_shared>>)
      tpu.yield
    }) : () -> ()
    %mul3A_37 = arith.constant 640 : i32
    %mul3A_38 = arith.muli %arg1, %mul3A_37 : i32
    %add3A_39 = arith.constant 80 : i32
    %add3A_40 = arith.addi %mul3A_38, %add3A_39 : i32
    "tpu.region"() ({
      %run_scoped3A_411 = tpu.sem_alloc : memref<!tpu.dma_semaphore, #tpu.memory_space<semaphore_mem>>
      %dma_start3A_412 = arith.constant 0 : i32
      %dma_start3A_413 = tpu.memref_slice %arg19[%add3A_40, %dma_start3A_412] : memref<10240x16xf32, #tpu.memory_space<vmem_shared>> -> memref<40x16xf32, #tpu.memory_space<vmem_shared>>
      %dma_start3A_414 = arith.constant 0 : i32
      %dma_start3A_415 = tpu.memref_slice %arg19[%add3A_40, %dma_start3A_414] : memref<10240x16xf32, #tpu.memory_space<vmem_shared>> -> memref<40x16xf32, #tpu.memory_space<vmem_shared>>
      tpu.enqueue_dma source(%arg17 : memref<40x16xf32, #tpu.memory_space<vmem>>) target(%dma_start3A_415 : memref<40x16xf32, #tpu.memory_space<vmem_shared>>) target_semaphore(%run_scoped3A_411 : memref<!tpu.dma_semaphore, #tpu.memory_space<semaphore_mem>>)
      %dma_wait3A_416 = arith.constant 0 : i32
      %dma_wait3A_417 = tpu.memref_slice %arg19[%add3A_40, %dma_wait3A_416] : memref<10240x16xf32, #tpu.memory_space<vmem_shared>> -> memref<40x16xf32, #tpu.memory_space<vmem_shared>>
      %dma_wait3A_418 = arith.constant 0 : i32
      %dma_wait3A_419 = tpu.memref_slice %arg19[%add3A_40, %dma_wait3A_418] : memref<10240x16xf32, #tpu.memory_space<vmem_shared>> -> memref<40x16xf32, #tpu.memory_space<vmem_shared>>
      tpu.wait_dma2 semaphore(%run_scoped3A_411 : memref<!tpu.dma_semaphore, #tpu.memory_space<semaphore_mem>>) src(%arg17 : memref<40x16xf32, #tpu.memory_space<vmem>>) dst(%dma_wait3A_419 : memref<40x16xf32, #tpu.memory_space<vmem_shared>>)
      tpu.yield
    }) : () -> ()
    %mul3A_41 = arith.constant 640 : i32
    %mul3A_42 = arith.muli %arg1, %mul3A_41 : i32
    %add3A_43 = arith.constant 120 : i32
    %add3A_44 = arith.addi %mul3A_42, %add3A_43 : i32
    "tpu.region"() ({
      %run_scoped3A_411 = tpu.sem_alloc : memref<!tpu.dma_semaphore, #tpu.memory_space<semaphore_mem>>
      %dma_start3A_412 = arith.constant 0 : i32
      %dma_start3A_413 = tpu.memref_slice %arg18[%add3A_44, %dma_start3A_412] : memref<10240x128xf32, #tpu.memory_space<vmem_shared>> -> memref<40x128xf32, #tpu.memory_space<vmem_shared>>
      %dma_start3A_414 = arith.constant 0 : i32
      %dma_start3A_415 = tpu.memref_slice %arg18[%add3A_44, %dma_start3A_414] : memref<10240x128xf32, #tpu.memory_space<vmem_shared>> -> memref<40x128xf32, #tpu.memory_space<vmem_shared>>
      tpu.enqueue_dma source(%arg14 : memref<40x128xf32, #tpu.memory_space<vmem>>) target(%dma_start3A_415 : memref<40x128xf32, #tpu.memory_space<vmem_shared>>) target_semaphore(%run_scoped3A_411 : memref<!tpu.dma_semaphore, #tpu.memory_space<semaphore_mem>>)
      %dma_wait3A_416 = arith.constant 0 : i32
      %dma_wait3A_417 = tpu.memref_slice %arg18[%add3A_44, %dma_wait3A_416] : memref<10240x128xf32, #tpu.memory_space<vmem_shared>> -> memref<40x128xf32, #tpu.memory_space<vmem_shared>>
      %dma_wait3A_418 = arith.constant 0 : i32
      %dma_wait3A_419 = tpu.memref_slice %arg18[%add3A_44, %dma_wait3A_418] : memref<10240x128xf32, #tpu.memory_space<vmem_shared>> -> memref<40x128xf32, #tpu.memory_space<vmem_shared>>
      tpu.wait_dma2 semaphore(%run_scoped3A_411 : memref<!tpu.dma_semaphore, #tpu.memory_space<semaphore_mem>>) src(%arg14 : memref<40x128xf32, #tpu.memory_space<vmem>>) dst(%dma_wait3A_419 : memref<40x128xf32, #tpu.memory_space<vmem_shared>>)
      tpu.yield
    }) : () -> ()
    %mul3A_45 = arith.constant 640 : i32
    %mul3A_46 = arith.muli %arg1, %mul3A_45 : i32
    %add3A_47 = arith.constant 120 : i32
    %add3A_48 = arith.addi %mul3A_46, %add3A_47 : i32
    "tpu.region"() ({
      %run_scoped3A_411 = tpu.sem_alloc : memref<!tpu.dma_semaphore, #tpu.memory_space<semaphore_mem>>
      %dma_start3A_412 = arith.constant 0 : i32
      %dma_start3A_413 = tpu.memref_slice %arg19[%add3A_48, %dma_start3A_412] : memref<10240x16xf32, #tpu.memory_space<vmem_shared>> -> memref<40x16xf32, #tpu.memory_space<vmem_shared>>
      %dma_start3A_414 = arith.constant 0 : i32
      %dma_start3A_415 = tpu.memref_slice %arg19[%add3A_48, %dma_start3A_414] : memref<10240x16xf32, #tpu.memory_space<vmem_shared>> -> memref<40x16xf32, #tpu.memory_space<vmem_shared>>
      tpu.enqueue_dma source(%arg17 : memref<40x16xf32, #tpu.memory_space<vmem>>) target(%dma_start3A_415 : memref<40x16xf32, #tpu.memory_space<vmem_shared>>) target_semaphore(%run_scoped3A_411 : memref<!tpu.dma_semaphore, #tpu.memory_space<semaphore_mem>>)
      %dma_wait3A_416 = arith.constant 0 : i32
      %dma_wait3A_417 = tpu.memref_slice %arg19[%add3A_48, %dma_wait3A_416] : memref<10240x16xf32, #tpu.memory_space<vmem_shared>> -> memref<40x16xf32, #tpu.memory_space<vmem_shared>>
      %dma_wait3A_418 = arith.constant 0 : i32
      %dma_wait3A_419 = tpu.memref_slice %arg19[%add3A_48, %dma_wait3A_418] : memref<10240x16xf32, #tpu.memory_space<vmem_shared>> -> memref<40x16xf32, #tpu.memory_space<vmem_shared>>
      tpu.wait_dma2 semaphore(%run_scoped3A_411 : memref<!tpu.dma_semaphore, #tpu.memory_space<semaphore_mem>>) src(%arg17 : memref<40x16xf32, #tpu.memory_space<vmem>>) dst(%dma_wait3A_419 : memref<40x16xf32, #tpu.memory_space<vmem_shared>>)
      tpu.yield
    }) : () -> ()
    %mul3A_49 = arith.constant 640 : i32
    %mul3A_50 = arith.muli %arg1, %mul3A_49 : i32
    %add3A_51 = arith.constant 160 : i32
    %add3A_52 = arith.addi %mul3A_50, %add3A_51 : i32
    "tpu.region"() ({
      %run_scoped3A_411 = tpu.sem_alloc : memref<!tpu.dma_semaphore, #tpu.memory_space<semaphore_mem>>
      %dma_start3A_412 = arith.constant 0 : i32
      %dma_start3A_413 = tpu.memref_slice %arg18[%add3A_52, %dma_start3A_412] : memref<10240x128xf32, #tpu.memory_space<vmem_shared>> -> memref<40x128xf32, #tpu.memory_space<vmem_shared>>
      %dma_start3A_414 = arith.constant 0 : i32
      %dma_start3A_415 = tpu.memref_slice %arg18[%add3A_52, %dma_start3A_414] : memref<10240x128xf32, #tpu.memory_space<vmem_shared>> -> memref<40x128xf32, #tpu.memory_space<vmem_shared>>
      tpu.enqueue_dma source(%arg14 : memref<40x128xf32, #tpu.memory_space<vmem>>) target(%dma_start3A_415 : memref<40x128xf32, #tpu.memory_space<vmem_shared>>) target_semaphore(%run_scoped3A_411 : memref<!tpu.dma_semaphore, #tpu.memory_space<semaphore_mem>>)
      %dma_wait3A_416 = arith.constant 0 : i32
      %dma_wait3A_417 = tpu.memref_slice %arg18[%add3A_52, %dma_wait3A_416] : memref<10240x128xf32, #tpu.memory_space<vmem_shared>> -> memref<40x128xf32, #tpu.memory_space<vmem_shared>>
      %dma_wait3A_418 = arith.constant 0 : i32
      %dma_wait3A_419 = tpu.memref_slice %arg18[%add3A_52, %dma_wait3A_418] : memref<10240x128xf32, #tpu.memory_space<vmem_shared>> -> memref<40x128xf32, #tpu.memory_space<vmem_shared>>
      tpu.wait_dma2 semaphore(%run_scoped3A_411 : memref<!tpu.dma_semaphore, #tpu.memory_space<semaphore_mem>>) src(%arg14 : memref<40x128xf32, #tpu.memory_space<vmem>>) dst(%dma_wait3A_419 : memref<40x128xf32, #tpu.memory_space<vmem_shared>>)
      tpu.yield
    }) : () -> ()
    %mul3A_53 = arith.constant 640 : i32
    %mul3A_54 = arith.muli %arg1, %mul3A_53 : i32
    %add3A_55 = arith.constant 160 : i32
    %add3A_56 = arith.addi %mul3A_54, %add3A_55 : i32
    "tpu.region"() ({
      %run_scoped3A_411 = tpu.sem_alloc : memref<!tpu.dma_semaphore, #tpu.memory_space<semaphore_mem>>
      %dma_start3A_412 = arith.constant 0 : i32
      %dma_start3A_413 = tpu.memref_slice %arg19[%add3A_56, %dma_start3A_412] : memref<10240x16xf32, #tpu.memory_space<vmem_shared>> -> memref<40x16xf32, #tpu.memory_space<vmem_shared>>
      %dma_start3A_414 = arith.constant 0 : i32
      %dma_start3A_415 = tpu.memref_slice %arg19[%add3A_56, %dma_start3A_414] : memref<10240x16xf32, #tpu.memory_space<vmem_shared>> -> memref<40x16xf32, #tpu.memory_space<vmem_shared>>
      tpu.enqueue_dma source(%arg17 : memref<40x16xf32, #tpu.memory_space<vmem>>) target(%dma_start3A_415 : memref<40x16xf32, #tpu.memory_space<vmem_shared>>) target_semaphore(%run_scoped3A_411 : memref<!tpu.dma_semaphore, #tpu.memory_space<semaphore_mem>>)
      %dma_wait3A_416 = arith.constant 0 : i32
      %dma_wait3A_417 = tpu.memref_slice %arg19[%add3A_56, %dma_wait3A_416] : memref<10240x16xf32, #tpu.memory_space<vmem_shared>> -> memref<40x16xf32, #tpu.memory_space<vmem_shared>>
      %dma_wait3A_418 = arith.constant 0 : i32
      %dma_wait3A_419 = tpu.memref_slice %arg19[%add3A_56, %dma_wait3A_418] : memref<10240x16xf32, #tpu.memory_space<vmem_shared>> -> memref<40x16xf32, #tpu.memory_space<vmem_shared>>
      tpu.wait_dma2 semaphore(%run_scoped3A_411 : memref<!tpu.dma_semaphore, #tpu.memory_space<semaphore_mem>>) src(%arg17 : memref<40x16xf32, #tpu.memory_space<vmem>>) dst(%dma_wait3A_419 : memref<40x16xf32, #tpu.memory_space<vmem_shared>>)
      tpu.yield
    }) : () -> ()
    %mul3A_57 = arith.constant 640 : i32
    %mul3A_58 = arith.muli %arg1, %mul3A_57 : i32
    %add3A_59 = arith.constant 200 : i32
    %add3A_60 = arith.addi %mul3A_58, %add3A_59 : i32
    "tpu.region"() ({
      %run_scoped3A_411 = tpu.sem_alloc : memref<!tpu.dma_semaphore, #tpu.memory_space<semaphore_mem>>
      %dma_start3A_412 = arith.constant 0 : i32
      %dma_start3A_413 = tpu.memref_slice %arg18[%add3A_60, %dma_start3A_412] : memref<10240x128xf32, #tpu.memory_space<vmem_shared>> -> memref<40x128xf32, #tpu.memory_space<vmem_shared>>
      %dma_start3A_414 = arith.constant 0 : i32
      %dma_start3A_415 = tpu.memref_slice %arg18[%add3A_60, %dma_start3A_414] : memref<10240x128xf32, #tpu.memory_space<vmem_shared>> -> memref<40x128xf32, #tpu.memory_space<vmem_shared>>
      tpu.enqueue_dma source(%arg14 : memref<40x128xf32, #tpu.memory_space<vmem>>) target(%dma_start3A_415 : memref<40x128xf32, #tpu.memory_space<vmem_shared>>) target_semaphore(%run_scoped3A_411 : memref<!tpu.dma_semaphore, #tpu.memory_space<semaphore_mem>>)
      %dma_wait3A_416 = arith.constant 0 : i32
      %dma_wait3A_417 = tpu.memref_slice %arg18[%add3A_60, %dma_wait3A_416] : memref<10240x128xf32, #tpu.memory_space<vmem_shared>> -> memref<40x128xf32, #tpu.memory_space<vmem_shared>>
      %dma_wait3A_418 = arith.constant 0 : i32
      %dma_wait3A_419 = tpu.memref_slice %arg18[%add3A_60, %dma_wait3A_418] : memref<10240x128xf32, #tpu.memory_space<vmem_shared>> -> memref<40x128xf32, #tpu.memory_space<vmem_shared>>
      tpu.wait_dma2 semaphore(%run_scoped3A_411 : memref<!tpu.dma_semaphore, #tpu.memory_space<semaphore_mem>>) src(%arg14 : memref<40x128xf32, #tpu.memory_space<vmem>>) dst(%dma_wait3A_419 : memref<40x128xf32, #tpu.memory_space<vmem_shared>>)
      tpu.yield
    }) : () -> ()
    %mul3A_61 = arith.constant 640 : i32
    %mul3A_62 = arith.muli %arg1, %mul3A_61 : i32
    %add3A_63 = arith.constant 200 : i32
    %add3A_64 = arith.addi %mul3A_62, %add3A_63 : i32
    "tpu.region"() ({
      %run_scoped3A_411 = tpu.sem_alloc : memref<!tpu.dma_semaphore, #tpu.memory_space<semaphore_mem>>
      %dma_start3A_412 = arith.constant 0 : i32
      %dma_start3A_413 = tpu.memref_slice %arg19[%add3A_64, %dma_start3A_412] : memref<10240x16xf32, #tpu.memory_space<vmem_shared>> -> memref<40x16xf32, #tpu.memory_space<vmem_shared>>
      %dma_start3A_414 = arith.constant 0 : i32
      %dma_start3A_415 = tpu.memref_slice %arg19[%add3A_64, %dma_start3A_414] : memref<10240x16xf32, #tpu.memory_space<vmem_shared>> -> memref<40x16xf32, #tpu.memory_space<vmem_shared>>
      tpu.enqueue_dma source(%arg17 : memref<40x16xf32, #tpu.memory_space<vmem>>) target(%dma_start3A_415 : memref<40x16xf32, #tpu.memory_space<vmem_shared>>) target_semaphore(%run_scoped3A_411 : memref<!tpu.dma_semaphore, #tpu.memory_space<semaphore_mem>>)
      %dma_wait3A_416 = arith.constant 0 : i32
      %dma_wait3A_417 = tpu.memref_slice %arg19[%add3A_64, %dma_wait3A_416] : memref<10240x16xf32, #tpu.memory_space<vmem_shared>> -> memref<40x16xf32, #tpu.memory_space<vmem_shared>>
      %dma_wait3A_418 = arith.constant 0 : i32
      %dma_wait3A_419 = tpu.memref_slice %arg19[%add3A_64, %dma_wait3A_418] : memref<10240x16xf32, #tpu.memory_space<vmem_shared>> -> memref<40x16xf32, #tpu.memory_space<vmem_shared>>
      tpu.wait_dma2 semaphore(%run_scoped3A_411 : memref<!tpu.dma_semaphore, #tpu.memory_space<semaphore_mem>>) src(%arg17 : memref<40x16xf32, #tpu.memory_space<vmem>>) dst(%dma_wait3A_419 : memref<40x16xf32, #tpu.memory_space<vmem_shared>>)
      tpu.yield
    }) : () -> ()
    %mul3A_65 = arith.constant 640 : i32
    %mul3A_66 = arith.muli %arg1, %mul3A_65 : i32
    %add3A_67 = arith.constant 240 : i32
    %add3A_68 = arith.addi %mul3A_66, %add3A_67 : i32
    "tpu.region"() ({
      %run_scoped3A_411 = tpu.sem_alloc : memref<!tpu.dma_semaphore, #tpu.memory_space<semaphore_mem>>
      %dma_start3A_412 = arith.constant 0 : i32
      %dma_start3A_413 = tpu.memref_slice %arg18[%add3A_68, %dma_start3A_412] : memref<10240x128xf32, #tpu.memory_space<vmem_shared>> -> memref<40x128xf32, #tpu.memory_space<vmem_shared>>
      %dma_start3A_414 = arith.constant 0 : i32
      %dma_start3A_415 = tpu.memref_slice %arg18[%add3A_68, %dma_start3A_414] : memref<10240x128xf32, #tpu.memory_space<vmem_shared>> -> memref<40x128xf32, #tpu.memory_space<vmem_shared>>
      tpu.enqueue_dma source(%arg14 : memref<40x128xf32, #tpu.memory_space<vmem>>) target(%dma_start3A_415 : memref<40x128xf32, #tpu.memory_space<vmem_shared>>) target_semaphore(%run_scoped3A_411 : memref<!tpu.dma_semaphore, #tpu.memory_space<semaphore_mem>>)
      %dma_wait3A_416 = arith.constant 0 : i32
      %dma_wait3A_417 = tpu.memref_slice %arg18[%add3A_68, %dma_wait3A_416] : memref<10240x128xf32, #tpu.memory_space<vmem_shared>> -> memref<40x128xf32, #tpu.memory_space<vmem_shared>>
      %dma_wait3A_418 = arith.constant 0 : i32
      %dma_wait3A_419 = tpu.memref_slice %arg18[%add3A_68, %dma_wait3A_418] : memref<10240x128xf32, #tpu.memory_space<vmem_shared>> -> memref<40x128xf32, #tpu.memory_space<vmem_shared>>
      tpu.wait_dma2 semaphore(%run_scoped3A_411 : memref<!tpu.dma_semaphore, #tpu.memory_space<semaphore_mem>>) src(%arg14 : memref<40x128xf32, #tpu.memory_space<vmem>>) dst(%dma_wait3A_419 : memref<40x128xf32, #tpu.memory_space<vmem_shared>>)
      tpu.yield
    }) : () -> ()
    %mul3A_69 = arith.constant 640 : i32
    %mul3A_70 = arith.muli %arg1, %mul3A_69 : i32
    %add3A_71 = arith.constant 240 : i32
    %add3A_72 = arith.addi %mul3A_70, %add3A_71 : i32
    "tpu.region"() ({
      %run_scoped3A_411 = tpu.sem_alloc : memref<!tpu.dma_semaphore, #tpu.memory_space<semaphore_mem>>
      %dma_start3A_412 = arith.constant 0 : i32
      %dma_start3A_413 = tpu.memref_slice %arg19[%add3A_72, %dma_start3A_412] : memref<10240x16xf32, #tpu.memory_space<vmem_shared>> -> memref<40x16xf32, #tpu.memory_space<vmem_shared>>
      %dma_start3A_414 = arith.constant 0 : i32
      %dma_start3A_415 = tpu.memref_slice %arg19[%add3A_72, %dma_start3A_414] : memref<10240x16xf32, #tpu.memory_space<vmem_shared>> -> memref<40x16xf32, #tpu.memory_space<vmem_shared>>
      tpu.enqueue_dma source(%arg17 : memref<40x16xf32, #tpu.memory_space<vmem>>) target(%dma_start3A_415 : memref<40x16xf32, #tpu.memory_space<vmem_shared>>) target_semaphore(%run_scoped3A_411 : memref<!tpu.dma_semaphore, #tpu.memory_space<semaphore_mem>>)
      %dma_wait3A_416 = arith.constant 0 : i32
      %dma_wait3A_417 = tpu.memref_slice %arg19[%add3A_72, %dma_wait3A_416] : memref<10240x16xf32, #tpu.memory_space<vmem_shared>> -> memref<40x16xf32, #tpu.memory_space<vmem_shared>>
      %dma_wait3A_418 = arith.constant 0 : i32
      %dma_wait3A_419 = tpu.memref_slice %arg19[%add3A_72, %dma_wait3A_418] : memref<10240x16xf32, #tpu.memory_space<vmem_shared>> -> memref<40x16xf32, #tpu.memory_space<vmem_shared>>
      tpu.wait_dma2 semaphore(%run_scoped3A_411 : memref<!tpu.dma_semaphore, #tpu.memory_space<semaphore_mem>>) src(%arg17 : memref<40x16xf32, #tpu.memory_space<vmem>>) dst(%dma_wait3A_419 : memref<40x16xf32, #tpu.memory_space<vmem_shared>>)
      tpu.yield
    }) : () -> ()
    %mul3A_73 = arith.constant 640 : i32
    %mul3A_74 = arith.muli %arg1, %mul3A_73 : i32
    %add3A_75 = arith.constant 280 : i32
    %add3A_76 = arith.addi %mul3A_74, %add3A_75 : i32
    "tpu.region"() ({
      %run_scoped3A_411 = tpu.sem_alloc : memref<!tpu.dma_semaphore, #tpu.memory_space<semaphore_mem>>
      %dma_start3A_412 = arith.constant 0 : i32
      %dma_start3A_413 = tpu.memref_slice %arg18[%add3A_76, %dma_start3A_412] : memref<10240x128xf32, #tpu.memory_space<vmem_shared>> -> memref<40x128xf32, #tpu.memory_space<vmem_shared>>
      %dma_start3A_414 = arith.constant 0 : i32
      %dma_start3A_415 = tpu.memref_slice %arg18[%add3A_76, %dma_start3A_414] : memref<10240x128xf32, #tpu.memory_space<vmem_shared>> -> memref<40x128xf32, #tpu.memory_space<vmem_shared>>
      tpu.enqueue_dma source(%arg14 : memref<40x128xf32, #tpu.memory_space<vmem>>) target(%dma_start3A_415 : memref<40x128xf32, #tpu.memory_space<vmem_shared>>) target_semaphore(%run_scoped3A_411 : memref<!tpu.dma_semaphore, #tpu.memory_space<semaphore_mem>>)
      %dma_wait3A_416 = arith.constant 0 : i32
      %dma_wait3A_417 = tpu.memref_slice %arg18[%add3A_76, %dma_wait3A_416] : memref<10240x128xf32, #tpu.memory_space<vmem_shared>> -> memref<40x128xf32, #tpu.memory_space<vmem_shared>>
      %dma_wait3A_418 = arith.constant 0 : i32
      %dma_wait3A_419 = tpu.memref_slice %arg18[%add3A_76, %dma_wait3A_418] : memref<10240x128xf32, #tpu.memory_space<vmem_shared>> -> memref<40x128xf32, #tpu.memory_space<vmem_shared>>
      tpu.wait_dma2 semaphore(%run_scoped3A_411 : memref<!tpu.dma_semaphore, #tpu.memory_space<semaphore_mem>>) src(%arg14 : memref<40x128xf32, #tpu.memory_space<vmem>>) dst(%dma_wait3A_419 : memref<40x128xf32, #tpu.memory_space<vmem_shared>>)
      tpu.yield
    }) : () -> ()
    %mul3A_77 = arith.constant 640 : i32
    %mul3A_78 = arith.muli %arg1, %mul3A_77 : i32
    %add3A_79 = arith.constant 280 : i32
    %add3A_80 = arith.addi %mul3A_78, %add3A_79 : i32
    "tpu.region"() ({
      %run_scoped3A_411 = tpu.sem_alloc : memref<!tpu.dma_semaphore, #tpu.memory_space<semaphore_mem>>
      %dma_start3A_412 = arith.constant 0 : i32
      %dma_start3A_413 = tpu.memref_slice %arg19[%add3A_80, %dma_start3A_412] : memref<10240x16xf32, #tpu.memory_space<vmem_shared>> -> memref<40x16xf32, #tpu.memory_space<vmem_shared>>
      %dma_start3A_414 = arith.constant 0 : i32
      %dma_start3A_415 = tpu.memref_slice %arg19[%add3A_80, %dma_start3A_414] : memref<10240x16xf32, #tpu.memory_space<vmem_shared>> -> memref<40x16xf32, #tpu.memory_space<vmem_shared>>
      tpu.enqueue_dma source(%arg17 : memref<40x16xf32, #tpu.memory_space<vmem>>) target(%dma_start3A_415 : memref<40x16xf32, #tpu.memory_space<vmem_shared>>) target_semaphore(%run_scoped3A_411 : memref<!tpu.dma_semaphore, #tpu.memory_space<semaphore_mem>>)
      %dma_wait3A_416 = arith.constant 0 : i32
      %dma_wait3A_417 = tpu.memref_slice %arg19[%add3A_80, %dma_wait3A_416] : memref<10240x16xf32, #tpu.memory_space<vmem_shared>> -> memref<40x16xf32, #tpu.memory_space<vmem_shared>>
      %dma_wait3A_418 = arith.constant 0 : i32
      %dma_wait3A_419 = tpu.memref_slice %arg19[%add3A_80, %dma_wait3A_418] : memref<10240x16xf32, #tpu.memory_space<vmem_shared>> -> memref<40x16xf32, #tpu.memory_space<vmem_shared>>
      tpu.wait_dma2 semaphore(%run_scoped3A_411 : memref<!tpu.dma_semaphore, #tpu.memory_space<semaphore_mem>>) src(%arg17 : memref<40x16xf32, #tpu.memory_space<vmem>>) dst(%dma_wait3A_419 : memref<40x16xf32, #tpu.memory_space<vmem_shared>>)
      tpu.yield
    }) : () -> ()
    %mul3A_81 = arith.constant 640 : i32
    %mul3A_82 = arith.muli %arg1, %mul3A_81 : i32
    %add3A_83 = arith.constant 320 : i32
    %add3A_84 = arith.addi %mul3A_82, %add3A_83 : i32
    "tpu.region"() ({
      %run_scoped3A_411 = tpu.sem_alloc : memref<!tpu.dma_semaphore, #tpu.memory_space<semaphore_mem>>
      %dma_start3A_412 = arith.constant 0 : i32
      %dma_start3A_413 = tpu.memref_slice %arg18[%add3A_84, %dma_start3A_412] : memref<10240x128xf32, #tpu.memory_space<vmem_shared>> -> memref<40x128xf32, #tpu.memory_space<vmem_shared>>
      %dma_start3A_414 = arith.constant 0 : i32
      %dma_start3A_415 = tpu.memref_slice %arg18[%add3A_84, %dma_start3A_414] : memref<10240x128xf32, #tpu.memory_space<vmem_shared>> -> memref<40x128xf32, #tpu.memory_space<vmem_shared>>
      tpu.enqueue_dma source(%arg14 : memref<40x128xf32, #tpu.memory_space<vmem>>) target(%dma_start3A_415 : memref<40x128xf32, #tpu.memory_space<vmem_shared>>) target_semaphore(%run_scoped3A_411 : memref<!tpu.dma_semaphore, #tpu.memory_space<semaphore_mem>>)
      %dma_wait3A_416 = arith.constant 0 : i32
      %dma_wait3A_417 = tpu.memref_slice %arg18[%add3A_84, %dma_wait3A_416] : memref<10240x128xf32, #tpu.memory_space<vmem_shared>> -> memref<40x128xf32, #tpu.memory_space<vmem_shared>>
      %dma_wait3A_418 = arith.constant 0 : i32
      %dma_wait3A_419 = tpu.memref_slice %arg18[%add3A_84, %dma_wait3A_418] : memref<10240x128xf32, #tpu.memory_space<vmem_shared>> -> memref<40x128xf32, #tpu.memory_space<vmem_shared>>
      tpu.wait_dma2 semaphore(%run_scoped3A_411 : memref<!tpu.dma_semaphore, #tpu.memory_space<semaphore_mem>>) src(%arg14 : memref<40x128xf32, #tpu.memory_space<vmem>>) dst(%dma_wait3A_419 : memref<40x128xf32, #tpu.memory_space<vmem_shared>>)
      tpu.yield
    }) : () -> ()
    %mul3A_85 = arith.constant 640 : i32
    %mul3A_86 = arith.muli %arg1, %mul3A_85 : i32
    %add3A_87 = arith.constant 320 : i32
    %add3A_88 = arith.addi %mul3A_86, %add3A_87 : i32
    "tpu.region"() ({
      %run_scoped3A_411 = tpu.sem_alloc : memref<!tpu.dma_semaphore, #tpu.memory_space<semaphore_mem>>
      %dma_start3A_412 = arith.constant 0 : i32
      %dma_start3A_413 = tpu.memref_slice %arg19[%add3A_88, %dma_start3A_412] : memref<10240x16xf32, #tpu.memory_space<vmem_shared>> -> memref<40x16xf32, #tpu.memory_space<vmem_shared>>
      %dma_start3A_414 = arith.constant 0 : i32
      %dma_start3A_415 = tpu.memref_slice %arg19[%add3A_88, %dma_start3A_414] : memref<10240x16xf32, #tpu.memory_space<vmem_shared>> -> memref<40x16xf32, #tpu.memory_space<vmem_shared>>
      tpu.enqueue_dma source(%arg17 : memref<40x16xf32, #tpu.memory_space<vmem>>) target(%dma_start3A_415 : memref<40x16xf32, #tpu.memory_space<vmem_shared>>) target_semaphore(%run_scoped3A_411 : memref<!tpu.dma_semaphore, #tpu.memory_space<semaphore_mem>>)
      %dma_wait3A_416 = arith.constant 0 : i32
      %dma_wait3A_417 = tpu.memref_slice %arg19[%add3A_88, %dma_wait3A_416] : memref<10240x16xf32, #tpu.memory_space<vmem_shared>> -> memref<40x16xf32, #tpu.memory_space<vmem_shared>>
      %dma_wait3A_418 = arith.constant 0 : i32
      %dma_wait3A_419 = tpu.memref_slice %arg19[%add3A_88, %dma_wait3A_418] : memref<10240x16xf32, #tpu.memory_space<vmem_shared>> -> memref<40x16xf32, #tpu.memory_space<vmem_shared>>
      tpu.wait_dma2 semaphore(%run_scoped3A_411 : memref<!tpu.dma_semaphore, #tpu.memory_space<semaphore_mem>>) src(%arg17 : memref<40x16xf32, #tpu.memory_space<vmem>>) dst(%dma_wait3A_419 : memref<40x16xf32, #tpu.memory_space<vmem_shared>>)
      tpu.yield
    }) : () -> ()
    %mul3A_89 = arith.constant 640 : i32
    %mul3A_90 = arith.muli %arg1, %mul3A_89 : i32
    %add3A_91 = arith.constant 360 : i32
    %add3A_92 = arith.addi %mul3A_90, %add3A_91 : i32
    "tpu.region"() ({
      %run_scoped3A_411 = tpu.sem_alloc : memref<!tpu.dma_semaphore, #tpu.memory_space<semaphore_mem>>
      %dma_start3A_412 = arith.constant 0 : i32
      %dma_start3A_413 = tpu.memref_slice %arg18[%add3A_92, %dma_start3A_412] : memref<10240x128xf32, #tpu.memory_space<vmem_shared>> -> memref<40x128xf32, #tpu.memory_space<vmem_shared>>
      %dma_start3A_414 = arith.constant 0 : i32
      %dma_start3A_415 = tpu.memref_slice %arg18[%add3A_92, %dma_start3A_414] : memref<10240x128xf32, #tpu.memory_space<vmem_shared>> -> memref<40x128xf32, #tpu.memory_space<vmem_shared>>
      tpu.enqueue_dma source(%arg14 : memref<40x128xf32, #tpu.memory_space<vmem>>) target(%dma_start3A_415 : memref<40x128xf32, #tpu.memory_space<vmem_shared>>) target_semaphore(%run_scoped3A_411 : memref<!tpu.dma_semaphore, #tpu.memory_space<semaphore_mem>>)
      %dma_wait3A_416 = arith.constant 0 : i32
      %dma_wait3A_417 = tpu.memref_slice %arg18[%add3A_92, %dma_wait3A_416] : memref<10240x128xf32, #tpu.memory_space<vmem_shared>> -> memref<40x128xf32, #tpu.memory_space<vmem_shared>>
      %dma_wait3A_418 = arith.constant 0 : i32
      %dma_wait3A_419 = tpu.memref_slice %arg18[%add3A_92, %dma_wait3A_418] : memref<10240x128xf32, #tpu.memory_space<vmem_shared>> -> memref<40x128xf32, #tpu.memory_space<vmem_shared>>
      tpu.wait_dma2 semaphore(%run_scoped3A_411 : memref<!tpu.dma_semaphore, #tpu.memory_space<semaphore_mem>>) src(%arg14 : memref<40x128xf32, #tpu.memory_space<vmem>>) dst(%dma_wait3A_419 : memref<40x128xf32, #tpu.memory_space<vmem_shared>>)
      tpu.yield
    }) : () -> ()
    %mul3A_93 = arith.constant 640 : i32
    %mul3A_94 = arith.muli %arg1, %mul3A_93 : i32
    %add3A_95 = arith.constant 360 : i32
    %add3A_96 = arith.addi %mul3A_94, %add3A_95 : i32
    "tpu.region"() ({
      %run_scoped3A_411 = tpu.sem_alloc : memref<!tpu.dma_semaphore, #tpu.memory_space<semaphore_mem>>
      %dma_start3A_412 = arith.constant 0 : i32
      %dma_start3A_413 = tpu.memref_slice %arg19[%add3A_96, %dma_start3A_412] : memref<10240x16xf32, #tpu.memory_space<vmem_shared>> -> memref<40x16xf32, #tpu.memory_space<vmem_shared>>
      %dma_start3A_414 = arith.constant 0 : i32
      %dma_start3A_415 = tpu.memref_slice %arg19[%add3A_96, %dma_start3A_414] : memref<10240x16xf32, #tpu.memory_space<vmem_shared>> -> memref<40x16xf32, #tpu.memory_space<vmem_shared>>
      tpu.enqueue_dma source(%arg17 : memref<40x16xf32, #tpu.memory_space<vmem>>) target(%dma_start3A_415 : memref<40x16xf32, #tpu.memory_space<vmem_shared>>) target_semaphore(%run_scoped3A_411 : memref<!tpu.dma_semaphore, #tpu.memory_space<semaphore_mem>>)
      %dma_wait3A_416 = arith.constant 0 : i32
      %dma_wait3A_417 = tpu.memref_slice %arg19[%add3A_96, %dma_wait3A_416] : memref<10240x16xf32, #tpu.memory_space<vmem_shared>> -> memref<40x16xf32, #tpu.memory_space<vmem_shared>>
      %dma_wait3A_418 = arith.constant 0 : i32
      %dma_wait3A_419 = tpu.memref_slice %arg19[%add3A_96, %dma_wait3A_418] : memref<10240x16xf32, #tpu.memory_space<vmem_shared>> -> memref<40x16xf32, #tpu.memory_space<vmem_shared>>
      tpu.wait_dma2 semaphore(%run_scoped3A_411 : memref<!tpu.dma_semaphore, #tpu.memory_space<semaphore_mem>>) src(%arg17 : memref<40x16xf32, #tpu.memory_space<vmem>>) dst(%dma_wait3A_419 : memref<40x16xf32, #tpu.memory_space<vmem_shared>>)
      tpu.yield
    }) : () -> ()
    %mul3A_97 = arith.constant 640 : i32
    %mul3A_98 = arith.muli %arg1, %mul3A_97 : i32
    %add3A_99 = arith.constant 400 : i32
    %add3A_100 = arith.addi %mul3A_98, %add3A_99 : i32
    "tpu.region"() ({
      %run_scoped3A_411 = tpu.sem_alloc : memref<!tpu.dma_semaphore, #tpu.memory_space<semaphore_mem>>
      %dma_start3A_412 = arith.constant 0 : i32
      %dma_start3A_413 = tpu.memref_slice %arg18[%add3A_100, %dma_start3A_412] : memref<10240x128xf32, #tpu.memory_space<vmem_shared>> -> memref<40x128xf32, #tpu.memory_space<vmem_shared>>
      %dma_start3A_414 = arith.constant 0 : i32
      %dma_start3A_415 = tpu.memref_slice %arg18[%add3A_100, %dma_start3A_414] : memref<10240x128xf32, #tpu.memory_space<vmem_shared>> -> memref<40x128xf32, #tpu.memory_space<vmem_shared>>
      tpu.enqueue_dma source(%arg14 : memref<40x128xf32, #tpu.memory_space<vmem>>) target(%dma_start3A_415 : memref<40x128xf32, #tpu.memory_space<vmem_shared>>) target_semaphore(%run_scoped3A_411 : memref<!tpu.dma_semaphore, #tpu.memory_space<semaphore_mem>>)
      %dma_wait3A_416 = arith.constant 0 : i32
      %dma_wait3A_417 = tpu.memref_slice %arg18[%add3A_100, %dma_wait3A_416] : memref<10240x128xf32, #tpu.memory_space<vmem_shared>> -> memref<40x128xf32, #tpu.memory_space<vmem_shared>>
      %dma_wait3A_418 = arith.constant 0 : i32
      %dma_wait3A_419 = tpu.memref_slice %arg18[%add3A_100, %dma_wait3A_418] : memref<10240x128xf32, #tpu.memory_space<vmem_shared>> -> memref<40x128xf32, #tpu.memory_space<vmem_shared>>
      tpu.wait_dma2 semaphore(%run_scoped3A_411 : memref<!tpu.dma_semaphore, #tpu.memory_space<semaphore_mem>>) src(%arg14 : memref<40x128xf32, #tpu.memory_space<vmem>>) dst(%dma_wait3A_419 : memref<40x128xf32, #tpu.memory_space<vmem_shared>>)
      tpu.yield
    }) : () -> ()
    %mul3A_101 = arith.constant 640 : i32
    %mul3A_102 = arith.muli %arg1, %mul3A_101 : i32
    %add3A_103 = arith.constant 400 : i32
    %add3A_104 = arith.addi %mul3A_102, %add3A_103 : i32
    "tpu.region"() ({
      %run_scoped3A_411 = tpu.sem_alloc : memref<!tpu.dma_semaphore, #tpu.memory_space<semaphore_mem>>
      %dma_start3A_412 = arith.constant 0 : i32
      %dma_start3A_413 = tpu.memref_slice %arg19[%add3A_104, %dma_start3A_412] : memref<10240x16xf32, #tpu.memory_space<vmem_shared>> -> memref<40x16xf32, #tpu.memory_space<vmem_shared>>
      %dma_start3A_414 = arith.constant 0 : i32
      %dma_start3A_415 = tpu.memref_slice %arg19[%add3A_104, %dma_start3A_414] : memref<10240x16xf32, #tpu.memory_space<vmem_shared>> -> memref<40x16xf32, #tpu.memory_space<vmem_shared>>
      tpu.enqueue_dma source(%arg17 : memref<40x16xf32, #tpu.memory_space<vmem>>) target(%dma_start3A_415 : memref<40x16xf32, #tpu.memory_space<vmem_shared>>) target_semaphore(%run_scoped3A_411 : memref<!tpu.dma_semaphore, #tpu.memory_space<semaphore_mem>>)
      %dma_wait3A_416 = arith.constant 0 : i32
      %dma_wait3A_417 = tpu.memref_slice %arg19[%add3A_104, %dma_wait3A_416] : memref<10240x16xf32, #tpu.memory_space<vmem_shared>> -> memref<40x16xf32, #tpu.memory_space<vmem_shared>>
      %dma_wait3A_418 = arith.constant 0 : i32
      %dma_wait3A_419 = tpu.memref_slice %arg19[%add3A_104, %dma_wait3A_418] : memref<10240x16xf32, #tpu.memory_space<vmem_shared>> -> memref<40x16xf32, #tpu.memory_space<vmem_shared>>
      tpu.wait_dma2 semaphore(%run_scoped3A_411 : memref<!tpu.dma_semaphore, #tpu.memory_space<semaphore_mem>>) src(%arg17 : memref<40x16xf32, #tpu.memory_space<vmem>>) dst(%dma_wait3A_419 : memref<40x16xf32, #tpu.memory_space<vmem_shared>>)
      tpu.yield
    }) : () -> ()
    %mul3A_105 = arith.constant 640 : i32
    %mul3A_106 = arith.muli %arg1, %mul3A_105 : i32
    %add3A_107 = arith.constant 440 : i32
    %add3A_108 = arith.addi %mul3A_106, %add3A_107 : i32
    "tpu.region"() ({
      %run_scoped3A_411 = tpu.sem_alloc : memref<!tpu.dma_semaphore, #tpu.memory_space<semaphore_mem>>
      %dma_start3A_412 = arith.constant 0 : i32
      %dma_start3A_413 = tpu.memref_slice %arg18[%add3A_108, %dma_start3A_412] : memref<10240x128xf32, #tpu.memory_space<vmem_shared>> -> memref<40x128xf32, #tpu.memory_space<vmem_shared>>
      %dma_start3A_414 = arith.constant 0 : i32
      %dma_start3A_415 = tpu.memref_slice %arg18[%add3A_108, %dma_start3A_414] : memref<10240x128xf32, #tpu.memory_space<vmem_shared>> -> memref<40x128xf32, #tpu.memory_space<vmem_shared>>
      tpu.enqueue_dma source(%arg14 : memref<40x128xf32, #tpu.memory_space<vmem>>) target(%dma_start3A_415 : memref<40x128xf32, #tpu.memory_space<vmem_shared>>) target_semaphore(%run_scoped3A_411 : memref<!tpu.dma_semaphore, #tpu.memory_space<semaphore_mem>>)
      %dma_wait3A_416 = arith.constant 0 : i32
      %dma_wait3A_417 = tpu.memref_slice %arg18[%add3A_108, %dma_wait3A_416] : memref<10240x128xf32, #tpu.memory_space<vmem_shared>> -> memref<40x128xf32, #tpu.memory_space<vmem_shared>>
      %dma_wait3A_418 = arith.constant 0 : i32
      %dma_wait3A_419 = tpu.memref_slice %arg18[%add3A_108, %dma_wait3A_418] : memref<10240x128xf32, #tpu.memory_space<vmem_shared>> -> memref<40x128xf32, #tpu.memory_space<vmem_shared>>
      tpu.wait_dma2 semaphore(%run_scoped3A_411 : memref<!tpu.dma_semaphore, #tpu.memory_space<semaphore_mem>>) src(%arg14 : memref<40x128xf32, #tpu.memory_space<vmem>>) dst(%dma_wait3A_419 : memref<40x128xf32, #tpu.memory_space<vmem_shared>>)
      tpu.yield
    }) : () -> ()
    %mul3A_109 = arith.constant 640 : i32
    %mul3A_110 = arith.muli %arg1, %mul3A_109 : i32
    %add3A_111 = arith.constant 440 : i32
    %add3A_112 = arith.addi %mul3A_110, %add3A_111 : i32
    "tpu.region"() ({
      %run_scoped3A_411 = tpu.sem_alloc : memref<!tpu.dma_semaphore, #tpu.memory_space<semaphore_mem>>
      %dma_start3A_412 = arith.constant 0 : i32
      %dma_start3A_413 = tpu.memref_slice %arg19[%add3A_112, %dma_start3A_412] : memref<10240x16xf32, #tpu.memory_space<vmem_shared>> -> memref<40x16xf32, #tpu.memory_space<vmem_shared>>
      %dma_start3A_414 = arith.constant 0 : i32
      %dma_start3A_415 = tpu.memref_slice %arg19[%add3A_112, %dma_start3A_414] : memref<10240x16xf32, #tpu.memory_space<vmem_shared>> -> memref<40x16xf32, #tpu.memory_space<vmem_shared>>
      tpu.enqueue_dma source(%arg17 : memref<40x16xf32, #tpu.memory_space<vmem>>) target(%dma_start3A_415 : memref<40x16xf32, #tpu.memory_space<vmem_shared>>) target_semaphore(%run_scoped3A_411 : memref<!tpu.dma_semaphore, #tpu.memory_space<semaphore_mem>>)
      %dma_wait3A_416 = arith.constant 0 : i32
      %dma_wait3A_417 = tpu.memref_slice %arg19[%add3A_112, %dma_wait3A_416] : memref<10240x16xf32, #tpu.memory_space<vmem_shared>> -> memref<40x16xf32, #tpu.memory_space<vmem_shared>>
      %dma_wait3A_418 = arith.constant 0 : i32
      %dma_wait3A_419 = tpu.memref_slice %arg19[%add3A_112, %dma_wait3A_418] : memref<10240x16xf32, #tpu.memory_space<vmem_shared>> -> memref<40x16xf32, #tpu.memory_space<vmem_shared>>
      tpu.wait_dma2 semaphore(%run_scoped3A_411 : memref<!tpu.dma_semaphore, #tpu.memory_space<semaphore_mem>>) src(%arg17 : memref<40x16xf32, #tpu.memory_space<vmem>>) dst(%dma_wait3A_419 : memref<40x16xf32, #tpu.memory_space<vmem_shared>>)
      tpu.yield
    }) : () -> ()
    %mul3A_113 = arith.constant 640 : i32
    %mul3A_114 = arith.muli %arg1, %mul3A_113 : i32
    %add3A_115 = arith.constant 480 : i32
    %add3A_116 = arith.addi %mul3A_114, %add3A_115 : i32
    "tpu.region"() ({
      %run_scoped3A_411 = tpu.sem_alloc : memref<!tpu.dma_semaphore, #tpu.memory_space<semaphore_mem>>
      %dma_start3A_412 = arith.constant 0 : i32
      %dma_start3A_413 = tpu.memref_slice %arg18[%add3A_116, %dma_start3A_412] : memref<10240x128xf32, #tpu.memory_space<vmem_shared>> -> memref<40x128xf32, #tpu.memory_space<vmem_shared>>
      %dma_start3A_414 = arith.constant 0 : i32
      %dma_start3A_415 = tpu.memref_slice %arg18[%add3A_116, %dma_start3A_414] : memref<10240x128xf32, #tpu.memory_space<vmem_shared>> -> memref<40x128xf32, #tpu.memory_space<vmem_shared>>
      tpu.enqueue_dma source(%arg14 : memref<40x128xf32, #tpu.memory_space<vmem>>) target(%dma_start3A_415 : memref<40x128xf32, #tpu.memory_space<vmem_shared>>) target_semaphore(%run_scoped3A_411 : memref<!tpu.dma_semaphore, #tpu.memory_space<semaphore_mem>>)
      %dma_wait3A_416 = arith.constant 0 : i32
      %dma_wait3A_417 = tpu.memref_slice %arg18[%add3A_116, %dma_wait3A_416] : memref<10240x128xf32, #tpu.memory_space<vmem_shared>> -> memref<40x128xf32, #tpu.memory_space<vmem_shared>>
      %dma_wait3A_418 = arith.constant 0 : i32
      %dma_wait3A_419 = tpu.memref_slice %arg18[%add3A_116, %dma_wait3A_418] : memref<10240x128xf32, #tpu.memory_space<vmem_shared>> -> memref<40x128xf32, #tpu.memory_space<vmem_shared>>
      tpu.wait_dma2 semaphore(%run_scoped3A_411 : memref<!tpu.dma_semaphore, #tpu.memory_space<semaphore_mem>>) src(%arg14 : memref<40x128xf32, #tpu.memory_space<vmem>>) dst(%dma_wait3A_419 : memref<40x128xf32, #tpu.memory_space<vmem_shared>>)
      tpu.yield
    }) : () -> ()
    %mul3A_117 = arith.constant 640 : i32
    %mul3A_118 = arith.muli %arg1, %mul3A_117 : i32
    %add3A_119 = arith.constant 480 : i32
    %add3A_120 = arith.addi %mul3A_118, %add3A_119 : i32
    "tpu.region"() ({
      %run_scoped3A_411 = tpu.sem_alloc : memref<!tpu.dma_semaphore, #tpu.memory_space<semaphore_mem>>
      %dma_start3A_412 = arith.constant 0 : i32
      %dma_start3A_413 = tpu.memref_slice %arg19[%add3A_120, %dma_start3A_412] : memref<10240x16xf32, #tpu.memory_space<vmem_shared>> -> memref<40x16xf32, #tpu.memory_space<vmem_shared>>
      %dma_start3A_414 = arith.constant 0 : i32
      %dma_start3A_415 = tpu.memref_slice %arg19[%add3A_120, %dma_start3A_414] : memref<10240x16xf32, #tpu.memory_space<vmem_shared>> -> memref<40x16xf32, #tpu.memory_space<vmem_shared>>
      tpu.enqueue_dma source(%arg17 : memref<40x16xf32, #tpu.memory_space<vmem>>) target(%dma_start3A_415 : memref<40x16xf32, #tpu.memory_space<vmem_shared>>) target_semaphore(%run_scoped3A_411 : memref<!tpu.dma_semaphore, #tpu.memory_space<semaphore_mem>>)
      %dma_wait3A_416 = arith.constant 0 : i32
      %dma_wait3A_417 = tpu.memref_slice %arg19[%add3A_120, %dma_wait3A_416] : memref<10240x16xf32, #tpu.memory_space<vmem_shared>> -> memref<40x16xf32, #tpu.memory_space<vmem_shared>>
      %dma_wait3A_418 = arith.constant 0 : i32
      %dma_wait3A_419 = tpu.memref_slice %arg19[%add3A_120, %dma_wait3A_418] : memref<10240x16xf32, #tpu.memory_space<vmem_shared>> -> memref<40x16xf32, #tpu.memory_space<vmem_shared>>
      tpu.wait_dma2 semaphore(%run_scoped3A_411 : memref<!tpu.dma_semaphore, #tpu.memory_space<semaphore_mem>>) src(%arg17 : memref<40x16xf32, #tpu.memory_space<vmem>>) dst(%dma_wait3A_419 : memref<40x16xf32, #tpu.memory_space<vmem_shared>>)
      tpu.yield
    }) : () -> ()
    %mul3A_121 = arith.constant 640 : i32
    %mul3A_122 = arith.muli %arg1, %mul3A_121 : i32
    %add3A_123 = arith.constant 520 : i32
    %add3A_124 = arith.addi %mul3A_122, %add3A_123 : i32
    "tpu.region"() ({
      %run_scoped3A_411 = tpu.sem_alloc : memref<!tpu.dma_semaphore, #tpu.memory_space<semaphore_mem>>
      %dma_start3A_412 = arith.constant 0 : i32
      %dma_start3A_413 = tpu.memref_slice %arg18[%add3A_124, %dma_start3A_412] : memref<10240x128xf32, #tpu.memory_space<vmem_shared>> -> memref<40x128xf32, #tpu.memory_space<vmem_shared>>
      %dma_start3A_414 = arith.constant 0 : i32
      %dma_start3A_415 = tpu.memref_slice %arg18[%add3A_124, %dma_start3A_414] : memref<10240x128xf32, #tpu.memory_space<vmem_shared>> -> memref<40x128xf32, #tpu.memory_space<vmem_shared>>
      tpu.enqueue_dma source(%arg14 : memref<40x128xf32, #tpu.memory_space<vmem>>) target(%dma_start3A_415 : memref<40x128xf32, #tpu.memory_space<vmem_shared>>) target_semaphore(%run_scoped3A_411 : memref<!tpu.dma_semaphore, #tpu.memory_space<semaphore_mem>>)
      %dma_wait3A_416 = arith.constant 0 : i32
      %dma_wait3A_417 = tpu.memref_slice %arg18[%add3A_124, %dma_wait3A_416] : memref<10240x128xf32, #tpu.memory_space<vmem_shared>> -> memref<40x128xf32, #tpu.memory_space<vmem_shared>>
      %dma_wait3A_418 = arith.constant 0 : i32
      %dma_wait3A_419 = tpu.memref_slice %arg18[%add3A_124, %dma_wait3A_418] : memref<10240x128xf32, #tpu.memory_space<vmem_shared>> -> memref<40x128xf32, #tpu.memory_space<vmem_shared>>
      tpu.wait_dma2 semaphore(%run_scoped3A_411 : memref<!tpu.dma_semaphore, #tpu.memory_space<semaphore_mem>>) src(%arg14 : memref<40x128xf32, #tpu.memory_space<vmem>>) dst(%dma_wait3A_419 : memref<40x128xf32, #tpu.memory_space<vmem_shared>>)
      tpu.yield
    }) : () -> ()
    %mul3A_125 = arith.constant 640 : i32
    %mul3A_126 = arith.muli %arg1, %mul3A_125 : i32
    %add3A_127 = arith.constant 520 : i32
    %add3A_128 = arith.addi %mul3A_126, %add3A_127 : i32
    "tpu.region"() ({
      %run_scoped3A_411 = tpu.sem_alloc : memref<!tpu.dma_semaphore, #tpu.memory_space<semaphore_mem>>
      %dma_start3A_412 = arith.constant 0 : i32
      %dma_start3A_413 = tpu.memref_slice %arg19[%add3A_128, %dma_start3A_412] : memref<10240x16xf32, #tpu.memory_space<vmem_shared>> -> memref<40x16xf32, #tpu.memory_space<vmem_shared>>
      %dma_start3A_414 = arith.constant 0 : i32
      %dma_start3A_415 = tpu.memref_slice %arg19[%add3A_128, %dma_start3A_414] : memref<10240x16xf32, #tpu.memory_space<vmem_shared>> -> memref<40x16xf32, #tpu.memory_space<vmem_shared>>
      tpu.enqueue_dma source(%arg17 : memref<40x16xf32, #tpu.memory_space<vmem>>) target(%dma_start3A_415 : memref<40x16xf32, #tpu.memory_space<vmem_shared>>) target_semaphore(%run_scoped3A_411 : memref<!tpu.dma_semaphore, #tpu.memory_space<semaphore_mem>>)
      %dma_wait3A_416 = arith.constant 0 : i32
      %dma_wait3A_417 = tpu.memref_slice %arg19[%add3A_128, %dma_wait3A_416] : memref<10240x16xf32, #tpu.memory_space<vmem_shared>> -> memref<40x16xf32, #tpu.memory_space<vmem_shared>>
      %dma_wait3A_418 = arith.constant 0 : i32
      %dma_wait3A_419 = tpu.memref_slice %arg19[%add3A_128, %dma_wait3A_418] : memref<10240x16xf32, #tpu.memory_space<vmem_shared>> -> memref<40x16xf32, #tpu.memory_space<vmem_shared>>
      tpu.wait_dma2 semaphore(%run_scoped3A_411 : memref<!tpu.dma_semaphore, #tpu.memory_space<semaphore_mem>>) src(%arg17 : memref<40x16xf32, #tpu.memory_space<vmem>>) dst(%dma_wait3A_419 : memref<40x16xf32, #tpu.memory_space<vmem_shared>>)
      tpu.yield
    }) : () -> ()
    %mul3A_129 = arith.constant 640 : i32
    %mul3A_130 = arith.muli %arg1, %mul3A_129 : i32
    %add3A_131 = arith.constant 560 : i32
    %add3A_132 = arith.addi %mul3A_130, %add3A_131 : i32
    "tpu.region"() ({
      %run_scoped3A_411 = tpu.sem_alloc : memref<!tpu.dma_semaphore, #tpu.memory_space<semaphore_mem>>
      %dma_start3A_412 = arith.constant 0 : i32
      %dma_start3A_413 = tpu.memref_slice %arg18[%add3A_132, %dma_start3A_412] : memref<10240x128xf32, #tpu.memory_space<vmem_shared>> -> memref<40x128xf32, #tpu.memory_space<vmem_shared>>
      %dma_start3A_414 = arith.constant 0 : i32
      %dma_start3A_415 = tpu.memref_slice %arg18[%add3A_132, %dma_start3A_414] : memref<10240x128xf32, #tpu.memory_space<vmem_shared>> -> memref<40x128xf32, #tpu.memory_space<vmem_shared>>
      tpu.enqueue_dma source(%arg14 : memref<40x128xf32, #tpu.memory_space<vmem>>) target(%dma_start3A_415 : memref<40x128xf32, #tpu.memory_space<vmem_shared>>) target_semaphore(%run_scoped3A_411 : memref<!tpu.dma_semaphore, #tpu.memory_space<semaphore_mem>>)
      %dma_wait3A_416 = arith.constant 0 : i32
      %dma_wait3A_417 = tpu.memref_slice %arg18[%add3A_132, %dma_wait3A_416] : memref<10240x128xf32, #tpu.memory_space<vmem_shared>> -> memref<40x128xf32, #tpu.memory_space<vmem_shared>>
      %dma_wait3A_418 = arith.constant 0 : i32
      %dma_wait3A_419 = tpu.memref_slice %arg18[%add3A_132, %dma_wait3A_418] : memref<10240x128xf32, #tpu.memory_space<vmem_shared>> -> memref<40x128xf32, #tpu.memory_space<vmem_shared>>
      tpu.wait_dma2 semaphore(%run_scoped3A_411 : memref<!tpu.dma_semaphore, #tpu.memory_space<semaphore_mem>>) src(%arg14 : memref<40x128xf32, #tpu.memory_space<vmem>>) dst(%dma_wait3A_419 : memref<40x128xf32, #tpu.memory_space<vmem_shared>>)
      tpu.yield
    }) : () -> ()
    %mul3A_133 = arith.constant 640 : i32
    %mul3A_134 = arith.muli %arg1, %mul3A_133 : i32
    %add3A_135 = arith.constant 560 : i32
    %add3A_136 = arith.addi %mul3A_134, %add3A_135 : i32
    "tpu.region"() ({
      %run_scoped3A_411 = tpu.sem_alloc : memref<!tpu.dma_semaphore, #tpu.memory_space<semaphore_mem>>
      %dma_start3A_412 = arith.constant 0 : i32
      %dma_start3A_413 = tpu.memref_slice %arg19[%add3A_136, %dma_start3A_412] : memref<10240x16xf32, #tpu.memory_space<vmem_shared>> -> memref<40x16xf32, #tpu.memory_space<vmem_shared>>
      %dma_start3A_414 = arith.constant 0 : i32
      %dma_start3A_415 = tpu.memref_slice %arg19[%add3A_136, %dma_start3A_414] : memref<10240x16xf32, #tpu.memory_space<vmem_shared>> -> memref<40x16xf32, #tpu.memory_space<vmem_shared>>
      tpu.enqueue_dma source(%arg17 : memref<40x16xf32, #tpu.memory_space<vmem>>) target(%dma_start3A_415 : memref<40x16xf32, #tpu.memory_space<vmem_shared>>) target_semaphore(%run_scoped3A_411 : memref<!tpu.dma_semaphore, #tpu.memory_space<semaphore_mem>>)
      %dma_wait3A_416 = arith.constant 0 : i32
      %dma_wait3A_417 = tpu.memref_slice %arg19[%add3A_136, %dma_wait3A_416] : memref<10240x16xf32, #tpu.memory_space<vmem_shared>> -> memref<40x16xf32, #tpu.memory_space<vmem_shared>>
      %dma_wait3A_418 = arith.constant 0 : i32
      %dma_wait3A_419 = tpu.memref_slice %arg19[%add3A_136, %dma_wait3A_418] : memref<10240x16xf32, #tpu.memory_space<vmem_shared>> -> memref<40x16xf32, #tpu.memory_space<vmem_shared>>
      tpu.wait_dma2 semaphore(%run_scoped3A_411 : memref<!tpu.dma_semaphore, #tpu.memory_space<semaphore_mem>>) src(%arg17 : memref<40x16xf32, #tpu.memory_space<vmem>>) dst(%dma_wait3A_419 : memref<40x16xf32, #tpu.memory_space<vmem_shared>>)
      tpu.yield
    }) : () -> ()
    %mul3A_137 = arith.constant 640 : i32
    %mul3A_138 = arith.muli %arg1, %mul3A_137 : i32
    %add3A_139 = arith.constant 600 : i32
    %add3A_140 = arith.addi %mul3A_138, %add3A_139 : i32
    "tpu.region"() ({
      %run_scoped3A_411 = tpu.sem_alloc : memref<!tpu.dma_semaphore, #tpu.memory_space<semaphore_mem>>
      %dma_start3A_412 = arith.constant 0 : i32
      %dma_start3A_413 = tpu.memref_slice %arg18[%add3A_140, %dma_start3A_412] : memref<10240x128xf32, #tpu.memory_space<vmem_shared>> -> memref<40x128xf32, #tpu.memory_space<vmem_shared>>
      %dma_start3A_414 = arith.constant 0 : i32
      %dma_start3A_415 = tpu.memref_slice %arg18[%add3A_140, %dma_start3A_414] : memref<10240x128xf32, #tpu.memory_space<vmem_shared>> -> memref<40x128xf32, #tpu.memory_space<vmem_shared>>
      tpu.enqueue_dma source(%arg14 : memref<40x128xf32, #tpu.memory_space<vmem>>) target(%dma_start3A_415 : memref<40x128xf32, #tpu.memory_space<vmem_shared>>) target_semaphore(%run_scoped3A_411 : memref<!tpu.dma_semaphore, #tpu.memory_space<semaphore_mem>>)
      %dma_wait3A_416 = arith.constant 0 : i32
      %dma_wait3A_417 = tpu.memref_slice %arg18[%add3A_140, %dma_wait3A_416] : memref<10240x128xf32, #tpu.memory_space<vmem_shared>> -> memref<40x128xf32, #tpu.memory_space<vmem_shared>>
      %dma_wait3A_418 = arith.constant 0 : i32
      %dma_wait3A_419 = tpu.memref_slice %arg18[%add3A_140, %dma_wait3A_418] : memref<10240x128xf32, #tpu.memory_space<vmem_shared>> -> memref<40x128xf32, #tpu.memory_space<vmem_shared>>
      tpu.wait_dma2 semaphore(%run_scoped3A_411 : memref<!tpu.dma_semaphore, #tpu.memory_space<semaphore_mem>>) src(%arg14 : memref<40x128xf32, #tpu.memory_space<vmem>>) dst(%dma_wait3A_419 : memref<40x128xf32, #tpu.memory_space<vmem_shared>>)
      tpu.yield
    }) : () -> ()
    %mul3A_141 = arith.constant 640 : i32
    %mul3A_142 = arith.muli %arg1, %mul3A_141 : i32
    %add3A_143 = arith.constant 600 : i32
    %add3A_144 = arith.addi %mul3A_142, %add3A_143 : i32
    "tpu.region"() ({
      %run_scoped3A_411 = tpu.sem_alloc : memref<!tpu.dma_semaphore, #tpu.memory_space<semaphore_mem>>
      %dma_start3A_412 = arith.constant 0 : i32
      %dma_start3A_413 = tpu.memref_slice %arg19[%add3A_144, %dma_start3A_412] : memref<10240x16xf32, #tpu.memory_space<vmem_shared>> -> memref<40x16xf32, #tpu.memory_space<vmem_shared>>
      %dma_start3A_414 = arith.constant 0 : i32
      %dma_start3A_415 = tpu.memref_slice %arg19[%add3A_144, %dma_start3A_414] : memref<10240x16xf32, #tpu.memory_space<vmem_shared>> -> memref<40x16xf32, #tpu.memory_space<vmem_shared>>
      tpu.enqueue_dma source(%arg17 : memref<40x16xf32, #tpu.memory_space<vmem>>) target(%dma_start3A_415 : memref<40x16xf32, #tpu.memory_space<vmem_shared>>) target_semaphore(%run_scoped3A_411 : memref<!tpu.dma_semaphore, #tpu.memory_space<semaphore_mem>>)
      %dma_wait3A_416 = arith.constant 0 : i32
      %dma_wait3A_417 = tpu.memref_slice %arg19[%add3A_144, %dma_wait3A_416] : memref<10240x16xf32, #tpu.memory_space<vmem_shared>> -> memref<40x16xf32, #tpu.memory_space<vmem_shared>>
      %dma_wait3A_418 = arith.constant 0 : i32
      %dma_wait3A_419 = tpu.memref_slice %arg19[%add3A_144, %dma_wait3A_418] : memref<10240x16xf32, #tpu.memory_space<vmem_shared>> -> memref<40x16xf32, #tpu.memory_space<vmem_shared>>
      tpu.wait_dma2 semaphore(%run_scoped3A_411 : memref<!tpu.dma_semaphore, #tpu.memory_space<semaphore_mem>>) src(%arg17 : memref<40x16xf32, #tpu.memory_space<vmem>>) dst(%dma_wait3A_419 : memref<40x16xf32, #tpu.memory_space<vmem_shared>>)
      tpu.yield
    }) : () -> ()
    %barrier3A = arith.constant 0 : index
    tpu.barrier barrier_id(%barrier3A)
    %run_scoped3A = arith.constant 0 : i32
    "tpu.region"() ({
      %run_scoped3A_411 = tpu.sem_alloc : memref<!tpu.dma_semaphore, #tpu.memory_space<semaphore_mem>>
      %dma_start3A_412 = arith.constant 0 : i32
      %dma_start3A_413 = arith.constant 0 : i32
      %dma_start3A_414 = tpu.memref_slice %arg4[%add3A, %run_scoped3A, %dma_start3A_412, %dma_start3A_413] : memref<32x5x50x40xi32, #tpu.memory_space<hbm>> -> memref<1x1x50x40xi32, #tpu.memory_space<hbm>>
      %dma_start3A_415 = tpu.memref_squeeze %dma_start3A_414 : memref<1x1x50x40xi32, #tpu.memory_space<hbm>> -> memref<50x40xi32, #tpu.memory_space<hbm>>
      %dma_start3A_416 = arith.constant 0 : i32
      %dma_start3A_417 = arith.constant 0 : i32
      %dma_start3A_418 = tpu.memref_slice %arg4[%add3A, %run_scoped3A, %dma_start3A_416, %dma_start3A_417] : memref<32x5x50x40xi32, #tpu.memory_space<hbm>> -> memref<1x1x50x40xi32, #tpu.memory_space<hbm>>
      %dma_start3A_419 = tpu.memref_squeeze %dma_start3A_418 : memref<1x1x50x40xi32, #tpu.memory_space<hbm>> -> memref<50x40xi32, #tpu.memory_space<hbm>>
      tpu.enqueue_dma source(%dma_start3A_419 : memref<50x40xi32, #tpu.memory_space<hbm>>) target(%arg8 : memref<50x40xi32, #tpu.memory_space<vmem>>) target_semaphore(%run_scoped3A_411 : memref<!tpu.dma_semaphore, #tpu.memory_space<semaphore_mem>>)
      %dma_wait3A_420 = arith.constant 0 : i32
      %dma_wait3A_421 = arith.constant 0 : i32
      %dma_wait3A_422 = tpu.memref_slice %arg4[%add3A, %run_scoped3A, %dma_wait3A_420, %dma_wait3A_421] : memref<32x5x50x40xi32, #tpu.memory_space<hbm>> -> memref<1x1x50x40xi32, #tpu.memory_space<hbm>>
      %dma_wait3A_423 = tpu.memref_squeeze %dma_wait3A_422 : memref<1x1x50x40xi32, #tpu.memory_space<hbm>> -> memref<50x40xi32, #tpu.memory_space<hbm>>
      %dma_wait3A_424 = arith.constant 0 : i32
      %dma_wait3A_425 = arith.constant 0 : i32
      %dma_wait3A_426 = tpu.memref_slice %arg4[%add3A, %run_scoped3A, %dma_wait3A_424, %dma_wait3A_425] : memref<32x5x50x40xi32, #tpu.memory_space<hbm>> -> memref<1x1x50x40xi32, #tpu.memory_space<hbm>>
      %dma_wait3A_427 = tpu.memref_squeeze %dma_wait3A_426 : memref<1x1x50x40xi32, #tpu.memory_space<hbm>> -> memref<50x40xi32, #tpu.memory_space<hbm>>
      tpu.wait_dma2 semaphore(%run_scoped3A_411 : memref<!tpu.dma_semaphore, #tpu.memory_space<semaphore_mem>>) src(%dma_wait3A_427 : memref<50x40xi32, #tpu.memory_space<hbm>>) dst(%arg8 : memref<50x40xi32, #tpu.memory_space<vmem>>)
      tpu.yield
    }) : () -> ()
    %run_scoped3A_145 = arith.constant 0 : i32
    "tpu.region"() ({
      %run_scoped3A_411 = tpu.sem_alloc : memref<!tpu.dma_semaphore, #tpu.memory_space<semaphore_mem>>
      %dma_start3A_412 = arith.constant 0 : i32
      %dma_start3A_413 = arith.constant 0 : i32
      %dma_start3A_414 = tpu.memref_slice %arg5[%add3A, %run_scoped3A_145, %dma_start3A_412, %dma_start3A_413] : memref<32x5x50x40xi32, #tpu.memory_space<hbm>> -> memref<1x1x50x40xi32, #tpu.memory_space<hbm>>
      %dma_start3A_415 = tpu.memref_squeeze %dma_start3A_414 : memref<1x1x50x40xi32, #tpu.memory_space<hbm>> -> memref<50x40xi32, #tpu.memory_space<hbm>>
      %dma_start3A_416 = arith.constant 0 : i32
      %dma_start3A_417 = arith.constant 0 : i32
      %dma_start3A_418 = tpu.memref_slice %arg5[%add3A, %run_scoped3A_145, %dma_start3A_416, %dma_start3A_417] : memref<32x5x50x40xi32, #tpu.memory_space<hbm>> -> memref<1x1x50x40xi32, #tpu.memory_space<hbm>>
      %dma_start3A_419 = tpu.memref_squeeze %dma_start3A_418 : memref<1x1x50x40xi32, #tpu.memory_space<hbm>> -> memref<50x40xi32, #tpu.memory_space<hbm>>
      tpu.enqueue_dma source(%dma_start3A_419 : memref<50x40xi32, #tpu.memory_space<hbm>>) target(%arg9 : memref<50x40xi32, #tpu.memory_space<vmem>>) target_semaphore(%run_scoped3A_411 : memref<!tpu.dma_semaphore, #tpu.memory_space<semaphore_mem>>)
      %dma_wait3A_420 = arith.constant 0 : i32
      %dma_wait3A_421 = arith.constant 0 : i32
      %dma_wait3A_422 = tpu.memref_slice %arg5[%add3A, %run_scoped3A_145, %dma_wait3A_420, %dma_wait3A_421] : memref<32x5x50x40xi32, #tpu.memory_space<hbm>> -> memref<1x1x50x40xi32, #tpu.memory_space<hbm>>
      %dma_wait3A_423 = tpu.memref_squeeze %dma_wait3A_422 : memref<1x1x50x40xi32, #tpu.memory_space<hbm>> -> memref<50x40xi32, #tpu.memory_space<hbm>>
      %dma_wait3A_424 = arith.constant 0 : i32
      %dma_wait3A_425 = arith.constant 0 : i32
      %dma_wait3A_426 = tpu.memref_slice %arg5[%add3A, %run_scoped3A_145, %dma_wait3A_424, %dma_wait3A_425] : memref<32x5x50x40xi32, #tpu.memory_space<hbm>> -> memref<1x1x50x40xi32, #tpu.memory_space<hbm>>
      %dma_wait3A_427 = tpu.memref_squeeze %dma_wait3A_426 : memref<1x1x50x40xi32, #tpu.memory_space<hbm>> -> memref<50x40xi32, #tpu.memory_space<hbm>>
      tpu.wait_dma2 semaphore(%run_scoped3A_411 : memref<!tpu.dma_semaphore, #tpu.memory_space<semaphore_mem>>) src(%dma_wait3A_427 : memref<50x40xi32, #tpu.memory_space<hbm>>) dst(%arg9 : memref<50x40xi32, #tpu.memory_space<vmem>>)
      tpu.yield
    }) : () -> ()
    %mul3A_146 = arith.constant 10000 : i32
    %mul3A_147 = arith.muli %add3A, %mul3A_146 : i32
    %add3A_148 = arith.constant 0 : i32
    %add3A_149 = arith.addi %mul3A_147, %add3A_148 : i32
    %dma_start3A = arith.constant 0 : i32
    %dma_start3A_150 = tpu.memref_slice %arg2[%add3A_149, %dma_start3A] : memref<320000x128xf32, #tpu.memory_space<hbm>> -> memref<40x128xf32, #tpu.memory_space<hbm>>
    %dma_start3A_151 = arith.constant 0 : i32
    %dma_start3A_152 = tpu.memref_slice %arg2[%add3A_149, %dma_start3A_151] : memref<320000x128xf32, #tpu.memory_space<hbm>> -> memref<40x128xf32, #tpu.memory_space<hbm>>
    tpu.enqueue_dma source(%dma_start3A_152 : memref<40x128xf32, #tpu.memory_space<hbm>>) target(%arg10 : memref<40x128xf32, #tpu.memory_space<vmem>>) target_semaphore(%arg20 : memref<!tpu.dma_semaphore, #tpu.memory_space<semaphore_mem>>)
    %dma_start3A_153 = arith.constant 0 : i32
    %dma_start3A_154 = arith.constant 0 : i32
    %dma_start3A_155 = tpu.memref_slice %arg8[%dma_start3A_153, %dma_start3A_154] : memref<50x40xi32, #tpu.memory_space<vmem>> -> memref<1x40xi32, #tpu.memory_space<vmem>>
    %dma_start3A_156 = tpu.memref_squeeze %dma_start3A_155 : memref<1x40xi32, #tpu.memory_space<vmem>> -> memref<40xi32, #tpu.memory_space<vmem>>
    %dma_start3A_157 = arith.constant 0 : i32
    %dma_start3A_158 = arith.constant 0 : i32
    %dma_start3A_159 = tpu.memref_slice %arg3[%dma_start3A_157, %dma_start3A_158] : memref<10000x128xf32, #tpu.memory_space<hbm>> -> memref<10000x128xf32, #tpu.memory_space<hbm>>
    tpu.enqueue_indirect_dma source(%dma_start3A_159 : memref<10000x128xf32, #tpu.memory_space<hbm>>) target(%arg12 : memref<40x128xf32, #tpu.memory_space<vmem>>) offsets(%dma_start3A_156 : memref<40xi32, #tpu.memory_space<vmem>>) semaphore(%arg20 : memref<!tpu.dma_semaphore, #tpu.memory_space<semaphore_mem>>)
    %scan3A_160 = arith.constant 0 : i32
    %scan3A_161 = arith.constant 0 : i32
    %scan3A_162 = arith.constant 25 : i32
    %scan3A_163 = arith.addi %scan3A_161, %scan3A_162 : i32
    %scan3A_164 = arith.constant 1 : i32
    %scan3A_165 = scf.for %scan3A_411 = %scan3A_161 to %scan3A_163 step %scan3A_164 iter_args(%scan3A_412 = %scan3A_160) -> (i32)  : i32 {
      %mul3A_413 = arith.constant 2 : i32
      %mul3A_414 = arith.muli %mul3A_413, %scan3A_411 : i32
      %add3A_415 = arith.constant 1 : i32
      %add3A_416 = arith.addi %mul3A_414, %add3A_415 : i32
      %mul3A_417 = arith.constant 10000 : i32
      %mul3A_418 = arith.muli %add3A, %mul3A_417 : i32
      %add3A_419 = arith.constant 0 : i32
      %add3A_420 = arith.addi %add3A_419, %add3A_416 : i32
      %mul3A_421 = arith.constant 40 : i32
      %mul3A_422 = arith.muli %add3A_420, %mul3A_421 : i32
      %add3A_423 = arith.addi %mul3A_418, %mul3A_422 : i32
      %dma_start3A_424 = arith.constant 0 : i32
      %dma_start3A_425 = tpu.memref_slice %arg2[%add3A_423, %dma_start3A_424] : memref<320000x128xf32, #tpu.memory_space<hbm>> -> memref<40x128xf32, #tpu.memory_space<hbm>>
      %dma_start3A_426 = arith.constant 0 : i32
      %dma_start3A_427 = tpu.memref_slice %arg2[%add3A_423, %dma_start3A_426] : memref<320000x128xf32, #tpu.memory_space<hbm>> -> memref<40x128xf32, #tpu.memory_space<hbm>>
      tpu.enqueue_dma source(%dma_start3A_427 : memref<40x128xf32, #tpu.memory_space<hbm>>) target(%arg11 : memref<40x128xf32, #tpu.memory_space<vmem>>) target_semaphore(%arg21 : memref<!tpu.dma_semaphore, #tpu.memory_space<semaphore_mem>>)
      %dma_start3A_428 = arith.constant 0 : i32
      %dma_start3A_429 = tpu.memref_slice %arg8[%add3A_416, %dma_start3A_428] : memref<50x40xi32, #tpu.memory_space<vmem>> -> memref<1x40xi32, #tpu.memory_space<vmem>>
      %dma_start3A_430 = tpu.memref_squeeze %dma_start3A_429 : memref<1x40xi32, #tpu.memory_space<vmem>> -> memref<40xi32, #tpu.memory_space<vmem>>
      %dma_start3A_431 = arith.constant 0 : i32
      %dma_start3A_432 = arith.constant 0 : i32
      %dma_start3A_433 = tpu.memref_slice %arg3[%dma_start3A_431, %dma_start3A_432] : memref<10000x128xf32, #tpu.memory_space<hbm>> -> memref<10000x128xf32, #tpu.memory_space<hbm>>
      tpu.enqueue_indirect_dma source(%dma_start3A_433 : memref<10000x128xf32, #tpu.memory_space<hbm>>) target(%arg13 : memref<40x128xf32, #tpu.memory_space<vmem>>) offsets(%dma_start3A_430 : memref<40xi32, #tpu.memory_space<vmem>>) semaphore(%arg21 : memref<!tpu.dma_semaphore, #tpu.memory_space<semaphore_mem>>)
      %mul3A_434 = arith.constant 2 : i32
      %mul3A_435 = arith.muli %mul3A_434, %scan3A_411 : i32
      %dma_wait3A_436 = arith.constant 0 : i32
      %dma_wait3A_437 = arith.constant 0 : i32
      %dma_wait3A_438 = tpu.memref_slice %arg2[%dma_wait3A_436, %dma_wait3A_437] : memref<320000x128xf32, #tpu.memory_space<hbm>> -> memref<40x128xf32, #tpu.memory_space<hbm>>
      %dma_wait3A_439 = arith.constant 0 : i32
      %dma_wait3A_440 = arith.constant 0 : i32
      %dma_wait3A_441 = tpu.memref_slice %arg2[%dma_wait3A_439, %dma_wait3A_440] : memref<320000x128xf32, #tpu.memory_space<hbm>> -> memref<40x128xf32, #tpu.memory_space<hbm>>
      tpu.wait_dma2 semaphore(%arg20 : memref<!tpu.dma_semaphore, #tpu.memory_space<semaphore_mem>>) src(%dma_wait3A_441 : memref<40x128xf32, #tpu.memory_space<hbm>>) dst(%arg10 : memref<40x128xf32, #tpu.memory_space<vmem>>)
      %dma_wait3A_442 = arith.constant 0 : i32
      %dma_wait3A_443 = arith.constant 0 : i32
      %dma_wait3A_444 = tpu.memref_slice %arg8[%dma_wait3A_442, %dma_wait3A_443] : memref<50x40xi32, #tpu.memory_space<vmem>> -> memref<1x40xi32, #tpu.memory_space<vmem>>
      %dma_wait3A_445 = tpu.memref_squeeze %dma_wait3A_444 : memref<1x40xi32, #tpu.memory_space<vmem>> -> memref<40xi32, #tpu.memory_space<vmem>>
      %dma_wait3A_446 = arith.constant 0 : i32
      %dma_wait3A_447 = arith.constant 0 : i32
      %dma_wait3A_448 = tpu.memref_slice %arg3[%dma_wait3A_446, %dma_wait3A_447] : memref<10000x128xf32, #tpu.memory_space<hbm>> -> memref<10000x128xf32, #tpu.memory_space<hbm>>
      tpu.wait_indirect_dma semaphore(%arg20 : memref<!tpu.dma_semaphore, #tpu.memory_space<semaphore_mem>>) src(%dma_wait3A_448 : memref<10000x128xf32, #tpu.memory_space<hbm>>) dst(%arg12 : memref<40x128xf32, #tpu.memory_space<vmem>>)
      %gt3A = arith.constant 0 : i32
      %gt3A_449 = arith.cmpi sgt, %scan3A_411, %gt3A : i32
      %convert_element_type3A = arith.extui %gt3A_449 : i1 to i32
      %cond3A = arith.constant 0 : i32
      %cond3A_450 = arith.cmpi ne, %convert_element_type3A, %cond3A : i32
      scf.if %cond3A_450 {
        %dma_wait3A_516 = arith.constant 0 : i32
        %dma_wait3A_517 = arith.constant 0 : i32
        %dma_wait3A_518 = tpu.memref_slice %arg9[%dma_wait3A_516, %dma_wait3A_517] : memref<50x40xi32, #tpu.memory_space<vmem>> -> memref<1x40xi32, #tpu.memory_space<vmem>>
        %dma_wait3A_519 = tpu.memref_squeeze %dma_wait3A_518 : memref<1x40xi32, #tpu.memory_space<vmem>> -> memref<40xi32, #tpu.memory_space<vmem>>
        %dma_wait3A_520 = arith.constant 0 : i32
        %dma_wait3A_521 = arith.constant 0 : i32
        %dma_wait3A_522 = tpu.memref_slice %arg18[%dma_wait3A_520, %dma_wait3A_521] : memref<10240x128xf32, #tpu.memory_space<vmem_shared>> -> memref<10240x128xf32, #tpu.memory_space<vmem_shared>>
        tpu.wait_indirect_dma semaphore(%arg22 : memref<!tpu.dma_semaphore, #tpu.memory_space<semaphore_mem>>) src(%arg14 : memref<40x128xf32, #tpu.memory_space<vmem>>) dst(%dma_wait3A_522 : memref<10240x128xf32, #tpu.memory_space<vmem_shared>>)
        %dma_wait3A_523 = arith.constant 0 : i32
        %dma_wait3A_524 = arith.constant 0 : i32
        %dma_wait3A_525 = tpu.memref_slice %arg9[%dma_wait3A_523, %dma_wait3A_524] : memref<50x40xi32, #tpu.memory_space<vmem>> -> memref<1x40xi32, #tpu.memory_space<vmem>>
        %dma_wait3A_526 = tpu.memref_squeeze %dma_wait3A_525 : memref<1x40xi32, #tpu.memory_space<vmem>> -> memref<40xi32, #tpu.memory_space<vmem>>
        %dma_wait3A_527 = arith.constant 0 : i32
        %dma_wait3A_528 = arith.constant 0 : i32
        %dma_wait3A_529 = tpu.memref_slice %arg19[%dma_wait3A_527, %dma_wait3A_528] : memref<10240x16xf32, #tpu.memory_space<vmem_shared>> -> memref<10240x16xf32, #tpu.memory_space<vmem_shared>>
        tpu.wait_indirect_dma semaphore(%arg22 : memref<!tpu.dma_semaphore, #tpu.memory_space<semaphore_mem>>) src(%arg16 : memref<40x16xf32, #tpu.memory_space<vmem>>) dst(%dma_wait3A_529 : memref<10240x16xf32, #tpu.memory_space<vmem_shared>>)
      } else {
      }
      %scan3A_451 = arith.constant 0 : i32
      %scan3A_452 = arith.constant 0 : i32
      %scan3A_453 = arith.constant 40 : i32
      %scan3A_454 = arith.addi %scan3A_452, %scan3A_453 : i32
      %scan3A_455 = arith.constant 1 : i32
      %scan3A_456 = scf.for %scan3A_516 = %scan3A_452 to %scan3A_454 step %scan3A_455 iter_args(%scan3A_517 = %scan3A_451) -> (i32)  : i32 {
        %get3A = arith.index_cast %scan3A_516 : i32 to index
        %get3A_518 = arith.constant 0 : index
        %get3A_519 = tpu.vector_load %arg12[%get3A, %get3A_518] {strides = array<i32>} : memref<40x128xf32, #tpu.memory_space<vmem>>, vector<1x16xf32>,
        %get3A_520 = vector.shape_cast %get3A_519 : vector<1x16xf32> to vector<16xf32>
        %get3A_521 = arith.index_cast %scan3A_516 : i32 to index
        %get3A_522 = arith.constant 0 : index
        %get3A_523 = tpu.vector_load %arg10[%get3A_521, %get3A_522] {strides = array<i32>} : memref<40x128xf32, #tpu.memory_space<vmem>>, vector<1x16xf32>,
        %get3A_524 = vector.shape_cast %get3A_523 : vector<1x16xf32> to vector<16xf32>
        %add3A_525 = arith.addf %get3A_520, %get3A_524 : vector<16xf32>
        %max3A = arith.constant 0.000000e+00 : f32
        %max3A_526 = vector.broadcast %max3A : f32 to vector<16xf32>
        %max3A_527 = arith.maximumf %add3A_525, %max3A_526 : vector<16xf32>
        %swap3A = arith.index_cast %scan3A_516 : i32 to index
        %swap3A_528 = arith.constant 0 : index
        %swap3A_529 = tpu.vector_load %arg14[%swap3A, %swap3A_528] {strides = array<i32>} : memref<40x128xf32, #tpu.memory_space<vmem>>, vector<1x16xf32>,
        %swap3A_530 = vector.shape_cast %swap3A_529 : vector<1x16xf32> to vector<16xf32>
        %swap3A_531 = vector.shape_cast %max3A_527 : vector<16xf32> to vector<1x16xf32>
        tpu.vector_store %arg14[%swap3A, %swap3A_528], %swap3A_531 {strides = array<i32>} : memref<40x128xf32, #tpu.memory_space<vmem>>, vector<1x16xf32>,
        %get3A_532 = arith.index_cast %scan3A_516 : i32 to index
        %get3A_533 = arith.constant 16 : index
        %get3A_534 = tpu.vector_load %arg12[%get3A_532, %get3A_533] {strides = array<i32>} : memref<40x128xf32, #tpu.memory_space<vmem>>, vector<1x16xf32>,
        %get3A_535 = vector.shape_cast %get3A_534 : vector<1x16xf32> to vector<16xf32>
        %get3A_536 = arith.index_cast %scan3A_516 : i32 to index
        %get3A_537 = arith.constant 16 : index
        %get3A_538 = tpu.vector_load %arg10[%get3A_536, %get3A_537] {strides = array<i32>} : memref<40x128xf32, #tpu.memory_space<vmem>>, vector<1x16xf32>,
        %get3A_539 = vector.shape_cast %get3A_538 : vector<1x16xf32> to vector<16xf32>
        %add3A_540 = arith.addf %get3A_535, %get3A_539 : vector<16xf32>
        %max3A_541 = arith.constant 0.000000e+00 : f32
        %max3A_542 = vector.broadcast %max3A_541 : f32 to vector<16xf32>
        %max3A_543 = arith.maximumf %add3A_540, %max3A_542 : vector<16xf32>
        %swap3A_544 = arith.index_cast %scan3A_516 : i32 to index
        %swap3A_545 = arith.constant 16 : index
        %swap3A_546 = tpu.vector_load %arg14[%swap3A_544, %swap3A_545] {strides = array<i32>} : memref<40x128xf32, #tpu.memory_space<vmem>>, vector<1x16xf32>,
        %swap3A_547 = vector.shape_cast %swap3A_546 : vector<1x16xf32> to vector<16xf32>
        %swap3A_548 = vector.shape_cast %max3A_543 : vector<16xf32> to vector<1x16xf32>
        tpu.vector_store %arg14[%swap3A_544, %swap3A_545], %swap3A_548 {strides = array<i32>} : memref<40x128xf32, #tpu.memory_space<vmem>>, vector<1x16xf32>,
        %get3A_549 = arith.index_cast %scan3A_516 : i32 to index
        %get3A_550 = arith.constant 32 : index
        %get3A_551 = tpu.vector_load %arg12[%get3A_549, %get3A_550] {strides = array<i32>} : memref<40x128xf32, #tpu.memory_space<vmem>>, vector<1x16xf32>,
        %get3A_552 = vector.shape_cast %get3A_551 : vector<1x16xf32> to vector<16xf32>
        %get3A_553 = arith.index_cast %scan3A_516 : i32 to index
        %get3A_554 = arith.constant 32 : index
        %get3A_555 = tpu.vector_load %arg10[%get3A_553, %get3A_554] {strides = array<i32>} : memref<40x128xf32, #tpu.memory_space<vmem>>, vector<1x16xf32>,
        %get3A_556 = vector.shape_cast %get3A_555 : vector<1x16xf32> to vector<16xf32>
        %add3A_557 = arith.addf %get3A_552, %get3A_556 : vector<16xf32>
        %max3A_558 = arith.constant 0.000000e+00 : f32
        %max3A_559 = vector.broadcast %max3A_558 : f32 to vector<16xf32>
        %max3A_560 = arith.maximumf %add3A_557, %max3A_559 : vector<16xf32>
        %swap3A_561 = arith.index_cast %scan3A_516 : i32 to index
        %swap3A_562 = arith.constant 32 : index
        %swap3A_563 = tpu.vector_load %arg14[%swap3A_561, %swap3A_562] {strides = array<i32>} : memref<40x128xf32, #tpu.memory_space<vmem>>, vector<1x16xf32>,
        %swap3A_564 = vector.shape_cast %swap3A_563 : vector<1x16xf32> to vector<16xf32>
        %swap3A_565 = vector.shape_cast %max3A_560 : vector<16xf32> to vector<1x16xf32>
        tpu.vector_store %arg14[%swap3A_561, %swap3A_562], %swap3A_565 {strides = array<i32>} : memref<40x128xf32, #tpu.memory_space<vmem>>, vector<1x16xf32>,
        %get3A_566 = arith.index_cast %scan3A_516 : i32 to index
        %get3A_567 = arith.constant 48 : index
        %get3A_568 = tpu.vector_load %arg12[%get3A_566, %get3A_567] {strides = array<i32>} : memref<40x128xf32, #tpu.memory_space<vmem>>, vector<1x16xf32>,
        %get3A_569 = vector.shape_cast %get3A_568 : vector<1x16xf32> to vector<16xf32>
        %get3A_570 = arith.index_cast %scan3A_516 : i32 to index
        %get3A_571 = arith.constant 48 : index
        %get3A_572 = tpu.vector_load %arg10[%get3A_570, %get3A_571] {strides = array<i32>} : memref<40x128xf32, #tpu.memory_space<vmem>>, vector<1x16xf32>,
        %get3A_573 = vector.shape_cast %get3A_572 : vector<1x16xf32> to vector<16xf32>
        %add3A_574 = arith.addf %get3A_569, %get3A_573 : vector<16xf32>
        %max3A_575 = arith.constant 0.000000e+00 : f32
        %max3A_576 = vector.broadcast %max3A_575 : f32 to vector<16xf32>
        %max3A_577 = arith.maximumf %add3A_574, %max3A_576 : vector<16xf32>
        %swap3A_578 = arith.index_cast %scan3A_516 : i32 to index
        %swap3A_579 = arith.constant 48 : index
        %swap3A_580 = tpu.vector_load %arg14[%swap3A_578, %swap3A_579] {strides = array<i32>} : memref<40x128xf32, #tpu.memory_space<vmem>>, vector<1x16xf32>,
        %swap3A_581 = vector.shape_cast %swap3A_580 : vector<1x16xf32> to vector<16xf32>
        %swap3A_582 = vector.shape_cast %max3A_577 : vector<16xf32> to vector<1x16xf32>
        tpu.vector_store %arg14[%swap3A_578, %swap3A_579], %swap3A_582 {strides = array<i32>} : memref<40x128xf32, #tpu.memory_space<vmem>>, vector<1x16xf32>,
        %get3A_583 = arith.index_cast %scan3A_516 : i32 to index
        %get3A_584 = arith.constant 64 : index
        %get3A_585 = tpu.vector_load %arg12[%get3A_583, %get3A_584] {strides = array<i32>} : memref<40x128xf32, #tpu.memory_space<vmem>>, vector<1x16xf32>,
        %get3A_586 = vector.shape_cast %get3A_585 : vector<1x16xf32> to vector<16xf32>
        %get3A_587 = arith.index_cast %scan3A_516 : i32 to index
        %get3A_588 = arith.constant 64 : index
        %get3A_589 = tpu.vector_load %arg10[%get3A_587, %get3A_588] {strides = array<i32>} : memref<40x128xf32, #tpu.memory_space<vmem>>, vector<1x16xf32>,
        %get3A_590 = vector.shape_cast %get3A_589 : vector<1x16xf32> to vector<16xf32>
        %add3A_591 = arith.addf %get3A_586, %get3A_590 : vector<16xf32>
        %max3A_592 = arith.constant 0.000000e+00 : f32
        %max3A_593 = vector.broadcast %max3A_592 : f32 to vector<16xf32>
        %max3A_594 = arith.maximumf %add3A_591, %max3A_593 : vector<16xf32>
        %swap3A_595 = arith.index_cast %scan3A_516 : i32 to index
        %swap3A_596 = arith.constant 64 : index
        %swap3A_597 = tpu.vector_load %arg14[%swap3A_595, %swap3A_596] {strides = array<i32>} : memref<40x128xf32, #tpu.memory_space<vmem>>, vector<1x16xf32>,
        %swap3A_598 = vector.shape_cast %swap3A_597 : vector<1x16xf32> to vector<16xf32>
        %swap3A_599 = vector.shape_cast %max3A_594 : vector<16xf32> to vector<1x16xf32>
        tpu.vector_store %arg14[%swap3A_595, %swap3A_596], %swap3A_599 {strides = array<i32>} : memref<40x128xf32, #tpu.memory_space<vmem>>, vector<1x16xf32>,
        %get3A_600 = arith.index_cast %scan3A_516 : i32 to index
        %get3A_601 = arith.constant 80 : index
        %get3A_602 = tpu.vector_load %arg12[%get3A_600, %get3A_601] {strides = array<i32>} : memref<40x128xf32, #tpu.memory_space<vmem>>, vector<1x16xf32>,
        %get3A_603 = vector.shape_cast %get3A_602 : vector<1x16xf32> to vector<16xf32>
        %get3A_604 = arith.index_cast %scan3A_516 : i32 to index
        %get3A_605 = arith.constant 80 : index
        %get3A_606 = tpu.vector_load %arg10[%get3A_604, %get3A_605] {strides = array<i32>} : memref<40x128xf32, #tpu.memory_space<vmem>>, vector<1x16xf32>,
        %get3A_607 = vector.shape_cast %get3A_606 : vector<1x16xf32> to vector<16xf32>
        %add3A_608 = arith.addf %get3A_603, %get3A_607 : vector<16xf32>
        %max3A_609 = arith.constant 0.000000e+00 : f32
        %max3A_610 = vector.broadcast %max3A_609 : f32 to vector<16xf32>
        %max3A_611 = arith.maximumf %add3A_608, %max3A_610 : vector<16xf32>
        %swap3A_612 = arith.index_cast %scan3A_516 : i32 to index
        %swap3A_613 = arith.constant 80 : index
        %swap3A_614 = tpu.vector_load %arg14[%swap3A_612, %swap3A_613] {strides = array<i32>} : memref<40x128xf32, #tpu.memory_space<vmem>>, vector<1x16xf32>,
        %swap3A_615 = vector.shape_cast %swap3A_614 : vector<1x16xf32> to vector<16xf32>
        %swap3A_616 = vector.shape_cast %max3A_611 : vector<16xf32> to vector<1x16xf32>
        tpu.vector_store %arg14[%swap3A_612, %swap3A_613], %swap3A_616 {strides = array<i32>} : memref<40x128xf32, #tpu.memory_space<vmem>>, vector<1x16xf32>,
        %get3A_617 = arith.index_cast %scan3A_516 : i32 to index
        %get3A_618 = arith.constant 96 : index
        %get3A_619 = tpu.vector_load %arg12[%get3A_617, %get3A_618] {strides = array<i32>} : memref<40x128xf32, #tpu.memory_space<vmem>>, vector<1x16xf32>,
        %get3A_620 = vector.shape_cast %get3A_619 : vector<1x16xf32> to vector<16xf32>
        %get3A_621 = arith.index_cast %scan3A_516 : i32 to index
        %get3A_622 = arith.constant 96 : index
        %get3A_623 = tpu.vector_load %arg10[%get3A_621, %get3A_622] {strides = array<i32>} : memref<40x128xf32, #tpu.memory_space<vmem>>, vector<1x16xf32>,
        %get3A_624 = vector.shape_cast %get3A_623 : vector<1x16xf32> to vector<16xf32>
        %add3A_625 = arith.addf %get3A_620, %get3A_624 : vector<16xf32>
        %max3A_626 = arith.constant 0.000000e+00 : f32
        %max3A_627 = vector.broadcast %max3A_626 : f32 to vector<16xf32>
        %max3A_628 = arith.maximumf %add3A_625, %max3A_627 : vector<16xf32>
        %swap3A_629 = arith.index_cast %scan3A_516 : i32 to index
        %swap3A_630 = arith.constant 96 : index
        %swap3A_631 = tpu.vector_load %arg14[%swap3A_629, %swap3A_630] {strides = array<i32>} : memref<40x128xf32, #tpu.memory_space<vmem>>, vector<1x16xf32>,
        %swap3A_632 = vector.shape_cast %swap3A_631 : vector<1x16xf32> to vector<16xf32>
        %swap3A_633 = vector.shape_cast %max3A_628 : vector<16xf32> to vector<1x16xf32>
        tpu.vector_store %arg14[%swap3A_629, %swap3A_630], %swap3A_633 {strides = array<i32>} : memref<40x128xf32, #tpu.memory_space<vmem>>, vector<1x16xf32>,
        %get3A_634 = arith.index_cast %scan3A_516 : i32 to index
        %get3A_635 = arith.constant 112 : index
        %get3A_636 = tpu.vector_load %arg12[%get3A_634, %get3A_635] {strides = array<i32>} : memref<40x128xf32, #tpu.memory_space<vmem>>, vector<1x16xf32>,
        %get3A_637 = vector.shape_cast %get3A_636 : vector<1x16xf32> to vector<16xf32>
        %get3A_638 = arith.index_cast %scan3A_516 : i32 to index
        %get3A_639 = arith.constant 112 : index
        %get3A_640 = tpu.vector_load %arg10[%get3A_638, %get3A_639] {strides = array<i32>} : memref<40x128xf32, #tpu.memory_space<vmem>>, vector<1x16xf32>,
        %get3A_641 = vector.shape_cast %get3A_640 : vector<1x16xf32> to vector<16xf32>
        %add3A_642 = arith.addf %get3A_637, %get3A_641 : vector<16xf32>
        %max3A_643 = arith.constant 0.000000e+00 : f32
        %max3A_644 = vector.broadcast %max3A_643 : f32 to vector<16xf32>
        %max3A_645 = arith.maximumf %add3A_642, %max3A_644 : vector<16xf32>
        %swap3A_646 = arith.index_cast %scan3A_516 : i32 to index
        %swap3A_647 = arith.constant 112 : index
        %swap3A_648 = tpu.vector_load %arg14[%swap3A_646, %swap3A_647] {strides = array<i32>} : memref<40x128xf32, #tpu.memory_space<vmem>>, vector<1x16xf32>,
        %swap3A_649 = vector.shape_cast %swap3A_648 : vector<1x16xf32> to vector<16xf32>
        %swap3A_650 = vector.shape_cast %max3A_645 : vector<16xf32> to vector<1x16xf32>
        tpu.vector_store %arg14[%swap3A_646, %swap3A_647], %swap3A_650 {strides = array<i32>} : memref<40x128xf32, #tpu.memory_space<vmem>>, vector<1x16xf32>,
        %scan3A_651 = arith.constant 0 : i32
        scf.yield %scan3A_651 : i32
      }
      %scan3A_457 = arith.constant 40 : i32
      %dma_start3A_458 = arith.constant 0 : i32
      %dma_start3A_459 = tpu.memref_slice %arg9[%mul3A_435, %dma_start3A_458] : memref<50x40xi32, #tpu.memory_space<vmem>> -> memref<1x40xi32, #tpu.memory_space<vmem>>
      %dma_start3A_460 = tpu.memref_squeeze %dma_start3A_459 : memref<1x40xi32, #tpu.memory_space<vmem>> -> memref<40xi32, #tpu.memory_space<vmem>>
      %dma_start3A_461 = arith.constant 0 : i32
      %dma_start3A_462 = arith.constant 0 : i32
      %dma_start3A_463 = tpu.memref_slice %arg18[%dma_start3A_461, %dma_start3A_462] : memref<10240x128xf32, #tpu.memory_space<vmem_shared>> -> memref<10240x128xf32, #tpu.memory_space<vmem_shared>>
      tpu.enqueue_indirect_dma source(%arg14 : memref<40x128xf32, #tpu.memory_space<vmem>>) target(%dma_start3A_463 : memref<10240x128xf32, #tpu.memory_space<vmem_shared>>) offsets(%dma_start3A_460 : memref<40xi32, #tpu.memory_space<vmem>>) semaphore(%arg22 : memref<!tpu.dma_semaphore, #tpu.memory_space<semaphore_mem>>) {add = true}
      %dma_start3A_464 = arith.constant 0 : i32
      %dma_start3A_465 = tpu.memref_slice %arg9[%mul3A_435, %dma_start3A_464] : memref<50x40xi32, #tpu.memory_space<vmem>> -> memref<1x40xi32, #tpu.memory_space<vmem>>
      %dma_start3A_466 = tpu.memref_squeeze %dma_start3A_465 : memref<1x40xi32, #tpu.memory_space<vmem>> -> memref<40xi32, #tpu.memory_space<vmem>>
      %dma_start3A_467 = arith.constant 0 : i32
      %dma_start3A_468 = arith.constant 0 : i32
      %dma_start3A_469 = tpu.memref_slice %arg19[%dma_start3A_467, %dma_start3A_468] : memref<10240x16xf32, #tpu.memory_space<vmem_shared>> -> memref<10240x16xf32, #tpu.memory_space<vmem_shared>>
      tpu.enqueue_indirect_dma source(%arg16 : memref<40x16xf32, #tpu.memory_space<vmem>>) target(%dma_start3A_469 : memref<10240x16xf32, #tpu.memory_space<vmem_shared>>) offsets(%dma_start3A_466 : memref<40xi32, #tpu.memory_space<vmem>>) semaphore(%arg22 : memref<!tpu.dma_semaphore, #tpu.memory_space<semaphore_mem>>) {add = true}
      %lt3A = arith.constant 24 : i32
      %lt3A_470 = arith.cmpi slt, %scan3A_411, %lt3A : i32
      %convert_element_type3A_471 = arith.extui %lt3A_470 : i1 to i32
      %cond3A_472 = arith.constant 0 : i32
      %cond3A_473 = arith.cmpi ne, %convert_element_type3A_471, %cond3A_472 : i32
      scf.if %cond3A_473 {
        %mul3A_516 = arith.constant 2 : i32
        %mul3A_517 = arith.muli %mul3A_516, %scan3A_411 : i32
        %add3A_518 = arith.constant 2 : i32
        %add3A_519 = arith.addi %mul3A_517, %add3A_518 : i32
        %mul3A_520 = arith.constant 10000 : i32
        %mul3A_521 = arith.muli %add3A, %mul3A_520 : i32
        %add3A_522 = arith.constant 0 : i32
        %add3A_523 = arith.addi %add3A_522, %add3A_519 : i32
        %mul3A_524 = arith.constant 40 : i32
        %mul3A_525 = arith.muli %add3A_523, %mul3A_524 : i32
        %add3A_526 = arith.addi %mul3A_521, %mul3A_525 : i32
        %dma_start3A_527 = arith.constant 0 : i32
        %dma_start3A_528 = tpu.memref_slice %arg2[%add3A_526, %dma_start3A_527] : memref<320000x128xf32, #tpu.memory_space<hbm>> -> memref<40x128xf32, #tpu.memory_space<hbm>>
        %dma_start3A_529 = arith.constant 0 : i32
        %dma_start3A_530 = tpu.memref_slice %arg2[%add3A_526, %dma_start3A_529] : memref<320000x128xf32, #tpu.memory_space<hbm>> -> memref<40x128xf32, #tpu.memory_space<hbm>>
        tpu.enqueue_dma source(%dma_start3A_530 : memref<40x128xf32, #tpu.memory_space<hbm>>) target(%arg10 : memref<40x128xf32, #tpu.memory_space<vmem>>) target_semaphore(%arg20 : memref<!tpu.dma_semaphore, #tpu.memory_space<semaphore_mem>>)
        %dma_start3A_531 = arith.constant 0 : i32
        %dma_start3A_532 = tpu.memref_slice %arg8[%add3A_519, %dma_start3A_531] : memref<50x40xi32, #tpu.memory_space<vmem>> -> memref<1x40xi32, #tpu.memory_space<vmem>>
        %dma_start3A_533 = tpu.memref_squeeze %dma_start3A_532 : memref<1x40xi32, #tpu.memory_space<vmem>> -> memref<40xi32, #tpu.memory_space<vmem>>
        %dma_start3A_534 = arith.constant 0 : i32
        %dma_start3A_535 = arith.constant 0 : i32
        %dma_start3A_536 = tpu.memref_slice %arg3[%dma_start3A_534, %dma_start3A_535] : memref<10000x128xf32, #tpu.memory_space<hbm>> -> memref<10000x128xf32, #tpu.memory_space<hbm>>
        tpu.enqueue_indirect_dma source(%dma_start3A_536 : memref<10000x128xf32, #tpu.memory_space<hbm>>) target(%arg12 : memref<40x128xf32, #tpu.memory_space<vmem>>) offsets(%dma_start3A_533 : memref<40xi32, #tpu.memory_space<vmem>>) semaphore(%arg20 : memref<!tpu.dma_semaphore, #tpu.memory_space<semaphore_mem>>)
      } else {
      }
      %mul3A_474 = arith.constant 2 : i32
      %mul3A_475 = arith.muli %mul3A_474, %scan3A_411 : i32
      %add3A_476 = arith.constant 1 : i32
      %add3A_477 = arith.addi %mul3A_475, %add3A_476 : i32
      %dma_wait3A_478 = arith.constant 0 : i32
      %dma_wait3A_479 = arith.constant 0 : i32
      %dma_wait3A_480 = tpu.memref_slice %arg2[%dma_wait3A_478, %dma_wait3A_479] : memref<320000x128xf32, #tpu.memory_space<hbm>> -> memref<40x128xf32, #tpu.memory_space<hbm>>
      %dma_wait3A_481 = arith.constant 0 : i32
      %dma_wait3A_482 = arith.constant 0 : i32
      %dma_wait3A_483 = tpu.memref_slice %arg2[%dma_wait3A_481, %dma_wait3A_482] : memref<320000x128xf32, #tpu.memory_space<hbm>> -> memref<40x128xf32, #tpu.memory_space<hbm>>
      tpu.wait_dma2 semaphore(%arg21 : memref<!tpu.dma_semaphore, #tpu.memory_space<semaphore_mem>>) src(%dma_wait3A_483 : memref<40x128xf32, #tpu.memory_space<hbm>>) dst(%arg11 : memref<40x128xf32, #tpu.memory_space<vmem>>)
      %dma_wait3A_484 = arith.constant 0 : i32
      %dma_wait3A_485 = arith.constant 0 : i32
      %dma_wait3A_486 = tpu.memref_slice %arg8[%dma_wait3A_484, %dma_wait3A_485] : memref<50x40xi32, #tpu.memory_space<vmem>> -> memref<1x40xi32, #tpu.memory_space<vmem>>
      %dma_wait3A_487 = tpu.memref_squeeze %dma_wait3A_486 : memref<1x40xi32, #tpu.memory_space<vmem>> -> memref<40xi32, #tpu.memory_space<vmem>>
      %dma_wait3A_488 = arith.constant 0 : i32
      %dma_wait3A_489 = arith.constant 0 : i32
      %dma_wait3A_490 = tpu.memref_slice %arg3[%dma_wait3A_488, %dma_wait3A_489] : memref<10000x128xf32, #tpu.memory_space<hbm>> -> memref<10000x128xf32, #tpu.memory_space<hbm>>
      tpu.wait_indirect_dma semaphore(%arg21 : memref<!tpu.dma_semaphore, #tpu.memory_space<semaphore_mem>>) src(%dma_wait3A_490 : memref<10000x128xf32, #tpu.memory_space<hbm>>) dst(%arg13 : memref<40x128xf32, #tpu.memory_space<vmem>>)
      %gt3A_491 = arith.constant 0 : i32
      %gt3A_492 = arith.cmpi sgt, %scan3A_411, %gt3A_491 : i32
      %convert_element_type3A_493 = arith.extui %gt3A_492 : i1 to i32
      %cond3A_494 = arith.constant 0 : i32
      %cond3A_495 = arith.cmpi ne, %convert_element_type3A_493, %cond3A_494 : i32
      scf.if %cond3A_495 {
        %dma_wait3A_516 = arith.constant 0 : i32
        %dma_wait3A_517 = arith.constant 0 : i32
        %dma_wait3A_518 = tpu.memref_slice %arg9[%dma_wait3A_516, %dma_wait3A_517] : memref<50x40xi32, #tpu.memory_space<vmem>> -> memref<1x40xi32, #tpu.memory_space<vmem>>
        %dma_wait3A_519 = tpu.memref_squeeze %dma_wait3A_518 : memref<1x40xi32, #tpu.memory_space<vmem>> -> memref<40xi32, #tpu.memory_space<vmem>>
        %dma_wait3A_520 = arith.constant 0 : i32
        %dma_wait3A_521 = arith.constant 0 : i32
        %dma_wait3A_522 = tpu.memref_slice %arg18[%dma_wait3A_520, %dma_wait3A_521] : memref<10240x128xf32, #tpu.memory_space<vmem_shared>> -> memref<10240x128xf32, #tpu.memory_space<vmem_shared>>
        tpu.wait_indirect_dma semaphore(%arg23 : memref<!tpu.dma_semaphore, #tpu.memory_space<semaphore_mem>>) src(%arg15 : memref<40x128xf32, #tpu.memory_space<vmem>>) dst(%dma_wait3A_522 : memref<10240x128xf32, #tpu.memory_space<vmem_shared>>)
        %dma_wait3A_523 = arith.constant 0 : i32
        %dma_wait3A_524 = arith.constant 0 : i32
        %dma_wait3A_525 = tpu.memref_slice %arg9[%dma_wait3A_523, %dma_wait3A_524] : memref<50x40xi32, #tpu.memory_space<vmem>> -> memref<1x40xi32, #tpu.memory_space<vmem>>
        %dma_wait3A_526 = tpu.memref_squeeze %dma_wait3A_525 : memref<1x40xi32, #tpu.memory_space<vmem>> -> memref<40xi32, #tpu.memory_space<vmem>>
        %dma_wait3A_527 = arith.constant 0 : i32
        %dma_wait3A_528 = arith.constant 0 : i32
        %dma_wait3A_529 = tpu.memref_slice %arg19[%dma_wait3A_527, %dma_wait3A_528] : memref<10240x16xf32, #tpu.memory_space<vmem_shared>> -> memref<10240x16xf32, #tpu.memory_space<vmem_shared>>
        tpu.wait_indirect_dma semaphore(%arg23 : memref<!tpu.dma_semaphore, #tpu.memory_space<semaphore_mem>>) src(%arg16 : memref<40x16xf32, #tpu.memory_space<vmem>>) dst(%dma_wait3A_529 : memref<10240x16xf32, #tpu.memory_space<vmem_shared>>)
      } else {
      }
      %scan3A_496 = arith.constant 0 : i32
      %scan3A_497 = arith.constant 0 : i32
      %scan3A_498 = arith.constant 40 : i32
      %scan3A_499 = arith.addi %scan3A_497, %scan3A_498 : i32
      %scan3A_500 = arith.constant 1 : i32
      %scan3A_501 = scf.for %scan3A_516 = %scan3A_497 to %scan3A_499 step %scan3A_500 iter_args(%scan3A_517 = %scan3A_496) -> (i32)  : i32 {
        %get3A = arith.index_cast %scan3A_516 : i32 to index
        %get3A_518 = arith.constant 0 : index
        %get3A_519 = tpu.vector_load %arg13[%get3A, %get3A_518] {strides = array<i32>} : memref<40x128xf32, #tpu.memory_space<vmem>>, vector<1x16xf32>,
        %get3A_520 = vector.shape_cast %get3A_519 : vector<1x16xf32> to vector<16xf32>
        %get3A_521 = arith.index_cast %scan3A_516 : i32 to index
        %get3A_522 = arith.constant 0 : index
        %get3A_523 = tpu.vector_load %arg11[%get3A_521, %get3A_522] {strides = array<i32>} : memref<40x128xf32, #tpu.memory_space<vmem>>, vector<1x16xf32>,
        %get3A_524 = vector.shape_cast %get3A_523 : vector<1x16xf32> to vector<16xf32>
        %add3A_525 = arith.addf %get3A_520, %get3A_524 : vector<16xf32>
        %max3A = arith.constant 0.000000e+00 : f32
        %max3A_526 = vector.broadcast %max3A : f32 to vector<16xf32>
        %max3A_527 = arith.maximumf %add3A_525, %max3A_526 : vector<16xf32>
        %swap3A = arith.index_cast %scan3A_516 : i32 to index
        %swap3A_528 = arith.constant 0 : index
        %swap3A_529 = tpu.vector_load %arg15[%swap3A, %swap3A_528] {strides = array<i32>} : memref<40x128xf32, #tpu.memory_space<vmem>>, vector<1x16xf32>,
        %swap3A_530 = vector.shape_cast %swap3A_529 : vector<1x16xf32> to vector<16xf32>
        %swap3A_531 = vector.shape_cast %max3A_527 : vector<16xf32> to vector<1x16xf32>
        tpu.vector_store %arg15[%swap3A, %swap3A_528], %swap3A_531 {strides = array<i32>} : memref<40x128xf32, #tpu.memory_space<vmem>>, vector<1x16xf32>,
        %get3A_532 = arith.index_cast %scan3A_516 : i32 to index
        %get3A_533 = arith.constant 16 : index
        %get3A_534 = tpu.vector_load %arg13[%get3A_532, %get3A_533] {strides = array<i32>} : memref<40x128xf32, #tpu.memory_space<vmem>>, vector<1x16xf32>,
        %get3A_535 = vector.shape_cast %get3A_534 : vector<1x16xf32> to vector<16xf32>
        %get3A_536 = arith.index_cast %scan3A_516 : i32 to index
        %get3A_537 = arith.constant 16 : index
        %get3A_538 = tpu.vector_load %arg11[%get3A_536, %get3A_537] {strides = array<i32>} : memref<40x128xf32, #tpu.memory_space<vmem>>, vector<1x16xf32>,
        %get3A_539 = vector.shape_cast %get3A_538 : vector<1x16xf32> to vector<16xf32>
        %add3A_540 = arith.addf %get3A_535, %get3A_539 : vector<16xf32>
        %max3A_541 = arith.constant 0.000000e+00 : f32
        %max3A_542 = vector.broadcast %max3A_541 : f32 to vector<16xf32>
        %max3A_543 = arith.maximumf %add3A_540, %max3A_542 : vector<16xf32>
        %swap3A_544 = arith.index_cast %scan3A_516 : i32 to index
        %swap3A_545 = arith.constant 16 : index
        %swap3A_546 = tpu.vector_load %arg15[%swap3A_544, %swap3A_545] {strides = array<i32>} : memref<40x128xf32, #tpu.memory_space<vmem>>, vector<1x16xf32>,
        %swap3A_547 = vector.shape_cast %swap3A_546 : vector<1x16xf32> to vector<16xf32>
        %swap3A_548 = vector.shape_cast %max3A_543 : vector<16xf32> to vector<1x16xf32>
        tpu.vector_store %arg15[%swap3A_544, %swap3A_545], %swap3A_548 {strides = array<i32>} : memref<40x128xf32, #tpu.memory_space<vmem>>, vector<1x16xf32>,
        %get3A_549 = arith.index_cast %scan3A_516 : i32 to index
        %get3A_550 = arith.constant 32 : index
        %get3A_551 = tpu.vector_load %arg13[%get3A_549, %get3A_550] {strides = array<i32>} : memref<40x128xf32, #tpu.memory_space<vmem>>, vector<1x16xf32>,
        %get3A_552 = vector.shape_cast %get3A_551 : vector<1x16xf32> to vector<16xf32>
        %get3A_553 = arith.index_cast %scan3A_516 : i32 to index
        %get3A_554 = arith.constant 32 : index
        %get3A_555 = tpu.vector_load %arg11[%get3A_553, %get3A_554] {strides = array<i32>} : memref<40x128xf32, #tpu.memory_space<vmem>>, vector<1x16xf32>,
        %get3A_556 = vector.shape_cast %get3A_555 : vector<1x16xf32> to vector<16xf32>
        %add3A_557 = arith.addf %get3A_552, %get3A_556 : vector<16xf32>
        %max3A_558 = arith.constant 0.000000e+00 : f32
        %max3A_559 = vector.broadcast %max3A_558 : f32 to vector<16xf32>
        %max3A_560 = arith.maximumf %add3A_557, %max3A_559 : vector<16xf32>
        %swap3A_561 = arith.index_cast %scan3A_516 : i32 to index
        %swap3A_562 = arith.constant 32 : index
        %swap3A_563 = tpu.vector_load %arg15[%swap3A_561, %swap3A_562] {strides = array<i32>} : memref<40x128xf32, #tpu.memory_space<vmem>>, vector<1x16xf32>,
        %swap3A_564 = vector.shape_cast %swap3A_563 : vector<1x16xf32> to vector<16xf32>
        %swap3A_565 = vector.shape_cast %max3A_560 : vector<16xf32> to vector<1x16xf32>
        tpu.vector_store %arg15[%swap3A_561, %swap3A_562], %swap3A_565 {strides = array<i32>} : memref<40x128xf32, #tpu.memory_space<vmem>>, vector<1x16xf32>,
        %get3A_566 = arith.index_cast %scan3A_516 : i32 to index
        %get3A_567 = arith.constant 48 : index
        %get3A_568 = tpu.vector_load %arg13[%get3A_566, %get3A_567] {strides = array<i32>} : memref<40x128xf32, #tpu.memory_space<vmem>>, vector<1x16xf32>,
        %get3A_569 = vector.shape_cast %get3A_568 : vector<1x16xf32> to vector<16xf32>
        %get3A_570 = arith.index_cast %scan3A_516 : i32 to index
        %get3A_571 = arith.constant 48 : index
        %get3A_572 = tpu.vector_load %arg11[%get3A_570, %get3A_571] {strides = array<i32>} : memref<40x128xf32, #tpu.memory_space<vmem>>, vector<1x16xf32>,
        %get3A_573 = vector.shape_cast %get3A_572 : vector<1x16xf32> to vector<16xf32>
        %add3A_574 = arith.addf %get3A_569, %get3A_573 : vector<16xf32>
        %max3A_575 = arith.constant 0.000000e+00 : f32
        %max3A_576 = vector.broadcast %max3A_575 : f32 to vector<16xf32>
        %max3A_577 = arith.maximumf %add3A_574, %max3A_576 : vector<16xf32>
        %swap3A_578 = arith.index_cast %scan3A_516 : i32 to index
        %swap3A_579 = arith.constant 48 : index
        %swap3A_580 = tpu.vector_load %arg15[%swap3A_578, %swap3A_579] {strides = array<i32>} : memref<40x128xf32, #tpu.memory_space<vmem>>, vector<1x16xf32>,
        %swap3A_581 = vector.shape_cast %swap3A_580 : vector<1x16xf32> to vector<16xf32>
        %swap3A_582 = vector.shape_cast %max3A_577 : vector<16xf32> to vector<1x16xf32>
        tpu.vector_store %arg15[%swap3A_578, %swap3A_579], %swap3A_582 {strides = array<i32>} : memref<40x128xf32, #tpu.memory_space<vmem>>, vector<1x16xf32>,
        %get3A_583 = arith.index_cast %scan3A_516 : i32 to index
        %get3A_584 = arith.constant 64 : index
        %get3A_585 = tpu.vector_load %arg13[%get3A_583, %get3A_584] {strides = array<i32>} : memref<40x128xf32, #tpu.memory_space<vmem>>, vector<1x16xf32>,
        %get3A_586 = vector.shape_cast %get3A_585 : vector<1x16xf32> to vector<16xf32>
        %get3A_587 = arith.index_cast %scan3A_516 : i32 to index
        %get3A_588 = arith.constant 64 : index
        %get3A_589 = tpu.vector_load %arg11[%get3A_587, %get3A_588] {strides = array<i32>} : memref<40x128xf32, #tpu.memory_space<vmem>>, vector<1x16xf32>,
        %get3A_590 = vector.shape_cast %get3A_589 : vector<1x16xf32> to vector<16xf32>
        %add3A_591 = arith.addf %get3A_586, %get3A_590 : vector<16xf32>
        %max3A_592 = arith.constant 0.000000e+00 : f32
        %max3A_593 = vector.broadcast %max3A_592 : f32 to vector<16xf32>
        %max3A_594 = arith.maximumf %add3A_591, %max3A_593 : vector<16xf32>
        %swap3A_595 = arith.index_cast %scan3A_516 : i32 to index
        %swap3A_596 = arith.constant 64 : index
        %swap3A_597 = tpu.vector_load %arg15[%swap3A_595, %swap3A_596] {strides = array<i32>} : memref<40x128xf32, #tpu.memory_space<vmem>>, vector<1x16xf32>,
        %swap3A_598 = vector.shape_cast %swap3A_597 : vector<1x16xf32> to vector<16xf32>
        %swap3A_599 = vector.shape_cast %max3A_594 : vector<16xf32> to vector<1x16xf32>
        tpu.vector_store %arg15[%swap3A_595, %swap3A_596], %swap3A_599 {strides = array<i32>} : memref<40x128xf32, #tpu.memory_space<vmem>>, vector<1x16xf32>,
        %get3A_600 = arith.index_cast %scan3A_516 : i32 to index
        %get3A_601 = arith.constant 80 : index
        %get3A_602 = tpu.vector_load %arg13[%get3A_600, %get3A_601] {strides = array<i32>} : memref<40x128xf32, #tpu.memory_space<vmem>>, vector<1x16xf32>,
        %get3A_603 = vector.shape_cast %get3A_602 : vector<1x16xf32> to vector<16xf32>
        %get3A_604 = arith.index_cast %scan3A_516 : i32 to index
        %get3A_605 = arith.constant 80 : index
        %get3A_606 = tpu.vector_load %arg11[%get3A_604, %get3A_605] {strides = array<i32>} : memref<40x128xf32, #tpu.memory_space<vmem>>, vector<1x16xf32>,
        %get3A_607 = vector.shape_cast %get3A_606 : vector<1x16xf32> to vector<16xf32>
        %add3A_608 = arith.addf %get3A_603, %get3A_607 : vector<16xf32>
        %max3A_609 = arith.constant 0.000000e+00 : f32
        %max3A_610 = vector.broadcast %max3A_609 : f32 to vector<16xf32>
        %max3A_611 = arith.maximumf %add3A_608, %max3A_610 : vector<16xf32>
        %swap3A_612 = arith.index_cast %scan3A_516 : i32 to index
        %swap3A_613 = arith.constant 80 : index
        %swap3A_614 = tpu.vector_load %arg15[%swap3A_612, %swap3A_613] {strides = array<i32>} : memref<40x128xf32, #tpu.memory_space<vmem>>, vector<1x16xf32>,
        %swap3A_615 = vector.shape_cast %swap3A_614 : vector<1x16xf32> to vector<16xf32>
        %swap3A_616 = vector.shape_cast %max3A_611 : vector<16xf32> to vector<1x16xf32>
        tpu.vector_store %arg15[%swap3A_612, %swap3A_613], %swap3A_616 {strides = array<i32>} : memref<40x128xf32, #tpu.memory_space<vmem>>, vector<1x16xf32>,
        %get3A_617 = arith.index_cast %scan3A_516 : i32 to index
        %get3A_618 = arith.constant 96 : index
        %get3A_619 = tpu.vector_load %arg13[%get3A_617, %get3A_618] {strides = array<i32>} : memref<40x128xf32, #tpu.memory_space<vmem>>, vector<1x16xf32>,
        %get3A_620 = vector.shape_cast %get3A_619 : vector<1x16xf32> to vector<16xf32>
        %get3A_621 = arith.index_cast %scan3A_516 : i32 to index
        %get3A_622 = arith.constant 96 : index
        %get3A_623 = tpu.vector_load %arg11[%get3A_621, %get3A_622] {strides = array<i32>} : memref<40x128xf32, #tpu.memory_space<vmem>>, vector<1x16xf32>,
        %get3A_624 = vector.shape_cast %get3A_623 : vector<1x16xf32> to vector<16xf32>
        %add3A_625 = arith.addf %get3A_620, %get3A_624 : vector<16xf32>
        %max3A_626 = arith.constant 0.000000e+00 : f32
        %max3A_627 = vector.broadcast %max3A_626 : f32 to vector<16xf32>
        %max3A_628 = arith.maximumf %add3A_625, %max3A_627 : vector<16xf32>
        %swap3A_629 = arith.index_cast %scan3A_516 : i32 to index
        %swap3A_630 = arith.constant 96 : index
        %swap3A_631 = tpu.vector_load %arg15[%swap3A_629, %swap3A_630] {strides = array<i32>} : memref<40x128xf32, #tpu.memory_space<vmem>>, vector<1x16xf32>,
        %swap3A_632 = vector.shape_cast %swap3A_631 : vector<1x16xf32> to vector<16xf32>
        %swap3A_633 = vector.shape_cast %max3A_628 : vector<16xf32> to vector<1x16xf32>
        tpu.vector_store %arg15[%swap3A_629, %swap3A_630], %swap3A_633 {strides = array<i32>} : memref<40x128xf32, #tpu.memory_space<vmem>>, vector<1x16xf32>,
        %get3A_634 = arith.index_cast %scan3A_516 : i32 to index
        %get3A_635 = arith.constant 112 : index
        %get3A_636 = tpu.vector_load %arg13[%get3A_634, %get3A_635] {strides = array<i32>} : memref<40x128xf32, #tpu.memory_space<vmem>>, vector<1x16xf32>,
        %get3A_637 = vector.shape_cast %get3A_636 : vector<1x16xf32> to vector<16xf32>
        %get3A_638 = arith.index_cast %scan3A_516 : i32 to index
        %get3A_639 = arith.constant 112 : index
        %get3A_640 = tpu.vector_load %arg11[%get3A_638, %get3A_639] {strides = array<i32>} : memref<40x128xf32, #tpu.memory_space<vmem>>, vector<1x16xf32>,
        %get3A_641 = vector.shape_cast %get3A_640 : vector<1x16xf32> to vector<16xf32>
        %add3A_642 = arith.addf %get3A_637, %get3A_641 : vector<16xf32>
        %max3A_643 = arith.constant 0.000000e+00 : f32
        %max3A_644 = vector.broadcast %max3A_643 : f32 to vector<16xf32>
        %max3A_645 = arith.maximumf %add3A_642, %max3A_644 : vector<16xf32>
        %swap3A_646 = arith.index_cast %scan3A_516 : i32 to index
        %swap3A_647 = arith.constant 112 : index
        %swap3A_648 = tpu.vector_load %arg15[%swap3A_646, %swap3A_647] {strides = array<i32>} : memref<40x128xf32, #tpu.memory_space<vmem>>, vector<1x16xf32>,
        %swap3A_649 = vector.shape_cast %swap3A_648 : vector<1x16xf32> to vector<16xf32>
        %swap3A_650 = vector.shape_cast %max3A_645 : vector<16xf32> to vector<1x16xf32>
        tpu.vector_store %arg15[%swap3A_646, %swap3A_647], %swap3A_650 {strides = array<i32>} : memref<40x128xf32, #tpu.memory_space<vmem>>, vector<1x16xf32>,
        %scan3A_651 = arith.constant 0 : i32
        scf.yield %scan3A_651 : i32
      }
      %scan3A_502 = arith.constant 40 : i32
      %dma_start3A_503 = arith.constant 0 : i32
      %dma_start3A_504 = tpu.memref_slice %arg9[%add3A_477, %dma_start3A_503] : memref<50x40xi32, #tpu.memory_space<vmem>> -> memref<1x40xi32, #tpu.memory_space<vmem>>
      %dma_start3A_505 = tpu.memref_squeeze %dma_start3A_504 : memref<1x40xi32, #tpu.memory_space<vmem>> -> memref<40xi32, #tpu.memory_space<vmem>>
      %dma_start3A_506 = arith.constant 0 : i32
      %dma_start3A_507 = arith.constant 0 : i32
      %dma_start3A_508 = tpu.memref_slice %arg18[%dma_start3A_506, %dma_start3A_507] : memref<10240x128xf32, #tpu.memory_space<vmem_shared>> -> memref<10240x128xf32, #tpu.memory_space<vmem_shared>>
      tpu.enqueue_indirect_dma source(%arg15 : memref<40x128xf32, #tpu.memory_space<vmem>>) target(%dma_start3A_508 : memref<10240x128xf32, #tpu.memory_space<vmem_shared>>) offsets(%dma_start3A_505 : memref<40xi32, #tpu.memory_space<vmem>>) semaphore(%arg23 : memref<!tpu.dma_semaphore, #tpu.memory_space<semaphore_mem>>) {add = true}
      %dma_start3A_509 = arith.constant 0 : i32
      %dma_start3A_510 = tpu.memref_slice %arg9[%add3A_477, %dma_start3A_509] : memref<50x40xi32, #tpu.memory_space<vmem>> -> memref<1x40xi32, #tpu.memory_space<vmem>>
      %dma_start3A_511 = tpu.memref_squeeze %dma_start3A_510 : memref<1x40xi32, #tpu.memory_space<vmem>> -> memref<40xi32, #tpu.memory_space<vmem>>
      %dma_start3A_512 = arith.constant 0 : i32
      %dma_start3A_513 = arith.constant 0 : i32
      %dma_start3A_514 = tpu.memref_slice %arg19[%dma_start3A_512, %dma_start3A_513] : memref<10240x16xf32, #tpu.memory_space<vmem_shared>> -> memref<10240x16xf32, #tpu.memory_space<vmem_shared>>
      tpu.enqueue_indirect_dma source(%arg16 : memref<40x16xf32, #tpu.memory_space<vmem>>) target(%dma_start3A_514 : memref<10240x16xf32, #tpu.memory_space<vmem_shared>>) offsets(%dma_start3A_511 : memref<40xi32, #tpu.memory_space<vmem>>) semaphore(%arg23 : memref<!tpu.dma_semaphore, #tpu.memory_space<semaphore_mem>>) {add = true}
      %scan3A_515 = arith.constant 0 : i32
      scf.yield %scan3A_515 : i32
    }
    %scan3A_166 = arith.constant 25 : i32
    %dma_wait3A = arith.constant 0 : i32
    %dma_wait3A_167 = arith.constant 0 : i32
    %dma_wait3A_168 = tpu.memref_slice %arg9[%dma_wait3A, %dma_wait3A_167] : memref<50x40xi32, #tpu.memory_space<vmem>> -> memref<1x40xi32, #tpu.memory_space<vmem>>
    %dma_wait3A_169 = tpu.memref_squeeze %dma_wait3A_168 : memref<1x40xi32, #tpu.memory_space<vmem>> -> memref<40xi32, #tpu.memory_space<vmem>>
    %dma_wait3A_170 = arith.constant 0 : i32
    %dma_wait3A_171 = arith.constant 0 : i32
    %dma_wait3A_172 = tpu.memref_slice %arg18[%dma_wait3A_170, %dma_wait3A_171] : memref<10240x128xf32, #tpu.memory_space<vmem_shared>> -> memref<10240x128xf32, #tpu.memory_space<vmem_shared>>
    tpu.wait_indirect_dma semaphore(%arg22 : memref<!tpu.dma_semaphore, #tpu.memory_space<semaphore_mem>>) src(%arg14 : memref<40x128xf32, #tpu.memory_space<vmem>>) dst(%dma_wait3A_172 : memref<10240x128xf32, #tpu.memory_space<vmem_shared>>)
    %dma_wait3A_173 = arith.constant 0 : i32
    %dma_wait3A_174 = arith.constant 0 : i32
    %dma_wait3A_175 = tpu.memref_slice %arg9[%dma_wait3A_173, %dma_wait3A_174] : memref<50x40xi32, #tpu.memory_space<vmem>> -> memref<1x40xi32, #tpu.memory_space<vmem>>
    %dma_wait3A_176 = tpu.memref_squeeze %dma_wait3A_175 : memref<1x40xi32, #tpu.memory_space<vmem>> -> memref<40xi32, #tpu.memory_space<vmem>>
    %dma_wait3A_177 = arith.constant 0 : i32
    %dma_wait3A_178 = arith.constant 0 : i32
    %dma_wait3A_179 = tpu.memref_slice %arg19[%dma_wait3A_177, %dma_wait3A_178] : memref<10240x16xf32, #tpu.memory_space<vmem_shared>> -> memref<10240x16xf32, #tpu.memory_space<vmem_shared>>
    tpu.wait_indirect_dma semaphore(%arg22 : memref<!tpu.dma_semaphore, #tpu.memory_space<semaphore_mem>>) src(%arg16 : memref<40x16xf32, #tpu.memory_space<vmem>>) dst(%dma_wait3A_179 : memref<10240x16xf32, #tpu.memory_space<vmem_shared>>)
    %dma_wait3A_180 = arith.constant 0 : i32
    %dma_wait3A_181 = arith.constant 0 : i32
    %dma_wait3A_182 = tpu.memref_slice %arg9[%dma_wait3A_180, %dma_wait3A_181] : memref<50x40xi32, #tpu.memory_space<vmem>> -> memref<1x40xi32, #tpu.memory_space<vmem>>
    %dma_wait3A_183 = tpu.memref_squeeze %dma_wait3A_182 : memref<1x40xi32, #tpu.memory_space<vmem>> -> memref<40xi32, #tpu.memory_space<vmem>>
    %dma_wait3A_184 = arith.constant 0 : i32
    %dma_wait3A_185 = arith.constant 0 : i32
    %dma_wait3A_186 = tpu.memref_slice %arg18[%dma_wait3A_184, %dma_wait3A_185] : memref<10240x128xf32, #tpu.memory_space<vmem_shared>> -> memref<10240x128xf32, #tpu.memory_space<vmem_shared>>
    tpu.wait_indirect_dma semaphore(%arg23 : memref<!tpu.dma_semaphore, #tpu.memory_space<semaphore_mem>>) src(%arg15 : memref<40x128xf32, #tpu.memory_space<vmem>>) dst(%dma_wait3A_186 : memref<10240x128xf32, #tpu.memory_space<vmem_shared>>)
    %dma_wait3A_187 = arith.constant 0 : i32
    %dma_wait3A_188 = arith.constant 0 : i32
    %dma_wait3A_189 = tpu.memref_slice %arg9[%dma_wait3A_187, %dma_wait3A_188] : memref<50x40xi32, #tpu.memory_space<vmem>> -> memref<1x40xi32, #tpu.memory_space<vmem>>
    %dma_wait3A_190 = tpu.memref_squeeze %dma_wait3A_189 : memref<1x40xi32, #tpu.memory_space<vmem>> -> memref<40xi32, #tpu.memory_space<vmem>>
    %dma_wait3A_191 = arith.constant 0 : i32
    %dma_wait3A_192 = arith.constant 0 : i32
    %dma_wait3A_193 = tpu.memref_slice %arg19[%dma_wait3A_191, %dma_wait3A_192] : memref<10240x16xf32, #tpu.memory_space<vmem_shared>> -> memref<10240x16xf32, #tpu.memory_space<vmem_shared>>
    tpu.wait_indirect_dma semaphore(%arg23 : memref<!tpu.dma_semaphore, #tpu.memory_space<semaphore_mem>>) src(%arg16 : memref<40x16xf32, #tpu.memory_space<vmem>>) dst(%dma_wait3A_193 : memref<10240x16xf32, #tpu.memory_space<vmem_shared>>)
    %run_scoped3A_194 = arith.constant 1 : i32
    "tpu.region"() ({
      %run_scoped3A_411 = tpu.sem_alloc : memref<!tpu.dma_semaphore, #tpu.memory_space<semaphore_mem>>
      %dma_start3A_412 = arith.constant 0 : i32
      %dma_start3A_413 = arith.constant 0 : i32
      %dma_start3A_414 = tpu.memref_slice %arg4[%add3A, %run_scoped3A_194, %dma_start3A_412, %dma_start3A_413] : memref<32x5x50x40xi32, #tpu.memory_space<hbm>> -> memref<1x1x50x40xi32, #tpu.memory_space<hbm>>
      %dma_start3A_415 = tpu.memref_squeeze %dma_start3A_414 : memref<1x1x50x40xi32, #tpu.memory_space<hbm>> -> memref<50x40xi32, #tpu.memory_space<hbm>>
      %dma_start3A_416 = arith.constant 0 : i32
      %dma_start3A_417 = arith.constant 0 : i32
      %dma_start3A_418 = tpu.memref_slice %arg4[%add3A, %run_scoped3A_194, %dma_start3A_416, %dma_start3A_417] : memref<32x5x50x40xi32, #tpu.memory_space<hbm>> -> memref<1x1x50x40xi32, #tpu.memory_space<hbm>>
      %dma_start3A_419 = tpu.memref_squeeze %dma_start3A_418 : memref<1x1x50x40xi32, #tpu.memory_space<hbm>> -> memref<50x40xi32, #tpu.memory_space<hbm>>
      tpu.enqueue_dma source(%dma_start3A_419 : memref<50x40xi32, #tpu.memory_space<hbm>>) target(%arg8 : memref<50x40xi32, #tpu.memory_space<vmem>>) target_semaphore(%run_scoped3A_411 : memref<!tpu.dma_semaphore, #tpu.memory_space<semaphore_mem>>)
      %dma_wait3A_420 = arith.constant 0 : i32
      %dma_wait3A_421 = arith.constant 0 : i32
      %dma_wait3A_422 = tpu.memref_slice %arg4[%add3A, %run_scoped3A_194, %dma_wait3A_420, %dma_wait3A_421] : memref<32x5x50x40xi32, #tpu.memory_space<hbm>> -> memref<1x1x50x40xi32, #tpu.memory_space<hbm>>
      %dma_wait3A_423 = tpu.memref_squeeze %dma_wait3A_422 : memref<1x1x50x40xi32, #tpu.memory_space<hbm>> -> memref<50x40xi32, #tpu.memory_space<hbm>>
      %dma_wait3A_424 = arith.constant 0 : i32
      %dma_wait3A_425 = arith.constant 0 : i32
      %dma_wait3A_426 = tpu.memref_slice %arg4[%add3A, %run_scoped3A_194, %dma_wait3A_424, %dma_wait3A_425] : memref<32x5x50x40xi32, #tpu.memory_space<hbm>> -> memref<1x1x50x40xi32, #tpu.memory_space<hbm>>
      %dma_wait3A_427 = tpu.memref_squeeze %dma_wait3A_426 : memref<1x1x50x40xi32, #tpu.memory_space<hbm>> -> memref<50x40xi32, #tpu.memory_space<hbm>>
      tpu.wait_dma2 semaphore(%run_scoped3A_411 : memref<!tpu.dma_semaphore, #tpu.memory_space<semaphore_mem>>) src(%dma_wait3A_427 : memref<50x40xi32, #tpu.memory_space<hbm>>) dst(%arg8 : memref<50x40xi32, #tpu.memory_space<vmem>>)
      tpu.yield
    }) : () -> ()
    %run_scoped3A_195 = arith.constant 1 : i32
    "tpu.region"() ({
      %run_scoped3A_411 = tpu.sem_alloc : memref<!tpu.dma_semaphore, #tpu.memory_space<semaphore_mem>>
      %dma_start3A_412 = arith.constant 0 : i32
      %dma_start3A_413 = arith.constant 0 : i32
      %dma_start3A_414 = tpu.memref_slice %arg5[%add3A, %run_scoped3A_195, %dma_start3A_412, %dma_start3A_413] : memref<32x5x50x40xi32, #tpu.memory_space<hbm>> -> memref<1x1x50x40xi32, #tpu.memory_space<hbm>>
      %dma_start3A_415 = tpu.memref_squeeze %dma_start3A_414 : memref<1x1x50x40xi32, #tpu.memory_space<hbm>> -> memref<50x40xi32, #tpu.memory_space<hbm>>
      %dma_start3A_416 = arith.constant 0 : i32
      %dma_start3A_417 = arith.constant 0 : i32
      %dma_start3A_418 = tpu.memref_slice %arg5[%add3A, %run_scoped3A_195, %dma_start3A_416, %dma_start3A_417] : memref<32x5x50x40xi32, #tpu.memory_space<hbm>> -> memref<1x1x50x40xi32, #tpu.memory_space<hbm>>
      %dma_start3A_419 = tpu.memref_squeeze %dma_start3A_418 : memref<1x1x50x40xi32, #tpu.memory_space<hbm>> -> memref<50x40xi32, #tpu.memory_space<hbm>>
      tpu.enqueue_dma source(%dma_start3A_419 : memref<50x40xi32, #tpu.memory_space<hbm>>) target(%arg9 : memref<50x40xi32, #tpu.memory_space<vmem>>) target_semaphore(%run_scoped3A_411 : memref<!tpu.dma_semaphore, #tpu.memory_space<semaphore_mem>>)
      %dma_wait3A_420 = arith.constant 0 : i32
      %dma_wait3A_421 = arith.constant 0 : i32
      %dma_wait3A_422 = tpu.memref_slice %arg5[%add3A, %run_scoped3A_195, %dma_wait3A_420, %dma_wait3A_421] : memref<32x5x50x40xi32, #tpu.memory_space<hbm>> -> memref<1x1x50x40xi32, #tpu.memory_space<hbm>>
      %dma_wait3A_423 = tpu.memref_squeeze %dma_wait3A_422 : memref<1x1x50x40xi32, #tpu.memory_space<hbm>> -> memref<50x40xi32, #tpu.memory_space<hbm>>
      %dma_wait3A_424 = arith.constant 0 : i32
      %dma_wait3A_425 = arith.constant 0 : i32
      %dma_wait3A_426 = tpu.memref_slice %arg5[%add3A, %run_scoped3A_195, %dma_wait3A_424, %dma_wait3A_425] : memref<32x5x50x40xi32, #tpu.memory_space<hbm>> -> memref<1x1x50x40xi32, #tpu.memory_space<hbm>>
      %dma_wait3A_427 = tpu.memref_squeeze %dma_wait3A_426 : memref<1x1x50x40xi32, #tpu.memory_space<hbm>> -> memref<50x40xi32, #tpu.memory_space<hbm>>
      tpu.wait_dma2 semaphore(%run_scoped3A_411 : memref<!tpu.dma_semaphore, #tpu.memory_space<semaphore_mem>>) src(%dma_wait3A_427 : memref<50x40xi32, #tpu.memory_space<hbm>>) dst(%arg9 : memref<50x40xi32, #tpu.memory_space<vmem>>)
      tpu.yield
    }) : () -> ()
    %mul3A_196 = arith.constant 10000 : i32
    %mul3A_197 = arith.muli %add3A, %mul3A_196 : i32
    %add3A_198 = arith.constant 2000 : i32
    %add3A_199 = arith.addi %mul3A_197, %add3A_198 : i32
    %dma_start3A_200 = arith.constant 0 : i32
    %dma_start3A_201 = tpu.memref_slice %arg2[%add3A_199, %dma_start3A_200] : memref<320000x128xf32, #tpu.memory_space<hbm>> -> memref<40x128xf32, #tpu.memory_space<hbm>>
    %dma_start3A_202 = arith.constant 0 : i32
    %dma_start3A_203 = tpu.memref_slice %arg2[%add3A_199, %dma_start3A_202] : memref<320000x128xf32, #tpu.memory_space<hbm>> -> memref<40x128xf32, #tpu.memory_space<hbm>>
    tpu.enqueue_dma source(%dma_start3A_203 : memref<40x128xf32, #tpu.memory_space<hbm>>) target(%arg10 : memref<40x128xf32, #tpu.memory_space<vmem>>) target_semaphore(%arg20 : memref<!tpu.dma_semaphore, #tpu.memory_space<semaphore_mem>>)
    %dma_start3A_204 = arith.constant 0 : i32
    %dma_start3A_205 = arith.constant 0 : i32
    %dma_start3A_206 = tpu.memref_slice %arg8[%dma_start3A_204, %dma_start3A_205] : memref<50x40xi32, #tpu.memory_space<vmem>> -> memref<1x40xi32, #tpu.memory_space<vmem>>
    %dma_start3A_207 = tpu.memref_squeeze %dma_start3A_206 : memref<1x40xi32, #tpu.memory_space<vmem>> -> memref<40xi32, #tpu.memory_space<vmem>>
    %dma_start3A_208 = arith.constant 0 : i32
    %dma_start3A_209 = arith.constant 0 : i32
    %dma_start3A_210 = tpu.memref_slice %arg3[%dma_start3A_208, %dma_start3A_209] : memref<10000x128xf32, #tpu.memory_space<hbm>> -> memref<10000x128xf32, #tpu.memory_space<hbm>>
    tpu.enqueue_indirect_dma source(%dma_start3A_210 : memref<10000x128xf32, #tpu.memory_space<hbm>>) target(%arg12 : memref<40x128xf32, #tpu.memory_space<vmem>>) offsets(%dma_start3A_207 : memref<40xi32, #tpu.memory_space<vmem>>) semaphore(%arg20 : memref<!tpu.dma_semaphore, #tpu.memory_space<semaphore_mem>>)
    %scan3A_211 = arith.constant 0 : i32
    %scan3A_212 = arith.constant 0 : i32
    %scan3A_213 = arith.constant 25 : i32
    %scan3A_214 = arith.addi %scan3A_212, %scan3A_213 : i32
    %scan3A_215 = arith.constant 1 : i32
    %scan3A_216 = scf.for %scan3A_411 = %scan3A_212 to %scan3A_214 step %scan3A_215 iter_args(%scan3A_412 = %scan3A_211) -> (i32)  : i32 {
      %mul3A_413 = arith.constant 2 : i32
      %mul3A_414 = arith.muli %mul3A_413, %scan3A_411 : i32
      %add3A_415 = arith.constant 1 : i32
      %add3A_416 = arith.addi %mul3A_414, %add3A_415 : i32
      %mul3A_417 = arith.constant 10000 : i32
      %mul3A_418 = arith.muli %add3A, %mul3A_417 : i32
      %add3A_419 = arith.constant 50 : i32
      %add3A_420 = arith.addi %add3A_419, %add3A_416 : i32
      %mul3A_421 = arith.constant 40 : i32
      %mul3A_422 = arith.muli %add3A_420, %mul3A_421 : i32
      %add3A_423 = arith.addi %mul3A_418, %mul3A_422 : i32
      %dma_start3A_424 = arith.constant 0 : i32
      %dma_start3A_425 = tpu.memref_slice %arg2[%add3A_423, %dma_start3A_424] : memref<320000x128xf32, #tpu.memory_space<hbm>> -> memref<40x128xf32, #tpu.memory_space<hbm>>
      %dma_start3A_426 = arith.constant 0 : i32
      %dma_start3A_427 = tpu.memref_slice %arg2[%add3A_423, %dma_start3A_426] : memref<320000x128xf32, #tpu.memory_space<hbm>> -> memref<40x128xf32, #tpu.memory_space<hbm>>
      tpu.enqueue_dma source(%dma_start3A_427 : memref<40x128xf32, #tpu.memory_space<hbm>>) target(%arg11 : memref<40x128xf32, #tpu.memory_space<vmem>>) target_semaphore(%arg21 : memref<!tpu.dma_semaphore, #tpu.memory_space<semaphore_mem>>)
      %dma_start3A_428 = arith.constant 0 : i32
      %dma_start3A_429 = tpu.memref_slice %arg8[%add3A_416, %dma_start3A_428] : memref<50x40xi32, #tpu.memory_space<vmem>> -> memref<1x40xi32, #tpu.memory_space<vmem>>
      %dma_start3A_430 = tpu.memref_squeeze %dma_start3A_429 : memref<1x40xi32, #tpu.memory_space<vmem>> -> memref<40xi32, #tpu.memory_space<vmem>>
      %dma_start3A_431 = arith.constant 0 : i32
      %dma_start3A_432 = arith.constant 0 : i32
      %dma_start3A_433 = tpu.memref_slice %arg3[%dma_start3A_431, %dma_start3A_432] : memref<10000x128xf32, #tpu.memory_space<hbm>> -> memref<10000x128xf32, #tpu.memory_space<hbm>>
      tpu.enqueue_indirect_dma source(%dma_start3A_433 : memref<10000x128xf32, #tpu.memory_space<hbm>>) target(%arg13 : memref<40x128xf32, #tpu.memory_space<vmem>>) offsets(%dma_start3A_430 : memref<40xi32, #tpu.memory_space<vmem>>) semaphore(%arg21 : memref<!tpu.dma_semaphore, #tpu.memory_space<semaphore_mem>>)
      %mul3A_434 = arith.constant 2 : i32
      %mul3A_435 = arith.muli %mul3A_434, %scan3A_411 : i32
      %dma_wait3A_436 = arith.constant 0 : i32
      %dma_wait3A_437 = arith.constant 0 : i32
      %dma_wait3A_438 = tpu.memref_slice %arg2[%dma_wait3A_436, %dma_wait3A_437] : memref<320000x128xf32, #tpu.memory_space<hbm>> -> memref<40x128xf32, #tpu.memory_space<hbm>>
      %dma_wait3A_439 = arith.constant 0 : i32
      %dma_wait3A_440 = arith.constant 0 : i32
      %dma_wait3A_441 = tpu.memref_slice %arg2[%dma_wait3A_439, %dma_wait3A_440] : memref<320000x128xf32, #tpu.memory_space<hbm>> -> memref<40x128xf32, #tpu.memory_space<hbm>>
      tpu.wait_dma2 semaphore(%arg20 : memref<!tpu.dma_semaphore, #tpu.memory_space<semaphore_mem>>) src(%dma_wait3A_441 : memref<40x128xf32, #tpu.memory_space<hbm>>) dst(%arg10 : memref<40x128xf32, #tpu.memory_space<vmem>>)
      %dma_wait3A_442 = arith.constant 0 : i32
      %dma_wait3A_443 = arith.constant 0 : i32
      %dma_wait3A_444 = tpu.memref_slice %arg8[%dma_wait3A_442, %dma_wait3A_443] : memref<50x40xi32, #tpu.memory_space<vmem>> -> memref<1x40xi32, #tpu.memory_space<vmem>>
      %dma_wait3A_445 = tpu.memref_squeeze %dma_wait3A_444 : memref<1x40xi32, #tpu.memory_space<vmem>> -> memref<40xi32, #tpu.memory_space<vmem>>
      %dma_wait3A_446 = arith.constant 0 : i32
      %dma_wait3A_447 = arith.constant 0 : i32
      %dma_wait3A_448 = tpu.memref_slice %arg3[%dma_wait3A_446, %dma_wait3A_447] : memref<10000x128xf32, #tpu.memory_space<hbm>> -> memref<10000x128xf32, #tpu.memory_space<hbm>>
      tpu.wait_indirect_dma semaphore(%arg20 : memref<!tpu.dma_semaphore, #tpu.memory_space<semaphore_mem>>) src(%dma_wait3A_448 : memref<10000x128xf32, #tpu.memory_space<hbm>>) dst(%arg12 : memref<40x128xf32, #tpu.memory_space<vmem>>)
      %gt3A = arith.constant 0 : i32
      %gt3A_449 = arith.cmpi sgt, %scan3A_411, %gt3A : i32
      %convert_element_type3A = arith.extui %gt3A_449 : i1 to i32
      %cond3A = arith.constant 0 : i32
      %cond3A_450 = arith.cmpi ne, %convert_element_type3A, %cond3A : i32
      scf.if %cond3A_450 {
        %dma_wait3A_516 = arith.constant 0 : i32
        %dma_wait3A_517 = arith.constant 0 : i32
        %dma_wait3A_518 = tpu.memref_slice %arg9[%dma_wait3A_516, %dma_wait3A_517] : memref<50x40xi32, #tpu.memory_space<vmem>> -> memref<1x40xi32, #tpu.memory_space<vmem>>
        %dma_wait3A_519 = tpu.memref_squeeze %dma_wait3A_518 : memref<1x40xi32, #tpu.memory_space<vmem>> -> memref<40xi32, #tpu.memory_space<vmem>>
        %dma_wait3A_520 = arith.constant 0 : i32
        %dma_wait3A_521 = arith.constant 0 : i32
        %dma_wait3A_522 = tpu.memref_slice %arg18[%dma_wait3A_520, %dma_wait3A_521] : memref<10240x128xf32, #tpu.memory_space<vmem_shared>> -> memref<10240x128xf32, #tpu.memory_space<vmem_shared>>
        tpu.wait_indirect_dma semaphore(%arg22 : memref<!tpu.dma_semaphore, #tpu.memory_space<semaphore_mem>>) src(%arg14 : memref<40x128xf32, #tpu.memory_space<vmem>>) dst(%dma_wait3A_522 : memref<10240x128xf32, #tpu.memory_space<vmem_shared>>)
        %dma_wait3A_523 = arith.constant 0 : i32
        %dma_wait3A_524 = arith.constant 0 : i32
        %dma_wait3A_525 = tpu.memref_slice %arg9[%dma_wait3A_523, %dma_wait3A_524] : memref<50x40xi32, #tpu.memory_space<vmem>> -> memref<1x40xi32, #tpu.memory_space<vmem>>
        %dma_wait3A_526 = tpu.memref_squeeze %dma_wait3A_525 : memref<1x40xi32, #tpu.memory_space<vmem>> -> memref<40xi32, #tpu.memory_space<vmem>>
        %dma_wait3A_527 = arith.constant 0 : i32
        %dma_wait3A_528 = arith.constant 0 : i32
        %dma_wait3A_529 = tpu.memref_slice %arg19[%dma_wait3A_527, %dma_wait3A_528] : memref<10240x16xf32, #tpu.memory_space<vmem_shared>> -> memref<10240x16xf32, #tpu.memory_space<vmem_shared>>
        tpu.wait_indirect_dma semaphore(%arg22 : memref<!tpu.dma_semaphore, #tpu.memory_space<semaphore_mem>>) src(%arg16 : memref<40x16xf32, #tpu.memory_space<vmem>>) dst(%dma_wait3A_529 : memref<10240x16xf32, #tpu.memory_space<vmem_shared>>)
      } else {
      }
      %scan3A_451 = arith.constant 0 : i32
      %scan3A_452 = arith.constant 0 : i32
      %scan3A_453 = arith.constant 40 : i32
      %scan3A_454 = arith.addi %scan3A_452, %scan3A_453 : i32
      %scan3A_455 = arith.constant 1 : i32
      %scan3A_456 = scf.for %scan3A_516 = %scan3A_452 to %scan3A_454 step %scan3A_455 iter_args(%scan3A_517 = %scan3A_451) -> (i32)  : i32 {
        %get3A = arith.index_cast %scan3A_516 : i32 to index
        %get3A_518 = arith.constant 0 : index
        %get3A_519 = tpu.vector_load %arg12[%get3A, %get3A_518] {strides = array<i32>} : memref<40x128xf32, #tpu.memory_space<vmem>>, vector<1x16xf32>,
        %get3A_520 = vector.shape_cast %get3A_519 : vector<1x16xf32> to vector<16xf32>
        %get3A_521 = arith.index_cast %scan3A_516 : i32 to index
        %get3A_522 = arith.constant 0 : index
        %get3A_523 = tpu.vector_load %arg10[%get3A_521, %get3A_522] {strides = array<i32>} : memref<40x128xf32, #tpu.memory_space<vmem>>, vector<1x16xf32>,
        %get3A_524 = vector.shape_cast %get3A_523 : vector<1x16xf32> to vector<16xf32>
        %add3A_525 = arith.addf %get3A_520, %get3A_524 : vector<16xf32>
        %max3A = arith.constant 0.000000e+00 : f32
        %max3A_526 = vector.broadcast %max3A : f32 to vector<16xf32>
        %max3A_527 = arith.maximumf %add3A_525, %max3A_526 : vector<16xf32>
        %swap3A = arith.index_cast %scan3A_516 : i32 to index
        %swap3A_528 = arith.constant 0 : index
        %swap3A_529 = tpu.vector_load %arg14[%swap3A, %swap3A_528] {strides = array<i32>} : memref<40x128xf32, #tpu.memory_space<vmem>>, vector<1x16xf32>,
        %swap3A_530 = vector.shape_cast %swap3A_529 : vector<1x16xf32> to vector<16xf32>
        %swap3A_531 = vector.shape_cast %max3A_527 : vector<16xf32> to vector<1x16xf32>
        tpu.vector_store %arg14[%swap3A, %swap3A_528], %swap3A_531 {strides = array<i32>} : memref<40x128xf32, #tpu.memory_space<vmem>>, vector<1x16xf32>,
        %get3A_532 = arith.index_cast %scan3A_516 : i32 to index
        %get3A_533 = arith.constant 16 : index
        %get3A_534 = tpu.vector_load %arg12[%get3A_532, %get3A_533] {strides = array<i32>} : memref<40x128xf32, #tpu.memory_space<vmem>>, vector<1x16xf32>,
        %get3A_535 = vector.shape_cast %get3A_534 : vector<1x16xf32> to vector<16xf32>
        %get3A_536 = arith.index_cast %scan3A_516 : i32 to index
        %get3A_537 = arith.constant 16 : index
        %get3A_538 = tpu.vector_load %arg10[%get3A_536, %get3A_537] {strides = array<i32>} : memref<40x128xf32, #tpu.memory_space<vmem>>, vector<1x16xf32>,
        %get3A_539 = vector.shape_cast %get3A_538 : vector<1x16xf32> to vector<16xf32>
        %add3A_540 = arith.addf %get3A_535, %get3A_539 : vector<16xf32>
        %max3A_541 = arith.constant 0.000000e+00 : f32
        %max3A_542 = vector.broadcast %max3A_541 : f32 to vector<16xf32>
        %max3A_543 = arith.maximumf %add3A_540, %max3A_542 : vector<16xf32>
        %swap3A_544 = arith.index_cast %scan3A_516 : i32 to index
        %swap3A_545 = arith.constant 16 : index
        %swap3A_546 = tpu.vector_load %arg14[%swap3A_544, %swap3A_545] {strides = array<i32>} : memref<40x128xf32, #tpu.memory_space<vmem>>, vector<1x16xf32>,
        %swap3A_547 = vector.shape_cast %swap3A_546 : vector<1x16xf32> to vector<16xf32>
        %swap3A_548 = vector.shape_cast %max3A_543 : vector<16xf32> to vector<1x16xf32>
        tpu.vector_store %arg14[%swap3A_544, %swap3A_545], %swap3A_548 {strides = array<i32>} : memref<40x128xf32, #tpu.memory_space<vmem>>, vector<1x16xf32>,
        %get3A_549 = arith.index_cast %scan3A_516 : i32 to index
        %get3A_550 = arith.constant 32 : index
        %get3A_551 = tpu.vector_load %arg12[%get3A_549, %get3A_550] {strides = array<i32>} : memref<40x128xf32, #tpu.memory_space<vmem>>, vector<1x16xf32>,
        %get3A_552 = vector.shape_cast %get3A_551 : vector<1x16xf32> to vector<16xf32>
        %get3A_553 = arith.index_cast %scan3A_516 : i32 to index
        %get3A_554 = arith.constant 32 : index
        %get3A_555 = tpu.vector_load %arg10[%get3A_553, %get3A_554] {strides = array<i32>} : memref<40x128xf32, #tpu.memory_space<vmem>>, vector<1x16xf32>,
        %get3A_556 = vector.shape_cast %get3A_555 : vector<1x16xf32> to vector<16xf32>
        %add3A_557 = arith.addf %get3A_552, %get3A_556 : vector<16xf32>
        %max3A_558 = arith.constant 0.000000e+00 : f32
        %max3A_559 = vector.broadcast %max3A_558 : f32 to vector<16xf32>
        %max3A_560 = arith.maximumf %add3A_557, %max3A_559 : vector<16xf32>
        %swap3A_561 = arith.index_cast %scan3A_516 : i32 to index
        %swap3A_562 = arith.constant 32 : index
        %swap3A_563 = tpu.vector_load %arg14[%swap3A_561, %swap3A_562] {strides = array<i32>} : memref<40x128xf32, #tpu.memory_space<vmem>>, vector<1x16xf32>,
        %swap3A_564 = vector.shape_cast %swap3A_563 : vector<1x16xf32> to vector<16xf32>
        %swap3A_565 = vector.shape_cast %max3A_560 : vector<16xf32> to vector<1x16xf32>
        tpu.vector_store %arg14[%swap3A_561, %swap3A_562], %swap3A_565 {strides = array<i32>} : memref<40x128xf32, #tpu.memory_space<vmem>>, vector<1x16xf32>,
        %get3A_566 = arith.index_cast %scan3A_516 : i32 to index
        %get3A_567 = arith.constant 48 : index
        %get3A_568 = tpu.vector_load %arg12[%get3A_566, %get3A_567] {strides = array<i32>} : memref<40x128xf32, #tpu.memory_space<vmem>>, vector<1x16xf32>,
        %get3A_569 = vector.shape_cast %get3A_568 : vector<1x16xf32> to vector<16xf32>
        %get3A_570 = arith.index_cast %scan3A_516 : i32 to index
        %get3A_571 = arith.constant 48 : index
        %get3A_572 = tpu.vector_load %arg10[%get3A_570, %get3A_571] {strides = array<i32>} : memref<40x128xf32, #tpu.memory_space<vmem>>, vector<1x16xf32>,
        %get3A_573 = vector.shape_cast %get3A_572 : vector<1x16xf32> to vector<16xf32>
        %add3A_574 = arith.addf %get3A_569, %get3A_573 : vector<16xf32>
        %max3A_575 = arith.constant 0.000000e+00 : f32
        %max3A_576 = vector.broadcast %max3A_575 : f32 to vector<16xf32>
        %max3A_577 = arith.maximumf %add3A_574, %max3A_576 : vector<16xf32>
        %swap3A_578 = arith.index_cast %scan3A_516 : i32 to index
        %swap3A_579 = arith.constant 48 : index
        %swap3A_580 = tpu.vector_load %arg14[%swap3A_578, %swap3A_579] {strides = array<i32>} : memref<40x128xf32, #tpu.memory_space<vmem>>, vector<1x16xf32>,
        %swap3A_581 = vector.shape_cast %swap3A_580 : vector<1x16xf32> to vector<16xf32>
        %swap3A_582 = vector.shape_cast %max3A_577 : vector<16xf32> to vector<1x16xf32>
        tpu.vector_store %arg14[%swap3A_578, %swap3A_579], %swap3A_582 {strides = array<i32>} : memref<40x128xf32, #tpu.memory_space<vmem>>, vector<1x16xf32>,
        %get3A_583 = arith.index_cast %scan3A_516 : i32 to index
        %get3A_584 = arith.constant 64 : index
        %get3A_585 = tpu.vector_load %arg12[%get3A_583, %get3A_584] {strides = array<i32>} : memref<40x128xf32, #tpu.memory_space<vmem>>, vector<1x16xf32>,
        %get3A_586 = vector.shape_cast %get3A_585 : vector<1x16xf32> to vector<16xf32>
        %get3A_587 = arith.index_cast %scan3A_516 : i32 to index
        %get3A_588 = arith.constant 64 : index
        %get3A_589 = tpu.vector_load %arg10[%get3A_587, %get3A_588] {strides = array<i32>} : memref<40x128xf32, #tpu.memory_space<vmem>>, vector<1x16xf32>,
        %get3A_590 = vector.shape_cast %get3A_589 : vector<1x16xf32> to vector<16xf32>
        %add3A_591 = arith.addf %get3A_586, %get3A_590 : vector<16xf32>
        %max3A_592 = arith.constant 0.000000e+00 : f32
        %max3A_593 = vector.broadcast %max3A_592 : f32 to vector<16xf32>
        %max3A_594 = arith.maximumf %add3A_591, %max3A_593 : vector<16xf32>
        %swap3A_595 = arith.index_cast %scan3A_516 : i32 to index
        %swap3A_596 = arith.constant 64 : index
        %swap3A_597 = tpu.vector_load %arg14[%swap3A_595, %swap3A_596] {strides = array<i32>} : memref<40x128xf32, #tpu.memory_space<vmem>>, vector<1x16xf32>,
        %swap3A_598 = vector.shape_cast %swap3A_597 : vector<1x16xf32> to vector<16xf32>
        %swap3A_599 = vector.shape_cast %max3A_594 : vector<16xf32> to vector<1x16xf32>
        tpu.vector_store %arg14[%swap3A_595, %swap3A_596], %swap3A_599 {strides = array<i32>} : memref<40x128xf32, #tpu.memory_space<vmem>>, vector<1x16xf32>,
        %get3A_600 = arith.index_cast %scan3A_516 : i32 to index
        %get3A_601 = arith.constant 80 : index
        %get3A_602 = tpu.vector_load %arg12[%get3A_600, %get3A_601] {strides = array<i32>} : memref<40x128xf32, #tpu.memory_space<vmem>>, vector<1x16xf32>,
        %get3A_603 = vector.shape_cast %get3A_602 : vector<1x16xf32> to vector<16xf32>
        %get3A_604 = arith.index_cast %scan3A_516 : i32 to index
        %get3A_605 = arith.constant 80 : index
        %get3A_606 = tpu.vector_load %arg10[%get3A_604, %get3A_605] {strides = array<i32>} : memref<40x128xf32, #tpu.memory_space<vmem>>, vector<1x16xf32>,
        %get3A_607 = vector.shape_cast %get3A_606 : vector<1x16xf32> to vector<16xf32>
        %add3A_608 = arith.addf %get3A_603, %get3A_607 : vector<16xf32>
        %max3A_609 = arith.constant 0.000000e+00 : f32
        %max3A_610 = vector.broadcast %max3A_609 : f32 to vector<16xf32>
        %max3A_611 = arith.maximumf %add3A_608, %max3A_610 : vector<16xf32>
        %swap3A_612 = arith.index_cast %scan3A_516 : i32 to index
        %swap3A_613 = arith.constant 80 : index
        %swap3A_614 = tpu.vector_load %arg14[%swap3A_612, %swap3A_613] {strides = array<i32>} : memref<40x128xf32, #tpu.memory_space<vmem>>, vector<1x16xf32>,
        %swap3A_615 = vector.shape_cast %swap3A_614 : vector<1x16xf32> to vector<16xf32>
        %swap3A_616 = vector.shape_cast %max3A_611 : vector<16xf32> to vector<1x16xf32>
        tpu.vector_store %arg14[%swap3A_612, %swap3A_613], %swap3A_616 {strides = array<i32>} : memref<40x128xf32, #tpu.memory_space<vmem>>, vector<1x16xf32>,
        %get3A_617 = arith.index_cast %scan3A_516 : i32 to index
        %get3A_618 = arith.constant 96 : index
        %get3A_619 = tpu.vector_load %arg12[%get3A_617, %get3A_618] {strides = array<i32>} : memref<40x128xf32, #tpu.memory_space<vmem>>, vector<1x16xf32>,
        %get3A_620 = vector.shape_cast %get3A_619 : vector<1x16xf32> to vector<16xf32>
        %get3A_621 = arith.index_cast %scan3A_516 : i32 to index
        %get3A_622 = arith.constant 96 : index
        %get3A_623 = tpu.vector_load %arg10[%get3A_621, %get3A_622] {strides = array<i32>} : memref<40x128xf32, #tpu.memory_space<vmem>>, vector<1x16xf32>,
        %get3A_624 = vector.shape_cast %get3A_623 : vector<1x16xf32> to vector<16xf32>
        %add3A_625 = arith.addf %get3A_620, %get3A_624 : vector<16xf32>
        %max3A_626 = arith.constant 0.000000e+00 : f32
        %max3A_627 = vector.broadcast %max3A_626 : f32 to vector<16xf32>
        %max3A_628 = arith.maximumf %add3A_625, %max3A_627 : vector<16xf32>
        %swap3A_629 = arith.index_cast %scan3A_516 : i32 to index
        %swap3A_630 = arith.constant 96 : index
        %swap3A_631 = tpu.vector_load %arg14[%swap3A_629, %swap3A_630] {strides = array<i32>} : memref<40x128xf32, #tpu.memory_space<vmem>>, vector<1x16xf32>,
        %swap3A_632 = vector.shape_cast %swap3A_631 : vector<1x16xf32> to vector<16xf32>
        %swap3A_633 = vector.shape_cast %max3A_628 : vector<16xf32> to vector<1x16xf32>
        tpu.vector_store %arg14[%swap3A_629, %swap3A_630], %swap3A_633 {strides = array<i32>} : memref<40x128xf32, #tpu.memory_space<vmem>>, vector<1x16xf32>,
        %get3A_634 = arith.index_cast %scan3A_516 : i32 to index
        %get3A_635 = arith.constant 112 : index
        %get3A_636 = tpu.vector_load %arg12[%get3A_634, %get3A_635] {strides = array<i32>} : memref<40x128xf32, #tpu.memory_space<vmem>>, vector<1x16xf32>,
        %get3A_637 = vector.shape_cast %get3A_636 : vector<1x16xf32> to vector<16xf32>
        %get3A_638 = arith.index_cast %scan3A_516 : i32 to index
        %get3A_639 = arith.constant 112 : index
        %get3A_640 = tpu.vector_load %arg10[%get3A_638, %get3A_639] {strides = array<i32>} : memref<40x128xf32, #tpu.memory_space<vmem>>, vector<1x16xf32>,
        %get3A_641 = vector.shape_cast %get3A_640 : vector<1x16xf32> to vector<16xf32>
        %add3A_642 = arith.addf %get3A_637, %get3A_641 : vector<16xf32>
        %max3A_643 = arith.constant 0.000000e+00 : f32
        %max3A_644 = vector.broadcast %max3A_643 : f32 to vector<16xf32>
        %max3A_645 = arith.maximumf %add3A_642, %max3A_644 : vector<16xf32>
        %swap3A_646 = arith.index_cast %scan3A_516 : i32 to index
        %swap3A_647 = arith.constant 112 : index
        %swap3A_648 = tpu.vector_load %arg14[%swap3A_646, %swap3A_647] {strides = array<i32>} : memref<40x128xf32, #tpu.memory_space<vmem>>, vector<1x16xf32>,
        %swap3A_649 = vector.shape_cast %swap3A_648 : vector<1x16xf32> to vector<16xf32>
        %swap3A_650 = vector.shape_cast %max3A_645 : vector<16xf32> to vector<1x16xf32>
        tpu.vector_store %arg14[%swap3A_646, %swap3A_647], %swap3A_650 {strides = array<i32>} : memref<40x128xf32, #tpu.memory_space<vmem>>, vector<1x16xf32>,
        %scan3A_651 = arith.constant 0 : i32
        scf.yield %scan3A_651 : i32
      }
      %scan3A_457 = arith.constant 40 : i32
      %dma_start3A_458 = arith.constant 0 : i32
      %dma_start3A_459 = tpu.memref_slice %arg9[%mul3A_435, %dma_start3A_458] : memref<50x40xi32, #tpu.memory_space<vmem>> -> memref<1x40xi32, #tpu.memory_space<vmem>>
      %dma_start3A_460 = tpu.memref_squeeze %dma_start3A_459 : memref<1x40xi32, #tpu.memory_space<vmem>> -> memref<40xi32, #tpu.memory_space<vmem>>
      %dma_start3A_461 = arith.constant 0 : i32
      %dma_start3A_462 = arith.constant 0 : i32
      %dma_start3A_463 = tpu.memref_slice %arg18[%dma_start3A_461, %dma_start3A_462] : memref<10240x128xf32, #tpu.memory_space<vmem_shared>> -> memref<10240x128xf32, #tpu.memory_space<vmem_shared>>
      tpu.enqueue_indirect_dma source(%arg14 : memref<40x128xf32, #tpu.memory_space<vmem>>) target(%dma_start3A_463 : memref<10240x128xf32, #tpu.memory_space<vmem_shared>>) offsets(%dma_start3A_460 : memref<40xi32, #tpu.memory_space<vmem>>) semaphore(%arg22 : memref<!tpu.dma_semaphore, #tpu.memory_space<semaphore_mem>>) {add = true}
      %dma_start3A_464 = arith.constant 0 : i32
      %dma_start3A_465 = tpu.memref_slice %arg9[%mul3A_435, %dma_start3A_464] : memref<50x40xi32, #tpu.memory_space<vmem>> -> memref<1x40xi32, #tpu.memory_space<vmem>>
      %dma_start3A_466 = tpu.memref_squeeze %dma_start3A_465 : memref<1x40xi32, #tpu.memory_space<vmem>> -> memref<40xi32, #tpu.memory_space<vmem>>
      %dma_start3A_467 = arith.constant 0 : i32
      %dma_start3A_468 = arith.constant 0 : i32
      %dma_start3A_469 = tpu.memref_slice %arg19[%dma_start3A_467, %dma_start3A_468] : memref<10240x16xf32, #tpu.memory_space<vmem_shared>> -> memref<10240x16xf32, #tpu.memory_space<vmem_shared>>
      tpu.enqueue_indirect_dma source(%arg16 : memref<40x16xf32, #tpu.memory_space<vmem>>) target(%dma_start3A_469 : memref<10240x16xf32, #tpu.memory_space<vmem_shared>>) offsets(%dma_start3A_466 : memref<40xi32, #tpu.memory_space<vmem>>) semaphore(%arg22 : memref<!tpu.dma_semaphore, #tpu.memory_space<semaphore_mem>>) {add = true}
      %lt3A = arith.constant 24 : i32
      %lt3A_470 = arith.cmpi slt, %scan3A_411, %lt3A : i32
      %convert_element_type3A_471 = arith.extui %lt3A_470 : i1 to i32
      %cond3A_472 = arith.constant 0 : i32
      %cond3A_473 = arith.cmpi ne, %convert_element_type3A_471, %cond3A_472 : i32
      scf.if %cond3A_473 {
        %mul3A_516 = arith.constant 2 : i32
        %mul3A_517 = arith.muli %mul3A_516, %scan3A_411 : i32
        %add3A_518 = arith.constant 2 : i32
        %add3A_519 = arith.addi %mul3A_517, %add3A_518 : i32
        %mul3A_520 = arith.constant 10000 : i32
        %mul3A_521 = arith.muli %add3A, %mul3A_520 : i32
        %add3A_522 = arith.constant 50 : i32
        %add3A_523 = arith.addi %add3A_522, %add3A_519 : i32
        %mul3A_524 = arith.constant 40 : i32
        %mul3A_525 = arith.muli %add3A_523, %mul3A_524 : i32
        %add3A_526 = arith.addi %mul3A_521, %mul3A_525 : i32
        %dma_start3A_527 = arith.constant 0 : i32
        %dma_start3A_528 = tpu.memref_slice %arg2[%add3A_526, %dma_start3A_527] : memref<320000x128xf32, #tpu.memory_space<hbm>> -> memref<40x128xf32, #tpu.memory_space<hbm>>
        %dma_start3A_529 = arith.constant 0 : i32
        %dma_start3A_530 = tpu.memref_slice %arg2[%add3A_526, %dma_start3A_529] : memref<320000x128xf32, #tpu.memory_space<hbm>> -> memref<40x128xf32, #tpu.memory_space<hbm>>
        tpu.enqueue_dma source(%dma_start3A_530 : memref<40x128xf32, #tpu.memory_space<hbm>>) target(%arg10 : memref<40x128xf32, #tpu.memory_space<vmem>>) target_semaphore(%arg20 : memref<!tpu.dma_semaphore, #tpu.memory_space<semaphore_mem>>)
        %dma_start3A_531 = arith.constant 0 : i32
        %dma_start3A_532 = tpu.memref_slice %arg8[%add3A_519, %dma_start3A_531] : memref<50x40xi32, #tpu.memory_space<vmem>> -> memref<1x40xi32, #tpu.memory_space<vmem>>
        %dma_start3A_533 = tpu.memref_squeeze %dma_start3A_532 : memref<1x40xi32, #tpu.memory_space<vmem>> -> memref<40xi32, #tpu.memory_space<vmem>>
        %dma_start3A_534 = arith.constant 0 : i32
        %dma_start3A_535 = arith.constant 0 : i32
        %dma_start3A_536 = tpu.memref_slice %arg3[%dma_start3A_534, %dma_start3A_535] : memref<10000x128xf32, #tpu.memory_space<hbm>> -> memref<10000x128xf32, #tpu.memory_space<hbm>>
        tpu.enqueue_indirect_dma source(%dma_start3A_536 : memref<10000x128xf32, #tpu.memory_space<hbm>>) target(%arg12 : memref<40x128xf32, #tpu.memory_space<vmem>>) offsets(%dma_start3A_533 : memref<40xi32, #tpu.memory_space<vmem>>) semaphore(%arg20 : memref<!tpu.dma_semaphore, #tpu.memory_space<semaphore_mem>>)
      } else {
      }
      %mul3A_474 = arith.constant 2 : i32
      %mul3A_475 = arith.muli %mul3A_474, %scan3A_411 : i32
      %add3A_476 = arith.constant 1 : i32
      %add3A_477 = arith.addi %mul3A_475, %add3A_476 : i32
      %dma_wait3A_478 = arith.constant 0 : i32
      %dma_wait3A_479 = arith.constant 0 : i32
      %dma_wait3A_480 = tpu.memref_slice %arg2[%dma_wait3A_478, %dma_wait3A_479] : memref<320000x128xf32, #tpu.memory_space<hbm>> -> memref<40x128xf32, #tpu.memory_space<hbm>>
      %dma_wait3A_481 = arith.constant 0 : i32
      %dma_wait3A_482 = arith.constant 0 : i32
      %dma_wait3A_483 = tpu.memref_slice %arg2[%dma_wait3A_481, %dma_wait3A_482] : memref<320000x128xf32, #tpu.memory_space<hbm>> -> memref<40x128xf32, #tpu.memory_space<hbm>>
      tpu.wait_dma2 semaphore(%arg21 : memref<!tpu.dma_semaphore, #tpu.memory_space<semaphore_mem>>) src(%dma_wait3A_483 : memref<40x128xf32, #tpu.memory_space<hbm>>) dst(%arg11 : memref<40x128xf32, #tpu.memory_space<vmem>>)
      %dma_wait3A_484 = arith.constant 0 : i32
      %dma_wait3A_485 = arith.constant 0 : i32
      %dma_wait3A_486 = tpu.memref_slice %arg8[%dma_wait3A_484, %dma_wait3A_485] : memref<50x40xi32, #tpu.memory_space<vmem>> -> memref<1x40xi32, #tpu.memory_space<vmem>>
      %dma_wait3A_487 = tpu.memref_squeeze %dma_wait3A_486 : memref<1x40xi32, #tpu.memory_space<vmem>> -> memref<40xi32, #tpu.memory_space<vmem>>
      %dma_wait3A_488 = arith.constant 0 : i32
      %dma_wait3A_489 = arith.constant 0 : i32
      %dma_wait3A_490 = tpu.memref_slice %arg3[%dma_wait3A_488, %dma_wait3A_489] : memref<10000x128xf32, #tpu.memory_space<hbm>> -> memref<10000x128xf32, #tpu.memory_space<hbm>>
      tpu.wait_indirect_dma semaphore(%arg21 : memref<!tpu.dma_semaphore, #tpu.memory_space<semaphore_mem>>) src(%dma_wait3A_490 : memref<10000x128xf32, #tpu.memory_space<hbm>>) dst(%arg13 : memref<40x128xf32, #tpu.memory_space<vmem>>)
      %gt3A_491 = arith.constant 0 : i32
      %gt3A_492 = arith.cmpi sgt, %scan3A_411, %gt3A_491 : i32
      %convert_element_type3A_493 = arith.extui %gt3A_492 : i1 to i32
      %cond3A_494 = arith.constant 0 : i32
      %cond3A_495 = arith.cmpi ne, %convert_element_type3A_493, %cond3A_494 : i32
      scf.if %cond3A_495 {
        %dma_wait3A_516 = arith.constant 0 : i32
        %dma_wait3A_517 = arith.constant 0 : i32
        %dma_wait3A_518 = tpu.memref_slice %arg9[%dma_wait3A_516, %dma_wait3A_517] : memref<50x40xi32, #tpu.memory_space<vmem>> -> memref<1x40xi32, #tpu.memory_space<vmem>>
        %dma_wait3A_519 = tpu.memref_squeeze %dma_wait3A_518 : memref<1x40xi32, #tpu.memory_space<vmem>> -> memref<40xi32, #tpu.memory_space<vmem>>
        %dma_wait3A_520 = arith.constant 0 : i32
        %dma_wait3A_521 = arith.constant 0 : i32
        %dma_wait3A_522 = tpu.memref_slice %arg18[%dma_wait3A_520, %dma_wait3A_521] : memref<10240x128xf32, #tpu.memory_space<vmem_shared>> -> memref<10240x128xf32, #tpu.memory_space<vmem_shared>>
        tpu.wait_indirect_dma semaphore(%arg23 : memref<!tpu.dma_semaphore, #tpu.memory_space<semaphore_mem>>) src(%arg15 : memref<40x128xf32, #tpu.memory_space<vmem>>) dst(%dma_wait3A_522 : memref<10240x128xf32, #tpu.memory_space<vmem_shared>>)
        %dma_wait3A_523 = arith.constant 0 : i32
        %dma_wait3A_524 = arith.constant 0 : i32
        %dma_wait3A_525 = tpu.memref_slice %arg9[%dma_wait3A_523, %dma_wait3A_524] : memref<50x40xi32, #tpu.memory_space<vmem>> -> memref<1x40xi32, #tpu.memory_space<vmem>>
        %dma_wait3A_526 = tpu.memref_squeeze %dma_wait3A_525 : memref<1x40xi32, #tpu.memory_space<vmem>> -> memref<40xi32, #tpu.memory_space<vmem>>
        %dma_wait3A_527 = arith.constant 0 : i32
        %dma_wait3A_528 = arith.constant 0 : i32
        %dma_wait3A_529 = tpu.memref_slice %arg19[%dma_wait3A_527, %dma_wait3A_528] : memref<10240x16xf32, #tpu.memory_space<vmem_shared>> -> memref<10240x16xf32, #tpu.memory_space<vmem_shared>>
        tpu.wait_indirect_dma semaphore(%arg23 : memref<!tpu.dma_semaphore, #tpu.memory_space<semaphore_mem>>) src(%arg16 : memref<40x16xf32, #tpu.memory_space<vmem>>) dst(%dma_wait3A_529 : memref<10240x16xf32, #tpu.memory_space<vmem_shared>>)
      } else {
      }
      %scan3A_496 = arith.constant 0 : i32
      %scan3A_497 = arith.constant 0 : i32
      %scan3A_498 = arith.constant 40 : i32
      %scan3A_499 = arith.addi %scan3A_497, %scan3A_498 : i32
      %scan3A_500 = arith.constant 1 : i32
      %scan3A_501 = scf.for %scan3A_516 = %scan3A_497 to %scan3A_499 step %scan3A_500 iter_args(%scan3A_517 = %scan3A_496) -> (i32)  : i32 {
        %get3A = arith.index_cast %scan3A_516 : i32 to index
        %get3A_518 = arith.constant 0 : index
        %get3A_519 = tpu.vector_load %arg13[%get3A, %get3A_518] {strides = array<i32>} : memref<40x128xf32, #tpu.memory_space<vmem>>, vector<1x16xf32>,
        %get3A_520 = vector.shape_cast %get3A_519 : vector<1x16xf32> to vector<16xf32>
        %get3A_521 = arith.index_cast %scan3A_516 : i32 to index
        %get3A_522 = arith.constant 0 : index
        %get3A_523 = tpu.vector_load %arg11[%get3A_521, %get3A_522] {strides = array<i32>} : memref<40x128xf32, #tpu.memory_space<vmem>>, vector<1x16xf32>,
        %get3A_524 = vector.shape_cast %get3A_523 : vector<1x16xf32> to vector<16xf32>
        %add3A_525 = arith.addf %get3A_520, %get3A_524 : vector<16xf32>
        %max3A = arith.constant 0.000000e+00 : f32
        %max3A_526 = vector.broadcast %max3A : f32 to vector<16xf32>
        %max3A_527 = arith.maximumf %add3A_525, %max3A_526 : vector<16xf32>
        %swap3A = arith.index_cast %scan3A_516 : i32 to index
        %swap3A_528 = arith.constant 0 : index
        %swap3A_529 = tpu.vector_load %arg15[%swap3A, %swap3A_528] {strides = array<i32>} : memref<40x128xf32, #tpu.memory_space<vmem>>, vector<1x16xf32>,
        %swap3A_530 = vector.shape_cast %swap3A_529 : vector<1x16xf32> to vector<16xf32>
        %swap3A_531 = vector.shape_cast %max3A_527 : vector<16xf32> to vector<1x16xf32>
        tpu.vector_store %arg15[%swap3A, %swap3A_528], %swap3A_531 {strides = array<i32>} : memref<40x128xf32, #tpu.memory_space<vmem>>, vector<1x16xf32>,
        %get3A_532 = arith.index_cast %scan3A_516 : i32 to index
        %get3A_533 = arith.constant 16 : index
        %get3A_534 = tpu.vector_load %arg13[%get3A_532, %get3A_533] {strides = array<i32>} : memref<40x128xf32, #tpu.memory_space<vmem>>, vector<1x16xf32>,
        %get3A_535 = vector.shape_cast %get3A_534 : vector<1x16xf32> to vector<16xf32>
        %get3A_536 = arith.index_cast %scan3A_516 : i32 to index
        %get3A_537 = arith.constant 16 : index
        %get3A_538 = tpu.vector_load %arg11[%get3A_536, %get3A_537] {strides = array<i32>} : memref<40x128xf32, #tpu.memory_space<vmem>>, vector<1x16xf32>,
        %get3A_539 = vector.shape_cast %get3A_538 : vector<1x16xf32> to vector<16xf32>
        %add3A_540 = arith.addf %get3A_535, %get3A_539 : vector<16xf32>
        %max3A_541 = arith.constant 0.000000e+00 : f32
        %max3A_542 = vector.broadcast %max3A_541 : f32 to vector<16xf32>
        %max3A_543 = arith.maximumf %add3A_540, %max3A_542 : vector<16xf32>
        %swap3A_544 = arith.index_cast %scan3A_516 : i32 to index
        %swap3A_545 = arith.constant 16 : index
        %swap3A_546 = tpu.vector_load %arg15[%swap3A_544, %swap3A_545] {strides = array<i32>} : memref<40x128xf32, #tpu.memory_space<vmem>>, vector<1x16xf32>,
        %swap3A_547 = vector.shape_cast %swap3A_546 : vector<1x16xf32> to vector<16xf32>
        %swap3A_548 = vector.shape_cast %max3A_543 : vector<16xf32> to vector<1x16xf32>
        tpu.vector_store %arg15[%swap3A_544, %swap3A_545], %swap3A_548 {strides = array<i32>} : memref<40x128xf32, #tpu.memory_space<vmem>>, vector<1x16xf32>,
        %get3A_549 = arith.index_cast %scan3A_516 : i32 to index
        %get3A_550 = arith.constant 32 : index
        %get3A_551 = tpu.vector_load %arg13[%get3A_549, %get3A_550] {strides = array<i32>} : memref<40x128xf32, #tpu.memory_space<vmem>>, vector<1x16xf32>,
        %get3A_552 = vector.shape_cast %get3A_551 : vector<1x16xf32> to vector<16xf32>
        %get3A_553 = arith.index_cast %scan3A_516 : i32 to index
        %get3A_554 = arith.constant 32 : index
        %get3A_555 = tpu.vector_load %arg11[%get3A_553, %get3A_554] {strides = array<i32>} : memref<40x128xf32, #tpu.memory_space<vmem>>, vector<1x16xf32>,
        %get3A_556 = vector.shape_cast %get3A_555 : vector<1x16xf32> to vector<16xf32>
        %add3A_557 = arith.addf %get3A_552, %get3A_556 : vector<16xf32>
        %max3A_558 = arith.constant 0.000000e+00 : f32
        %max3A_559 = vector.broadcast %max3A_558 : f32 to vector<16xf32>
        %max3A_560 = arith.maximumf %add3A_557, %max3A_559 : vector<16xf32>
        %swap3A_561 = arith.index_cast %scan3A_516 : i32 to index
        %swap3A_562 = arith.constant 32 : index
        %swap3A_563 = tpu.vector_load %arg15[%swap3A_561, %swap3A_562] {strides = array<i32>} : memref<40x128xf32, #tpu.memory_space<vmem>>, vector<1x16xf32>,
        %swap3A_564 = vector.shape_cast %swap3A_563 : vector<1x16xf32> to vector<16xf32>
        %swap3A_565 = vector.shape_cast %max3A_560 : vector<16xf32> to vector<1x16xf32>
        tpu.vector_store %arg15[%swap3A_561, %swap3A_562], %swap3A_565 {strides = array<i32>} : memref<40x128xf32, #tpu.memory_space<vmem>>, vector<1x16xf32>,
        %get3A_566 = arith.index_cast %scan3A_516 : i32 to index
        %get3A_567 = arith.constant 48 : index
        %get3A_568 = tpu.vector_load %arg13[%get3A_566, %get3A_567] {strides = array<i32>} : memref<40x128xf32, #tpu.memory_space<vmem>>, vector<1x16xf32>,
        %get3A_569 = vector.shape_cast %get3A_568 : vector<1x16xf32> to vector<16xf32>
        %get3A_570 = arith.index_cast %scan3A_516 : i32 to index
        %get3A_571 = arith.constant 48 : index
        %get3A_572 = tpu.vector_load %arg11[%get3A_570, %get3A_571] {strides = array<i32>} : memref<40x128xf32, #tpu.memory_space<vmem>>, vector<1x16xf32>,
        %get3A_573 = vector.shape_cast %get3A_572 : vector<1x16xf32> to vector<16xf32>
        %add3A_574 = arith.addf %get3A_569, %get3A_573 : vector<16xf32>
        %max3A_575 = arith.constant 0.000000e+00 : f32
        %max3A_576 = vector.broadcast %max3A_575 : f32 to vector<16xf32>
        %max3A_577 = arith.maximumf %add3A_574, %max3A_576 : vector<16xf32>
        %swap3A_578 = arith.index_cast %scan3A_516 : i32 to index
        %swap3A_579 = arith.constant 48 : index
        %swap3A_580 = tpu.vector_load %arg15[%swap3A_578, %swap3A_579] {strides = array<i32>} : memref<40x128xf32, #tpu.memory_space<vmem>>, vector<1x16xf32>,
        %swap3A_581 = vector.shape_cast %swap3A_580 : vector<1x16xf32> to vector<16xf32>
        %swap3A_582 = vector.shape_cast %max3A_577 : vector<16xf32> to vector<1x16xf32>
        tpu.vector_store %arg15[%swap3A_578, %swap3A_579], %swap3A_582 {strides = array<i32>} : memref<40x128xf32, #tpu.memory_space<vmem>>, vector<1x16xf32>,
        %get3A_583 = arith.index_cast %scan3A_516 : i32 to index
        %get3A_584 = arith.constant 64 : index
        %get3A_585 = tpu.vector_load %arg13[%get3A_583, %get3A_584] {strides = array<i32>} : memref<40x128xf32, #tpu.memory_space<vmem>>, vector<1x16xf32>,
        %get3A_586 = vector.shape_cast %get3A_585 : vector<1x16xf32> to vector<16xf32>
        %get3A_587 = arith.index_cast %scan3A_516 : i32 to index
        %get3A_588 = arith.constant 64 : index
        %get3A_589 = tpu.vector_load %arg11[%get3A_587, %get3A_588] {strides = array<i32>} : memref<40x128xf32, #tpu.memory_space<vmem>>, vector<1x16xf32>,
        %get3A_590 = vector.shape_cast %get3A_589 : vector<1x16xf32> to vector<16xf32>
        %add3A_591 = arith.addf %get3A_586, %get3A_590 : vector<16xf32>
        %max3A_592 = arith.constant 0.000000e+00 : f32
        %max3A_593 = vector.broadcast %max3A_592 : f32 to vector<16xf32>
        %max3A_594 = arith.maximumf %add3A_591, %max3A_593 : vector<16xf32>
        %swap3A_595 = arith.index_cast %scan3A_516 : i32 to index
        %swap3A_596 = arith.constant 64 : index
        %swap3A_597 = tpu.vector_load %arg15[%swap3A_595, %swap3A_596] {strides = array<i32>} : memref<40x128xf32, #tpu.memory_space<vmem>>, vector<1x16xf32>,
        %swap3A_598 = vector.shape_cast %swap3A_597 : vector<1x16xf32> to vector<16xf32>
        %swap3A_599 = vector.shape_cast %max3A_594 : vector<16xf32> to vector<1x16xf32>
        tpu.vector_store %arg15[%swap3A_595, %swap3A_596], %swap3A_599 {strides = array<i32>} : memref<40x128xf32, #tpu.memory_space<vmem>>, vector<1x16xf32>,
        %get3A_600 = arith.index_cast %scan3A_516 : i32 to index
        %get3A_601 = arith.constant 80 : index
        %get3A_602 = tpu.vector_load %arg13[%get3A_600, %get3A_601] {strides = array<i32>} : memref<40x128xf32, #tpu.memory_space<vmem>>, vector<1x16xf32>,
        %get3A_603 = vector.shape_cast %get3A_602 : vector<1x16xf32> to vector<16xf32>
        %get3A_604 = arith.index_cast %scan3A_516 : i32 to index
        %get3A_605 = arith.constant 80 : index
        %get3A_606 = tpu.vector_load %arg11[%get3A_604, %get3A_605] {strides = array<i32>} : memref<40x128xf32, #tpu.memory_space<vmem>>, vector<1x16xf32>,
        %get3A_607 = vector.shape_cast %get3A_606 : vector<1x16xf32> to vector<16xf32>
        %add3A_608 = arith.addf %get3A_603, %get3A_607 : vector<16xf32>
        %max3A_609 = arith.constant 0.000000e+00 : f32
        %max3A_610 = vector.broadcast %max3A_609 : f32 to vector<16xf32>
        %max3A_611 = arith.maximumf %add3A_608, %max3A_610 : vector<16xf32>
        %swap3A_612 = arith.index_cast %scan3A_516 : i32 to index
        %swap3A_613 = arith.constant 80 : index
        %swap3A_614 = tpu.vector_load %arg15[%swap3A_612, %swap3A_613] {strides = array<i32>} : memref<40x128xf32, #tpu.memory_space<vmem>>, vector<1x16xf32>,
        %swap3A_615 = vector.shape_cast %swap3A_614 : vector<1x16xf32> to vector<16xf32>
        %swap3A_616 = vector.shape_cast %max3A_611 : vector<16xf32> to vector<1x16xf32>
        tpu.vector_store %arg15[%swap3A_612, %swap3A_613], %swap3A_616 {strides = array<i32>} : memref<40x128xf32, #tpu.memory_space<vmem>>, vector<1x16xf32>,
        %get3A_617 = arith.index_cast %scan3A_516 : i32 to index
        %get3A_618 = arith.constant 96 : index
        %get3A_619 = tpu.vector_load %arg13[%get3A_617, %get3A_618] {strides = array<i32>} : memref<40x128xf32, #tpu.memory_space<vmem>>, vector<1x16xf32>,
        %get3A_620 = vector.shape_cast %get3A_619 : vector<1x16xf32> to vector<16xf32>
        %get3A_621 = arith.index_cast %scan3A_516 : i32 to index
        %get3A_622 = arith.constant 96 : index
        %get3A_623 = tpu.vector_load %arg11[%get3A_621, %get3A_622] {strides = array<i32>} : memref<40x128xf32, #tpu.memory_space<vmem>>, vector<1x16xf32>,
        %get3A_624 = vector.shape_cast %get3A_623 : vector<1x16xf32> to vector<16xf32>
        %add3A_625 = arith.addf %get3A_620, %get3A_624 : vector<16xf32>
        %max3A_626 = arith.constant 0.000000e+00 : f32
        %max3A_627 = vector.broadcast %max3A_626 : f32 to vector<16xf32>
        %max3A_628 = arith.maximumf %add3A_625, %max3A_627 : vector<16xf32>
        %swap3A_629 = arith.index_cast %scan3A_516 : i32 to index
        %swap3A_630 = arith.constant 96 : index
        %swap3A_631 = tpu.vector_load %arg15[%swap3A_629, %swap3A_630] {strides = array<i32>} : memref<40x128xf32, #tpu.memory_space<vmem>>, vector<1x16xf32>,
        %swap3A_632 = vector.shape_cast %swap3A_631 : vector<1x16xf32> to vector<16xf32>
        %swap3A_633 = vector.shape_cast %max3A_628 : vector<16xf32> to vector<1x16xf32>
        tpu.vector_store %arg15[%swap3A_629, %swap3A_630], %swap3A_633 {strides = array<i32>} : memref<40x128xf32, #tpu.memory_space<vmem>>, vector<1x16xf32>,
        %get3A_634 = arith.index_cast %scan3A_516 : i32 to index
        %get3A_635 = arith.constant 112 : index
        %get3A_636 = tpu.vector_load %arg13[%get3A_634, %get3A_635] {strides = array<i32>} : memref<40x128xf32, #tpu.memory_space<vmem>>, vector<1x16xf32>,
        %get3A_637 = vector.shape_cast %get3A_636 : vector<1x16xf32> to vector<16xf32>
        %get3A_638 = arith.index_cast %scan3A_516 : i32 to index
        %get3A_639 = arith.constant 112 : index
        %get3A_640 = tpu.vector_load %arg11[%get3A_638, %get3A_639] {strides = array<i32>} : memref<40x128xf32, #tpu.memory_space<vmem>>, vector<1x16xf32>,
        %get3A_641 = vector.shape_cast %get3A_640 : vector<1x16xf32> to vector<16xf32>
        %add3A_642 = arith.addf %get3A_637, %get3A_641 : vector<16xf32>
        %max3A_643 = arith.constant 0.000000e+00 : f32
        %max3A_644 = vector.broadcast %max3A_643 : f32 to vector<16xf32>
        %max3A_645 = arith.maximumf %add3A_642, %max3A_644 : vector<16xf32>
        %swap3A_646 = arith.index_cast %scan3A_516 : i32 to index
        %swap3A_647 = arith.constant 112 : index
        %swap3A_648 = tpu.vector_load %arg15[%swap3A_646, %swap3A_647] {strides = array<i32>} : memref<40x128xf32, #tpu.memory_space<vmem>>, vector<1x16xf32>,
        %swap3A_649 = vector.shape_cast %swap3A_648 : vector<1x16xf32> to vector<16xf32>
        %swap3A_650 = vector.shape_cast %max3A_645 : vector<16xf32> to vector<1x16xf32>
        tpu.vector_store %arg15[%swap3A_646, %swap3A_647], %swap3A_650 {strides = array<i32>} : memref<40x128xf32, #tpu.memory_space<vmem>>, vector<1x16xf32>,
        %scan3A_651 = arith.constant 0 : i32
        scf.yield %scan3A_651 : i32
      }
      %scan3A_502 = arith.constant 40 : i32
      %dma_start3A_503 = arith.constant 0 : i32
      %dma_start3A_504 = tpu.memref_slice %arg9[%add3A_477, %dma_start3A_503] : memref<50x40xi32, #tpu.memory_space<vmem>> -> memref<1x40xi32, #tpu.memory_space<vmem>>
      %dma_start3A_505 = tpu.memref_squeeze %dma_start3A_504 : memref<1x40xi32, #tpu.memory_space<vmem>> -> memref<40xi32, #tpu.memory_space<vmem>>
      %dma_start3A_506 = arith.constant 0 : i32
      %dma_start3A_507 = arith.constant 0 : i32
      %dma_start3A_508 = tpu.memref_slice %arg18[%dma_start3A_506, %dma_start3A_507] : memref<10240x128xf32, #tpu.memory_space<vmem_shared>> -> memref<10240x128xf32, #tpu.memory_space<vmem_shared>>
      tpu.enqueue_indirect_dma source(%arg15 : memref<40x128xf32, #tpu.memory_space<vmem>>) target(%dma_start3A_508 : memref<10240x128xf32, #tpu.memory_space<vmem_shared>>) offsets(%dma_start3A_505 : memref<40xi32, #tpu.memory_space<vmem>>) semaphore(%arg23 : memref<!tpu.dma_semaphore, #tpu.memory_space<semaphore_mem>>) {add = true}
      %dma_start3A_509 = arith.constant 0 : i32
      %dma_start3A_510 = tpu.memref_slice %arg9[%add3A_477, %dma_start3A_509] : memref<50x40xi32, #tpu.memory_space<vmem>> -> memref<1x40xi32, #tpu.memory_space<vmem>>
      %dma_start3A_511 = tpu.memref_squeeze %dma_start3A_510 : memref<1x40xi32, #tpu.memory_space<vmem>> -> memref<40xi32, #tpu.memory_space<vmem>>
      %dma_start3A_512 = arith.constant 0 : i32
      %dma_start3A_513 = arith.constant 0 : i32
      %dma_start3A_514 = tpu.memref_slice %arg19[%dma_start3A_512, %dma_start3A_513] : memref<10240x16xf32, #tpu.memory_space<vmem_shared>> -> memref<10240x16xf32, #tpu.memory_space<vmem_shared>>
      tpu.enqueue_indirect_dma source(%arg16 : memref<40x16xf32, #tpu.memory_space<vmem>>) target(%dma_start3A_514 : memref<10240x16xf32, #tpu.memory_space<vmem_shared>>) offsets(%dma_start3A_511 : memref<40xi32, #tpu.memory_space<vmem>>) semaphore(%arg23 : memref<!tpu.dma_semaphore, #tpu.memory_space<semaphore_mem>>) {add = true}
      %scan3A_515 = arith.constant 0 : i32
      scf.yield %scan3A_515 : i32
    }
    %scan3A_217 = arith.constant 25 : i32
    %dma_wait3A_218 = arith.constant 0 : i32
    %dma_wait3A_219 = arith.constant 0 : i32
    %dma_wait3A_220 = tpu.memref_slice %arg9[%dma_wait3A_218, %dma_wait3A_219] : memref<50x40xi32, #tpu.memory_space<vmem>> -> memref<1x40xi32, #tpu.memory_space<vmem>>
    %dma_wait3A_221 = tpu.memref_squeeze %dma_wait3A_220 : memref<1x40xi32, #tpu.memory_space<vmem>> -> memref<40xi32, #tpu.memory_space<vmem>>
    %dma_wait3A_222 = arith.constant 0 : i32
    %dma_wait3A_223 = arith.constant 0 : i32
    %dma_wait3A_224 = tpu.memref_slice %arg18[%dma_wait3A_222, %dma_wait3A_223] : memref<10240x128xf32, #tpu.memory_space<vmem_shared>> -> memref<10240x128xf32, #tpu.memory_space<vmem_shared>>
    tpu.wait_indirect_dma semaphore(%arg22 : memref<!tpu.dma_semaphore, #tpu.memory_space<semaphore_mem>>) src(%arg14 : memref<40x128xf32, #tpu.memory_space<vmem>>) dst(%dma_wait3A_224 : memref<10240x128xf32, #tpu.memory_space<vmem_shared>>)
    %dma_wait3A_225 = arith.constant 0 : i32
    %dma_wait3A_226 = arith.constant 0 : i32
    %dma_wait3A_227 = tpu.memref_slice %arg9[%dma_wait3A_225, %dma_wait3A_226] : memref<50x40xi32, #tpu.memory_space<vmem>> -> memref<1x40xi32, #tpu.memory_space<vmem>>
    %dma_wait3A_228 = tpu.memref_squeeze %dma_wait3A_227 : memref<1x40xi32, #tpu.memory_space<vmem>> -> memref<40xi32, #tpu.memory_space<vmem>>
    %dma_wait3A_229 = arith.constant 0 : i32
    %dma_wait3A_230 = arith.constant 0 : i32
    %dma_wait3A_231 = tpu.memref_slice %arg19[%dma_wait3A_229, %dma_wait3A_230] : memref<10240x16xf32, #tpu.memory_space<vmem_shared>> -> memref<10240x16xf32, #tpu.memory_space<vmem_shared>>
    tpu.wait_indirect_dma semaphore(%arg22 : memref<!tpu.dma_semaphore, #tpu.memory_space<semaphore_mem>>) src(%arg16 : memref<40x16xf32, #tpu.memory_space<vmem>>) dst(%dma_wait3A_231 : memref<10240x16xf32, #tpu.memory_space<vmem_shared>>)
    %dma_wait3A_232 = arith.constant 0 : i32
    %dma_wait3A_233 = arith.constant 0 : i32
    %dma_wait3A_234 = tpu.memref_slice %arg9[%dma_wait3A_232, %dma_wait3A_233] : memref<50x40xi32, #tpu.memory_space<vmem>> -> memref<1x40xi32, #tpu.memory_space<vmem>>
    %dma_wait3A_235 = tpu.memref_squeeze %dma_wait3A_234 : memref<1x40xi32, #tpu.memory_space<vmem>> -> memref<40xi32, #tpu.memory_space<vmem>>
    %dma_wait3A_236 = arith.constant 0 : i32
    %dma_wait3A_237 = arith.constant 0 : i32
    %dma_wait3A_238 = tpu.memref_slice %arg18[%dma_wait3A_236, %dma_wait3A_237] : memref<10240x128xf32, #tpu.memory_space<vmem_shared>> -> memref<10240x128xf32, #tpu.memory_space<vmem_shared>>
    tpu.wait_indirect_dma semaphore(%arg23 : memref<!tpu.dma_semaphore, #tpu.memory_space<semaphore_mem>>) src(%arg15 : memref<40x128xf32, #tpu.memory_space<vmem>>) dst(%dma_wait3A_238 : memref<10240x128xf32, #tpu.memory_space<vmem_shared>>)
    %dma_wait3A_239 = arith.constant 0 : i32
    %dma_wait3A_240 = arith.constant 0 : i32
    %dma_wait3A_241 = tpu.memref_slice %arg9[%dma_wait3A_239, %dma_wait3A_240] : memref<50x40xi32, #tpu.memory_space<vmem>> -> memref<1x40xi32, #tpu.memory_space<vmem>>
    %dma_wait3A_242 = tpu.memref_squeeze %dma_wait3A_241 : memref<1x40xi32, #tpu.memory_space<vmem>> -> memref<40xi32, #tpu.memory_space<vmem>>
    %dma_wait3A_243 = arith.constant 0 : i32
    %dma_wait3A_244 = arith.constant 0 : i32
    %dma_wait3A_245 = tpu.memref_slice %arg19[%dma_wait3A_243, %dma_wait3A_244] : memref<10240x16xf32, #tpu.memory_space<vmem_shared>> -> memref<10240x16xf32, #tpu.memory_space<vmem_shared>>
    tpu.wait_indirect_dma semaphore(%arg23 : memref<!tpu.dma_semaphore, #tpu.memory_space<semaphore_mem>>) src(%arg16 : memref<40x16xf32, #tpu.memory_space<vmem>>) dst(%dma_wait3A_245 : memref<10240x16xf32, #tpu.memory_space<vmem_shared>>)
    %run_scoped3A_246 = arith.constant 2 : i32
    "tpu.region"() ({
      %run_scoped3A_411 = tpu.sem_alloc : memref<!tpu.dma_semaphore, #tpu.memory_space<semaphore_mem>>
      %dma_start3A_412 = arith.constant 0 : i32
      %dma_start3A_413 = arith.constant 0 : i32
      %dma_start3A_414 = tpu.memref_slice %arg4[%add3A, %run_scoped3A_246, %dma_start3A_412, %dma_start3A_413] : memref<32x5x50x40xi32, #tpu.memory_space<hbm>> -> memref<1x1x50x40xi32, #tpu.memory_space<hbm>>
      %dma_start3A_415 = tpu.memref_squeeze %dma_start3A_414 : memref<1x1x50x40xi32, #tpu.memory_space<hbm>> -> memref<50x40xi32, #tpu.memory_space<hbm>>
      %dma_start3A_416 = arith.constant 0 : i32
      %dma_start3A_417 = arith.constant 0 : i32
      %dma_start3A_418 = tpu.memref_slice %arg4[%add3A, %run_scoped3A_246, %dma_start3A_416, %dma_start3A_417] : memref<32x5x50x40xi32, #tpu.memory_space<hbm>> -> memref<1x1x50x40xi32, #tpu.memory_space<hbm>>
      %dma_start3A_419 = tpu.memref_squeeze %dma_start3A_418 : memref<1x1x50x40xi32, #tpu.memory_space<hbm>> -> memref<50x40xi32, #tpu.memory_space<hbm>>
      tpu.enqueue_dma source(%dma_start3A_419 : memref<50x40xi32, #tpu.memory_space<hbm>>) target(%arg8 : memref<50x40xi32, #tpu.memory_space<vmem>>) target_semaphore(%run_scoped3A_411 : memref<!tpu.dma_semaphore, #tpu.memory_space<semaphore_mem>>)
      %dma_wait3A_420 = arith.constant 0 : i32
      %dma_wait3A_421 = arith.constant 0 : i32
      %dma_wait3A_422 = tpu.memref_slice %arg4[%add3A, %run_scoped3A_246, %dma_wait3A_420, %dma_wait3A_421] : memref<32x5x50x40xi32, #tpu.memory_space<hbm>> -> memref<1x1x50x40xi32, #tpu.memory_space<hbm>>
      %dma_wait3A_423 = tpu.memref_squeeze %dma_wait3A_422 : memref<1x1x50x40xi32, #tpu.memory_space<hbm>> -> memref<50x40xi32, #tpu.memory_space<hbm>>
      %dma_wait3A_424 = arith.constant 0 : i32
      %dma_wait3A_425 = arith.constant 0 : i32
      %dma_wait3A_426 = tpu.memref_slice %arg4[%add3A, %run_scoped3A_246, %dma_wait3A_424, %dma_wait3A_425] : memref<32x5x50x40xi32, #tpu.memory_space<hbm>> -> memref<1x1x50x40xi32, #tpu.memory_space<hbm>>
      %dma_wait3A_427 = tpu.memref_squeeze %dma_wait3A_426 : memref<1x1x50x40xi32, #tpu.memory_space<hbm>> -> memref<50x40xi32, #tpu.memory_space<hbm>>
      tpu.wait_dma2 semaphore(%run_scoped3A_411 : memref<!tpu.dma_semaphore, #tpu.memory_space<semaphore_mem>>) src(%dma_wait3A_427 : memref<50x40xi32, #tpu.memory_space<hbm>>) dst(%arg8 : memref<50x40xi32, #tpu.memory_space<vmem>>)
      tpu.yield
    }) : () -> ()
    %run_scoped3A_247 = arith.constant 2 : i32
    "tpu.region"() ({
      %run_scoped3A_411 = tpu.sem_alloc : memref<!tpu.dma_semaphore, #tpu.memory_space<semaphore_mem>>
      %dma_start3A_412 = arith.constant 0 : i32
      %dma_start3A_413 = arith.constant 0 : i32
      %dma_start3A_414 = tpu.memref_slice %arg5[%add3A, %run_scoped3A_247, %dma_start3A_412, %dma_start3A_413] : memref<32x5x50x40xi32, #tpu.memory_space<hbm>> -> memref<1x1x50x40xi32, #tpu.memory_space<hbm>>
      %dma_start3A_415 = tpu.memref_squeeze %dma_start3A_414 : memref<1x1x50x40xi32, #tpu.memory_space<hbm>> -> memref<50x40xi32, #tpu.memory_space<hbm>>
      %dma_start3A_416 = arith.constant 0 : i32
      %dma_start3A_417 = arith.constant 0 : i32
      %dma_start3A_418 = tpu.memref_slice %arg5[%add3A, %run_scoped3A_247, %dma_start3A_416, %dma_start3A_417] : memref<32x5x50x40xi32, #tpu.memory_space<hbm>> -> memref<1x1x50x40xi32, #tpu.memory_space<hbm>>
      %dma_start3A_419 = tpu.memref_squeeze %dma_start3A_418 : memref<1x1x50x40xi32, #tpu.memory_space<hbm>> -> memref<50x40xi32, #tpu.memory_space<hbm>>
      tpu.enqueue_dma source(%dma_start3A_419 : memref<50x40xi32, #tpu.memory_space<hbm>>) target(%arg9 : memref<50x40xi32, #tpu.memory_space<vmem>>) target_semaphore(%run_scoped3A_411 : memref<!tpu.dma_semaphore, #tpu.memory_space<semaphore_mem>>)
      %dma_wait3A_420 = arith.constant 0 : i32
      %dma_wait3A_421 = arith.constant 0 : i32
      %dma_wait3A_422 = tpu.memref_slice %arg5[%add3A, %run_scoped3A_247, %dma_wait3A_420, %dma_wait3A_421] : memref<32x5x50x40xi32, #tpu.memory_space<hbm>> -> memref<1x1x50x40xi32, #tpu.memory_space<hbm>>
      %dma_wait3A_423 = tpu.memref_squeeze %dma_wait3A_422 : memref<1x1x50x40xi32, #tpu.memory_space<hbm>> -> memref<50x40xi32, #tpu.memory_space<hbm>>
      %dma_wait3A_424 = arith.constant 0 : i32
      %dma_wait3A_425 = arith.constant 0 : i32
      %dma_wait3A_426 = tpu.memref_slice %arg5[%add3A, %run_scoped3A_247, %dma_wait3A_424, %dma_wait3A_425] : memref<32x5x50x40xi32, #tpu.memory_space<hbm>> -> memref<1x1x50x40xi32, #tpu.memory_space<hbm>>
      %dma_wait3A_427 = tpu.memref_squeeze %dma_wait3A_426 : memref<1x1x50x40xi32, #tpu.memory_space<hbm>> -> memref<50x40xi32, #tpu.memory_space<hbm>>
      tpu.wait_dma2 semaphore(%run_scoped3A_411 : memref<!tpu.dma_semaphore, #tpu.memory_space<semaphore_mem>>) src(%dma_wait3A_427 : memref<50x40xi32, #tpu.memory_space<hbm>>) dst(%arg9 : memref<50x40xi32, #tpu.memory_space<vmem>>)
      tpu.yield
    }) : () -> ()
    %mul3A_248 = arith.constant 10000 : i32
    %mul3A_249 = arith.muli %add3A, %mul3A_248 : i32
    %add3A_250 = arith.constant 4000 : i32
    %add3A_251 = arith.addi %mul3A_249, %add3A_250 : i32
    %dma_start3A_252 = arith.constant 0 : i32
    %dma_start3A_253 = tpu.memref_slice %arg2[%add3A_251, %dma_start3A_252] : memref<320000x128xf32, #tpu.memory_space<hbm>> -> memref<40x128xf32, #tpu.memory_space<hbm>>
    %dma_start3A_254 = arith.constant 0 : i32
    %dma_start3A_255 = tpu.memref_slice %arg2[%add3A_251, %dma_start3A_254] : memref<320000x128xf32, #tpu.memory_space<hbm>> -> memref<40x128xf32, #tpu.memory_space<hbm>>
    tpu.enqueue_dma source(%dma_start3A_255 : memref<40x128xf32, #tpu.memory_space<hbm>>) target(%arg10 : memref<40x128xf32, #tpu.memory_space<vmem>>) target_semaphore(%arg20 : memref<!tpu.dma_semaphore, #tpu.memory_space<semaphore_mem>>)
    %dma_start3A_256 = arith.constant 0 : i32
    %dma_start3A_257 = arith.constant 0 : i32
    %dma_start3A_258 = tpu.memref_slice %arg8[%dma_start3A_256, %dma_start3A_257] : memref<50x40xi32, #tpu.memory_space<vmem>> -> memref<1x40xi32, #tpu.memory_space<vmem>>
    %dma_start3A_259 = tpu.memref_squeeze %dma_start3A_258 : memref<1x40xi32, #tpu.memory_space<vmem>> -> memref<40xi32, #tpu.memory_space<vmem>>
    %dma_start3A_260 = arith.constant 0 : i32
    %dma_start3A_261 = arith.constant 0 : i32
    %dma_start3A_262 = tpu.memref_slice %arg3[%dma_start3A_260, %dma_start3A_261] : memref<10000x128xf32, #tpu.memory_space<hbm>> -> memref<10000x128xf32, #tpu.memory_space<hbm>>
    tpu.enqueue_indirect_dma source(%dma_start3A_262 : memref<10000x128xf32, #tpu.memory_space<hbm>>) target(%arg12 : memref<40x128xf32, #tpu.memory_space<vmem>>) offsets(%dma_start3A_259 : memref<40xi32, #tpu.memory_space<vmem>>) semaphore(%arg20 : memref<!tpu.dma_semaphore, #tpu.memory_space<semaphore_mem>>)
    %scan3A_263 = arith.constant 0 : i32
    %scan3A_264 = arith.constant 0 : i32
    %scan3A_265 = arith.constant 25 : i32
    %scan3A_266 = arith.addi %scan3A_264, %scan3A_265 : i32
    %scan3A_267 = arith.constant 1 : i32
    %scan3A_268 = scf.for %scan3A_411 = %scan3A_264 to %scan3A_266 step %scan3A_267 iter_args(%scan3A_412 = %scan3A_263) -> (i32)  : i32 {
      %mul3A_413 = arith.constant 2 : i32
      %mul3A_414 = arith.muli %mul3A_413, %scan3A_411 : i32
      %add3A_415 = arith.constant 1 : i32
      %add3A_416 = arith.addi %mul3A_414, %add3A_415 : i32
      %mul3A_417 = arith.constant 10000 : i32
      %mul3A_418 = arith.muli %add3A, %mul3A_417 : i32
      %add3A_419 = arith.constant 100 : i32
      %add3A_420 = arith.addi %add3A_419, %add3A_416 : i32
      %mul3A_421 = arith.constant 40 : i32
      %mul3A_422 = arith.muli %add3A_420, %mul3A_421 : i32
      %add3A_423 = arith.addi %mul3A_418, %mul3A_422 : i32
      %dma_start3A_424 = arith.constant 0 : i32
      %dma_start3A_425 = tpu.memref_slice %arg2[%add3A_423, %dma_start3A_424] : memref<320000x128xf32, #tpu.memory_space<hbm>> -> memref<40x128xf32, #tpu.memory_space<hbm>>
      %dma_start3A_426 = arith.constant 0 : i32
      %dma_start3A_427 = tpu.memref_slice %arg2[%add3A_423, %dma_start3A_426] : memref<320000x128xf32, #tpu.memory_space<hbm>> -> memref<40x128xf32, #tpu.memory_space<hbm>>
      tpu.enqueue_dma source(%dma_start3A_427 : memref<40x128xf32, #tpu.memory_space<hbm>>) target(%arg11 : memref<40x128xf32, #tpu.memory_space<vmem>>) target_semaphore(%arg21 : memref<!tpu.dma_semaphore, #tpu.memory_space<semaphore_mem>>)
      %dma_start3A_428 = arith.constant 0 : i32
      %dma_start3A_429 = tpu.memref_slice %arg8[%add3A_416, %dma_start3A_428] : memref<50x40xi32, #tpu.memory_space<vmem>> -> memref<1x40xi32, #tpu.memory_space<vmem>>
      %dma_start3A_430 = tpu.memref_squeeze %dma_start3A_429 : memref<1x40xi32, #tpu.memory_space<vmem>> -> memref<40xi32, #tpu.memory_space<vmem>>
      %dma_start3A_431 = arith.constant 0 : i32
      %dma_start3A_432 = arith.constant 0 : i32
      %dma_start3A_433 = tpu.memref_slice %arg3[%dma_start3A_431, %dma_start3A_432] : memref<10000x128xf32, #tpu.memory_space<hbm>> -> memref<10000x128xf32, #tpu.memory_space<hbm>>
      tpu.enqueue_indirect_dma source(%dma_start3A_433 : memref<10000x128xf32, #tpu.memory_space<hbm>>) target(%arg13 : memref<40x128xf32, #tpu.memory_space<vmem>>) offsets(%dma_start3A_430 : memref<40xi32, #tpu.memory_space<vmem>>) semaphore(%arg21 : memref<!tpu.dma_semaphore, #tpu.memory_space<semaphore_mem>>)
      %mul3A_434 = arith.constant 2 : i32
      %mul3A_435 = arith.muli %mul3A_434, %scan3A_411 : i32
      %dma_wait3A_436 = arith.constant 0 : i32
      %dma_wait3A_437 = arith.constant 0 : i32
      %dma_wait3A_438 = tpu.memref_slice %arg2[%dma_wait3A_436, %dma_wait3A_437] : memref<320000x128xf32, #tpu.memory_space<hbm>> -> memref<40x128xf32, #tpu.memory_space<hbm>>
      %dma_wait3A_439 = arith.constant 0 : i32
      %dma_wait3A_440 = arith.constant 0 : i32
      %dma_wait3A_441 = tpu.memref_slice %arg2[%dma_wait3A_439, %dma_wait3A_440] : memref<320000x128xf32, #tpu.memory_space<hbm>> -> memref<40x128xf32, #tpu.memory_space<hbm>>
      tpu.wait_dma2 semaphore(%arg20 : memref<!tpu.dma_semaphore, #tpu.memory_space<semaphore_mem>>) src(%dma_wait3A_441 : memref<40x128xf32, #tpu.memory_space<hbm>>) dst(%arg10 : memref<40x128xf32, #tpu.memory_space<vmem>>)
      %dma_wait3A_442 = arith.constant 0 : i32
      %dma_wait3A_443 = arith.constant 0 : i32
      %dma_wait3A_444 = tpu.memref_slice %arg8[%dma_wait3A_442, %dma_wait3A_443] : memref<50x40xi32, #tpu.memory_space<vmem>> -> memref<1x40xi32, #tpu.memory_space<vmem>>
      %dma_wait3A_445 = tpu.memref_squeeze %dma_wait3A_444 : memref<1x40xi32, #tpu.memory_space<vmem>> -> memref<40xi32, #tpu.memory_space<vmem>>
      %dma_wait3A_446 = arith.constant 0 : i32
      %dma_wait3A_447 = arith.constant 0 : i32
      %dma_wait3A_448 = tpu.memref_slice %arg3[%dma_wait3A_446, %dma_wait3A_447] : memref<10000x128xf32, #tpu.memory_space<hbm>> -> memref<10000x128xf32, #tpu.memory_space<hbm>>
      tpu.wait_indirect_dma semaphore(%arg20 : memref<!tpu.dma_semaphore, #tpu.memory_space<semaphore_mem>>) src(%dma_wait3A_448 : memref<10000x128xf32, #tpu.memory_space<hbm>>) dst(%arg12 : memref<40x128xf32, #tpu.memory_space<vmem>>)
      %gt3A = arith.constant 0 : i32
      %gt3A_449 = arith.cmpi sgt, %scan3A_411, %gt3A : i32
      %convert_element_type3A = arith.extui %gt3A_449 : i1 to i32
      %cond3A = arith.constant 0 : i32
      %cond3A_450 = arith.cmpi ne, %convert_element_type3A, %cond3A : i32
      scf.if %cond3A_450 {
        %dma_wait3A_516 = arith.constant 0 : i32
        %dma_wait3A_517 = arith.constant 0 : i32
        %dma_wait3A_518 = tpu.memref_slice %arg9[%dma_wait3A_516, %dma_wait3A_517] : memref<50x40xi32, #tpu.memory_space<vmem>> -> memref<1x40xi32, #tpu.memory_space<vmem>>
        %dma_wait3A_519 = tpu.memref_squeeze %dma_wait3A_518 : memref<1x40xi32, #tpu.memory_space<vmem>> -> memref<40xi32, #tpu.memory_space<vmem>>
        %dma_wait3A_520 = arith.constant 0 : i32
        %dma_wait3A_521 = arith.constant 0 : i32
        %dma_wait3A_522 = tpu.memref_slice %arg18[%dma_wait3A_520, %dma_wait3A_521] : memref<10240x128xf32, #tpu.memory_space<vmem_shared>> -> memref<10240x128xf32, #tpu.memory_space<vmem_shared>>
        tpu.wait_indirect_dma semaphore(%arg22 : memref<!tpu.dma_semaphore, #tpu.memory_space<semaphore_mem>>) src(%arg14 : memref<40x128xf32, #tpu.memory_space<vmem>>) dst(%dma_wait3A_522 : memref<10240x128xf32, #tpu.memory_space<vmem_shared>>)
        %dma_wait3A_523 = arith.constant 0 : i32
        %dma_wait3A_524 = arith.constant 0 : i32
        %dma_wait3A_525 = tpu.memref_slice %arg9[%dma_wait3A_523, %dma_wait3A_524] : memref<50x40xi32, #tpu.memory_space<vmem>> -> memref<1x40xi32, #tpu.memory_space<vmem>>
        %dma_wait3A_526 = tpu.memref_squeeze %dma_wait3A_525 : memref<1x40xi32, #tpu.memory_space<vmem>> -> memref<40xi32, #tpu.memory_space<vmem>>
        %dma_wait3A_527 = arith.constant 0 : i32
        %dma_wait3A_528 = arith.constant 0 : i32
        %dma_wait3A_529 = tpu.memref_slice %arg19[%dma_wait3A_527, %dma_wait3A_528] : memref<10240x16xf32, #tpu.memory_space<vmem_shared>> -> memref<10240x16xf32, #tpu.memory_space<vmem_shared>>
        tpu.wait_indirect_dma semaphore(%arg22 : memref<!tpu.dma_semaphore, #tpu.memory_space<semaphore_mem>>) src(%arg16 : memref<40x16xf32, #tpu.memory_space<vmem>>) dst(%dma_wait3A_529 : memref<10240x16xf32, #tpu.memory_space<vmem_shared>>)
      } else {
      }
      %scan3A_451 = arith.constant 0 : i32
      %scan3A_452 = arith.constant 0 : i32
      %scan3A_453 = arith.constant 40 : i32
      %scan3A_454 = arith.addi %scan3A_452, %scan3A_453 : i32
      %scan3A_455 = arith.constant 1 : i32
      %scan3A_456 = scf.for %scan3A_516 = %scan3A_452 to %scan3A_454 step %scan3A_455 iter_args(%scan3A_517 = %scan3A_451) -> (i32)  : i32 {
        %get3A = arith.index_cast %scan3A_516 : i32 to index
        %get3A_518 = arith.constant 0 : index
        %get3A_519 = tpu.vector_load %arg12[%get3A, %get3A_518] {strides = array<i32>} : memref<40x128xf32, #tpu.memory_space<vmem>>, vector<1x16xf32>,
        %get3A_520 = vector.shape_cast %get3A_519 : vector<1x16xf32> to vector<16xf32>
        %get3A_521 = arith.index_cast %scan3A_516 : i32 to index
        %get3A_522 = arith.constant 0 : index
        %get3A_523 = tpu.vector_load %arg10[%get3A_521, %get3A_522] {strides = array<i32>} : memref<40x128xf32, #tpu.memory_space<vmem>>, vector<1x16xf32>,
        %get3A_524 = vector.shape_cast %get3A_523 : vector<1x16xf32> to vector<16xf32>
        %add3A_525 = arith.addf %get3A_520, %get3A_524 : vector<16xf32>
        %max3A = arith.constant 0.000000e+00 : f32
        %max3A_526 = vector.broadcast %max3A : f32 to vector<16xf32>
        %max3A_527 = arith.maximumf %add3A_525, %max3A_526 : vector<16xf32>
        %swap3A = arith.index_cast %scan3A_516 : i32 to index
        %swap3A_528 = arith.constant 0 : index
        %swap3A_529 = tpu.vector_load %arg14[%swap3A, %swap3A_528] {strides = array<i32>} : memref<40x128xf32, #tpu.memory_space<vmem>>, vector<1x16xf32>,
        %swap3A_530 = vector.shape_cast %swap3A_529 : vector<1x16xf32> to vector<16xf32>
        %swap3A_531 = vector.shape_cast %max3A_527 : vector<16xf32> to vector<1x16xf32>
        tpu.vector_store %arg14[%swap3A, %swap3A_528], %swap3A_531 {strides = array<i32>} : memref<40x128xf32, #tpu.memory_space<vmem>>, vector<1x16xf32>,
        %get3A_532 = arith.index_cast %scan3A_516 : i32 to index
        %get3A_533 = arith.constant 16 : index
        %get3A_534 = tpu.vector_load %arg12[%get3A_532, %get3A_533] {strides = array<i32>} : memref<40x128xf32, #tpu.memory_space<vmem>>, vector<1x16xf32>,
        %get3A_535 = vector.shape_cast %get3A_534 : vector<1x16xf32> to vector<16xf32>
        %get3A_536 = arith.index_cast %scan3A_516 : i32 to index
        %get3A_537 = arith.constant 16 : index
        %get3A_538 = tpu.vector_load %arg10[%get3A_536, %get3A_537] {strides = array<i32>} : memref<40x128xf32, #tpu.memory_space<vmem>>, vector<1x16xf32>,
        %get3A_539 = vector.shape_cast %get3A_538 : vector<1x16xf32> to vector<16xf32>
        %add3A_540 = arith.addf %get3A_535, %get3A_539 : vector<16xf32>
        %max3A_541 = arith.constant 0.000000e+00 : f32
        %max3A_542 = vector.broadcast %max3A_541 : f32 to vector<16xf32>
        %max3A_543 = arith.maximumf %add3A_540, %max3A_542 : vector<16xf32>
        %swap3A_544 = arith.index_cast %scan3A_516 : i32 to index
        %swap3A_545 = arith.constant 16 : index
        %swap3A_546 = tpu.vector_load %arg14[%swap3A_544, %swap3A_545] {strides = array<i32>} : memref<40x128xf32, #tpu.memory_space<vmem>>, vector<1x16xf32>,
        %swap3A_547 = vector.shape_cast %swap3A_546 : vector<1x16xf32> to vector<16xf32>
        %swap3A_548 = vector.shape_cast %max3A_543 : vector<16xf32> to vector<1x16xf32>
        tpu.vector_store %arg14[%swap3A_544, %swap3A_545], %swap3A_548 {strides = array<i32>} : memref<40x128xf32, #tpu.memory_space<vmem>>, vector<1x16xf32>,
        %get3A_549 = arith.index_cast %scan3A_516 : i32 to index
        %get3A_550 = arith.constant 32 : index
        %get3A_551 = tpu.vector_load %arg12[%get3A_549, %get3A_550] {strides = array<i32>} : memref<40x128xf32, #tpu.memory_space<vmem>>, vector<1x16xf32>,
        %get3A_552 = vector.shape_cast %get3A_551 : vector<1x16xf32> to vector<16xf32>
        %get3A_553 = arith.index_cast %scan3A_516 : i32 to index
        %get3A_554 = arith.constant 32 : index
        %get3A_555 = tpu.vector_load %arg10[%get3A_553, %get3A_554] {strides = array<i32>} : memref<40x128xf32, #tpu.memory_space<vmem>>, vector<1x16xf32>,
        %get3A_556 = vector.shape_cast %get3A_555 : vector<1x16xf32> to vector<16xf32>
        %add3A_557 = arith.addf %get3A_552, %get3A_556 : vector<16xf32>
        %max3A_558 = arith.constant 0.000000e+00 : f32
        %max3A_559 = vector.broadcast %max3A_558 : f32 to vector<16xf32>
        %max3A_560 = arith.maximumf %add3A_557, %max3A_559 : vector<16xf32>
        %swap3A_561 = arith.index_cast %scan3A_516 : i32 to index
        %swap3A_562 = arith.constant 32 : index
        %swap3A_563 = tpu.vector_load %arg14[%swap3A_561, %swap3A_562] {strides = array<i32>} : memref<40x128xf32, #tpu.memory_space<vmem>>, vector<1x16xf32>,
        %swap3A_564 = vector.shape_cast %swap3A_563 : vector<1x16xf32> to vector<16xf32>
        %swap3A_565 = vector.shape_cast %max3A_560 : vector<16xf32> to vector<1x16xf32>
        tpu.vector_store %arg14[%swap3A_561, %swap3A_562], %swap3A_565 {strides = array<i32>} : memref<40x128xf32, #tpu.memory_space<vmem>>, vector<1x16xf32>,
        %get3A_566 = arith.index_cast %scan3A_516 : i32 to index
        %get3A_567 = arith.constant 48 : index
        %get3A_568 = tpu.vector_load %arg12[%get3A_566, %get3A_567] {strides = array<i32>} : memref<40x128xf32, #tpu.memory_space<vmem>>, vector<1x16xf32>,
        %get3A_569 = vector.shape_cast %get3A_568 : vector<1x16xf32> to vector<16xf32>
        %get3A_570 = arith.index_cast %scan3A_516 : i32 to index
        %get3A_571 = arith.constant 48 : index
        %get3A_572 = tpu.vector_load %arg10[%get3A_570, %get3A_571] {strides = array<i32>} : memref<40x128xf32, #tpu.memory_space<vmem>>, vector<1x16xf32>,
        %get3A_573 = vector.shape_cast %get3A_572 : vector<1x16xf32> to vector<16xf32>
        %add3A_574 = arith.addf %get3A_569, %get3A_573 : vector<16xf32>
        %max3A_575 = arith.constant 0.000000e+00 : f32
        %max3A_576 = vector.broadcast %max3A_575 : f32 to vector<16xf32>
        %max3A_577 = arith.maximumf %add3A_574, %max3A_576 : vector<16xf32>
        %swap3A_578 = arith.index_cast %scan3A_516 : i32 to index
        %swap3A_579 = arith.constant 48 : index
        %swap3A_580 = tpu.vector_load %arg14[%swap3A_578, %swap3A_579] {strides = array<i32>} : memref<40x128xf32, #tpu.memory_space<vmem>>, vector<1x16xf32>,
        %swap3A_581 = vector.shape_cast %swap3A_580 : vector<1x16xf32> to vector<16xf32>
        %swap3A_582 = vector.shape_cast %max3A_577 : vector<16xf32> to vector<1x16xf32>
        tpu.vector_store %arg14[%swap3A_578, %swap3A_579], %swap3A_582 {strides = array<i32>} : memref<40x128xf32, #tpu.memory_space<vmem>>, vector<1x16xf32>,
        %get3A_583 = arith.index_cast %scan3A_516 : i32 to index
        %get3A_584 = arith.constant 64 : index
        %get3A_585 = tpu.vector_load %arg12[%get3A_583, %get3A_584] {strides = array<i32>} : memref<40x128xf32, #tpu.memory_space<vmem>>, vector<1x16xf32>,
        %get3A_586 = vector.shape_cast %get3A_585 : vector<1x16xf32> to vector<16xf32>
        %get3A_587 = arith.index_cast %scan3A_516 : i32 to index
        %get3A_588 = arith.constant 64 : index
        %get3A_589 = tpu.vector_load %arg10[%get3A_587, %get3A_588] {strides = array<i32>} : memref<40x128xf32, #tpu.memory_space<vmem>>, vector<1x16xf32>,
        %get3A_590 = vector.shape_cast %get3A_589 : vector<1x16xf32> to vector<16xf32>
        %add3A_591 = arith.addf %get3A_586, %get3A_590 : vector<16xf32>
        %max3A_592 = arith.constant 0.000000e+00 : f32
        %max3A_593 = vector.broadcast %max3A_592 : f32 to vector<16xf32>
        %max3A_594 = arith.maximumf %add3A_591, %max3A_593 : vector<16xf32>
        %swap3A_595 = arith.index_cast %scan3A_516 : i32 to index
        %swap3A_596 = arith.constant 64 : index
        %swap3A_597 = tpu.vector_load %arg14[%swap3A_595, %swap3A_596] {strides = array<i32>} : memref<40x128xf32, #tpu.memory_space<vmem>>, vector<1x16xf32>,
        %swap3A_598 = vector.shape_cast %swap3A_597 : vector<1x16xf32> to vector<16xf32>
        %swap3A_599 = vector.shape_cast %max3A_594 : vector<16xf32> to vector<1x16xf32>
        tpu.vector_store %arg14[%swap3A_595, %swap3A_596], %swap3A_599 {strides = array<i32>} : memref<40x128xf32, #tpu.memory_space<vmem>>, vector<1x16xf32>,
        %get3A_600 = arith.index_cast %scan3A_516 : i32 to index
        %get3A_601 = arith.constant 80 : index
        %get3A_602 = tpu.vector_load %arg12[%get3A_600, %get3A_601] {strides = array<i32>} : memref<40x128xf32, #tpu.memory_space<vmem>>, vector<1x16xf32>,
        %get3A_603 = vector.shape_cast %get3A_602 : vector<1x16xf32> to vector<16xf32>
        %get3A_604 = arith.index_cast %scan3A_516 : i32 to index
        %get3A_605 = arith.constant 80 : index
        %get3A_606 = tpu.vector_load %arg10[%get3A_604, %get3A_605] {strides = array<i32>} : memref<40x128xf32, #tpu.memory_space<vmem>>, vector<1x16xf32>,
        %get3A_607 = vector.shape_cast %get3A_606 : vector<1x16xf32> to vector<16xf32>
        %add3A_608 = arith.addf %get3A_603, %get3A_607 : vector<16xf32>
        %max3A_609 = arith.constant 0.000000e+00 : f32
        %max3A_610 = vector.broadcast %max3A_609 : f32 to vector<16xf32>
        %max3A_611 = arith.maximumf %add3A_608, %max3A_610 : vector<16xf32>
        %swap3A_612 = arith.index_cast %scan3A_516 : i32 to index
        %swap3A_613 = arith.constant 80 : index
        %swap3A_614 = tpu.vector_load %arg14[%swap3A_612, %swap3A_613] {strides = array<i32>} : memref<40x128xf32, #tpu.memory_space<vmem>>, vector<1x16xf32>,
        %swap3A_615 = vector.shape_cast %swap3A_614 : vector<1x16xf32> to vector<16xf32>
        %swap3A_616 = vector.shape_cast %max3A_611 : vector<16xf32> to vector<1x16xf32>
        tpu.vector_store %arg14[%swap3A_612, %swap3A_613], %swap3A_616 {strides = array<i32>} : memref<40x128xf32, #tpu.memory_space<vmem>>, vector<1x16xf32>,
        %get3A_617 = arith.index_cast %scan3A_516 : i32 to index
        %get3A_618 = arith.constant 96 : index
        %get3A_619 = tpu.vector_load %arg12[%get3A_617, %get3A_618] {strides = array<i32>} : memref<40x128xf32, #tpu.memory_space<vmem>>, vector<1x16xf32>,
        %get3A_620 = vector.shape_cast %get3A_619 : vector<1x16xf32> to vector<16xf32>
        %get3A_621 = arith.index_cast %scan3A_516 : i32 to index
        %get3A_622 = arith.constant 96 : index
        %get3A_623 = tpu.vector_load %arg10[%get3A_621, %get3A_622] {strides = array<i32>} : memref<40x128xf32, #tpu.memory_space<vmem>>, vector<1x16xf32>,
        %get3A_624 = vector.shape_cast %get3A_623 : vector<1x16xf32> to vector<16xf32>
        %add3A_625 = arith.addf %get3A_620, %get3A_624 : vector<16xf32>
        %max3A_626 = arith.constant 0.000000e+00 : f32
        %max3A_627 = vector.broadcast %max3A_626 : f32 to vector<16xf32>
        %max3A_628 = arith.maximumf %add3A_625, %max3A_627 : vector<16xf32>
        %swap3A_629 = arith.index_cast %scan3A_516 : i32 to index
        %swap3A_630 = arith.constant 96 : index
        %swap3A_631 = tpu.vector_load %arg14[%swap3A_629, %swap3A_630] {strides = array<i32>} : memref<40x128xf32, #tpu.memory_space<vmem>>, vector<1x16xf32>,
        %swap3A_632 = vector.shape_cast %swap3A_631 : vector<1x16xf32> to vector<16xf32>
        %swap3A_633 = vector.shape_cast %max3A_628 : vector<16xf32> to vector<1x16xf32>
        tpu.vector_store %arg14[%swap3A_629, %swap3A_630], %swap3A_633 {strides = array<i32>} : memref<40x128xf32, #tpu.memory_space<vmem>>, vector<1x16xf32>,
        %get3A_634 = arith.index_cast %scan3A_516 : i32 to index
        %get3A_635 = arith.constant 112 : index
        %get3A_636 = tpu.vector_load %arg12[%get3A_634, %get3A_635] {strides = array<i32>} : memref<40x128xf32, #tpu.memory_space<vmem>>, vector<1x16xf32>,
        %get3A_637 = vector.shape_cast %get3A_636 : vector<1x16xf32> to vector<16xf32>
        %get3A_638 = arith.index_cast %scan3A_516 : i32 to index
        %get3A_639 = arith.constant 112 : index
        %get3A_640 = tpu.vector_load %arg10[%get3A_638, %get3A_639] {strides = array<i32>} : memref<40x128xf32, #tpu.memory_space<vmem>>, vector<1x16xf32>,
        %get3A_641 = vector.shape_cast %get3A_640 : vector<1x16xf32> to vector<16xf32>
        %add3A_642 = arith.addf %get3A_637, %get3A_641 : vector<16xf32>
        %max3A_643 = arith.constant 0.000000e+00 : f32
        %max3A_644 = vector.broadcast %max3A_643 : f32 to vector<16xf32>
        %max3A_645 = arith.maximumf %add3A_642, %max3A_644 : vector<16xf32>
        %swap3A_646 = arith.index_cast %scan3A_516 : i32 to index
        %swap3A_647 = arith.constant 112 : index
        %swap3A_648 = tpu.vector_load %arg14[%swap3A_646, %swap3A_647] {strides = array<i32>} : memref<40x128xf32, #tpu.memory_space<vmem>>, vector<1x16xf32>,
        %swap3A_649 = vector.shape_cast %swap3A_648 : vector<1x16xf32> to vector<16xf32>
        %swap3A_650 = vector.shape_cast %max3A_645 : vector<16xf32> to vector<1x16xf32>
        tpu.vector_store %arg14[%swap3A_646, %swap3A_647], %swap3A_650 {strides = array<i32>} : memref<40x128xf32, #tpu.memory_space<vmem>>, vector<1x16xf32>,
        %scan3A_651 = arith.constant 0 : i32
        scf.yield %scan3A_651 : i32
      }
      %scan3A_457 = arith.constant 40 : i32
      %dma_start3A_458 = arith.constant 0 : i32
      %dma_start3A_459 = tpu.memref_slice %arg9[%mul3A_435, %dma_start3A_458] : memref<50x40xi32, #tpu.memory_space<vmem>> -> memref<1x40xi32, #tpu.memory_space<vmem>>
      %dma_start3A_460 = tpu.memref_squeeze %dma_start3A_459 : memref<1x40xi32, #tpu.memory_space<vmem>> -> memref<40xi32, #tpu.memory_space<vmem>>
      %dma_start3A_461 = arith.constant 0 : i32
      %dma_start3A_462 = arith.constant 0 : i32
      %dma_start3A_463 = tpu.memref_slice %arg18[%dma_start3A_461, %dma_start3A_462] : memref<10240x128xf32, #tpu.memory_space<vmem_shared>> -> memref<10240x128xf32, #tpu.memory_space<vmem_shared>>
      tpu.enqueue_indirect_dma source(%arg14 : memref<40x128xf32, #tpu.memory_space<vmem>>) target(%dma_start3A_463 : memref<10240x128xf32, #tpu.memory_space<vmem_shared>>) offsets(%dma_start3A_460 : memref<40xi32, #tpu.memory_space<vmem>>) semaphore(%arg22 : memref<!tpu.dma_semaphore, #tpu.memory_space<semaphore_mem>>) {add = true}
      %dma_start3A_464 = arith.constant 0 : i32
      %dma_start3A_465 = tpu.memref_slice %arg9[%mul3A_435, %dma_start3A_464] : memref<50x40xi32, #tpu.memory_space<vmem>> -> memref<1x40xi32, #tpu.memory_space<vmem>>
      %dma_start3A_466 = tpu.memref_squeeze %dma_start3A_465 : memref<1x40xi32, #tpu.memory_space<vmem>> -> memref<40xi32, #tpu.memory_space<vmem>>
      %dma_start3A_467 = arith.constant 0 : i32
      %dma_start3A_468 = arith.constant 0 : i32
      %dma_start3A_469 = tpu.memref_slice %arg19[%dma_start3A_467, %dma_start3A_468] : memref<10240x16xf32, #tpu.memory_space<vmem_shared>> -> memref<10240x16xf32, #tpu.memory_space<vmem_shared>>
      tpu.enqueue_indirect_dma source(%arg16 : memref<40x16xf32, #tpu.memory_space<vmem>>) target(%dma_start3A_469 : memref<10240x16xf32, #tpu.memory_space<vmem_shared>>) offsets(%dma_start3A_466 : memref<40xi32, #tpu.memory_space<vmem>>) semaphore(%arg22 : memref<!tpu.dma_semaphore, #tpu.memory_space<semaphore_mem>>) {add = true}
      %lt3A = arith.constant 24 : i32
      %lt3A_470 = arith.cmpi slt, %scan3A_411, %lt3A : i32
      %convert_element_type3A_471 = arith.extui %lt3A_470 : i1 to i32
      %cond3A_472 = arith.constant 0 : i32
      %cond3A_473 = arith.cmpi ne, %convert_element_type3A_471, %cond3A_472 : i32
      scf.if %cond3A_473 {
        %mul3A_516 = arith.constant 2 : i32
        %mul3A_517 = arith.muli %mul3A_516, %scan3A_411 : i32
        %add3A_518 = arith.constant 2 : i32
        %add3A_519 = arith.addi %mul3A_517, %add3A_518 : i32
        %mul3A_520 = arith.constant 10000 : i32
        %mul3A_521 = arith.muli %add3A, %mul3A_520 : i32
        %add3A_522 = arith.constant 100 : i32
        %add3A_523 = arith.addi %add3A_522, %add3A_519 : i32
        %mul3A_524 = arith.constant 40 : i32
        %mul3A_525 = arith.muli %add3A_523, %mul3A_524 : i32
        %add3A_526 = arith.addi %mul3A_521, %mul3A_525 : i32
        %dma_start3A_527 = arith.constant 0 : i32
        %dma_start3A_528 = tpu.memref_slice %arg2[%add3A_526, %dma_start3A_527] : memref<320000x128xf32, #tpu.memory_space<hbm>> -> memref<40x128xf32, #tpu.memory_space<hbm>>
        %dma_start3A_529 = arith.constant 0 : i32
        %dma_start3A_530 = tpu.memref_slice %arg2[%add3A_526, %dma_start3A_529] : memref<320000x128xf32, #tpu.memory_space<hbm>> -> memref<40x128xf32, #tpu.memory_space<hbm>>
        tpu.enqueue_dma source(%dma_start3A_530 : memref<40x128xf32, #tpu.memory_space<hbm>>) target(%arg10 : memref<40x128xf32, #tpu.memory_space<vmem>>) target_semaphore(%arg20 : memref<!tpu.dma_semaphore, #tpu.memory_space<semaphore_mem>>)
        %dma_start3A_531 = arith.constant 0 : i32
        %dma_start3A_532 = tpu.memref_slice %arg8[%add3A_519, %dma_start3A_531] : memref<50x40xi32, #tpu.memory_space<vmem>> -> memref<1x40xi32, #tpu.memory_space<vmem>>
        %dma_start3A_533 = tpu.memref_squeeze %dma_start3A_532 : memref<1x40xi32, #tpu.memory_space<vmem>> -> memref<40xi32, #tpu.memory_space<vmem>>
        %dma_start3A_534 = arith.constant 0 : i32
        %dma_start3A_535 = arith.constant 0 : i32
        %dma_start3A_536 = tpu.memref_slice %arg3[%dma_start3A_534, %dma_start3A_535] : memref<10000x128xf32, #tpu.memory_space<hbm>> -> memref<10000x128xf32, #tpu.memory_space<hbm>>
        tpu.enqueue_indirect_dma source(%dma_start3A_536 : memref<10000x128xf32, #tpu.memory_space<hbm>>) target(%arg12 : memref<40x128xf32, #tpu.memory_space<vmem>>) offsets(%dma_start3A_533 : memref<40xi32, #tpu.memory_space<vmem>>) semaphore(%arg20 : memref<!tpu.dma_semaphore, #tpu.memory_space<semaphore_mem>>)
      } else {
      }
      %mul3A_474 = arith.constant 2 : i32
      %mul3A_475 = arith.muli %mul3A_474, %scan3A_411 : i32
      %add3A_476 = arith.constant 1 : i32
      %add3A_477 = arith.addi %mul3A_475, %add3A_476 : i32
      %dma_wait3A_478 = arith.constant 0 : i32
      %dma_wait3A_479 = arith.constant 0 : i32
      %dma_wait3A_480 = tpu.memref_slice %arg2[%dma_wait3A_478, %dma_wait3A_479] : memref<320000x128xf32, #tpu.memory_space<hbm>> -> memref<40x128xf32, #tpu.memory_space<hbm>>
      %dma_wait3A_481 = arith.constant 0 : i32
      %dma_wait3A_482 = arith.constant 0 : i32
      %dma_wait3A_483 = tpu.memref_slice %arg2[%dma_wait3A_481, %dma_wait3A_482] : memref<320000x128xf32, #tpu.memory_space<hbm>> -> memref<40x128xf32, #tpu.memory_space<hbm>>
      tpu.wait_dma2 semaphore(%arg21 : memref<!tpu.dma_semaphore, #tpu.memory_space<semaphore_mem>>) src(%dma_wait3A_483 : memref<40x128xf32, #tpu.memory_space<hbm>>) dst(%arg11 : memref<40x128xf32, #tpu.memory_space<vmem>>)
      %dma_wait3A_484 = arith.constant 0 : i32
      %dma_wait3A_485 = arith.constant 0 : i32
      %dma_wait3A_486 = tpu.memref_slice %arg8[%dma_wait3A_484, %dma_wait3A_485] : memref<50x40xi32, #tpu.memory_space<vmem>> -> memref<1x40xi32, #tpu.memory_space<vmem>>
      %dma_wait3A_487 = tpu.memref_squeeze %dma_wait3A_486 : memref<1x40xi32, #tpu.memory_space<vmem>> -> memref<40xi32, #tpu.memory_space<vmem>>
      %dma_wait3A_488 = arith.constant 0 : i32
      %dma_wait3A_489 = arith.constant 0 : i32
      %dma_wait3A_490 = tpu.memref_slice %arg3[%dma_wait3A_488, %dma_wait3A_489] : memref<10000x128xf32, #tpu.memory_space<hbm>> -> memref<10000x128xf32, #tpu.memory_space<hbm>>
      tpu.wait_indirect_dma semaphore(%arg21 : memref<!tpu.dma_semaphore, #tpu.memory_space<semaphore_mem>>) src(%dma_wait3A_490 : memref<10000x128xf32, #tpu.memory_space<hbm>>) dst(%arg13 : memref<40x128xf32, #tpu.memory_space<vmem>>)
      %gt3A_491 = arith.constant 0 : i32
      %gt3A_492 = arith.cmpi sgt, %scan3A_411, %gt3A_491 : i32
      %convert_element_type3A_493 = arith.extui %gt3A_492 : i1 to i32
      %cond3A_494 = arith.constant 0 : i32
      %cond3A_495 = arith.cmpi ne, %convert_element_type3A_493, %cond3A_494 : i32
      scf.if %cond3A_495 {
        %dma_wait3A_516 = arith.constant 0 : i32
        %dma_wait3A_517 = arith.constant 0 : i32
        %dma_wait3A_518 = tpu.memref_slice %arg9[%dma_wait3A_516, %dma_wait3A_517] : memref<50x40xi32, #tpu.memory_space<vmem>> -> memref<1x40xi32, #tpu.memory_space<vmem>>
        %dma_wait3A_519 = tpu.memref_squeeze %dma_wait3A_518 : memref<1x40xi32, #tpu.memory_space<vmem>> -> memref<40xi32, #tpu.memory_space<vmem>>
        %dma_wait3A_520 = arith.constant 0 : i32
        %dma_wait3A_521 = arith.constant 0 : i32
        %dma_wait3A_522 = tpu.memref_slice %arg18[%dma_wait3A_520, %dma_wait3A_521] : memref<10240x128xf32, #tpu.memory_space<vmem_shared>> -> memref<10240x128xf32, #tpu.memory_space<vmem_shared>>
        tpu.wait_indirect_dma semaphore(%arg23 : memref<!tpu.dma_semaphore, #tpu.memory_space<semaphore_mem>>) src(%arg15 : memref<40x128xf32, #tpu.memory_space<vmem>>) dst(%dma_wait3A_522 : memref<10240x128xf32, #tpu.memory_space<vmem_shared>>)
        %dma_wait3A_523 = arith.constant 0 : i32
        %dma_wait3A_524 = arith.constant 0 : i32
        %dma_wait3A_525 = tpu.memref_slice %arg9[%dma_wait3A_523, %dma_wait3A_524] : memref<50x40xi32, #tpu.memory_space<vmem>> -> memref<1x40xi32, #tpu.memory_space<vmem>>
        %dma_wait3A_526 = tpu.memref_squeeze %dma_wait3A_525 : memref<1x40xi32, #tpu.memory_space<vmem>> -> memref<40xi32, #tpu.memory_space<vmem>>
        %dma_wait3A_527 = arith.constant 0 : i32
        %dma_wait3A_528 = arith.constant 0 : i32
        %dma_wait3A_529 = tpu.memref_slice %arg19[%dma_wait3A_527, %dma_wait3A_528] : memref<10240x16xf32, #tpu.memory_space<vmem_shared>> -> memref<10240x16xf32, #tpu.memory_space<vmem_shared>>
        tpu.wait_indirect_dma semaphore(%arg23 : memref<!tpu.dma_semaphore, #tpu.memory_space<semaphore_mem>>) src(%arg16 : memref<40x16xf32, #tpu.memory_space<vmem>>) dst(%dma_wait3A_529 : memref<10240x16xf32, #tpu.memory_space<vmem_shared>>)
      } else {
      }
      %scan3A_496 = arith.constant 0 : i32
      %scan3A_497 = arith.constant 0 : i32
      %scan3A_498 = arith.constant 40 : i32
      %scan3A_499 = arith.addi %scan3A_497, %scan3A_498 : i32
      %scan3A_500 = arith.constant 1 : i32
      %scan3A_501 = scf.for %scan3A_516 = %scan3A_497 to %scan3A_499 step %scan3A_500 iter_args(%scan3A_517 = %scan3A_496) -> (i32)  : i32 {
        %get3A = arith.index_cast %scan3A_516 : i32 to index
        %get3A_518 = arith.constant 0 : index
        %get3A_519 = tpu.vector_load %arg13[%get3A, %get3A_518] {strides = array<i32>} : memref<40x128xf32, #tpu.memory_space<vmem>>, vector<1x16xf32>,
        %get3A_520 = vector.shape_cast %get3A_519 : vector<1x16xf32> to vector<16xf32>
        %get3A_521 = arith.index_cast %scan3A_516 : i32 to index
        %get3A_522 = arith.constant 0 : index
        %get3A_523 = tpu.vector_load %arg11[%get3A_521, %get3A_522] {strides = array<i32>} : memref<40x128xf32, #tpu.memory_space<vmem>>, vector<1x16xf32>,
        %get3A_524 = vector.shape_cast %get3A_523 : vector<1x16xf32> to vector<16xf32>
        %add3A_525 = arith.addf %get3A_520, %get3A_524 : vector<16xf32>
        %max3A = arith.constant 0.000000e+00 : f32
        %max3A_526 = vector.broadcast %max3A : f32 to vector<16xf32>
        %max3A_527 = arith.maximumf %add3A_525, %max3A_526 : vector<16xf32>
        %swap3A = arith.index_cast %scan3A_516 : i32 to index
        %swap3A_528 = arith.constant 0 : index
        %swap3A_529 = tpu.vector_load %arg15[%swap3A, %swap3A_528] {strides = array<i32>} : memref<40x128xf32, #tpu.memory_space<vmem>>, vector<1x16xf32>,
        %swap3A_530 = vector.shape_cast %swap3A_529 : vector<1x16xf32> to vector<16xf32>
        %swap3A_531 = vector.shape_cast %max3A_527 : vector<16xf32> to vector<1x16xf32>
        tpu.vector_store %arg15[%swap3A, %swap3A_528], %swap3A_531 {strides = array<i32>} : memref<40x128xf32, #tpu.memory_space<vmem>>, vector<1x16xf32>,
        %get3A_532 = arith.index_cast %scan3A_516 : i32 to index
        %get3A_533 = arith.constant 16 : index
        %get3A_534 = tpu.vector_load %arg13[%get3A_532, %get3A_533] {strides = array<i32>} : memref<40x128xf32, #tpu.memory_space<vmem>>, vector<1x16xf32>,
        %get3A_535 = vector.shape_cast %get3A_534 : vector<1x16xf32> to vector<16xf32>
        %get3A_536 = arith.index_cast %scan3A_516 : i32 to index
        %get3A_537 = arith.constant 16 : index
        %get3A_538 = tpu.vector_load %arg11[%get3A_536, %get3A_537] {strides = array<i32>} : memref<40x128xf32, #tpu.memory_space<vmem>>, vector<1x16xf32>,
        %get3A_539 = vector.shape_cast %get3A_538 : vector<1x16xf32> to vector<16xf32>
        %add3A_540 = arith.addf %get3A_535, %get3A_539 : vector<16xf32>
        %max3A_541 = arith.constant 0.000000e+00 : f32
        %max3A_542 = vector.broadcast %max3A_541 : f32 to vector<16xf32>
        %max3A_543 = arith.maximumf %add3A_540, %max3A_542 : vector<16xf32>
        %swap3A_544 = arith.index_cast %scan3A_516 : i32 to index
        %swap3A_545 = arith.constant 16 : index
        %swap3A_546 = tpu.vector_load %arg15[%swap3A_544, %swap3A_545] {strides = array<i32>} : memref<40x128xf32, #tpu.memory_space<vmem>>, vector<1x16xf32>,
        %swap3A_547 = vector.shape_cast %swap3A_546 : vector<1x16xf32> to vector<16xf32>
        %swap3A_548 = vector.shape_cast %max3A_543 : vector<16xf32> to vector<1x16xf32>
        tpu.vector_store %arg15[%swap3A_544, %swap3A_545], %swap3A_548 {strides = array<i32>} : memref<40x128xf32, #tpu.memory_space<vmem>>, vector<1x16xf32>,
        %get3A_549 = arith.index_cast %scan3A_516 : i32 to index
        %get3A_550 = arith.constant 32 : index
        %get3A_551 = tpu.vector_load %arg13[%get3A_549, %get3A_550] {strides = array<i32>} : memref<40x128xf32, #tpu.memory_space<vmem>>, vector<1x16xf32>,
        %get3A_552 = vector.shape_cast %get3A_551 : vector<1x16xf32> to vector<16xf32>
        %get3A_553 = arith.index_cast %scan3A_516 : i32 to index
        %get3A_554 = arith.constant 32 : index
        %get3A_555 = tpu.vector_load %arg11[%get3A_553, %get3A_554] {strides = array<i32>} : memref<40x128xf32, #tpu.memory_space<vmem>>, vector<1x16xf32>,
        %get3A_556 = vector.shape_cast %get3A_555 : vector<1x16xf32> to vector<16xf32>
        %add3A_557 = arith.addf %get3A_552, %get3A_556 : vector<16xf32>
        %max3A_558 = arith.constant 0.000000e+00 : f32
        %max3A_559 = vector.broadcast %max3A_558 : f32 to vector<16xf32>
        %max3A_560 = arith.maximumf %add3A_557, %max3A_559 : vector<16xf32>
        %swap3A_561 = arith.index_cast %scan3A_516 : i32 to index
        %swap3A_562 = arith.constant 32 : index
        %swap3A_563 = tpu.vector_load %arg15[%swap3A_561, %swap3A_562] {strides = array<i32>} : memref<40x128xf32, #tpu.memory_space<vmem>>, vector<1x16xf32>,
        %swap3A_564 = vector.shape_cast %swap3A_563 : vector<1x16xf32> to vector<16xf32>
        %swap3A_565 = vector.shape_cast %max3A_560 : vector<16xf32> to vector<1x16xf32>
        tpu.vector_store %arg15[%swap3A_561, %swap3A_562], %swap3A_565 {strides = array<i32>} : memref<40x128xf32, #tpu.memory_space<vmem>>, vector<1x16xf32>,
        %get3A_566 = arith.index_cast %scan3A_516 : i32 to index
        %get3A_567 = arith.constant 48 : index
        %get3A_568 = tpu.vector_load %arg13[%get3A_566, %get3A_567] {strides = array<i32>} : memref<40x128xf32, #tpu.memory_space<vmem>>, vector<1x16xf32>,
        %get3A_569 = vector.shape_cast %get3A_568 : vector<1x16xf32> to vector<16xf32>
        %get3A_570 = arith.index_cast %scan3A_516 : i32 to index
        %get3A_571 = arith.constant 48 : index
        %get3A_572 = tpu.vector_load %arg11[%get3A_570, %get3A_571] {strides = array<i32>} : memref<40x128xf32, #tpu.memory_space<vmem>>, vector<1x16xf32>,
        %get3A_573 = vector.shape_cast %get3A_572 : vector<1x16xf32> to vector<16xf32>
        %add3A_574 = arith.addf %get3A_569, %get3A_573 : vector<16xf32>
        %max3A_575 = arith.constant 0.000000e+00 : f32
        %max3A_576 = vector.broadcast %max3A_575 : f32 to vector<16xf32>
        %max3A_577 = arith.maximumf %add3A_574, %max3A_576 : vector<16xf32>
        %swap3A_578 = arith.index_cast %scan3A_516 : i32 to index
        %swap3A_579 = arith.constant 48 : index
        %swap3A_580 = tpu.vector_load %arg15[%swap3A_578, %swap3A_579] {strides = array<i32>} : memref<40x128xf32, #tpu.memory_space<vmem>>, vector<1x16xf32>,
        %swap3A_581 = vector.shape_cast %swap3A_580 : vector<1x16xf32> to vector<16xf32>
        %swap3A_582 = vector.shape_cast %max3A_577 : vector<16xf32> to vector<1x16xf32>
        tpu.vector_store %arg15[%swap3A_578, %swap3A_579], %swap3A_582 {strides = array<i32>} : memref<40x128xf32, #tpu.memory_space<vmem>>, vector<1x16xf32>,
        %get3A_583 = arith.index_cast %scan3A_516 : i32 to index
        %get3A_584 = arith.constant 64 : index
        %get3A_585 = tpu.vector_load %arg13[%get3A_583, %get3A_584] {strides = array<i32>} : memref<40x128xf32, #tpu.memory_space<vmem>>, vector<1x16xf32>,
        %get3A_586 = vector.shape_cast %get3A_585 : vector<1x16xf32> to vector<16xf32>
        %get3A_587 = arith.index_cast %scan3A_516 : i32 to index
        %get3A_588 = arith.constant 64 : index
        %get3A_589 = tpu.vector_load %arg11[%get3A_587, %get3A_588] {strides = array<i32>} : memref<40x128xf32, #tpu.memory_space<vmem>>, vector<1x16xf32>,
        %get3A_590 = vector.shape_cast %get3A_589 : vector<1x16xf32> to vector<16xf32>
        %add3A_591 = arith.addf %get3A_586, %get3A_590 : vector<16xf32>
        %max3A_592 = arith.constant 0.000000e+00 : f32
        %max3A_593 = vector.broadcast %max3A_592 : f32 to vector<16xf32>
        %max3A_594 = arith.maximumf %add3A_591, %max3A_593 : vector<16xf32>
        %swap3A_595 = arith.index_cast %scan3A_516 : i32 to index
        %swap3A_596 = arith.constant 64 : index
        %swap3A_597 = tpu.vector_load %arg15[%swap3A_595, %swap3A_596] {strides = array<i32>} : memref<40x128xf32, #tpu.memory_space<vmem>>, vector<1x16xf32>,
        %swap3A_598 = vector.shape_cast %swap3A_597 : vector<1x16xf32> to vector<16xf32>
        %swap3A_599 = vector.shape_cast %max3A_594 : vector<16xf32> to vector<1x16xf32>
        tpu.vector_store %arg15[%swap3A_595, %swap3A_596], %swap3A_599 {strides = array<i32>} : memref<40x128xf32, #tpu.memory_space<vmem>>, vector<1x16xf32>,
        %get3A_600 = arith.index_cast %scan3A_516 : i32 to index
        %get3A_601 = arith.constant 80 : index
        %get3A_602 = tpu.vector_load %arg13[%get3A_600, %get3A_601] {strides = array<i32>} : memref<40x128xf32, #tpu.memory_space<vmem>>, vector<1x16xf32>,
        %get3A_603 = vector.shape_cast %get3A_602 : vector<1x16xf32> to vector<16xf32>
        %get3A_604 = arith.index_cast %scan3A_516 : i32 to index
        %get3A_605 = arith.constant 80 : index
        %get3A_606 = tpu.vector_load %arg11[%get3A_604, %get3A_605] {strides = array<i32>} : memref<40x128xf32, #tpu.memory_space<vmem>>, vector<1x16xf32>,
        %get3A_607 = vector.shape_cast %get3A_606 : vector<1x16xf32> to vector<16xf32>
        %add3A_608 = arith.addf %get3A_603, %get3A_607 : vector<16xf32>
        %max3A_609 = arith.constant 0.000000e+00 : f32
        %max3A_610 = vector.broadcast %max3A_609 : f32 to vector<16xf32>
        %max3A_611 = arith.maximumf %add3A_608, %max3A_610 : vector<16xf32>
        %swap3A_612 = arith.index_cast %scan3A_516 : i32 to index
        %swap3A_613 = arith.constant 80 : index
        %swap3A_614 = tpu.vector_load %arg15[%swap3A_612, %swap3A_613] {strides = array<i32>} : memref<40x128xf32, #tpu.memory_space<vmem>>, vector<1x16xf32>,
        %swap3A_615 = vector.shape_cast %swap3A_614 : vector<1x16xf32> to vector<16xf32>
        %swap3A_616 = vector.shape_cast %max3A_611 : vector<16xf32> to vector<1x16xf32>
        tpu.vector_store %arg15[%swap3A_612, %swap3A_613], %swap3A_616 {strides = array<i32>} : memref<40x128xf32, #tpu.memory_space<vmem>>, vector<1x16xf32>,
        %get3A_617 = arith.index_cast %scan3A_516 : i32 to index
        %get3A_618 = arith.constant 96 : index
        %get3A_619 = tpu.vector_load %arg13[%get3A_617, %get3A_618] {strides = array<i32>} : memref<40x128xf32, #tpu.memory_space<vmem>>, vector<1x16xf32>,
        %get3A_620 = vector.shape_cast %get3A_619 : vector<1x16xf32> to vector<16xf32>
        %get3A_621 = arith.index_cast %scan3A_516 : i32 to index
        %get3A_622 = arith.constant 96 : index
        %get3A_623 = tpu.vector_load %arg11[%get3A_621, %get3A_622] {strides = array<i32>} : memref<40x128xf32, #tpu.memory_space<vmem>>, vector<1x16xf32>,
        %get3A_624 = vector.shape_cast %get3A_623 : vector<1x16xf32> to vector<16xf32>
        %add3A_625 = arith.addf %get3A_620, %get3A_624 : vector<16xf32>
        %max3A_626 = arith.constant 0.000000e+00 : f32
        %max3A_627 = vector.broadcast %max3A_626 : f32 to vector<16xf32>
        %max3A_628 = arith.maximumf %add3A_625, %max3A_627 : vector<16xf32>
        %swap3A_629 = arith.index_cast %scan3A_516 : i32 to index
        %swap3A_630 = arith.constant 96 : index
        %swap3A_631 = tpu.vector_load %arg15[%swap3A_629, %swap3A_630] {strides = array<i32>} : memref<40x128xf32, #tpu.memory_space<vmem>>, vector<1x16xf32>,
        %swap3A_632 = vector.shape_cast %swap3A_631 : vector<1x16xf32> to vector<16xf32>
        %swap3A_633 = vector.shape_cast %max3A_628 : vector<16xf32> to vector<1x16xf32>
        tpu.vector_store %arg15[%swap3A_629, %swap3A_630], %swap3A_633 {strides = array<i32>} : memref<40x128xf32, #tpu.memory_space<vmem>>, vector<1x16xf32>,
        %get3A_634 = arith.index_cast %scan3A_516 : i32 to index
        %get3A_635 = arith.constant 112 : index
        %get3A_636 = tpu.vector_load %arg13[%get3A_634, %get3A_635] {strides = array<i32>} : memref<40x128xf32, #tpu.memory_space<vmem>>, vector<1x16xf32>,
        %get3A_637 = vector.shape_cast %get3A_636 : vector<1x16xf32> to vector<16xf32>
        %get3A_638 = arith.index_cast %scan3A_516 : i32 to index
        %get3A_639 = arith.constant 112 : index
        %get3A_640 = tpu.vector_load %arg11[%get3A_638, %get3A_639] {strides = array<i32>} : memref<40x128xf32, #tpu.memory_space<vmem>>, vector<1x16xf32>,
        %get3A_641 = vector.shape_cast %get3A_640 : vector<1x16xf32> to vector<16xf32>
        %add3A_642 = arith.addf %get3A_637, %get3A_641 : vector<16xf32>
        %max3A_643 = arith.constant 0.000000e+00 : f32
        %max3A_644 = vector.broadcast %max3A_643 : f32 to vector<16xf32>
        %max3A_645 = arith.maximumf %add3A_642, %max3A_644 : vector<16xf32>
        %swap3A_646 = arith.index_cast %scan3A_516 : i32 to index
        %swap3A_647 = arith.constant 112 : index
        %swap3A_648 = tpu.vector_load %arg15[%swap3A_646, %swap3A_647] {strides = array<i32>} : memref<40x128xf32, #tpu.memory_space<vmem>>, vector<1x16xf32>,
        %swap3A_649 = vector.shape_cast %swap3A_648 : vector<1x16xf32> to vector<16xf32>
        %swap3A_650 = vector.shape_cast %max3A_645 : vector<16xf32> to vector<1x16xf32>
        tpu.vector_store %arg15[%swap3A_646, %swap3A_647], %swap3A_650 {strides = array<i32>} : memref<40x128xf32, #tpu.memory_space<vmem>>, vector<1x16xf32>,
        %scan3A_651 = arith.constant 0 : i32
        scf.yield %scan3A_651 : i32
      }
      %scan3A_502 = arith.constant 40 : i32
      %dma_start3A_503 = arith.constant 0 : i32
      %dma_start3A_504 = tpu.memref_slice %arg9[%add3A_477, %dma_start3A_503] : memref<50x40xi32, #tpu.memory_space<vmem>> -> memref<1x40xi32, #tpu.memory_space<vmem>>
      %dma_start3A_505 = tpu.memref_squeeze %dma_start3A_504 : memref<1x40xi32, #tpu.memory_space<vmem>> -> memref<40xi32, #tpu.memory_space<vmem>>
      %dma_start3A_506 = arith.constant 0 : i32
      %dma_start3A_507 = arith.constant 0 : i32
      %dma_start3A_508 = tpu.memref_slice %arg18[%dma_start3A_506, %dma_start3A_507] : memref<10240x128xf32, #tpu.memory_space<vmem_shared>> -> memref<10240x128xf32, #tpu.memory_space<vmem_shared>>
      tpu.enqueue_indirect_dma source(%arg15 : memref<40x128xf32, #tpu.memory_space<vmem>>) target(%dma_start3A_508 : memref<10240x128xf32, #tpu.memory_space<vmem_shared>>) offsets(%dma_start3A_505 : memref<40xi32, #tpu.memory_space<vmem>>) semaphore(%arg23 : memref<!tpu.dma_semaphore, #tpu.memory_space<semaphore_mem>>) {add = true}
      %dma_start3A_509 = arith.constant 0 : i32
      %dma_start3A_510 = tpu.memref_slice %arg9[%add3A_477, %dma_start3A_509] : memref<50x40xi32, #tpu.memory_space<vmem>> -> memref<1x40xi32, #tpu.memory_space<vmem>>
      %dma_start3A_511 = tpu.memref_squeeze %dma_start3A_510 : memref<1x40xi32, #tpu.memory_space<vmem>> -> memref<40xi32, #tpu.memory_space<vmem>>
      %dma_start3A_512 = arith.constant 0 : i32
      %dma_start3A_513 = arith.constant 0 : i32
      %dma_start3A_514 = tpu.memref_slice %arg19[%dma_start3A_512, %dma_start3A_513] : memref<10240x16xf32, #tpu.memory_space<vmem_shared>> -> memref<10240x16xf32, #tpu.memory_space<vmem_shared>>
      tpu.enqueue_indirect_dma source(%arg16 : memref<40x16xf32, #tpu.memory_space<vmem>>) target(%dma_start3A_514 : memref<10240x16xf32, #tpu.memory_space<vmem_shared>>) offsets(%dma_start3A_511 : memref<40xi32, #tpu.memory_space<vmem>>) semaphore(%arg23 : memref<!tpu.dma_semaphore, #tpu.memory_space<semaphore_mem>>) {add = true}
      %scan3A_515 = arith.constant 0 : i32
      scf.yield %scan3A_515 : i32
    }
    %scan3A_269 = arith.constant 25 : i32
    %dma_wait3A_270 = arith.constant 0 : i32
    %dma_wait3A_271 = arith.constant 0 : i32
    %dma_wait3A_272 = tpu.memref_slice %arg9[%dma_wait3A_270, %dma_wait3A_271] : memref<50x40xi32, #tpu.memory_space<vmem>> -> memref<1x40xi32, #tpu.memory_space<vmem>>
    %dma_wait3A_273 = tpu.memref_squeeze %dma_wait3A_272 : memref<1x40xi32, #tpu.memory_space<vmem>> -> memref<40xi32, #tpu.memory_space<vmem>>
    %dma_wait3A_274 = arith.constant 0 : i32
    %dma_wait3A_275 = arith.constant 0 : i32
    %dma_wait3A_276 = tpu.memref_slice %arg18[%dma_wait3A_274, %dma_wait3A_275] : memref<10240x128xf32, #tpu.memory_space<vmem_shared>> -> memref<10240x128xf32, #tpu.memory_space<vmem_shared>>
    tpu.wait_indirect_dma semaphore(%arg22 : memref<!tpu.dma_semaphore, #tpu.memory_space<semaphore_mem>>) src(%arg14 : memref<40x128xf32, #tpu.memory_space<vmem>>) dst(%dma_wait3A_276 : memref<10240x128xf32, #tpu.memory_space<vmem_shared>>)
    %dma_wait3A_277 = arith.constant 0 : i32
    %dma_wait3A_278 = arith.constant 0 : i32
    %dma_wait3A_279 = tpu.memref_slice %arg9[%dma_wait3A_277, %dma_wait3A_278] : memref<50x40xi32, #tpu.memory_space<vmem>> -> memref<1x40xi32, #tpu.memory_space<vmem>>
    %dma_wait3A_280 = tpu.memref_squeeze %dma_wait3A_279 : memref<1x40xi32, #tpu.memory_space<vmem>> -> memref<40xi32, #tpu.memory_space<vmem>>
    %dma_wait3A_281 = arith.constant 0 : i32
    %dma_wait3A_282 = arith.constant 0 : i32
    %dma_wait3A_283 = tpu.memref_slice %arg19[%dma_wait3A_281, %dma_wait3A_282] : memref<10240x16xf32, #tpu.memory_space<vmem_shared>> -> memref<10240x16xf32, #tpu.memory_space<vmem_shared>>
    tpu.wait_indirect_dma semaphore(%arg22 : memref<!tpu.dma_semaphore, #tpu.memory_space<semaphore_mem>>) src(%arg16 : memref<40x16xf32, #tpu.memory_space<vmem>>) dst(%dma_wait3A_283 : memref<10240x16xf32, #tpu.memory_space<vmem_shared>>)
    %dma_wait3A_284 = arith.constant 0 : i32
    %dma_wait3A_285 = arith.constant 0 : i32
    %dma_wait3A_286 = tpu.memref_slice %arg9[%dma_wait3A_284, %dma_wait3A_285] : memref<50x40xi32, #tpu.memory_space<vmem>> -> memref<1x40xi32, #tpu.memory_space<vmem>>
    %dma_wait3A_287 = tpu.memref_squeeze %dma_wait3A_286 : memref<1x40xi32, #tpu.memory_space<vmem>> -> memref<40xi32, #tpu.memory_space<vmem>>
    %dma_wait3A_288 = arith.constant 0 : i32
    %dma_wait3A_289 = arith.constant 0 : i32
    %dma_wait3A_290 = tpu.memref_slice %arg18[%dma_wait3A_288, %dma_wait3A_289] : memref<10240x128xf32, #tpu.memory_space<vmem_shared>> -> memref<10240x128xf32, #tpu.memory_space<vmem_shared>>
    tpu.wait_indirect_dma semaphore(%arg23 : memref<!tpu.dma_semaphore, #tpu.memory_space<semaphore_mem>>) src(%arg15 : memref<40x128xf32, #tpu.memory_space<vmem>>) dst(%dma_wait3A_290 : memref<10240x128xf32, #tpu.memory_space<vmem_shared>>)
    %dma_wait3A_291 = arith.constant 0 : i32
    %dma_wait3A_292 = arith.constant 0 : i32
    %dma_wait3A_293 = tpu.memref_slice %arg9[%dma_wait3A_291, %dma_wait3A_292] : memref<50x40xi32, #tpu.memory_space<vmem>> -> memref<1x40xi32, #tpu.memory_space<vmem>>
    %dma_wait3A_294 = tpu.memref_squeeze %dma_wait3A_293 : memref<1x40xi32, #tpu.memory_space<vmem>> -> memref<40xi32, #tpu.memory_space<vmem>>
    %dma_wait3A_295 = arith.constant 0 : i32
    %dma_wait3A_296 = arith.constant 0 : i32
    %dma_wait3A_297 = tpu.memref_slice %arg19[%dma_wait3A_295, %dma_wait3A_296] : memref<10240x16xf32, #tpu.memory_space<vmem_shared>> -> memref<10240x16xf32, #tpu.memory_space<vmem_shared>>
    tpu.wait_indirect_dma semaphore(%arg23 : memref<!tpu.dma_semaphore, #tpu.memory_space<semaphore_mem>>) src(%arg16 : memref<40x16xf32, #tpu.memory_space<vmem>>) dst(%dma_wait3A_297 : memref<10240x16xf32, #tpu.memory_space<vmem_shared>>)
    %run_scoped3A_298 = arith.constant 3 : i32
    "tpu.region"() ({
      %run_scoped3A_411 = tpu.sem_alloc : memref<!tpu.dma_semaphore, #tpu.memory_space<semaphore_mem>>
      %dma_start3A_412 = arith.constant 0 : i32
      %dma_start3A_413 = arith.constant 0 : i32
      %dma_start3A_414 = tpu.memref_slice %arg4[%add3A, %run_scoped3A_298, %dma_start3A_412, %dma_start3A_413] : memref<32x5x50x40xi32, #tpu.memory_space<hbm>> -> memref<1x1x50x40xi32, #tpu.memory_space<hbm>>
      %dma_start3A_415 = tpu.memref_squeeze %dma_start3A_414 : memref<1x1x50x40xi32, #tpu.memory_space<hbm>> -> memref<50x40xi32, #tpu.memory_space<hbm>>
      %dma_start3A_416 = arith.constant 0 : i32
      %dma_start3A_417 = arith.constant 0 : i32
      %dma_start3A_418 = tpu.memref_slice %arg4[%add3A, %run_scoped3A_298, %dma_start3A_416, %dma_start3A_417] : memref<32x5x50x40xi32, #tpu.memory_space<hbm>> -> memref<1x1x50x40xi32, #tpu.memory_space<hbm>>
      %dma_start3A_419 = tpu.memref_squeeze %dma_start3A_418 : memref<1x1x50x40xi32, #tpu.memory_space<hbm>> -> memref<50x40xi32, #tpu.memory_space<hbm>>
      tpu.enqueue_dma source(%dma_start3A_419 : memref<50x40xi32, #tpu.memory_space<hbm>>) target(%arg8 : memref<50x40xi32, #tpu.memory_space<vmem>>) target_semaphore(%run_scoped3A_411 : memref<!tpu.dma_semaphore, #tpu.memory_space<semaphore_mem>>)
      %dma_wait3A_420 = arith.constant 0 : i32
      %dma_wait3A_421 = arith.constant 0 : i32
      %dma_wait3A_422 = tpu.memref_slice %arg4[%add3A, %run_scoped3A_298, %dma_wait3A_420, %dma_wait3A_421] : memref<32x5x50x40xi32, #tpu.memory_space<hbm>> -> memref<1x1x50x40xi32, #tpu.memory_space<hbm>>
      %dma_wait3A_423 = tpu.memref_squeeze %dma_wait3A_422 : memref<1x1x50x40xi32, #tpu.memory_space<hbm>> -> memref<50x40xi32, #tpu.memory_space<hbm>>
      %dma_wait3A_424 = arith.constant 0 : i32
      %dma_wait3A_425 = arith.constant 0 : i32
      %dma_wait3A_426 = tpu.memref_slice %arg4[%add3A, %run_scoped3A_298, %dma_wait3A_424, %dma_wait3A_425] : memref<32x5x50x40xi32, #tpu.memory_space<hbm>> -> memref<1x1x50x40xi32, #tpu.memory_space<hbm>>
      %dma_wait3A_427 = tpu.memref_squeeze %dma_wait3A_426 : memref<1x1x50x40xi32, #tpu.memory_space<hbm>> -> memref<50x40xi32, #tpu.memory_space<hbm>>
      tpu.wait_dma2 semaphore(%run_scoped3A_411 : memref<!tpu.dma_semaphore, #tpu.memory_space<semaphore_mem>>) src(%dma_wait3A_427 : memref<50x40xi32, #tpu.memory_space<hbm>>) dst(%arg8 : memref<50x40xi32, #tpu.memory_space<vmem>>)
      tpu.yield
    }) : () -> ()
    %run_scoped3A_299 = arith.constant 3 : i32
    "tpu.region"() ({
      %run_scoped3A_411 = tpu.sem_alloc : memref<!tpu.dma_semaphore, #tpu.memory_space<semaphore_mem>>
      %dma_start3A_412 = arith.constant 0 : i32
      %dma_start3A_413 = arith.constant 0 : i32
      %dma_start3A_414 = tpu.memref_slice %arg5[%add3A, %run_scoped3A_299, %dma_start3A_412, %dma_start3A_413] : memref<32x5x50x40xi32, #tpu.memory_space<hbm>> -> memref<1x1x50x40xi32, #tpu.memory_space<hbm>>
      %dma_start3A_415 = tpu.memref_squeeze %dma_start3A_414 : memref<1x1x50x40xi32, #tpu.memory_space<hbm>> -> memref<50x40xi32, #tpu.memory_space<hbm>>
      %dma_start3A_416 = arith.constant 0 : i32
      %dma_start3A_417 = arith.constant 0 : i32
      %dma_start3A_418 = tpu.memref_slice %arg5[%add3A, %run_scoped3A_299, %dma_start3A_416, %dma_start3A_417] : memref<32x5x50x40xi32, #tpu.memory_space<hbm>> -> memref<1x1x50x40xi32, #tpu.memory_space<hbm>>
      %dma_start3A_419 = tpu.memref_squeeze %dma_start3A_418 : memref<1x1x50x40xi32, #tpu.memory_space<hbm>> -> memref<50x40xi32, #tpu.memory_space<hbm>>
      tpu.enqueue_dma source(%dma_start3A_419 : memref<50x40xi32, #tpu.memory_space<hbm>>) target(%arg9 : memref<50x40xi32, #tpu.memory_space<vmem>>) target_semaphore(%run_scoped3A_411 : memref<!tpu.dma_semaphore, #tpu.memory_space<semaphore_mem>>)
      %dma_wait3A_420 = arith.constant 0 : i32
      %dma_wait3A_421 = arith.constant 0 : i32
      %dma_wait3A_422 = tpu.memref_slice %arg5[%add3A, %run_scoped3A_299, %dma_wait3A_420, %dma_wait3A_421] : memref<32x5x50x40xi32, #tpu.memory_space<hbm>> -> memref<1x1x50x40xi32, #tpu.memory_space<hbm>>
      %dma_wait3A_423 = tpu.memref_squeeze %dma_wait3A_422 : memref<1x1x50x40xi32, #tpu.memory_space<hbm>> -> memref<50x40xi32, #tpu.memory_space<hbm>>
      %dma_wait3A_424 = arith.constant 0 : i32
      %dma_wait3A_425 = arith.constant 0 : i32
      %dma_wait3A_426 = tpu.memref_slice %arg5[%add3A, %run_scoped3A_299, %dma_wait3A_424, %dma_wait3A_425] : memref<32x5x50x40xi32, #tpu.memory_space<hbm>> -> memref<1x1x50x40xi32, #tpu.memory_space<hbm>>
      %dma_wait3A_427 = tpu.memref_squeeze %dma_wait3A_426 : memref<1x1x50x40xi32, #tpu.memory_space<hbm>> -> memref<50x40xi32, #tpu.memory_space<hbm>>
      tpu.wait_dma2 semaphore(%run_scoped3A_411 : memref<!tpu.dma_semaphore, #tpu.memory_space<semaphore_mem>>) src(%dma_wait3A_427 : memref<50x40xi32, #tpu.memory_space<hbm>>) dst(%arg9 : memref<50x40xi32, #tpu.memory_space<vmem>>)
      tpu.yield
    }) : () -> ()
    %mul3A_300 = arith.constant 10000 : i32
    %mul3A_301 = arith.muli %add3A, %mul3A_300 : i32
    %add3A_302 = arith.constant 6000 : i32
    %add3A_303 = arith.addi %mul3A_301, %add3A_302 : i32
    %dma_start3A_304 = arith.constant 0 : i32
    %dma_start3A_305 = tpu.memref_slice %arg2[%add3A_303, %dma_start3A_304] : memref<320000x128xf32, #tpu.memory_space<hbm>> -> memref<40x128xf32, #tpu.memory_space<hbm>>
    %dma_start3A_306 = arith.constant 0 : i32
    %dma_start3A_307 = tpu.memref_slice %arg2[%add3A_303, %dma_start3A_306] : memref<320000x128xf32, #tpu.memory_space<hbm>> -> memref<40x128xf32, #tpu.memory_space<hbm>>
    tpu.enqueue_dma source(%dma_start3A_307 : memref<40x128xf32, #tpu.memory_space<hbm>>) target(%arg10 : memref<40x128xf32, #tpu.memory_space<vmem>>) target_semaphore(%arg20 : memref<!tpu.dma_semaphore, #tpu.memory_space<semaphore_mem>>)
    %dma_start3A_308 = arith.constant 0 : i32
    %dma_start3A_309 = arith.constant 0 : i32
    %dma_start3A_310 = tpu.memref_slice %arg8[%dma_start3A_308, %dma_start3A_309] : memref<50x40xi32, #tpu.memory_space<vmem>> -> memref<1x40xi32, #tpu.memory_space<vmem>>
    %dma_start3A_311 = tpu.memref_squeeze %dma_start3A_310 : memref<1x40xi32, #tpu.memory_space<vmem>> -> memref<40xi32, #tpu.memory_space<vmem>>
    %dma_start3A_312 = arith.constant 0 : i32
    %dma_start3A_313 = arith.constant 0 : i32
    %dma_start3A_314 = tpu.memref_slice %arg3[%dma_start3A_312, %dma_start3A_313] : memref<10000x128xf32, #tpu.memory_space<hbm>> -> memref<10000x128xf32, #tpu.memory_space<hbm>>
    tpu.enqueue_indirect_dma source(%dma_start3A_314 : memref<10000x128xf32, #tpu.memory_space<hbm>>) target(%arg12 : memref<40x128xf32, #tpu.memory_space<vmem>>) offsets(%dma_start3A_311 : memref<40xi32, #tpu.memory_space<vmem>>) semaphore(%arg20 : memref<!tpu.dma_semaphore, #tpu.memory_space<semaphore_mem>>)
    %scan3A_315 = arith.constant 0 : i32
    %scan3A_316 = arith.constant 0 : i32
    %scan3A_317 = arith.constant 25 : i32
    %scan3A_318 = arith.addi %scan3A_316, %scan3A_317 : i32
    %scan3A_319 = arith.constant 1 : i32
    %scan3A_320 = scf.for %scan3A_411 = %scan3A_316 to %scan3A_318 step %scan3A_319 iter_args(%scan3A_412 = %scan3A_315) -> (i32)  : i32 {
      %mul3A_413 = arith.constant 2 : i32
      %mul3A_414 = arith.muli %mul3A_413, %scan3A_411 : i32
      %add3A_415 = arith.constant 1 : i32
      %add3A_416 = arith.addi %mul3A_414, %add3A_415 : i32
      %mul3A_417 = arith.constant 10000 : i32
      %mul3A_418 = arith.muli %add3A, %mul3A_417 : i32
      %add3A_419 = arith.constant 150 : i32
      %add3A_420 = arith.addi %add3A_419, %add3A_416 : i32
      %mul3A_421 = arith.constant 40 : i32
      %mul3A_422 = arith.muli %add3A_420, %mul3A_421 : i32
      %add3A_423 = arith.addi %mul3A_418, %mul3A_422 : i32
      %dma_start3A_424 = arith.constant 0 : i32
      %dma_start3A_425 = tpu.memref_slice %arg2[%add3A_423, %dma_start3A_424] : memref<320000x128xf32, #tpu.memory_space<hbm>> -> memref<40x128xf32, #tpu.memory_space<hbm>>
      %dma_start3A_426 = arith.constant 0 : i32
      %dma_start3A_427 = tpu.memref_slice %arg2[%add3A_423, %dma_start3A_426] : memref<320000x128xf32, #tpu.memory_space<hbm>> -> memref<40x128xf32, #tpu.memory_space<hbm>>
      tpu.enqueue_dma source(%dma_start3A_427 : memref<40x128xf32, #tpu.memory_space<hbm>>) target(%arg11 : memref<40x128xf32, #tpu.memory_space<vmem>>) target_semaphore(%arg21 : memref<!tpu.dma_semaphore, #tpu.memory_space<semaphore_mem>>)
      %dma_start3A_428 = arith.constant 0 : i32
      %dma_start3A_429 = tpu.memref_slice %arg8[%add3A_416, %dma_start3A_428] : memref<50x40xi32, #tpu.memory_space<vmem>> -> memref<1x40xi32, #tpu.memory_space<vmem>>
      %dma_start3A_430 = tpu.memref_squeeze %dma_start3A_429 : memref<1x40xi32, #tpu.memory_space<vmem>> -> memref<40xi32, #tpu.memory_space<vmem>>
      %dma_start3A_431 = arith.constant 0 : i32
      %dma_start3A_432 = arith.constant 0 : i32
      %dma_start3A_433 = tpu.memref_slice %arg3[%dma_start3A_431, %dma_start3A_432] : memref<10000x128xf32, #tpu.memory_space<hbm>> -> memref<10000x128xf32, #tpu.memory_space<hbm>>
      tpu.enqueue_indirect_dma source(%dma_start3A_433 : memref<10000x128xf32, #tpu.memory_space<hbm>>) target(%arg13 : memref<40x128xf32, #tpu.memory_space<vmem>>) offsets(%dma_start3A_430 : memref<40xi32, #tpu.memory_space<vmem>>) semaphore(%arg21 : memref<!tpu.dma_semaphore, #tpu.memory_space<semaphore_mem>>)
      %mul3A_434 = arith.constant 2 : i32
      %mul3A_435 = arith.muli %mul3A_434, %scan3A_411 : i32
      %dma_wait3A_436 = arith.constant 0 : i32
      %dma_wait3A_437 = arith.constant 0 : i32
      %dma_wait3A_438 = tpu.memref_slice %arg2[%dma_wait3A_436, %dma_wait3A_437] : memref<320000x128xf32, #tpu.memory_space<hbm>> -> memref<40x128xf32, #tpu.memory_space<hbm>>
      %dma_wait3A_439 = arith.constant 0 : i32
      %dma_wait3A_440 = arith.constant 0 : i32
      %dma_wait3A_441 = tpu.memref_slice %arg2[%dma_wait3A_439, %dma_wait3A_440] : memref<320000x128xf32, #tpu.memory_space<hbm>> -> memref<40x128xf32, #tpu.memory_space<hbm>>
      tpu.wait_dma2 semaphore(%arg20 : memref<!tpu.dma_semaphore, #tpu.memory_space<semaphore_mem>>) src(%dma_wait3A_441 : memref<40x128xf32, #tpu.memory_space<hbm>>) dst(%arg10 : memref<40x128xf32, #tpu.memory_space<vmem>>)
      %dma_wait3A_442 = arith.constant 0 : i32
      %dma_wait3A_443 = arith.constant 0 : i32
      %dma_wait3A_444 = tpu.memref_slice %arg8[%dma_wait3A_442, %dma_wait3A_443] : memref<50x40xi32, #tpu.memory_space<vmem>> -> memref<1x40xi32, #tpu.memory_space<vmem>>
      %dma_wait3A_445 = tpu.memref_squeeze %dma_wait3A_444 : memref<1x40xi32, #tpu.memory_space<vmem>> -> memref<40xi32, #tpu.memory_space<vmem>>
      %dma_wait3A_446 = arith.constant 0 : i32
      %dma_wait3A_447 = arith.constant 0 : i32
      %dma_wait3A_448 = tpu.memref_slice %arg3[%dma_wait3A_446, %dma_wait3A_447] : memref<10000x128xf32, #tpu.memory_space<hbm>> -> memref<10000x128xf32, #tpu.memory_space<hbm>>
      tpu.wait_indirect_dma semaphore(%arg20 : memref<!tpu.dma_semaphore, #tpu.memory_space<semaphore_mem>>) src(%dma_wait3A_448 : memref<10000x128xf32, #tpu.memory_space<hbm>>) dst(%arg12 : memref<40x128xf32, #tpu.memory_space<vmem>>)
      %gt3A = arith.constant 0 : i32
      %gt3A_449 = arith.cmpi sgt, %scan3A_411, %gt3A : i32
      %convert_element_type3A = arith.extui %gt3A_449 : i1 to i32
      %cond3A = arith.constant 0 : i32
      %cond3A_450 = arith.cmpi ne, %convert_element_type3A, %cond3A : i32
      scf.if %cond3A_450 {
        %dma_wait3A_516 = arith.constant 0 : i32
        %dma_wait3A_517 = arith.constant 0 : i32
        %dma_wait3A_518 = tpu.memref_slice %arg9[%dma_wait3A_516, %dma_wait3A_517] : memref<50x40xi32, #tpu.memory_space<vmem>> -> memref<1x40xi32, #tpu.memory_space<vmem>>
        %dma_wait3A_519 = tpu.memref_squeeze %dma_wait3A_518 : memref<1x40xi32, #tpu.memory_space<vmem>> -> memref<40xi32, #tpu.memory_space<vmem>>
        %dma_wait3A_520 = arith.constant 0 : i32
        %dma_wait3A_521 = arith.constant 0 : i32
        %dma_wait3A_522 = tpu.memref_slice %arg18[%dma_wait3A_520, %dma_wait3A_521] : memref<10240x128xf32, #tpu.memory_space<vmem_shared>> -> memref<10240x128xf32, #tpu.memory_space<vmem_shared>>
        tpu.wait_indirect_dma semaphore(%arg22 : memref<!tpu.dma_semaphore, #tpu.memory_space<semaphore_mem>>) src(%arg14 : memref<40x128xf32, #tpu.memory_space<vmem>>) dst(%dma_wait3A_522 : memref<10240x128xf32, #tpu.memory_space<vmem_shared>>)
        %dma_wait3A_523 = arith.constant 0 : i32
        %dma_wait3A_524 = arith.constant 0 : i32
        %dma_wait3A_525 = tpu.memref_slice %arg9[%dma_wait3A_523, %dma_wait3A_524] : memref<50x40xi32, #tpu.memory_space<vmem>> -> memref<1x40xi32, #tpu.memory_space<vmem>>
        %dma_wait3A_526 = tpu.memref_squeeze %dma_wait3A_525 : memref<1x40xi32, #tpu.memory_space<vmem>> -> memref<40xi32, #tpu.memory_space<vmem>>
        %dma_wait3A_527 = arith.constant 0 : i32
        %dma_wait3A_528 = arith.constant 0 : i32
        %dma_wait3A_529 = tpu.memref_slice %arg19[%dma_wait3A_527, %dma_wait3A_528] : memref<10240x16xf32, #tpu.memory_space<vmem_shared>> -> memref<10240x16xf32, #tpu.memory_space<vmem_shared>>
        tpu.wait_indirect_dma semaphore(%arg22 : memref<!tpu.dma_semaphore, #tpu.memory_space<semaphore_mem>>) src(%arg16 : memref<40x16xf32, #tpu.memory_space<vmem>>) dst(%dma_wait3A_529 : memref<10240x16xf32, #tpu.memory_space<vmem_shared>>)
      } else {
      }
      %scan3A_451 = arith.constant 0 : i32
      %scan3A_452 = arith.constant 0 : i32
      %scan3A_453 = arith.constant 40 : i32
      %scan3A_454 = arith.addi %scan3A_452, %scan3A_453 : i32
      %scan3A_455 = arith.constant 1 : i32
      %scan3A_456 = scf.for %scan3A_516 = %scan3A_452 to %scan3A_454 step %scan3A_455 iter_args(%scan3A_517 = %scan3A_451) -> (i32)  : i32 {
        %get3A = arith.index_cast %scan3A_516 : i32 to index
        %get3A_518 = arith.constant 0 : index
        %get3A_519 = tpu.vector_load %arg12[%get3A, %get3A_518] {strides = array<i32>} : memref<40x128xf32, #tpu.memory_space<vmem>>, vector<1x16xf32>,
        %get3A_520 = vector.shape_cast %get3A_519 : vector<1x16xf32> to vector<16xf32>
        %get3A_521 = arith.index_cast %scan3A_516 : i32 to index
        %get3A_522 = arith.constant 0 : index
        %get3A_523 = tpu.vector_load %arg10[%get3A_521, %get3A_522] {strides = array<i32>} : memref<40x128xf32, #tpu.memory_space<vmem>>, vector<1x16xf32>,
        %get3A_524 = vector.shape_cast %get3A_523 : vector<1x16xf32> to vector<16xf32>
        %add3A_525 = arith.addf %get3A_520, %get3A_524 : vector<16xf32>
        %max3A = arith.constant 0.000000e+00 : f32
        %max3A_526 = vector.broadcast %max3A : f32 to vector<16xf32>
        %max3A_527 = arith.maximumf %add3A_525, %max3A_526 : vector<16xf32>
        %swap3A = arith.index_cast %scan3A_516 : i32 to index
        %swap3A_528 = arith.constant 0 : index
        %swap3A_529 = tpu.vector_load %arg14[%swap3A, %swap3A_528] {strides = array<i32>} : memref<40x128xf32, #tpu.memory_space<vmem>>, vector<1x16xf32>,
        %swap3A_530 = vector.shape_cast %swap3A_529 : vector<1x16xf32> to vector<16xf32>
        %swap3A_531 = vector.shape_cast %max3A_527 : vector<16xf32> to vector<1x16xf32>
        tpu.vector_store %arg14[%swap3A, %swap3A_528], %swap3A_531 {strides = array<i32>} : memref<40x128xf32, #tpu.memory_space<vmem>>, vector<1x16xf32>,
        %get3A_532 = arith.index_cast %scan3A_516 : i32 to index
        %get3A_533 = arith.constant 16 : index
        %get3A_534 = tpu.vector_load %arg12[%get3A_532, %get3A_533] {strides = array<i32>} : memref<40x128xf32, #tpu.memory_space<vmem>>, vector<1x16xf32>,
        %get3A_535 = vector.shape_cast %get3A_534 : vector<1x16xf32> to vector<16xf32>
        %get3A_536 = arith.index_cast %scan3A_516 : i32 to index
        %get3A_537 = arith.constant 16 : index
        %get3A_538 = tpu.vector_load %arg10[%get3A_536, %get3A_537] {strides = array<i32>} : memref<40x128xf32, #tpu.memory_space<vmem>>, vector<1x16xf32>,
        %get3A_539 = vector.shape_cast %get3A_538 : vector<1x16xf32> to vector<16xf32>
        %add3A_540 = arith.addf %get3A_535, %get3A_539 : vector<16xf32>
        %max3A_541 = arith.constant 0.000000e+00 : f32
        %max3A_542 = vector.broadcast %max3A_541 : f32 to vector<16xf32>
        %max3A_543 = arith.maximumf %add3A_540, %max3A_542 : vector<16xf32>
        %swap3A_544 = arith.index_cast %scan3A_516 : i32 to index
        %swap3A_545 = arith.constant 16 : index
        %swap3A_546 = tpu.vector_load %arg14[%swap3A_544, %swap3A_545] {strides = array<i32>} : memref<40x128xf32, #tpu.memory_space<vmem>>, vector<1x16xf32>,
        %swap3A_547 = vector.shape_cast %swap3A_546 : vector<1x16xf32> to vector<16xf32>
        %swap3A_548 = vector.shape_cast %max3A_543 : vector<16xf32> to vector<1x16xf32>
        tpu.vector_store %arg14[%swap3A_544, %swap3A_545], %swap3A_548 {strides = array<i32>} : memref<40x128xf32, #tpu.memory_space<vmem>>, vector<1x16xf32>,
        %get3A_549 = arith.index_cast %scan3A_516 : i32 to index
        %get3A_550 = arith.constant 32 : index
        %get3A_551 = tpu.vector_load %arg12[%get3A_549, %get3A_550] {strides = array<i32>} : memref<40x128xf32, #tpu.memory_space<vmem>>, vector<1x16xf32>,
        %get3A_552 = vector.shape_cast %get3A_551 : vector<1x16xf32> to vector<16xf32>
        %get3A_553 = arith.index_cast %scan3A_516 : i32 to index
        %get3A_554 = arith.constant 32 : index
        %get3A_555 = tpu.vector_load %arg10[%get3A_553, %get3A_554] {strides = array<i32>} : memref<40x128xf32, #tpu.memory_space<vmem>>, vector<1x16xf32>,
        %get3A_556 = vector.shape_cast %get3A_555 : vector<1x16xf32> to vector<16xf32>
        %add3A_557 = arith.addf %get3A_552, %get3A_556 : vector<16xf32>
        %max3A_558 = arith.constant 0.000000e+00 : f32
        %max3A_559 = vector.broadcast %max3A_558 : f32 to vector<16xf32>
        %max3A_560 = arith.maximumf %add3A_557, %max3A_559 : vector<16xf32>
        %swap3A_561 = arith.index_cast %scan3A_516 : i32 to index
        %swap3A_562 = arith.constant 32 : index
        %swap3A_563 = tpu.vector_load %arg14[%swap3A_561, %swap3A_562] {strides = array<i32>} : memref<40x128xf32, #tpu.memory_space<vmem>>, vector<1x16xf32>,
        %swap3A_564 = vector.shape_cast %swap3A_563 : vector<1x16xf32> to vector<16xf32>
        %swap3A_565 = vector.shape_cast %max3A_560 : vector<16xf32> to vector<1x16xf32>
        tpu.vector_store %arg14[%swap3A_561, %swap3A_562], %swap3A_565 {strides = array<i32>} : memref<40x128xf32, #tpu.memory_space<vmem>>, vector<1x16xf32>,
        %get3A_566 = arith.index_cast %scan3A_516 : i32 to index
        %get3A_567 = arith.constant 48 : index
        %get3A_568 = tpu.vector_load %arg12[%get3A_566, %get3A_567] {strides = array<i32>} : memref<40x128xf32, #tpu.memory_space<vmem>>, vector<1x16xf32>,
        %get3A_569 = vector.shape_cast %get3A_568 : vector<1x16xf32> to vector<16xf32>
        %get3A_570 = arith.index_cast %scan3A_516 : i32 to index
        %get3A_571 = arith.constant 48 : index
        %get3A_572 = tpu.vector_load %arg10[%get3A_570, %get3A_571] {strides = array<i32>} : memref<40x128xf32, #tpu.memory_space<vmem>>, vector<1x16xf32>,
        %get3A_573 = vector.shape_cast %get3A_572 : vector<1x16xf32> to vector<16xf32>
        %add3A_574 = arith.addf %get3A_569, %get3A_573 : vector<16xf32>
        %max3A_575 = arith.constant 0.000000e+00 : f32
        %max3A_576 = vector.broadcast %max3A_575 : f32 to vector<16xf32>
        %max3A_577 = arith.maximumf %add3A_574, %max3A_576 : vector<16xf32>
        %swap3A_578 = arith.index_cast %scan3A_516 : i32 to index
        %swap3A_579 = arith.constant 48 : index
        %swap3A_580 = tpu.vector_load %arg14[%swap3A_578, %swap3A_579] {strides = array<i32>} : memref<40x128xf32, #tpu.memory_space<vmem>>, vector<1x16xf32>,
        %swap3A_581 = vector.shape_cast %swap3A_580 : vector<1x16xf32> to vector<16xf32>
        %swap3A_582 = vector.shape_cast %max3A_577 : vector<16xf32> to vector<1x16xf32>
        tpu.vector_store %arg14[%swap3A_578, %swap3A_579], %swap3A_582 {strides = array<i32>} : memref<40x128xf32, #tpu.memory_space<vmem>>, vector<1x16xf32>,
        %get3A_583 = arith.index_cast %scan3A_516 : i32 to index
        %get3A_584 = arith.constant 64 : index
        %get3A_585 = tpu.vector_load %arg12[%get3A_583, %get3A_584] {strides = array<i32>} : memref<40x128xf32, #tpu.memory_space<vmem>>, vector<1x16xf32>,
        %get3A_586 = vector.shape_cast %get3A_585 : vector<1x16xf32> to vector<16xf32>
        %get3A_587 = arith.index_cast %scan3A_516 : i32 to index
        %get3A_588 = arith.constant 64 : index
        %get3A_589 = tpu.vector_load %arg10[%get3A_587, %get3A_588] {strides = array<i32>} : memref<40x128xf32, #tpu.memory_space<vmem>>, vector<1x16xf32>,
        %get3A_590 = vector.shape_cast %get3A_589 : vector<1x16xf32> to vector<16xf32>
        %add3A_591 = arith.addf %get3A_586, %get3A_590 : vector<16xf32>
        %max3A_592 = arith.constant 0.000000e+00 : f32
        %max3A_593 = vector.broadcast %max3A_592 : f32 to vector<16xf32>
        %max3A_594 = arith.maximumf %add3A_591, %max3A_593 : vector<16xf32>
        %swap3A_595 = arith.index_cast %scan3A_516 : i32 to index
        %swap3A_596 = arith.constant 64 : index
        %swap3A_597 = tpu.vector_load %arg14[%swap3A_595, %swap3A_596] {strides = array<i32>} : memref<40x128xf32, #tpu.memory_space<vmem>>, vector<1x16xf32>,
        %swap3A_598 = vector.shape_cast %swap3A_597 : vector<1x16xf32> to vector<16xf32>
        %swap3A_599 = vector.shape_cast %max3A_594 : vector<16xf32> to vector<1x16xf32>
        tpu.vector_store %arg14[%swap3A_595, %swap3A_596], %swap3A_599 {strides = array<i32>} : memref<40x128xf32, #tpu.memory_space<vmem>>, vector<1x16xf32>,
        %get3A_600 = arith.index_cast %scan3A_516 : i32 to index
        %get3A_601 = arith.constant 80 : index
        %get3A_602 = tpu.vector_load %arg12[%get3A_600, %get3A_601] {strides = array<i32>} : memref<40x128xf32, #tpu.memory_space<vmem>>, vector<1x16xf32>,
        %get3A_603 = vector.shape_cast %get3A_602 : vector<1x16xf32> to vector<16xf32>
        %get3A_604 = arith.index_cast %scan3A_516 : i32 to index
        %get3A_605 = arith.constant 80 : index
        %get3A_606 = tpu.vector_load %arg10[%get3A_604, %get3A_605] {strides = array<i32>} : memref<40x128xf32, #tpu.memory_space<vmem>>, vector<1x16xf32>,
        %get3A_607 = vector.shape_cast %get3A_606 : vector<1x16xf32> to vector<16xf32>
        %add3A_608 = arith.addf %get3A_603, %get3A_607 : vector<16xf32>
        %max3A_609 = arith.constant 0.000000e+00 : f32
        %max3A_610 = vector.broadcast %max3A_609 : f32 to vector<16xf32>
        %max3A_611 = arith.maximumf %add3A_608, %max3A_610 : vector<16xf32>
        %swap3A_612 = arith.index_cast %scan3A_516 : i32 to index
        %swap3A_613 = arith.constant 80 : index
        %swap3A_614 = tpu.vector_load %arg14[%swap3A_612, %swap3A_613] {strides = array<i32>} : memref<40x128xf32, #tpu.memory_space<vmem>>, vector<1x16xf32>,
        %swap3A_615 = vector.shape_cast %swap3A_614 : vector<1x16xf32> to vector<16xf32>
        %swap3A_616 = vector.shape_cast %max3A_611 : vector<16xf32> to vector<1x16xf32>
        tpu.vector_store %arg14[%swap3A_612, %swap3A_613], %swap3A_616 {strides = array<i32>} : memref<40x128xf32, #tpu.memory_space<vmem>>, vector<1x16xf32>,
        %get3A_617 = arith.index_cast %scan3A_516 : i32 to index
        %get3A_618 = arith.constant 96 : index
        %get3A_619 = tpu.vector_load %arg12[%get3A_617, %get3A_618] {strides = array<i32>} : memref<40x128xf32, #tpu.memory_space<vmem>>, vector<1x16xf32>,
        %get3A_620 = vector.shape_cast %get3A_619 : vector<1x16xf32> to vector<16xf32>
        %get3A_621 = arith.index_cast %scan3A_516 : i32 to index
        %get3A_622 = arith.constant 96 : index
        %get3A_623 = tpu.vector_load %arg10[%get3A_621, %get3A_622] {strides = array<i32>} : memref<40x128xf32, #tpu.memory_space<vmem>>, vector<1x16xf32>,
        %get3A_624 = vector.shape_cast %get3A_623 : vector<1x16xf32> to vector<16xf32>
        %add3A_625 = arith.addf %get3A_620, %get3A_624 : vector<16xf32>
        %max3A_626 = arith.constant 0.000000e+00 : f32
        %max3A_627 = vector.broadcast %max3A_626 : f32 to vector<16xf32>
        %max3A_628 = arith.maximumf %add3A_625, %max3A_627 : vector<16xf32>
        %swap3A_629 = arith.index_cast %scan3A_516 : i32 to index
        %swap3A_630 = arith.constant 96 : index
        %swap3A_631 = tpu.vector_load %arg14[%swap3A_629, %swap3A_630] {strides = array<i32>} : memref<40x128xf32, #tpu.memory_space<vmem>>, vector<1x16xf32>,
        %swap3A_632 = vector.shape_cast %swap3A_631 : vector<1x16xf32> to vector<16xf32>
        %swap3A_633 = vector.shape_cast %max3A_628 : vector<16xf32> to vector<1x16xf32>
        tpu.vector_store %arg14[%swap3A_629, %swap3A_630], %swap3A_633 {strides = array<i32>} : memref<40x128xf32, #tpu.memory_space<vmem>>, vector<1x16xf32>,
        %get3A_634 = arith.index_cast %scan3A_516 : i32 to index
        %get3A_635 = arith.constant 112 : index
        %get3A_636 = tpu.vector_load %arg12[%get3A_634, %get3A_635] {strides = array<i32>} : memref<40x128xf32, #tpu.memory_space<vmem>>, vector<1x16xf32>,
        %get3A_637 = vector.shape_cast %get3A_636 : vector<1x16xf32> to vector<16xf32>
        %get3A_638 = arith.index_cast %scan3A_516 : i32 to index
        %get3A_639 = arith.constant 112 : index
        %get3A_640 = tpu.vector_load %arg10[%get3A_638, %get3A_639] {strides = array<i32>} : memref<40x128xf32, #tpu.memory_space<vmem>>, vector<1x16xf32>,
        %get3A_641 = vector.shape_cast %get3A_640 : vector<1x16xf32> to vector<16xf32>
        %add3A_642 = arith.addf %get3A_637, %get3A_641 : vector<16xf32>
        %max3A_643 = arith.constant 0.000000e+00 : f32
        %max3A_644 = vector.broadcast %max3A_643 : f32 to vector<16xf32>
        %max3A_645 = arith.maximumf %add3A_642, %max3A_644 : vector<16xf32>
        %swap3A_646 = arith.index_cast %scan3A_516 : i32 to index
        %swap3A_647 = arith.constant 112 : index
        %swap3A_648 = tpu.vector_load %arg14[%swap3A_646, %swap3A_647] {strides = array<i32>} : memref<40x128xf32, #tpu.memory_space<vmem>>, vector<1x16xf32>,
        %swap3A_649 = vector.shape_cast %swap3A_648 : vector<1x16xf32> to vector<16xf32>
        %swap3A_650 = vector.shape_cast %max3A_645 : vector<16xf32> to vector<1x16xf32>
        tpu.vector_store %arg14[%swap3A_646, %swap3A_647], %swap3A_650 {strides = array<i32>} : memref<40x128xf32, #tpu.memory_space<vmem>>, vector<1x16xf32>,
        %scan3A_651 = arith.constant 0 : i32
        scf.yield %scan3A_651 : i32
      }
      %scan3A_457 = arith.constant 40 : i32
      %dma_start3A_458 = arith.constant 0 : i32
      %dma_start3A_459 = tpu.memref_slice %arg9[%mul3A_435, %dma_start3A_458] : memref<50x40xi32, #tpu.memory_space<vmem>> -> memref<1x40xi32, #tpu.memory_space<vmem>>
      %dma_start3A_460 = tpu.memref_squeeze %dma_start3A_459 : memref<1x40xi32, #tpu.memory_space<vmem>> -> memref<40xi32, #tpu.memory_space<vmem>>
      %dma_start3A_461 = arith.constant 0 : i32
      %dma_start3A_462 = arith.constant 0 : i32
      %dma_start3A_463 = tpu.memref_slice %arg18[%dma_start3A_461, %dma_start3A_462] : memref<10240x128xf32, #tpu.memory_space<vmem_shared>> -> memref<10240x128xf32, #tpu.memory_space<vmem_shared>>
      tpu.enqueue_indirect_dma source(%arg14 : memref<40x128xf32, #tpu.memory_space<vmem>>) target(%dma_start3A_463 : memref<10240x128xf32, #tpu.memory_space<vmem_shared>>) offsets(%dma_start3A_460 : memref<40xi32, #tpu.memory_space<vmem>>) semaphore(%arg22 : memref<!tpu.dma_semaphore, #tpu.memory_space<semaphore_mem>>) {add = true}
      %dma_start3A_464 = arith.constant 0 : i32
      %dma_start3A_465 = tpu.memref_slice %arg9[%mul3A_435, %dma_start3A_464] : memref<50x40xi32, #tpu.memory_space<vmem>> -> memref<1x40xi32, #tpu.memory_space<vmem>>
      %dma_start3A_466 = tpu.memref_squeeze %dma_start3A_465 : memref<1x40xi32, #tpu.memory_space<vmem>> -> memref<40xi32, #tpu.memory_space<vmem>>
      %dma_start3A_467 = arith.constant 0 : i32
      %dma_start3A_468 = arith.constant 0 : i32
      %dma_start3A_469 = tpu.memref_slice %arg19[%dma_start3A_467, %dma_start3A_468] : memref<10240x16xf32, #tpu.memory_space<vmem_shared>> -> memref<10240x16xf32, #tpu.memory_space<vmem_shared>>
      tpu.enqueue_indirect_dma source(%arg16 : memref<40x16xf32, #tpu.memory_space<vmem>>) target(%dma_start3A_469 : memref<10240x16xf32, #tpu.memory_space<vmem_shared>>) offsets(%dma_start3A_466 : memref<40xi32, #tpu.memory_space<vmem>>) semaphore(%arg22 : memref<!tpu.dma_semaphore, #tpu.memory_space<semaphore_mem>>) {add = true}
      %lt3A = arith.constant 24 : i32
      %lt3A_470 = arith.cmpi slt, %scan3A_411, %lt3A : i32
      %convert_element_type3A_471 = arith.extui %lt3A_470 : i1 to i32
      %cond3A_472 = arith.constant 0 : i32
      %cond3A_473 = arith.cmpi ne, %convert_element_type3A_471, %cond3A_472 : i32
      scf.if %cond3A_473 {
        %mul3A_516 = arith.constant 2 : i32
        %mul3A_517 = arith.muli %mul3A_516, %scan3A_411 : i32
        %add3A_518 = arith.constant 2 : i32
        %add3A_519 = arith.addi %mul3A_517, %add3A_518 : i32
        %mul3A_520 = arith.constant 10000 : i32
        %mul3A_521 = arith.muli %add3A, %mul3A_520 : i32
        %add3A_522 = arith.constant 150 : i32
        %add3A_523 = arith.addi %add3A_522, %add3A_519 : i32
        %mul3A_524 = arith.constant 40 : i32
        %mul3A_525 = arith.muli %add3A_523, %mul3A_524 : i32
        %add3A_526 = arith.addi %mul3A_521, %mul3A_525 : i32
        %dma_start3A_527 = arith.constant 0 : i32
        %dma_start3A_528 = tpu.memref_slice %arg2[%add3A_526, %dma_start3A_527] : memref<320000x128xf32, #tpu.memory_space<hbm>> -> memref<40x128xf32, #tpu.memory_space<hbm>>
        %dma_start3A_529 = arith.constant 0 : i32
        %dma_start3A_530 = tpu.memref_slice %arg2[%add3A_526, %dma_start3A_529] : memref<320000x128xf32, #tpu.memory_space<hbm>> -> memref<40x128xf32, #tpu.memory_space<hbm>>
        tpu.enqueue_dma source(%dma_start3A_530 : memref<40x128xf32, #tpu.memory_space<hbm>>) target(%arg10 : memref<40x128xf32, #tpu.memory_space<vmem>>) target_semaphore(%arg20 : memref<!tpu.dma_semaphore, #tpu.memory_space<semaphore_mem>>)
        %dma_start3A_531 = arith.constant 0 : i32
        %dma_start3A_532 = tpu.memref_slice %arg8[%add3A_519, %dma_start3A_531] : memref<50x40xi32, #tpu.memory_space<vmem>> -> memref<1x40xi32, #tpu.memory_space<vmem>>
        %dma_start3A_533 = tpu.memref_squeeze %dma_start3A_532 : memref<1x40xi32, #tpu.memory_space<vmem>> -> memref<40xi32, #tpu.memory_space<vmem>>
        %dma_start3A_534 = arith.constant 0 : i32
        %dma_start3A_535 = arith.constant 0 : i32
        %dma_start3A_536 = tpu.memref_slice %arg3[%dma_start3A_534, %dma_start3A_535] : memref<10000x128xf32, #tpu.memory_space<hbm>> -> memref<10000x128xf32, #tpu.memory_space<hbm>>
        tpu.enqueue_indirect_dma source(%dma_start3A_536 : memref<10000x128xf32, #tpu.memory_space<hbm>>) target(%arg12 : memref<40x128xf32, #tpu.memory_space<vmem>>) offsets(%dma_start3A_533 : memref<40xi32, #tpu.memory_space<vmem>>) semaphore(%arg20 : memref<!tpu.dma_semaphore, #tpu.memory_space<semaphore_mem>>)
      } else {
      }
      %mul3A_474 = arith.constant 2 : i32
      %mul3A_475 = arith.muli %mul3A_474, %scan3A_411 : i32
      %add3A_476 = arith.constant 1 : i32
      %add3A_477 = arith.addi %mul3A_475, %add3A_476 : i32
      %dma_wait3A_478 = arith.constant 0 : i32
      %dma_wait3A_479 = arith.constant 0 : i32
      %dma_wait3A_480 = tpu.memref_slice %arg2[%dma_wait3A_478, %dma_wait3A_479] : memref<320000x128xf32, #tpu.memory_space<hbm>> -> memref<40x128xf32, #tpu.memory_space<hbm>>
      %dma_wait3A_481 = arith.constant 0 : i32
      %dma_wait3A_482 = arith.constant 0 : i32
      %dma_wait3A_483 = tpu.memref_slice %arg2[%dma_wait3A_481, %dma_wait3A_482] : memref<320000x128xf32, #tpu.memory_space<hbm>> -> memref<40x128xf32, #tpu.memory_space<hbm>>
      tpu.wait_dma2 semaphore(%arg21 : memref<!tpu.dma_semaphore, #tpu.memory_space<semaphore_mem>>) src(%dma_wait3A_483 : memref<40x128xf32, #tpu.memory_space<hbm>>) dst(%arg11 : memref<40x128xf32, #tpu.memory_space<vmem>>)
      %dma_wait3A_484 = arith.constant 0 : i32
      %dma_wait3A_485 = arith.constant 0 : i32
      %dma_wait3A_486 = tpu.memref_slice %arg8[%dma_wait3A_484, %dma_wait3A_485] : memref<50x40xi32, #tpu.memory_space<vmem>> -> memref<1x40xi32, #tpu.memory_space<vmem>>
      %dma_wait3A_487 = tpu.memref_squeeze %dma_wait3A_486 : memref<1x40xi32, #tpu.memory_space<vmem>> -> memref<40xi32, #tpu.memory_space<vmem>>
      %dma_wait3A_488 = arith.constant 0 : i32
      %dma_wait3A_489 = arith.constant 0 : i32
      %dma_wait3A_490 = tpu.memref_slice %arg3[%dma_wait3A_488, %dma_wait3A_489] : memref<10000x128xf32, #tpu.memory_space<hbm>> -> memref<10000x128xf32, #tpu.memory_space<hbm>>
      tpu.wait_indirect_dma semaphore(%arg21 : memref<!tpu.dma_semaphore, #tpu.memory_space<semaphore_mem>>) src(%dma_wait3A_490 : memref<10000x128xf32, #tpu.memory_space<hbm>>) dst(%arg13 : memref<40x128xf32, #tpu.memory_space<vmem>>)
      %gt3A_491 = arith.constant 0 : i32
      %gt3A_492 = arith.cmpi sgt, %scan3A_411, %gt3A_491 : i32
      %convert_element_type3A_493 = arith.extui %gt3A_492 : i1 to i32
      %cond3A_494 = arith.constant 0 : i32
      %cond3A_495 = arith.cmpi ne, %convert_element_type3A_493, %cond3A_494 : i32
      scf.if %cond3A_495 {
        %dma_wait3A_516 = arith.constant 0 : i32
        %dma_wait3A_517 = arith.constant 0 : i32
        %dma_wait3A_518 = tpu.memref_slice %arg9[%dma_wait3A_516, %dma_wait3A_517] : memref<50x40xi32, #tpu.memory_space<vmem>> -> memref<1x40xi32, #tpu.memory_space<vmem>>
        %dma_wait3A_519 = tpu.memref_squeeze %dma_wait3A_518 : memref<1x40xi32, #tpu.memory_space<vmem>> -> memref<40xi32, #tpu.memory_space<vmem>>
        %dma_wait3A_520 = arith.constant 0 : i32
        %dma_wait3A_521 = arith.constant 0 : i32
        %dma_wait3A_522 = tpu.memref_slice %arg18[%dma_wait3A_520, %dma_wait3A_521] : memref<10240x128xf32, #tpu.memory_space<vmem_shared>> -> memref<10240x128xf32, #tpu.memory_space<vmem_shared>>
        tpu.wait_indirect_dma semaphore(%arg23 : memref<!tpu.dma_semaphore, #tpu.memory_space<semaphore_mem>>) src(%arg15 : memref<40x128xf32, #tpu.memory_space<vmem>>) dst(%dma_wait3A_522 : memref<10240x128xf32, #tpu.memory_space<vmem_shared>>)
        %dma_wait3A_523 = arith.constant 0 : i32
        %dma_wait3A_524 = arith.constant 0 : i32
        %dma_wait3A_525 = tpu.memref_slice %arg9[%dma_wait3A_523, %dma_wait3A_524] : memref<50x40xi32, #tpu.memory_space<vmem>> -> memref<1x40xi32, #tpu.memory_space<vmem>>
        %dma_wait3A_526 = tpu.memref_squeeze %dma_wait3A_525 : memref<1x40xi32, #tpu.memory_space<vmem>> -> memref<40xi32, #tpu.memory_space<vmem>>
        %dma_wait3A_527 = arith.constant 0 : i32
        %dma_wait3A_528 = arith.constant 0 : i32
        %dma_wait3A_529 = tpu.memref_slice %arg19[%dma_wait3A_527, %dma_wait3A_528] : memref<10240x16xf32, #tpu.memory_space<vmem_shared>> -> memref<10240x16xf32, #tpu.memory_space<vmem_shared>>
        tpu.wait_indirect_dma semaphore(%arg23 : memref<!tpu.dma_semaphore, #tpu.memory_space<semaphore_mem>>) src(%arg16 : memref<40x16xf32, #tpu.memory_space<vmem>>) dst(%dma_wait3A_529 : memref<10240x16xf32, #tpu.memory_space<vmem_shared>>)
      } else {
      }
      %scan3A_496 = arith.constant 0 : i32
      %scan3A_497 = arith.constant 0 : i32
      %scan3A_498 = arith.constant 40 : i32
      %scan3A_499 = arith.addi %scan3A_497, %scan3A_498 : i32
      %scan3A_500 = arith.constant 1 : i32
      %scan3A_501 = scf.for %scan3A_516 = %scan3A_497 to %scan3A_499 step %scan3A_500 iter_args(%scan3A_517 = %scan3A_496) -> (i32)  : i32 {
        %get3A = arith.index_cast %scan3A_516 : i32 to index
        %get3A_518 = arith.constant 0 : index
        %get3A_519 = tpu.vector_load %arg13[%get3A, %get3A_518] {strides = array<i32>} : memref<40x128xf32, #tpu.memory_space<vmem>>, vector<1x16xf32>,
        %get3A_520 = vector.shape_cast %get3A_519 : vector<1x16xf32> to vector<16xf32>
        %get3A_521 = arith.index_cast %scan3A_516 : i32 to index
        %get3A_522 = arith.constant 0 : index
        %get3A_523 = tpu.vector_load %arg11[%get3A_521, %get3A_522] {strides = array<i32>} : memref<40x128xf32, #tpu.memory_space<vmem>>, vector<1x16xf32>,
        %get3A_524 = vector.shape_cast %get3A_523 : vector<1x16xf32> to vector<16xf32>
        %add3A_525 = arith.addf %get3A_520, %get3A_524 : vector<16xf32>
        %max3A = arith.constant 0.000000e+00 : f32
        %max3A_526 = vector.broadcast %max3A : f32 to vector<16xf32>
        %max3A_527 = arith.maximumf %add3A_525, %max3A_526 : vector<16xf32>
        %swap3A = arith.index_cast %scan3A_516 : i32 to index
        %swap3A_528 = arith.constant 0 : index
        %swap3A_529 = tpu.vector_load %arg15[%swap3A, %swap3A_528] {strides = array<i32>} : memref<40x128xf32, #tpu.memory_space<vmem>>, vector<1x16xf32>,
        %swap3A_530 = vector.shape_cast %swap3A_529 : vector<1x16xf32> to vector<16xf32>
        %swap3A_531 = vector.shape_cast %max3A_527 : vector<16xf32> to vector<1x16xf32>
        tpu.vector_store %arg15[%swap3A, %swap3A_528], %swap3A_531 {strides = array<i32>} : memref<40x128xf32, #tpu.memory_space<vmem>>, vector<1x16xf32>,
        %get3A_532 = arith.index_cast %scan3A_516 : i32 to index
        %get3A_533 = arith.constant 16 : index
        %get3A_534 = tpu.vector_load %arg13[%get3A_532, %get3A_533] {strides = array<i32>} : memref<40x128xf32, #tpu.memory_space<vmem>>, vector<1x16xf32>,
        %get3A_535 = vector.shape_cast %get3A_534 : vector<1x16xf32> to vector<16xf32>
        %get3A_536 = arith.index_cast %scan3A_516 : i32 to index
        %get3A_537 = arith.constant 16 : index
        %get3A_538 = tpu.vector_load %arg11[%get3A_536, %get3A_537] {strides = array<i32>} : memref<40x128xf32, #tpu.memory_space<vmem>>, vector<1x16xf32>,
        %get3A_539 = vector.shape_cast %get3A_538 : vector<1x16xf32> to vector<16xf32>
        %add3A_540 = arith.addf %get3A_535, %get3A_539 : vector<16xf32>
        %max3A_541 = arith.constant 0.000000e+00 : f32
        %max3A_542 = vector.broadcast %max3A_541 : f32 to vector<16xf32>
        %max3A_543 = arith.maximumf %add3A_540, %max3A_542 : vector<16xf32>
        %swap3A_544 = arith.index_cast %scan3A_516 : i32 to index
        %swap3A_545 = arith.constant 16 : index
        %swap3A_546 = tpu.vector_load %arg15[%swap3A_544, %swap3A_545] {strides = array<i32>} : memref<40x128xf32, #tpu.memory_space<vmem>>, vector<1x16xf32>,
        %swap3A_547 = vector.shape_cast %swap3A_546 : vector<1x16xf32> to vector<16xf32>
        %swap3A_548 = vector.shape_cast %max3A_543 : vector<16xf32> to vector<1x16xf32>
        tpu.vector_store %arg15[%swap3A_544, %swap3A_545], %swap3A_548 {strides = array<i32>} : memref<40x128xf32, #tpu.memory_space<vmem>>, vector<1x16xf32>,
        %get3A_549 = arith.index_cast %scan3A_516 : i32 to index
        %get3A_550 = arith.constant 32 : index
        %get3A_551 = tpu.vector_load %arg13[%get3A_549, %get3A_550] {strides = array<i32>} : memref<40x128xf32, #tpu.memory_space<vmem>>, vector<1x16xf32>,
        %get3A_552 = vector.shape_cast %get3A_551 : vector<1x16xf32> to vector<16xf32>
        %get3A_553 = arith.index_cast %scan3A_516 : i32 to index
        %get3A_554 = arith.constant 32 : index
        %get3A_555 = tpu.vector_load %arg11[%get3A_553, %get3A_554] {strides = array<i32>} : memref<40x128xf32, #tpu.memory_space<vmem>>, vector<1x16xf32>,
        %get3A_556 = vector.shape_cast %get3A_555 : vector<1x16xf32> to vector<16xf32>
        %add3A_557 = arith.addf %get3A_552, %get3A_556 : vector<16xf32>
        %max3A_558 = arith.constant 0.000000e+00 : f32
        %max3A_559 = vector.broadcast %max3A_558 : f32 to vector<16xf32>
        %max3A_560 = arith.maximumf %add3A_557, %max3A_559 : vector<16xf32>
        %swap3A_561 = arith.index_cast %scan3A_516 : i32 to index
        %swap3A_562 = arith.constant 32 : index
        %swap3A_563 = tpu.vector_load %arg15[%swap3A_561, %swap3A_562] {strides = array<i32>} : memref<40x128xf32, #tpu.memory_space<vmem>>, vector<1x16xf32>,
        %swap3A_564 = vector.shape_cast %swap3A_563 : vector<1x16xf32> to vector<16xf32>
        %swap3A_565 = vector.shape_cast %max3A_560 : vector<16xf32> to vector<1x16xf32>
        tpu.vector_store %arg15[%swap3A_561, %swap3A_562], %swap3A_565 {strides = array<i32>} : memref<40x128xf32, #tpu.memory_space<vmem>>, vector<1x16xf32>,
        %get3A_566 = arith.index_cast %scan3A_516 : i32 to index
        %get3A_567 = arith.constant 48 : index
        %get3A_568 = tpu.vector_load %arg13[%get3A_566, %get3A_567] {strides = array<i32>} : memref<40x128xf32, #tpu.memory_space<vmem>>, vector<1x16xf32>,
        %get3A_569 = vector.shape_cast %get3A_568 : vector<1x16xf32> to vector<16xf32>
        %get3A_570 = arith.index_cast %scan3A_516 : i32 to index
        %get3A_571 = arith.constant 48 : index
        %get3A_572 = tpu.vector_load %arg11[%get3A_570, %get3A_571] {strides = array<i32>} : memref<40x128xf32, #tpu.memory_space<vmem>>, vector<1x16xf32>,
        %get3A_573 = vector.shape_cast %get3A_572 : vector<1x16xf32> to vector<16xf32>
        %add3A_574 = arith.addf %get3A_569, %get3A_573 : vector<16xf32>
        %max3A_575 = arith.constant 0.000000e+00 : f32
        %max3A_576 = vector.broadcast %max3A_575 : f32 to vector<16xf32>
        %max3A_577 = arith.maximumf %add3A_574, %max3A_576 : vector<16xf32>
        %swap3A_578 = arith.index_cast %scan3A_516 : i32 to index
        %swap3A_579 = arith.constant 48 : index
        %swap3A_580 = tpu.vector_load %arg15[%swap3A_578, %swap3A_579] {strides = array<i32>} : memref<40x128xf32, #tpu.memory_space<vmem>>, vector<1x16xf32>,
        %swap3A_581 = vector.shape_cast %swap3A_580 : vector<1x16xf32> to vector<16xf32>
        %swap3A_582 = vector.shape_cast %max3A_577 : vector<16xf32> to vector<1x16xf32>
        tpu.vector_store %arg15[%swap3A_578, %swap3A_579], %swap3A_582 {strides = array<i32>} : memref<40x128xf32, #tpu.memory_space<vmem>>, vector<1x16xf32>,
        %get3A_583 = arith.index_cast %scan3A_516 : i32 to index
        %get3A_584 = arith.constant 64 : index
        %get3A_585 = tpu.vector_load %arg13[%get3A_583, %get3A_584] {strides = array<i32>} : memref<40x128xf32, #tpu.memory_space<vmem>>, vector<1x16xf32>,
        %get3A_586 = vector.shape_cast %get3A_585 : vector<1x16xf32> to vector<16xf32>
        %get3A_587 = arith.index_cast %scan3A_516 : i32 to index
        %get3A_588 = arith.constant 64 : index
        %get3A_589 = tpu.vector_load %arg11[%get3A_587, %get3A_588] {strides = array<i32>} : memref<40x128xf32, #tpu.memory_space<vmem>>, vector<1x16xf32>,
        %get3A_590 = vector.shape_cast %get3A_589 : vector<1x16xf32> to vector<16xf32>
        %add3A_591 = arith.addf %get3A_586, %get3A_590 : vector<16xf32>
        %max3A_592 = arith.constant 0.000000e+00 : f32
        %max3A_593 = vector.broadcast %max3A_592 : f32 to vector<16xf32>
        %max3A_594 = arith.maximumf %add3A_591, %max3A_593 : vector<16xf32>
        %swap3A_595 = arith.index_cast %scan3A_516 : i32 to index
        %swap3A_596 = arith.constant 64 : index
        %swap3A_597 = tpu.vector_load %arg15[%swap3A_595, %swap3A_596] {strides = array<i32>} : memref<40x128xf32, #tpu.memory_space<vmem>>, vector<1x16xf32>,
        %swap3A_598 = vector.shape_cast %swap3A_597 : vector<1x16xf32> to vector<16xf32>
        %swap3A_599 = vector.shape_cast %max3A_594 : vector<16xf32> to vector<1x16xf32>
        tpu.vector_store %arg15[%swap3A_595, %swap3A_596], %swap3A_599 {strides = array<i32>} : memref<40x128xf32, #tpu.memory_space<vmem>>, vector<1x16xf32>,
        %get3A_600 = arith.index_cast %scan3A_516 : i32 to index
        %get3A_601 = arith.constant 80 : index
        %get3A_602 = tpu.vector_load %arg13[%get3A_600, %get3A_601] {strides = array<i32>} : memref<40x128xf32, #tpu.memory_space<vmem>>, vector<1x16xf32>,
        %get3A_603 = vector.shape_cast %get3A_602 : vector<1x16xf32> to vector<16xf32>
        %get3A_604 = arith.index_cast %scan3A_516 : i32 to index
        %get3A_605 = arith.constant 80 : index
        %get3A_606 = tpu.vector_load %arg11[%get3A_604, %get3A_605] {strides = array<i32>} : memref<40x128xf32, #tpu.memory_space<vmem>>, vector<1x16xf32>,
        %get3A_607 = vector.shape_cast %get3A_606 : vector<1x16xf32> to vector<16xf32>
        %add3A_608 = arith.addf %get3A_603, %get3A_607 : vector<16xf32>
        %max3A_609 = arith.constant 0.000000e+00 : f32
        %max3A_610 = vector.broadcast %max3A_609 : f32 to vector<16xf32>
        %max3A_611 = arith.maximumf %add3A_608, %max3A_610 : vector<16xf32>
        %swap3A_612 = arith.index_cast %scan3A_516 : i32 to index
        %swap3A_613 = arith.constant 80 : index
        %swap3A_614 = tpu.vector_load %arg15[%swap3A_612, %swap3A_613] {strides = array<i32>} : memref<40x128xf32, #tpu.memory_space<vmem>>, vector<1x16xf32>,
        %swap3A_615 = vector.shape_cast %swap3A_614 : vector<1x16xf32> to vector<16xf32>
        %swap3A_616 = vector.shape_cast %max3A_611 : vector<16xf32> to vector<1x16xf32>
        tpu.vector_store %arg15[%swap3A_612, %swap3A_613], %swap3A_616 {strides = array<i32>} : memref<40x128xf32, #tpu.memory_space<vmem>>, vector<1x16xf32>,
        %get3A_617 = arith.index_cast %scan3A_516 : i32 to index
        %get3A_618 = arith.constant 96 : index
        %get3A_619 = tpu.vector_load %arg13[%get3A_617, %get3A_618] {strides = array<i32>} : memref<40x128xf32, #tpu.memory_space<vmem>>, vector<1x16xf32>,
        %get3A_620 = vector.shape_cast %get3A_619 : vector<1x16xf32> to vector<16xf32>
        %get3A_621 = arith.index_cast %scan3A_516 : i32 to index
        %get3A_622 = arith.constant 96 : index
        %get3A_623 = tpu.vector_load %arg11[%get3A_621, %get3A_622] {strides = array<i32>} : memref<40x128xf32, #tpu.memory_space<vmem>>, vector<1x16xf32>,
        %get3A_624 = vector.shape_cast %get3A_623 : vector<1x16xf32> to vector<16xf32>
        %add3A_625 = arith.addf %get3A_620, %get3A_624 : vector<16xf32>
        %max3A_626 = arith.constant 0.000000e+00 : f32
        %max3A_627 = vector.broadcast %max3A_626 : f32 to vector<16xf32>
        %max3A_628 = arith.maximumf %add3A_625, %max3A_627 : vector<16xf32>
        %swap3A_629 = arith.index_cast %scan3A_516 : i32 to index
        %swap3A_630 = arith.constant 96 : index
        %swap3A_631 = tpu.vector_load %arg15[%swap3A_629, %swap3A_630] {strides = array<i32>} : memref<40x128xf32, #tpu.memory_space<vmem>>, vector<1x16xf32>,
        %swap3A_632 = vector.shape_cast %swap3A_631 : vector<1x16xf32> to vector<16xf32>
        %swap3A_633 = vector.shape_cast %max3A_628 : vector<16xf32> to vector<1x16xf32>
        tpu.vector_store %arg15[%swap3A_629, %swap3A_630], %swap3A_633 {strides = array<i32>} : memref<40x128xf32, #tpu.memory_space<vmem>>, vector<1x16xf32>,
        %get3A_634 = arith.index_cast %scan3A_516 : i32 to index
        %get3A_635 = arith.constant 112 : index
        %get3A_636 = tpu.vector_load %arg13[%get3A_634, %get3A_635] {strides = array<i32>} : memref<40x128xf32, #tpu.memory_space<vmem>>, vector<1x16xf32>,
        %get3A_637 = vector.shape_cast %get3A_636 : vector<1x16xf32> to vector<16xf32>
        %get3A_638 = arith.index_cast %scan3A_516 : i32 to index
        %get3A_639 = arith.constant 112 : index
        %get3A_640 = tpu.vector_load %arg11[%get3A_638, %get3A_639] {strides = array<i32>} : memref<40x128xf32, #tpu.memory_space<vmem>>, vector<1x16xf32>,
        %get3A_641 = vector.shape_cast %get3A_640 : vector<1x16xf32> to vector<16xf32>
        %add3A_642 = arith.addf %get3A_637, %get3A_641 : vector<16xf32>
        %max3A_643 = arith.constant 0.000000e+00 : f32
        %max3A_644 = vector.broadcast %max3A_643 : f32 to vector<16xf32>
        %max3A_645 = arith.maximumf %add3A_642, %max3A_644 : vector<16xf32>
        %swap3A_646 = arith.index_cast %scan3A_516 : i32 to index
        %swap3A_647 = arith.constant 112 : index
        %swap3A_648 = tpu.vector_load %arg15[%swap3A_646, %swap3A_647] {strides = array<i32>} : memref<40x128xf32, #tpu.memory_space<vmem>>, vector<1x16xf32>,
        %swap3A_649 = vector.shape_cast %swap3A_648 : vector<1x16xf32> to vector<16xf32>
        %swap3A_650 = vector.shape_cast %max3A_645 : vector<16xf32> to vector<1x16xf32>
        tpu.vector_store %arg15[%swap3A_646, %swap3A_647], %swap3A_650 {strides = array<i32>} : memref<40x128xf32, #tpu.memory_space<vmem>>, vector<1x16xf32>,
        %scan3A_651 = arith.constant 0 : i32
        scf.yield %scan3A_651 : i32
      }
      %scan3A_502 = arith.constant 40 : i32
      %dma_start3A_503 = arith.constant 0 : i32
      %dma_start3A_504 = tpu.memref_slice %arg9[%add3A_477, %dma_start3A_503] : memref<50x40xi32, #tpu.memory_space<vmem>> -> memref<1x40xi32, #tpu.memory_space<vmem>>
      %dma_start3A_505 = tpu.memref_squeeze %dma_start3A_504 : memref<1x40xi32, #tpu.memory_space<vmem>> -> memref<40xi32, #tpu.memory_space<vmem>>
      %dma_start3A_506 = arith.constant 0 : i32
      %dma_start3A_507 = arith.constant 0 : i32
      %dma_start3A_508 = tpu.memref_slice %arg18[%dma_start3A_506, %dma_start3A_507] : memref<10240x128xf32, #tpu.memory_space<vmem_shared>> -> memref<10240x128xf32, #tpu.memory_space<vmem_shared>>
      tpu.enqueue_indirect_dma source(%arg15 : memref<40x128xf32, #tpu.memory_space<vmem>>) target(%dma_start3A_508 : memref<10240x128xf32, #tpu.memory_space<vmem_shared>>) offsets(%dma_start3A_505 : memref<40xi32, #tpu.memory_space<vmem>>) semaphore(%arg23 : memref<!tpu.dma_semaphore, #tpu.memory_space<semaphore_mem>>) {add = true}
      %dma_start3A_509 = arith.constant 0 : i32
      %dma_start3A_510 = tpu.memref_slice %arg9[%add3A_477, %dma_start3A_509] : memref<50x40xi32, #tpu.memory_space<vmem>> -> memref<1x40xi32, #tpu.memory_space<vmem>>
      %dma_start3A_511 = tpu.memref_squeeze %dma_start3A_510 : memref<1x40xi32, #tpu.memory_space<vmem>> -> memref<40xi32, #tpu.memory_space<vmem>>
      %dma_start3A_512 = arith.constant 0 : i32
      %dma_start3A_513 = arith.constant 0 : i32
      %dma_start3A_514 = tpu.memref_slice %arg19[%dma_start3A_512, %dma_start3A_513] : memref<10240x16xf32, #tpu.memory_space<vmem_shared>> -> memref<10240x16xf32, #tpu.memory_space<vmem_shared>>
      tpu.enqueue_indirect_dma source(%arg16 : memref<40x16xf32, #tpu.memory_space<vmem>>) target(%dma_start3A_514 : memref<10240x16xf32, #tpu.memory_space<vmem_shared>>) offsets(%dma_start3A_511 : memref<40xi32, #tpu.memory_space<vmem>>) semaphore(%arg23 : memref<!tpu.dma_semaphore, #tpu.memory_space<semaphore_mem>>) {add = true}
      %scan3A_515 = arith.constant 0 : i32
      scf.yield %scan3A_515 : i32
    }
    %scan3A_321 = arith.constant 25 : i32
    %dma_wait3A_322 = arith.constant 0 : i32
    %dma_wait3A_323 = arith.constant 0 : i32
    %dma_wait3A_324 = tpu.memref_slice %arg9[%dma_wait3A_322, %dma_wait3A_323] : memref<50x40xi32, #tpu.memory_space<vmem>> -> memref<1x40xi32, #tpu.memory_space<vmem>>
    %dma_wait3A_325 = tpu.memref_squeeze %dma_wait3A_324 : memref<1x40xi32, #tpu.memory_space<vmem>> -> memref<40xi32, #tpu.memory_space<vmem>>
    %dma_wait3A_326 = arith.constant 0 : i32
    %dma_wait3A_327 = arith.constant 0 : i32
    %dma_wait3A_328 = tpu.memref_slice %arg18[%dma_wait3A_326, %dma_wait3A_327] : memref<10240x128xf32, #tpu.memory_space<vmem_shared>> -> memref<10240x128xf32, #tpu.memory_space<vmem_shared>>
    tpu.wait_indirect_dma semaphore(%arg22 : memref<!tpu.dma_semaphore, #tpu.memory_space<semaphore_mem>>) src(%arg14 : memref<40x128xf32, #tpu.memory_space<vmem>>) dst(%dma_wait3A_328 : memref<10240x128xf32, #tpu.memory_space<vmem_shared>>)
    %dma_wait3A_329 = arith.constant 0 : i32
    %dma_wait3A_330 = arith.constant 0 : i32
    %dma_wait3A_331 = tpu.memref_slice %arg9[%dma_wait3A_329, %dma_wait3A_330] : memref<50x40xi32, #tpu.memory_space<vmem>> -> memref<1x40xi32, #tpu.memory_space<vmem>>
    %dma_wait3A_332 = tpu.memref_squeeze %dma_wait3A_331 : memref<1x40xi32, #tpu.memory_space<vmem>> -> memref<40xi32, #tpu.memory_space<vmem>>
    %dma_wait3A_333 = arith.constant 0 : i32
    %dma_wait3A_334 = arith.constant 0 : i32
    %dma_wait3A_335 = tpu.memref_slice %arg19[%dma_wait3A_333, %dma_wait3A_334] : memref<10240x16xf32, #tpu.memory_space<vmem_shared>> -> memref<10240x16xf32, #tpu.memory_space<vmem_shared>>
    tpu.wait_indirect_dma semaphore(%arg22 : memref<!tpu.dma_semaphore, #tpu.memory_space<semaphore_mem>>) src(%arg16 : memref<40x16xf32, #tpu.memory_space<vmem>>) dst(%dma_wait3A_335 : memref<10240x16xf32, #tpu.memory_space<vmem_shared>>)
    %dma_wait3A_336 = arith.constant 0 : i32
    %dma_wait3A_337 = arith.constant 0 : i32
    %dma_wait3A_338 = tpu.memref_slice %arg9[%dma_wait3A_336, %dma_wait3A_337] : memref<50x40xi32, #tpu.memory_space<vmem>> -> memref<1x40xi32, #tpu.memory_space<vmem>>
    %dma_wait3A_339 = tpu.memref_squeeze %dma_wait3A_338 : memref<1x40xi32, #tpu.memory_space<vmem>> -> memref<40xi32, #tpu.memory_space<vmem>>
    %dma_wait3A_340 = arith.constant 0 : i32
    %dma_wait3A_341 = arith.constant 0 : i32
    %dma_wait3A_342 = tpu.memref_slice %arg18[%dma_wait3A_340, %dma_wait3A_341] : memref<10240x128xf32, #tpu.memory_space<vmem_shared>> -> memref<10240x128xf32, #tpu.memory_space<vmem_shared>>
    tpu.wait_indirect_dma semaphore(%arg23 : memref<!tpu.dma_semaphore, #tpu.memory_space<semaphore_mem>>) src(%arg15 : memref<40x128xf32, #tpu.memory_space<vmem>>) dst(%dma_wait3A_342 : memref<10240x128xf32, #tpu.memory_space<vmem_shared>>)
    %dma_wait3A_343 = arith.constant 0 : i32
    %dma_wait3A_344 = arith.constant 0 : i32
    %dma_wait3A_345 = tpu.memref_slice %arg9[%dma_wait3A_343, %dma_wait3A_344] : memref<50x40xi32, #tpu.memory_space<vmem>> -> memref<1x40xi32, #tpu.memory_space<vmem>>
    %dma_wait3A_346 = tpu.memref_squeeze %dma_wait3A_345 : memref<1x40xi32, #tpu.memory_space<vmem>> -> memref<40xi32, #tpu.memory_space<vmem>>
    %dma_wait3A_347 = arith.constant 0 : i32
    %dma_wait3A_348 = arith.constant 0 : i32
    %dma_wait3A_349 = tpu.memref_slice %arg19[%dma_wait3A_347, %dma_wait3A_348] : memref<10240x16xf32, #tpu.memory_space<vmem_shared>> -> memref<10240x16xf32, #tpu.memory_space<vmem_shared>>
    tpu.wait_indirect_dma semaphore(%arg23 : memref<!tpu.dma_semaphore, #tpu.memory_space<semaphore_mem>>) src(%arg16 : memref<40x16xf32, #tpu.memory_space<vmem>>) dst(%dma_wait3A_349 : memref<10240x16xf32, #tpu.memory_space<vmem_shared>>)
    %run_scoped3A_350 = arith.constant 4 : i32
    "tpu.region"() ({
      %run_scoped3A_411 = tpu.sem_alloc : memref<!tpu.dma_semaphore, #tpu.memory_space<semaphore_mem>>
      %dma_start3A_412 = arith.constant 0 : i32
      %dma_start3A_413 = arith.constant 0 : i32
      %dma_start3A_414 = tpu.memref_slice %arg4[%add3A, %run_scoped3A_350, %dma_start3A_412, %dma_start3A_413] : memref<32x5x50x40xi32, #tpu.memory_space<hbm>> -> memref<1x1x50x40xi32, #tpu.memory_space<hbm>>
      %dma_start3A_415 = tpu.memref_squeeze %dma_start3A_414 : memref<1x1x50x40xi32, #tpu.memory_space<hbm>> -> memref<50x40xi32, #tpu.memory_space<hbm>>
      %dma_start3A_416 = arith.constant 0 : i32
      %dma_start3A_417 = arith.constant 0 : i32
      %dma_start3A_418 = tpu.memref_slice %arg4[%add3A, %run_scoped3A_350, %dma_start3A_416, %dma_start3A_417] : memref<32x5x50x40xi32, #tpu.memory_space<hbm>> -> memref<1x1x50x40xi32, #tpu.memory_space<hbm>>
      %dma_start3A_419 = tpu.memref_squeeze %dma_start3A_418 : memref<1x1x50x40xi32, #tpu.memory_space<hbm>> -> memref<50x40xi32, #tpu.memory_space<hbm>>
      tpu.enqueue_dma source(%dma_start3A_419 : memref<50x40xi32, #tpu.memory_space<hbm>>) target(%arg8 : memref<50x40xi32, #tpu.memory_space<vmem>>) target_semaphore(%run_scoped3A_411 : memref<!tpu.dma_semaphore, #tpu.memory_space<semaphore_mem>>)
      %dma_wait3A_420 = arith.constant 0 : i32
      %dma_wait3A_421 = arith.constant 0 : i32
      %dma_wait3A_422 = tpu.memref_slice %arg4[%add3A, %run_scoped3A_350, %dma_wait3A_420, %dma_wait3A_421] : memref<32x5x50x40xi32, #tpu.memory_space<hbm>> -> memref<1x1x50x40xi32, #tpu.memory_space<hbm>>
      %dma_wait3A_423 = tpu.memref_squeeze %dma_wait3A_422 : memref<1x1x50x40xi32, #tpu.memory_space<hbm>> -> memref<50x40xi32, #tpu.memory_space<hbm>>
      %dma_wait3A_424 = arith.constant 0 : i32
      %dma_wait3A_425 = arith.constant 0 : i32
      %dma_wait3A_426 = tpu.memref_slice %arg4[%add3A, %run_scoped3A_350, %dma_wait3A_424, %dma_wait3A_425] : memref<32x5x50x40xi32, #tpu.memory_space<hbm>> -> memref<1x1x50x40xi32, #tpu.memory_space<hbm>>
      %dma_wait3A_427 = tpu.memref_squeeze %dma_wait3A_426 : memref<1x1x50x40xi32, #tpu.memory_space<hbm>> -> memref<50x40xi32, #tpu.memory_space<hbm>>
      tpu.wait_dma2 semaphore(%run_scoped3A_411 : memref<!tpu.dma_semaphore, #tpu.memory_space<semaphore_mem>>) src(%dma_wait3A_427 : memref<50x40xi32, #tpu.memory_space<hbm>>) dst(%arg8 : memref<50x40xi32, #tpu.memory_space<vmem>>)
      tpu.yield
    }) : () -> ()
    %run_scoped3A_351 = arith.constant 4 : i32
    "tpu.region"() ({
      %run_scoped3A_411 = tpu.sem_alloc : memref<!tpu.dma_semaphore, #tpu.memory_space<semaphore_mem>>
      %dma_start3A_412 = arith.constant 0 : i32
      %dma_start3A_413 = arith.constant 0 : i32
      %dma_start3A_414 = tpu.memref_slice %arg5[%add3A, %run_scoped3A_351, %dma_start3A_412, %dma_start3A_413] : memref<32x5x50x40xi32, #tpu.memory_space<hbm>> -> memref<1x1x50x40xi32, #tpu.memory_space<hbm>>
      %dma_start3A_415 = tpu.memref_squeeze %dma_start3A_414 : memref<1x1x50x40xi32, #tpu.memory_space<hbm>> -> memref<50x40xi32, #tpu.memory_space<hbm>>
      %dma_start3A_416 = arith.constant 0 : i32
      %dma_start3A_417 = arith.constant 0 : i32
      %dma_start3A_418 = tpu.memref_slice %arg5[%add3A, %run_scoped3A_351, %dma_start3A_416, %dma_start3A_417] : memref<32x5x50x40xi32, #tpu.memory_space<hbm>> -> memref<1x1x50x40xi32, #tpu.memory_space<hbm>>
      %dma_start3A_419 = tpu.memref_squeeze %dma_start3A_418 : memref<1x1x50x40xi32, #tpu.memory_space<hbm>> -> memref<50x40xi32, #tpu.memory_space<hbm>>
      tpu.enqueue_dma source(%dma_start3A_419 : memref<50x40xi32, #tpu.memory_space<hbm>>) target(%arg9 : memref<50x40xi32, #tpu.memory_space<vmem>>) target_semaphore(%run_scoped3A_411 : memref<!tpu.dma_semaphore, #tpu.memory_space<semaphore_mem>>)
      %dma_wait3A_420 = arith.constant 0 : i32
      %dma_wait3A_421 = arith.constant 0 : i32
      %dma_wait3A_422 = tpu.memref_slice %arg5[%add3A, %run_scoped3A_351, %dma_wait3A_420, %dma_wait3A_421] : memref<32x5x50x40xi32, #tpu.memory_space<hbm>> -> memref<1x1x50x40xi32, #tpu.memory_space<hbm>>
      %dma_wait3A_423 = tpu.memref_squeeze %dma_wait3A_422 : memref<1x1x50x40xi32, #tpu.memory_space<hbm>> -> memref<50x40xi32, #tpu.memory_space<hbm>>
      %dma_wait3A_424 = arith.constant 0 : i32
      %dma_wait3A_425 = arith.constant 0 : i32
      %dma_wait3A_426 = tpu.memref_slice %arg5[%add3A, %run_scoped3A_351, %dma_wait3A_424, %dma_wait3A_425] : memref<32x5x50x40xi32, #tpu.memory_space<hbm>> -> memref<1x1x50x40xi32, #tpu.memory_space<hbm>>
      %dma_wait3A_427 = tpu.memref_squeeze %dma_wait3A_426 : memref<1x1x50x40xi32, #tpu.memory_space<hbm>> -> memref<50x40xi32, #tpu.memory_space<hbm>>
      tpu.wait_dma2 semaphore(%run_scoped3A_411 : memref<!tpu.dma_semaphore, #tpu.memory_space<semaphore_mem>>) src(%dma_wait3A_427 : memref<50x40xi32, #tpu.memory_space<hbm>>) dst(%arg9 : memref<50x40xi32, #tpu.memory_space<vmem>>)
      tpu.yield
    }) : () -> ()
    %mul3A_352 = arith.constant 10000 : i32
    %mul3A_353 = arith.muli %add3A, %mul3A_352 : i32
    %add3A_354 = arith.constant 8000 : i32
    %add3A_355 = arith.addi %mul3A_353, %add3A_354 : i32
    %dma_start3A_356 = arith.constant 0 : i32
    %dma_start3A_357 = tpu.memref_slice %arg2[%add3A_355, %dma_start3A_356] : memref<320000x128xf32, #tpu.memory_space<hbm>> -> memref<40x128xf32, #tpu.memory_space<hbm>>
    %dma_start3A_358 = arith.constant 0 : i32
    %dma_start3A_359 = tpu.memref_slice %arg2[%add3A_355, %dma_start3A_358] : memref<320000x128xf32, #tpu.memory_space<hbm>> -> memref<40x128xf32, #tpu.memory_space<hbm>>
    tpu.enqueue_dma source(%dma_start3A_359 : memref<40x128xf32, #tpu.memory_space<hbm>>) target(%arg10 : memref<40x128xf32, #tpu.memory_space<vmem>>) target_semaphore(%arg20 : memref<!tpu.dma_semaphore, #tpu.memory_space<semaphore_mem>>)
    %dma_start3A_360 = arith.constant 0 : i32
    %dma_start3A_361 = arith.constant 0 : i32
    %dma_start3A_362 = tpu.memref_slice %arg8[%dma_start3A_360, %dma_start3A_361] : memref<50x40xi32, #tpu.memory_space<vmem>> -> memref<1x40xi32, #tpu.memory_space<vmem>>
    %dma_start3A_363 = tpu.memref_squeeze %dma_start3A_362 : memref<1x40xi32, #tpu.memory_space<vmem>> -> memref<40xi32, #tpu.memory_space<vmem>>
    %dma_start3A_364 = arith.constant 0 : i32
    %dma_start3A_365 = arith.constant 0 : i32
    %dma_start3A_366 = tpu.memref_slice %arg3[%dma_start3A_364, %dma_start3A_365] : memref<10000x128xf32, #tpu.memory_space<hbm>> -> memref<10000x128xf32, #tpu.memory_space<hbm>>
    tpu.enqueue_indirect_dma source(%dma_start3A_366 : memref<10000x128xf32, #tpu.memory_space<hbm>>) target(%arg12 : memref<40x128xf32, #tpu.memory_space<vmem>>) offsets(%dma_start3A_363 : memref<40xi32, #tpu.memory_space<vmem>>) semaphore(%arg20 : memref<!tpu.dma_semaphore, #tpu.memory_space<semaphore_mem>>)
    %scan3A_367 = arith.constant 0 : i32
    %scan3A_368 = arith.constant 0 : i32
    %scan3A_369 = arith.constant 25 : i32
    %scan3A_370 = arith.addi %scan3A_368, %scan3A_369 : i32
    %scan3A_371 = arith.constant 1 : i32
    %scan3A_372 = scf.for %scan3A_411 = %scan3A_368 to %scan3A_370 step %scan3A_371 iter_args(%scan3A_412 = %scan3A_367) -> (i32)  : i32 {
      %mul3A_413 = arith.constant 2 : i32
      %mul3A_414 = arith.muli %mul3A_413, %scan3A_411 : i32
      %add3A_415 = arith.constant 1 : i32
      %add3A_416 = arith.addi %mul3A_414, %add3A_415 : i32
      %mul3A_417 = arith.constant 10000 : i32
      %mul3A_418 = arith.muli %add3A, %mul3A_417 : i32
      %add3A_419 = arith.constant 200 : i32
      %add3A_420 = arith.addi %add3A_419, %add3A_416 : i32
      %mul3A_421 = arith.constant 40 : i32
      %mul3A_422 = arith.muli %add3A_420, %mul3A_421 : i32
      %add3A_423 = arith.addi %mul3A_418, %mul3A_422 : i32
      %dma_start3A_424 = arith.constant 0 : i32
      %dma_start3A_425 = tpu.memref_slice %arg2[%add3A_423, %dma_start3A_424] : memref<320000x128xf32, #tpu.memory_space<hbm>> -> memref<40x128xf32, #tpu.memory_space<hbm>>
      %dma_start3A_426 = arith.constant 0 : i32
      %dma_start3A_427 = tpu.memref_slice %arg2[%add3A_423, %dma_start3A_426] : memref<320000x128xf32, #tpu.memory_space<hbm>> -> memref<40x128xf32, #tpu.memory_space<hbm>>
      tpu.enqueue_dma source(%dma_start3A_427 : memref<40x128xf32, #tpu.memory_space<hbm>>) target(%arg11 : memref<40x128xf32, #tpu.memory_space<vmem>>) target_semaphore(%arg21 : memref<!tpu.dma_semaphore, #tpu.memory_space<semaphore_mem>>)
      %dma_start3A_428 = arith.constant 0 : i32
      %dma_start3A_429 = tpu.memref_slice %arg8[%add3A_416, %dma_start3A_428] : memref<50x40xi32, #tpu.memory_space<vmem>> -> memref<1x40xi32, #tpu.memory_space<vmem>>
      %dma_start3A_430 = tpu.memref_squeeze %dma_start3A_429 : memref<1x40xi32, #tpu.memory_space<vmem>> -> memref<40xi32, #tpu.memory_space<vmem>>
      %dma_start3A_431 = arith.constant 0 : i32
      %dma_start3A_432 = arith.constant 0 : i32
      %dma_start3A_433 = tpu.memref_slice %arg3[%dma_start3A_431, %dma_start3A_432] : memref<10000x128xf32, #tpu.memory_space<hbm>> -> memref<10000x128xf32, #tpu.memory_space<hbm>>
      tpu.enqueue_indirect_dma source(%dma_start3A_433 : memref<10000x128xf32, #tpu.memory_space<hbm>>) target(%arg13 : memref<40x128xf32, #tpu.memory_space<vmem>>) offsets(%dma_start3A_430 : memref<40xi32, #tpu.memory_space<vmem>>) semaphore(%arg21 : memref<!tpu.dma_semaphore, #tpu.memory_space<semaphore_mem>>)
      %mul3A_434 = arith.constant 2 : i32
      %mul3A_435 = arith.muli %mul3A_434, %scan3A_411 : i32
      %dma_wait3A_436 = arith.constant 0 : i32
      %dma_wait3A_437 = arith.constant 0 : i32
      %dma_wait3A_438 = tpu.memref_slice %arg2[%dma_wait3A_436, %dma_wait3A_437] : memref<320000x128xf32, #tpu.memory_space<hbm>> -> memref<40x128xf32, #tpu.memory_space<hbm>>
      %dma_wait3A_439 = arith.constant 0 : i32
      %dma_wait3A_440 = arith.constant 0 : i32
      %dma_wait3A_441 = tpu.memref_slice %arg2[%dma_wait3A_439, %dma_wait3A_440] : memref<320000x128xf32, #tpu.memory_space<hbm>> -> memref<40x128xf32, #tpu.memory_space<hbm>>
      tpu.wait_dma2 semaphore(%arg20 : memref<!tpu.dma_semaphore, #tpu.memory_space<semaphore_mem>>) src(%dma_wait3A_441 : memref<40x128xf32, #tpu.memory_space<hbm>>) dst(%arg10 : memref<40x128xf32, #tpu.memory_space<vmem>>)
      %dma_wait3A_442 = arith.constant 0 : i32
      %dma_wait3A_443 = arith.constant 0 : i32
      %dma_wait3A_444 = tpu.memref_slice %arg8[%dma_wait3A_442, %dma_wait3A_443] : memref<50x40xi32, #tpu.memory_space<vmem>> -> memref<1x40xi32, #tpu.memory_space<vmem>>
      %dma_wait3A_445 = tpu.memref_squeeze %dma_wait3A_444 : memref<1x40xi32, #tpu.memory_space<vmem>> -> memref<40xi32, #tpu.memory_space<vmem>>
      %dma_wait3A_446 = arith.constant 0 : i32
      %dma_wait3A_447 = arith.constant 0 : i32
      %dma_wait3A_448 = tpu.memref_slice %arg3[%dma_wait3A_446, %dma_wait3A_447] : memref<10000x128xf32, #tpu.memory_space<hbm>> -> memref<10000x128xf32, #tpu.memory_space<hbm>>
      tpu.wait_indirect_dma semaphore(%arg20 : memref<!tpu.dma_semaphore, #tpu.memory_space<semaphore_mem>>) src(%dma_wait3A_448 : memref<10000x128xf32, #tpu.memory_space<hbm>>) dst(%arg12 : memref<40x128xf32, #tpu.memory_space<vmem>>)
      %gt3A = arith.constant 0 : i32
      %gt3A_449 = arith.cmpi sgt, %scan3A_411, %gt3A : i32
      %convert_element_type3A = arith.extui %gt3A_449 : i1 to i32
      %cond3A = arith.constant 0 : i32
      %cond3A_450 = arith.cmpi ne, %convert_element_type3A, %cond3A : i32
      scf.if %cond3A_450 {
        %dma_wait3A_516 = arith.constant 0 : i32
        %dma_wait3A_517 = arith.constant 0 : i32
        %dma_wait3A_518 = tpu.memref_slice %arg9[%dma_wait3A_516, %dma_wait3A_517] : memref<50x40xi32, #tpu.memory_space<vmem>> -> memref<1x40xi32, #tpu.memory_space<vmem>>
        %dma_wait3A_519 = tpu.memref_squeeze %dma_wait3A_518 : memref<1x40xi32, #tpu.memory_space<vmem>> -> memref<40xi32, #tpu.memory_space<vmem>>
        %dma_wait3A_520 = arith.constant 0 : i32
        %dma_wait3A_521 = arith.constant 0 : i32
        %dma_wait3A_522 = tpu.memref_slice %arg18[%dma_wait3A_520, %dma_wait3A_521] : memref<10240x128xf32, #tpu.memory_space<vmem_shared>> -> memref<10240x128xf32, #tpu.memory_space<vmem_shared>>
        tpu.wait_indirect_dma semaphore(%arg22 : memref<!tpu.dma_semaphore, #tpu.memory_space<semaphore_mem>>) src(%arg14 : memref<40x128xf32, #tpu.memory_space<vmem>>) dst(%dma_wait3A_522 : memref<10240x128xf32, #tpu.memory_space<vmem_shared>>)
        %dma_wait3A_523 = arith.constant 0 : i32
        %dma_wait3A_524 = arith.constant 0 : i32
        %dma_wait3A_525 = tpu.memref_slice %arg9[%dma_wait3A_523, %dma_wait3A_524] : memref<50x40xi32, #tpu.memory_space<vmem>> -> memref<1x40xi32, #tpu.memory_space<vmem>>
        %dma_wait3A_526 = tpu.memref_squeeze %dma_wait3A_525 : memref<1x40xi32, #tpu.memory_space<vmem>> -> memref<40xi32, #tpu.memory_space<vmem>>
        %dma_wait3A_527 = arith.constant 0 : i32
        %dma_wait3A_528 = arith.constant 0 : i32
        %dma_wait3A_529 = tpu.memref_slice %arg19[%dma_wait3A_527, %dma_wait3A_528] : memref<10240x16xf32, #tpu.memory_space<vmem_shared>> -> memref<10240x16xf32, #tpu.memory_space<vmem_shared>>
        tpu.wait_indirect_dma semaphore(%arg22 : memref<!tpu.dma_semaphore, #tpu.memory_space<semaphore_mem>>) src(%arg16 : memref<40x16xf32, #tpu.memory_space<vmem>>) dst(%dma_wait3A_529 : memref<10240x16xf32, #tpu.memory_space<vmem_shared>>)
      } else {
      }
      %scan3A_451 = arith.constant 0 : i32
      %scan3A_452 = arith.constant 0 : i32
      %scan3A_453 = arith.constant 40 : i32
      %scan3A_454 = arith.addi %scan3A_452, %scan3A_453 : i32
      %scan3A_455 = arith.constant 1 : i32
      %scan3A_456 = scf.for %scan3A_516 = %scan3A_452 to %scan3A_454 step %scan3A_455 iter_args(%scan3A_517 = %scan3A_451) -> (i32)  : i32 {
        %get3A = arith.index_cast %scan3A_516 : i32 to index
        %get3A_518 = arith.constant 0 : index
        %get3A_519 = tpu.vector_load %arg12[%get3A, %get3A_518] {strides = array<i32>} : memref<40x128xf32, #tpu.memory_space<vmem>>, vector<1x16xf32>,
        %get3A_520 = vector.shape_cast %get3A_519 : vector<1x16xf32> to vector<16xf32>
        %get3A_521 = arith.index_cast %scan3A_516 : i32 to index
        %get3A_522 = arith.constant 0 : index
        %get3A_523 = tpu.vector_load %arg10[%get3A_521, %get3A_522] {strides = array<i32>} : memref<40x128xf32, #tpu.memory_space<vmem>>, vector<1x16xf32>,
        %get3A_524 = vector.shape_cast %get3A_523 : vector<1x16xf32> to vector<16xf32>
        %add3A_525 = arith.addf %get3A_520, %get3A_524 : vector<16xf32>
        %max3A = arith.constant 0.000000e+00 : f32
        %max3A_526 = vector.broadcast %max3A : f32 to vector<16xf32>
        %max3A_527 = arith.maximumf %add3A_525, %max3A_526 : vector<16xf32>
        %swap3A = arith.index_cast %scan3A_516 : i32 to index
        %swap3A_528 = arith.constant 0 : index
        %swap3A_529 = tpu.vector_load %arg14[%swap3A, %swap3A_528] {strides = array<i32>} : memref<40x128xf32, #tpu.memory_space<vmem>>, vector<1x16xf32>,
        %swap3A_530 = vector.shape_cast %swap3A_529 : vector<1x16xf32> to vector<16xf32>
        %swap3A_531 = vector.shape_cast %max3A_527 : vector<16xf32> to vector<1x16xf32>
        tpu.vector_store %arg14[%swap3A, %swap3A_528], %swap3A_531 {strides = array<i32>} : memref<40x128xf32, #tpu.memory_space<vmem>>, vector<1x16xf32>,
        %get3A_532 = arith.index_cast %scan3A_516 : i32 to index
        %get3A_533 = arith.constant 16 : index
        %get3A_534 = tpu.vector_load %arg12[%get3A_532, %get3A_533] {strides = array<i32>} : memref<40x128xf32, #tpu.memory_space<vmem>>, vector<1x16xf32>,
        %get3A_535 = vector.shape_cast %get3A_534 : vector<1x16xf32> to vector<16xf32>
        %get3A_536 = arith.index_cast %scan3A_516 : i32 to index
        %get3A_537 = arith.constant 16 : index
        %get3A_538 = tpu.vector_load %arg10[%get3A_536, %get3A_537] {strides = array<i32>} : memref<40x128xf32, #tpu.memory_space<vmem>>, vector<1x16xf32>,
        %get3A_539 = vector.shape_cast %get3A_538 : vector<1x16xf32> to vector<16xf32>
        %add3A_540 = arith.addf %get3A_535, %get3A_539 : vector<16xf32>
        %max3A_541 = arith.constant 0.000000e+00 : f32
        %max3A_542 = vector.broadcast %max3A_541 : f32 to vector<16xf32>
        %max3A_543 = arith.maximumf %add3A_540, %max3A_542 : vector<16xf32>
        %swap3A_544 = arith.index_cast %scan3A_516 : i32 to index
        %swap3A_545 = arith.constant 16 : index
        %swap3A_546 = tpu.vector_load %arg14[%swap3A_544, %swap3A_545] {strides = array<i32>} : memref<40x128xf32, #tpu.memory_space<vmem>>, vector<1x16xf32>,
        %swap3A_547 = vector.shape_cast %swap3A_546 : vector<1x16xf32> to vector<16xf32>
        %swap3A_548 = vector.shape_cast %max3A_543 : vector<16xf32> to vector<1x16xf32>
        tpu.vector_store %arg14[%swap3A_544, %swap3A_545], %swap3A_548 {strides = array<i32>} : memref<40x128xf32, #tpu.memory_space<vmem>>, vector<1x16xf32>,
        %get3A_549 = arith.index_cast %scan3A_516 : i32 to index
        %get3A_550 = arith.constant 32 : index
        %get3A_551 = tpu.vector_load %arg12[%get3A_549, %get3A_550] {strides = array<i32>} : memref<40x128xf32, #tpu.memory_space<vmem>>, vector<1x16xf32>,
        %get3A_552 = vector.shape_cast %get3A_551 : vector<1x16xf32> to vector<16xf32>
        %get3A_553 = arith.index_cast %scan3A_516 : i32 to index
        %get3A_554 = arith.constant 32 : index
        %get3A_555 = tpu.vector_load %arg10[%get3A_553, %get3A_554] {strides = array<i32>} : memref<40x128xf32, #tpu.memory_space<vmem>>, vector<1x16xf32>,
        %get3A_556 = vector.shape_cast %get3A_555 : vector<1x16xf32> to vector<16xf32>
        %add3A_557 = arith.addf %get3A_552, %get3A_556 : vector<16xf32>
        %max3A_558 = arith.constant 0.000000e+00 : f32
        %max3A_559 = vector.broadcast %max3A_558 : f32 to vector<16xf32>
        %max3A_560 = arith.maximumf %add3A_557, %max3A_559 : vector<16xf32>
        %swap3A_561 = arith.index_cast %scan3A_516 : i32 to index
        %swap3A_562 = arith.constant 32 : index
        %swap3A_563 = tpu.vector_load %arg14[%swap3A_561, %swap3A_562] {strides = array<i32>} : memref<40x128xf32, #tpu.memory_space<vmem>>, vector<1x16xf32>,
        %swap3A_564 = vector.shape_cast %swap3A_563 : vector<1x16xf32> to vector<16xf32>
        %swap3A_565 = vector.shape_cast %max3A_560 : vector<16xf32> to vector<1x16xf32>
        tpu.vector_store %arg14[%swap3A_561, %swap3A_562], %swap3A_565 {strides = array<i32>} : memref<40x128xf32, #tpu.memory_space<vmem>>, vector<1x16xf32>,
        %get3A_566 = arith.index_cast %scan3A_516 : i32 to index
        %get3A_567 = arith.constant 48 : index
        %get3A_568 = tpu.vector_load %arg12[%get3A_566, %get3A_567] {strides = array<i32>} : memref<40x128xf32, #tpu.memory_space<vmem>>, vector<1x16xf32>,
        %get3A_569 = vector.shape_cast %get3A_568 : vector<1x16xf32> to vector<16xf32>
        %get3A_570 = arith.index_cast %scan3A_516 : i32 to index
        %get3A_571 = arith.constant 48 : index
        %get3A_572 = tpu.vector_load %arg10[%get3A_570, %get3A_571] {strides = array<i32>} : memref<40x128xf32, #tpu.memory_space<vmem>>, vector<1x16xf32>,
        %get3A_573 = vector.shape_cast %get3A_572 : vector<1x16xf32> to vector<16xf32>
        %add3A_574 = arith.addf %get3A_569, %get3A_573 : vector<16xf32>
        %max3A_575 = arith.constant 0.000000e+00 : f32
        %max3A_576 = vector.broadcast %max3A_575 : f32 to vector<16xf32>
        %max3A_577 = arith.maximumf %add3A_574, %max3A_576 : vector<16xf32>
        %swap3A_578 = arith.index_cast %scan3A_516 : i32 to index
        %swap3A_579 = arith.constant 48 : index
        %swap3A_580 = tpu.vector_load %arg14[%swap3A_578, %swap3A_579] {strides = array<i32>} : memref<40x128xf32, #tpu.memory_space<vmem>>, vector<1x16xf32>,
        %swap3A_581 = vector.shape_cast %swap3A_580 : vector<1x16xf32> to vector<16xf32>
        %swap3A_582 = vector.shape_cast %max3A_577 : vector<16xf32> to vector<1x16xf32>
        tpu.vector_store %arg14[%swap3A_578, %swap3A_579], %swap3A_582 {strides = array<i32>} : memref<40x128xf32, #tpu.memory_space<vmem>>, vector<1x16xf32>,
        %get3A_583 = arith.index_cast %scan3A_516 : i32 to index
        %get3A_584 = arith.constant 64 : index
        %get3A_585 = tpu.vector_load %arg12[%get3A_583, %get3A_584] {strides = array<i32>} : memref<40x128xf32, #tpu.memory_space<vmem>>, vector<1x16xf32>,
        %get3A_586 = vector.shape_cast %get3A_585 : vector<1x16xf32> to vector<16xf32>
        %get3A_587 = arith.index_cast %scan3A_516 : i32 to index
        %get3A_588 = arith.constant 64 : index
        %get3A_589 = tpu.vector_load %arg10[%get3A_587, %get3A_588] {strides = array<i32>} : memref<40x128xf32, #tpu.memory_space<vmem>>, vector<1x16xf32>,
        %get3A_590 = vector.shape_cast %get3A_589 : vector<1x16xf32> to vector<16xf32>
        %add3A_591 = arith.addf %get3A_586, %get3A_590 : vector<16xf32>
        %max3A_592 = arith.constant 0.000000e+00 : f32
        %max3A_593 = vector.broadcast %max3A_592 : f32 to vector<16xf32>
        %max3A_594 = arith.maximumf %add3A_591, %max3A_593 : vector<16xf32>
        %swap3A_595 = arith.index_cast %scan3A_516 : i32 to index
        %swap3A_596 = arith.constant 64 : index
        %swap3A_597 = tpu.vector_load %arg14[%swap3A_595, %swap3A_596] {strides = array<i32>} : memref<40x128xf32, #tpu.memory_space<vmem>>, vector<1x16xf32>,
        %swap3A_598 = vector.shape_cast %swap3A_597 : vector<1x16xf32> to vector<16xf32>
        %swap3A_599 = vector.shape_cast %max3A_594 : vector<16xf32> to vector<1x16xf32>
        tpu.vector_store %arg14[%swap3A_595, %swap3A_596], %swap3A_599 {strides = array<i32>} : memref<40x128xf32, #tpu.memory_space<vmem>>, vector<1x16xf32>,
        %get3A_600 = arith.index_cast %scan3A_516 : i32 to index
        %get3A_601 = arith.constant 80 : index
        %get3A_602 = tpu.vector_load %arg12[%get3A_600, %get3A_601] {strides = array<i32>} : memref<40x128xf32, #tpu.memory_space<vmem>>, vector<1x16xf32>,
        %get3A_603 = vector.shape_cast %get3A_602 : vector<1x16xf32> to vector<16xf32>
        %get3A_604 = arith.index_cast %scan3A_516 : i32 to index
        %get3A_605 = arith.constant 80 : index
        %get3A_606 = tpu.vector_load %arg10[%get3A_604, %get3A_605] {strides = array<i32>} : memref<40x128xf32, #tpu.memory_space<vmem>>, vector<1x16xf32>,
        %get3A_607 = vector.shape_cast %get3A_606 : vector<1x16xf32> to vector<16xf32>
        %add3A_608 = arith.addf %get3A_603, %get3A_607 : vector<16xf32>
        %max3A_609 = arith.constant 0.000000e+00 : f32
        %max3A_610 = vector.broadcast %max3A_609 : f32 to vector<16xf32>
        %max3A_611 = arith.maximumf %add3A_608, %max3A_610 : vector<16xf32>
        %swap3A_612 = arith.index_cast %scan3A_516 : i32 to index
        %swap3A_613 = arith.constant 80 : index
        %swap3A_614 = tpu.vector_load %arg14[%swap3A_612, %swap3A_613] {strides = array<i32>} : memref<40x128xf32, #tpu.memory_space<vmem>>, vector<1x16xf32>,
        %swap3A_615 = vector.shape_cast %swap3A_614 : vector<1x16xf32> to vector<16xf32>
        %swap3A_616 = vector.shape_cast %max3A_611 : vector<16xf32> to vector<1x16xf32>
        tpu.vector_store %arg14[%swap3A_612, %swap3A_613], %swap3A_616 {strides = array<i32>} : memref<40x128xf32, #tpu.memory_space<vmem>>, vector<1x16xf32>,
        %get3A_617 = arith.index_cast %scan3A_516 : i32 to index
        %get3A_618 = arith.constant 96 : index
        %get3A_619 = tpu.vector_load %arg12[%get3A_617, %get3A_618] {strides = array<i32>} : memref<40x128xf32, #tpu.memory_space<vmem>>, vector<1x16xf32>,
        %get3A_620 = vector.shape_cast %get3A_619 : vector<1x16xf32> to vector<16xf32>
        %get3A_621 = arith.index_cast %scan3A_516 : i32 to index
        %get3A_622 = arith.constant 96 : index
        %get3A_623 = tpu.vector_load %arg10[%get3A_621, %get3A_622] {strides = array<i32>} : memref<40x128xf32, #tpu.memory_space<vmem>>, vector<1x16xf32>,
        %get3A_624 = vector.shape_cast %get3A_623 : vector<1x16xf32> to vector<16xf32>
        %add3A_625 = arith.addf %get3A_620, %get3A_624 : vector<16xf32>
        %max3A_626 = arith.constant 0.000000e+00 : f32
        %max3A_627 = vector.broadcast %max3A_626 : f32 to vector<16xf32>
        %max3A_628 = arith.maximumf %add3A_625, %max3A_627 : vector<16xf32>
        %swap3A_629 = arith.index_cast %scan3A_516 : i32 to index
        %swap3A_630 = arith.constant 96 : index
        %swap3A_631 = tpu.vector_load %arg14[%swap3A_629, %swap3A_630] {strides = array<i32>} : memref<40x128xf32, #tpu.memory_space<vmem>>, vector<1x16xf32>,
        %swap3A_632 = vector.shape_cast %swap3A_631 : vector<1x16xf32> to vector<16xf32>
        %swap3A_633 = vector.shape_cast %max3A_628 : vector<16xf32> to vector<1x16xf32>
        tpu.vector_store %arg14[%swap3A_629, %swap3A_630], %swap3A_633 {strides = array<i32>} : memref<40x128xf32, #tpu.memory_space<vmem>>, vector<1x16xf32>,
        %get3A_634 = arith.index_cast %scan3A_516 : i32 to index
        %get3A_635 = arith.constant 112 : index
        %get3A_636 = tpu.vector_load %arg12[%get3A_634, %get3A_635] {strides = array<i32>} : memref<40x128xf32, #tpu.memory_space<vmem>>, vector<1x16xf32>,
        %get3A_637 = vector.shape_cast %get3A_636 : vector<1x16xf32> to vector<16xf32>
        %get3A_638 = arith.index_cast %scan3A_516 : i32 to index
        %get3A_639 = arith.constant 112 : index
        %get3A_640 = tpu.vector_load %arg10[%get3A_638, %get3A_639] {strides = array<i32>} : memref<40x128xf32, #tpu.memory_space<vmem>>, vector<1x16xf32>,
        %get3A_641 = vector.shape_cast %get3A_640 : vector<1x16xf32> to vector<16xf32>
        %add3A_642 = arith.addf %get3A_637, %get3A_641 : vector<16xf32>
        %max3A_643 = arith.constant 0.000000e+00 : f32
        %max3A_644 = vector.broadcast %max3A_643 : f32 to vector<16xf32>
        %max3A_645 = arith.maximumf %add3A_642, %max3A_644 : vector<16xf32>
        %swap3A_646 = arith.index_cast %scan3A_516 : i32 to index
        %swap3A_647 = arith.constant 112 : index
        %swap3A_648 = tpu.vector_load %arg14[%swap3A_646, %swap3A_647] {strides = array<i32>} : memref<40x128xf32, #tpu.memory_space<vmem>>, vector<1x16xf32>,
        %swap3A_649 = vector.shape_cast %swap3A_648 : vector<1x16xf32> to vector<16xf32>
        %swap3A_650 = vector.shape_cast %max3A_645 : vector<16xf32> to vector<1x16xf32>
        tpu.vector_store %arg14[%swap3A_646, %swap3A_647], %swap3A_650 {strides = array<i32>} : memref<40x128xf32, #tpu.memory_space<vmem>>, vector<1x16xf32>,
        %scan3A_651 = arith.constant 0 : i32
        scf.yield %scan3A_651 : i32
      }
      %scan3A_457 = arith.constant 40 : i32
      %dma_start3A_458 = arith.constant 0 : i32
      %dma_start3A_459 = tpu.memref_slice %arg9[%mul3A_435, %dma_start3A_458] : memref<50x40xi32, #tpu.memory_space<vmem>> -> memref<1x40xi32, #tpu.memory_space<vmem>>
      %dma_start3A_460 = tpu.memref_squeeze %dma_start3A_459 : memref<1x40xi32, #tpu.memory_space<vmem>> -> memref<40xi32, #tpu.memory_space<vmem>>
      %dma_start3A_461 = arith.constant 0 : i32
      %dma_start3A_462 = arith.constant 0 : i32
      %dma_start3A_463 = tpu.memref_slice %arg18[%dma_start3A_461, %dma_start3A_462] : memref<10240x128xf32, #tpu.memory_space<vmem_shared>> -> memref<10240x128xf32, #tpu.memory_space<vmem_shared>>
      tpu.enqueue_indirect_dma source(%arg14 : memref<40x128xf32, #tpu.memory_space<vmem>>) target(%dma_start3A_463 : memref<10240x128xf32, #tpu.memory_space<vmem_shared>>) offsets(%dma_start3A_460 : memref<40xi32, #tpu.memory_space<vmem>>) semaphore(%arg22 : memref<!tpu.dma_semaphore, #tpu.memory_space<semaphore_mem>>) {add = true}
      %dma_start3A_464 = arith.constant 0 : i32
      %dma_start3A_465 = tpu.memref_slice %arg9[%mul3A_435, %dma_start3A_464] : memref<50x40xi32, #tpu.memory_space<vmem>> -> memref<1x40xi32, #tpu.memory_space<vmem>>
      %dma_start3A_466 = tpu.memref_squeeze %dma_start3A_465 : memref<1x40xi32, #tpu.memory_space<vmem>> -> memref<40xi32, #tpu.memory_space<vmem>>
      %dma_start3A_467 = arith.constant 0 : i32
      %dma_start3A_468 = arith.constant 0 : i32
      %dma_start3A_469 = tpu.memref_slice %arg19[%dma_start3A_467, %dma_start3A_468] : memref<10240x16xf32, #tpu.memory_space<vmem_shared>> -> memref<10240x16xf32, #tpu.memory_space<vmem_shared>>
      tpu.enqueue_indirect_dma source(%arg16 : memref<40x16xf32, #tpu.memory_space<vmem>>) target(%dma_start3A_469 : memref<10240x16xf32, #tpu.memory_space<vmem_shared>>) offsets(%dma_start3A_466 : memref<40xi32, #tpu.memory_space<vmem>>) semaphore(%arg22 : memref<!tpu.dma_semaphore, #tpu.memory_space<semaphore_mem>>) {add = true}
      %lt3A = arith.constant 24 : i32
      %lt3A_470 = arith.cmpi slt, %scan3A_411, %lt3A : i32
      %convert_element_type3A_471 = arith.extui %lt3A_470 : i1 to i32
      %cond3A_472 = arith.constant 0 : i32
      %cond3A_473 = arith.cmpi ne, %convert_element_type3A_471, %cond3A_472 : i32
      scf.if %cond3A_473 {
        %mul3A_516 = arith.constant 2 : i32
        %mul3A_517 = arith.muli %mul3A_516, %scan3A_411 : i32
        %add3A_518 = arith.constant 2 : i32
        %add3A_519 = arith.addi %mul3A_517, %add3A_518 : i32
        %mul3A_520 = arith.constant 10000 : i32
        %mul3A_521 = arith.muli %add3A, %mul3A_520 : i32
        %add3A_522 = arith.constant 200 : i32
        %add3A_523 = arith.addi %add3A_522, %add3A_519 : i32
        %mul3A_524 = arith.constant 40 : i32
        %mul3A_525 = arith.muli %add3A_523, %mul3A_524 : i32
        %add3A_526 = arith.addi %mul3A_521, %mul3A_525 : i32
        %dma_start3A_527 = arith.constant 0 : i32
        %dma_start3A_528 = tpu.memref_slice %arg2[%add3A_526, %dma_start3A_527] : memref<320000x128xf32, #tpu.memory_space<hbm>> -> memref<40x128xf32, #tpu.memory_space<hbm>>
        %dma_start3A_529 = arith.constant 0 : i32
        %dma_start3A_530 = tpu.memref_slice %arg2[%add3A_526, %dma_start3A_529] : memref<320000x128xf32, #tpu.memory_space<hbm>> -> memref<40x128xf32, #tpu.memory_space<hbm>>
        tpu.enqueue_dma source(%dma_start3A_530 : memref<40x128xf32, #tpu.memory_space<hbm>>) target(%arg10 : memref<40x128xf32, #tpu.memory_space<vmem>>) target_semaphore(%arg20 : memref<!tpu.dma_semaphore, #tpu.memory_space<semaphore_mem>>)
        %dma_start3A_531 = arith.constant 0 : i32
        %dma_start3A_532 = tpu.memref_slice %arg8[%add3A_519, %dma_start3A_531] : memref<50x40xi32, #tpu.memory_space<vmem>> -> memref<1x40xi32, #tpu.memory_space<vmem>>
        %dma_start3A_533 = tpu.memref_squeeze %dma_start3A_532 : memref<1x40xi32, #tpu.memory_space<vmem>> -> memref<40xi32, #tpu.memory_space<vmem>>
        %dma_start3A_534 = arith.constant 0 : i32
        %dma_start3A_535 = arith.constant 0 : i32
        %dma_start3A_536 = tpu.memref_slice %arg3[%dma_start3A_534, %dma_start3A_535] : memref<10000x128xf32, #tpu.memory_space<hbm>> -> memref<10000x128xf32, #tpu.memory_space<hbm>>
        tpu.enqueue_indirect_dma source(%dma_start3A_536 : memref<10000x128xf32, #tpu.memory_space<hbm>>) target(%arg12 : memref<40x128xf32, #tpu.memory_space<vmem>>) offsets(%dma_start3A_533 : memref<40xi32, #tpu.memory_space<vmem>>) semaphore(%arg20 : memref<!tpu.dma_semaphore, #tpu.memory_space<semaphore_mem>>)
      } else {
      }
      %mul3A_474 = arith.constant 2 : i32
      %mul3A_475 = arith.muli %mul3A_474, %scan3A_411 : i32
      %add3A_476 = arith.constant 1 : i32
      %add3A_477 = arith.addi %mul3A_475, %add3A_476 : i32
      %dma_wait3A_478 = arith.constant 0 : i32
      %dma_wait3A_479 = arith.constant 0 : i32
      %dma_wait3A_480 = tpu.memref_slice %arg2[%dma_wait3A_478, %dma_wait3A_479] : memref<320000x128xf32, #tpu.memory_space<hbm>> -> memref<40x128xf32, #tpu.memory_space<hbm>>
      %dma_wait3A_481 = arith.constant 0 : i32
      %dma_wait3A_482 = arith.constant 0 : i32
      %dma_wait3A_483 = tpu.memref_slice %arg2[%dma_wait3A_481, %dma_wait3A_482] : memref<320000x128xf32, #tpu.memory_space<hbm>> -> memref<40x128xf32, #tpu.memory_space<hbm>>
      tpu.wait_dma2 semaphore(%arg21 : memref<!tpu.dma_semaphore, #tpu.memory_space<semaphore_mem>>) src(%dma_wait3A_483 : memref<40x128xf32, #tpu.memory_space<hbm>>) dst(%arg11 : memref<40x128xf32, #tpu.memory_space<vmem>>)
      %dma_wait3A_484 = arith.constant 0 : i32
      %dma_wait3A_485 = arith.constant 0 : i32
      %dma_wait3A_486 = tpu.memref_slice %arg8[%dma_wait3A_484, %dma_wait3A_485] : memref<50x40xi32, #tpu.memory_space<vmem>> -> memref<1x40xi32, #tpu.memory_space<vmem>>
      %dma_wait3A_487 = tpu.memref_squeeze %dma_wait3A_486 : memref<1x40xi32, #tpu.memory_space<vmem>> -> memref<40xi32, #tpu.memory_space<vmem>>
      %dma_wait3A_488 = arith.constant 0 : i32
      %dma_wait3A_489 = arith.constant 0 : i32
      %dma_wait3A_490 = tpu.memref_slice %arg3[%dma_wait3A_488, %dma_wait3A_489] : memref<10000x128xf32, #tpu.memory_space<hbm>> -> memref<10000x128xf32, #tpu.memory_space<hbm>>
      tpu.wait_indirect_dma semaphore(%arg21 : memref<!tpu.dma_semaphore, #tpu.memory_space<semaphore_mem>>) src(%dma_wait3A_490 : memref<10000x128xf32, #tpu.memory_space<hbm>>) dst(%arg13 : memref<40x128xf32, #tpu.memory_space<vmem>>)
      %gt3A_491 = arith.constant 0 : i32
      %gt3A_492 = arith.cmpi sgt, %scan3A_411, %gt3A_491 : i32
      %convert_element_type3A_493 = arith.extui %gt3A_492 : i1 to i32
      %cond3A_494 = arith.constant 0 : i32
      %cond3A_495 = arith.cmpi ne, %convert_element_type3A_493, %cond3A_494 : i32
      scf.if %cond3A_495 {
        %dma_wait3A_516 = arith.constant 0 : i32
        %dma_wait3A_517 = arith.constant 0 : i32
        %dma_wait3A_518 = tpu.memref_slice %arg9[%dma_wait3A_516, %dma_wait3A_517] : memref<50x40xi32, #tpu.memory_space<vmem>> -> memref<1x40xi32, #tpu.memory_space<vmem>>
        %dma_wait3A_519 = tpu.memref_squeeze %dma_wait3A_518 : memref<1x40xi32, #tpu.memory_space<vmem>> -> memref<40xi32, #tpu.memory_space<vmem>>
        %dma_wait3A_520 = arith.constant 0 : i32
        %dma_wait3A_521 = arith.constant 0 : i32
        %dma_wait3A_522 = tpu.memref_slice %arg18[%dma_wait3A_520, %dma_wait3A_521] : memref<10240x128xf32, #tpu.memory_space<vmem_shared>> -> memref<10240x128xf32, #tpu.memory_space<vmem_shared>>
        tpu.wait_indirect_dma semaphore(%arg23 : memref<!tpu.dma_semaphore, #tpu.memory_space<semaphore_mem>>) src(%arg15 : memref<40x128xf32, #tpu.memory_space<vmem>>) dst(%dma_wait3A_522 : memref<10240x128xf32, #tpu.memory_space<vmem_shared>>)
        %dma_wait3A_523 = arith.constant 0 : i32
        %dma_wait3A_524 = arith.constant 0 : i32
        %dma_wait3A_525 = tpu.memref_slice %arg9[%dma_wait3A_523, %dma_wait3A_524] : memref<50x40xi32, #tpu.memory_space<vmem>> -> memref<1x40xi32, #tpu.memory_space<vmem>>
        %dma_wait3A_526 = tpu.memref_squeeze %dma_wait3A_525 : memref<1x40xi32, #tpu.memory_space<vmem>> -> memref<40xi32, #tpu.memory_space<vmem>>
        %dma_wait3A_527 = arith.constant 0 : i32
        %dma_wait3A_528 = arith.constant 0 : i32
        %dma_wait3A_529 = tpu.memref_slice %arg19[%dma_wait3A_527, %dma_wait3A_528] : memref<10240x16xf32, #tpu.memory_space<vmem_shared>> -> memref<10240x16xf32, #tpu.memory_space<vmem_shared>>
        tpu.wait_indirect_dma semaphore(%arg23 : memref<!tpu.dma_semaphore, #tpu.memory_space<semaphore_mem>>) src(%arg16 : memref<40x16xf32, #tpu.memory_space<vmem>>) dst(%dma_wait3A_529 : memref<10240x16xf32, #tpu.memory_space<vmem_shared>>)
      } else {
      }
      %scan3A_496 = arith.constant 0 : i32
      %scan3A_497 = arith.constant 0 : i32
      %scan3A_498 = arith.constant 40 : i32
      %scan3A_499 = arith.addi %scan3A_497, %scan3A_498 : i32
      %scan3A_500 = arith.constant 1 : i32
      %scan3A_501 = scf.for %scan3A_516 = %scan3A_497 to %scan3A_499 step %scan3A_500 iter_args(%scan3A_517 = %scan3A_496) -> (i32)  : i32 {
        %get3A = arith.index_cast %scan3A_516 : i32 to index
        %get3A_518 = arith.constant 0 : index
        %get3A_519 = tpu.vector_load %arg13[%get3A, %get3A_518] {strides = array<i32>} : memref<40x128xf32, #tpu.memory_space<vmem>>, vector<1x16xf32>,
        %get3A_520 = vector.shape_cast %get3A_519 : vector<1x16xf32> to vector<16xf32>
        %get3A_521 = arith.index_cast %scan3A_516 : i32 to index
        %get3A_522 = arith.constant 0 : index
        %get3A_523 = tpu.vector_load %arg11[%get3A_521, %get3A_522] {strides = array<i32>} : memref<40x128xf32, #tpu.memory_space<vmem>>, vector<1x16xf32>,
        %get3A_524 = vector.shape_cast %get3A_523 : vector<1x16xf32> to vector<16xf32>
        %add3A_525 = arith.addf %get3A_520, %get3A_524 : vector<16xf32>
        %max3A = arith.constant 0.000000e+00 : f32
        %max3A_526 = vector.broadcast %max3A : f32 to vector<16xf32>
        %max3A_527 = arith.maximumf %add3A_525, %max3A_526 : vector<16xf32>
        %swap3A = arith.index_cast %scan3A_516 : i32 to index
        %swap3A_528 = arith.constant 0 : index
        %swap3A_529 = tpu.vector_load %arg15[%swap3A, %swap3A_528] {strides = array<i32>} : memref<40x128xf32, #tpu.memory_space<vmem>>, vector<1x16xf32>,
        %swap3A_530 = vector.shape_cast %swap3A_529 : vector<1x16xf32> to vector<16xf32>
        %swap3A_531 = vector.shape_cast %max3A_527 : vector<16xf32> to vector<1x16xf32>
        tpu.vector_store %arg15[%swap3A, %swap3A_528], %swap3A_531 {strides = array<i32>} : memref<40x128xf32, #tpu.memory_space<vmem>>, vector<1x16xf32>,
        %get3A_532 = arith.index_cast %scan3A_516 : i32 to index
        %get3A_533 = arith.constant 16 : index
        %get3A_534 = tpu.vector_load %arg13[%get3A_532, %get3A_533] {strides = array<i32>} : memref<40x128xf32, #tpu.memory_space<vmem>>, vector<1x16xf32>,
        %get3A_535 = vector.shape_cast %get3A_534 : vector<1x16xf32> to vector<16xf32>
        %get3A_536 = arith.index_cast %scan3A_516 : i32 to index
        %get3A_537 = arith.constant 16 : index
        %get3A_538 = tpu.vector_load %arg11[%get3A_536, %get3A_537] {strides = array<i32>} : memref<40x128xf32, #tpu.memory_space<vmem>>, vector<1x16xf32>,
        %get3A_539 = vector.shape_cast %get3A_538 : vector<1x16xf32> to vector<16xf32>
        %add3A_540 = arith.addf %get3A_535, %get3A_539 : vector<16xf32>
        %max3A_541 = arith.constant 0.000000e+00 : f32
        %max3A_542 = vector.broadcast %max3A_541 : f32 to vector<16xf32>
        %max3A_543 = arith.maximumf %add3A_540, %max3A_542 : vector<16xf32>
        %swap3A_544 = arith.index_cast %scan3A_516 : i32 to index
        %swap3A_545 = arith.constant 16 : index
        %swap3A_546 = tpu.vector_load %arg15[%swap3A_544, %swap3A_545] {strides = array<i32>} : memref<40x128xf32, #tpu.memory_space<vmem>>, vector<1x16xf32>,
        %swap3A_547 = vector.shape_cast %swap3A_546 : vector<1x16xf32> to vector<16xf32>
        %swap3A_548 = vector.shape_cast %max3A_543 : vector<16xf32> to vector<1x16xf32>
        tpu.vector_store %arg15[%swap3A_544, %swap3A_545], %swap3A_548 {strides = array<i32>} : memref<40x128xf32, #tpu.memory_space<vmem>>, vector<1x16xf32>,
        %get3A_549 = arith.index_cast %scan3A_516 : i32 to index
        %get3A_550 = arith.constant 32 : index
        %get3A_551 = tpu.vector_load %arg13[%get3A_549, %get3A_550] {strides = array<i32>} : memref<40x128xf32, #tpu.memory_space<vmem>>, vector<1x16xf32>,
        %get3A_552 = vector.shape_cast %get3A_551 : vector<1x16xf32> to vector<16xf32>
        %get3A_553 = arith.index_cast %scan3A_516 : i32 to index
        %get3A_554 = arith.constant 32 : index
        %get3A_555 = tpu.vector_load %arg11[%get3A_553, %get3A_554] {strides = array<i32>} : memref<40x128xf32, #tpu.memory_space<vmem>>, vector<1x16xf32>,
        %get3A_556 = vector.shape_cast %get3A_555 : vector<1x16xf32> to vector<16xf32>
        %add3A_557 = arith.addf %get3A_552, %get3A_556 : vector<16xf32>
        %max3A_558 = arith.constant 0.000000e+00 : f32
        %max3A_559 = vector.broadcast %max3A_558 : f32 to vector<16xf32>
        %max3A_560 = arith.maximumf %add3A_557, %max3A_559 : vector<16xf32>
        %swap3A_561 = arith.index_cast %scan3A_516 : i32 to index
        %swap3A_562 = arith.constant 32 : index
        %swap3A_563 = tpu.vector_load %arg15[%swap3A_561, %swap3A_562] {strides = array<i32>} : memref<40x128xf32, #tpu.memory_space<vmem>>, vector<1x16xf32>,
        %swap3A_564 = vector.shape_cast %swap3A_563 : vector<1x16xf32> to vector<16xf32>
        %swap3A_565 = vector.shape_cast %max3A_560 : vector<16xf32> to vector<1x16xf32>
        tpu.vector_store %arg15[%swap3A_561, %swap3A_562], %swap3A_565 {strides = array<i32>} : memref<40x128xf32, #tpu.memory_space<vmem>>, vector<1x16xf32>,
        %get3A_566 = arith.index_cast %scan3A_516 : i32 to index
        %get3A_567 = arith.constant 48 : index
        %get3A_568 = tpu.vector_load %arg13[%get3A_566, %get3A_567] {strides = array<i32>} : memref<40x128xf32, #tpu.memory_space<vmem>>, vector<1x16xf32>,
        %get3A_569 = vector.shape_cast %get3A_568 : vector<1x16xf32> to vector<16xf32>
        %get3A_570 = arith.index_cast %scan3A_516 : i32 to index
        %get3A_571 = arith.constant 48 : index
        %get3A_572 = tpu.vector_load %arg11[%get3A_570, %get3A_571] {strides = array<i32>} : memref<40x128xf32, #tpu.memory_space<vmem>>, vector<1x16xf32>,
        %get3A_573 = vector.shape_cast %get3A_572 : vector<1x16xf32> to vector<16xf32>
        %add3A_574 = arith.addf %get3A_569, %get3A_573 : vector<16xf32>
        %max3A_575 = arith.constant 0.000000e+00 : f32
        %max3A_576 = vector.broadcast %max3A_575 : f32 to vector<16xf32>
        %max3A_577 = arith.maximumf %add3A_574, %max3A_576 : vector<16xf32>
        %swap3A_578 = arith.index_cast %scan3A_516 : i32 to index
        %swap3A_579 = arith.constant 48 : index
        %swap3A_580 = tpu.vector_load %arg15[%swap3A_578, %swap3A_579] {strides = array<i32>} : memref<40x128xf32, #tpu.memory_space<vmem>>, vector<1x16xf32>,
        %swap3A_581 = vector.shape_cast %swap3A_580 : vector<1x16xf32> to vector<16xf32>
        %swap3A_582 = vector.shape_cast %max3A_577 : vector<16xf32> to vector<1x16xf32>
        tpu.vector_store %arg15[%swap3A_578, %swap3A_579], %swap3A_582 {strides = array<i32>} : memref<40x128xf32, #tpu.memory_space<vmem>>, vector<1x16xf32>,
        %get3A_583 = arith.index_cast %scan3A_516 : i32 to index
        %get3A_584 = arith.constant 64 : index
        %get3A_585 = tpu.vector_load %arg13[%get3A_583, %get3A_584] {strides = array<i32>} : memref<40x128xf32, #tpu.memory_space<vmem>>, vector<1x16xf32>,
        %get3A_586 = vector.shape_cast %get3A_585 : vector<1x16xf32> to vector<16xf32>
        %get3A_587 = arith.index_cast %scan3A_516 : i32 to index
        %get3A_588 = arith.constant 64 : index
        %get3A_589 = tpu.vector_load %arg11[%get3A_587, %get3A_588] {strides = array<i32>} : memref<40x128xf32, #tpu.memory_space<vmem>>, vector<1x16xf32>,
        %get3A_590 = vector.shape_cast %get3A_589 : vector<1x16xf32> to vector<16xf32>
        %add3A_591 = arith.addf %get3A_586, %get3A_590 : vector<16xf32>
        %max3A_592 = arith.constant 0.000000e+00 : f32
        %max3A_593 = vector.broadcast %max3A_592 : f32 to vector<16xf32>
        %max3A_594 = arith.maximumf %add3A_591, %max3A_593 : vector<16xf32>
        %swap3A_595 = arith.index_cast %scan3A_516 : i32 to index
        %swap3A_596 = arith.constant 64 : index
        %swap3A_597 = tpu.vector_load %arg15[%swap3A_595, %swap3A_596] {strides = array<i32>} : memref<40x128xf32, #tpu.memory_space<vmem>>, vector<1x16xf32>,
        %swap3A_598 = vector.shape_cast %swap3A_597 : vector<1x16xf32> to vector<16xf32>
        %swap3A_599 = vector.shape_cast %max3A_594 : vector<16xf32> to vector<1x16xf32>
        tpu.vector_store %arg15[%swap3A_595, %swap3A_596], %swap3A_599 {strides = array<i32>} : memref<40x128xf32, #tpu.memory_space<vmem>>, vector<1x16xf32>,
        %get3A_600 = arith.index_cast %scan3A_516 : i32 to index
        %get3A_601 = arith.constant 80 : index
        %get3A_602 = tpu.vector_load %arg13[%get3A_600, %get3A_601] {strides = array<i32>} : memref<40x128xf32, #tpu.memory_space<vmem>>, vector<1x16xf32>,
        %get3A_603 = vector.shape_cast %get3A_602 : vector<1x16xf32> to vector<16xf32>
        %get3A_604 = arith.index_cast %scan3A_516 : i32 to index
        %get3A_605 = arith.constant 80 : index
        %get3A_606 = tpu.vector_load %arg11[%get3A_604, %get3A_605] {strides = array<i32>} : memref<40x128xf32, #tpu.memory_space<vmem>>, vector<1x16xf32>,
        %get3A_607 = vector.shape_cast %get3A_606 : vector<1x16xf32> to vector<16xf32>
        %add3A_608 = arith.addf %get3A_603, %get3A_607 : vector<16xf32>
        %max3A_609 = arith.constant 0.000000e+00 : f32
        %max3A_610 = vector.broadcast %max3A_609 : f32 to vector<16xf32>
        %max3A_611 = arith.maximumf %add3A_608, %max3A_610 : vector<16xf32>
        %swap3A_612 = arith.index_cast %scan3A_516 : i32 to index
        %swap3A_613 = arith.constant 80 : index
        %swap3A_614 = tpu.vector_load %arg15[%swap3A_612, %swap3A_613] {strides = array<i32>} : memref<40x128xf32, #tpu.memory_space<vmem>>, vector<1x16xf32>,
        %swap3A_615 = vector.shape_cast %swap3A_614 : vector<1x16xf32> to vector<16xf32>
        %swap3A_616 = vector.shape_cast %max3A_611 : vector<16xf32> to vector<1x16xf32>
        tpu.vector_store %arg15[%swap3A_612, %swap3A_613], %swap3A_616 {strides = array<i32>} : memref<40x128xf32, #tpu.memory_space<vmem>>, vector<1x16xf32>,
        %get3A_617 = arith.index_cast %scan3A_516 : i32 to index
        %get3A_618 = arith.constant 96 : index
        %get3A_619 = tpu.vector_load %arg13[%get3A_617, %get3A_618] {strides = array<i32>} : memref<40x128xf32, #tpu.memory_space<vmem>>, vector<1x16xf32>,
        %get3A_620 = vector.shape_cast %get3A_619 : vector<1x16xf32> to vector<16xf32>
        %get3A_621 = arith.index_cast %scan3A_516 : i32 to index
        %get3A_622 = arith.constant 96 : index
        %get3A_623 = tpu.vector_load %arg11[%get3A_621, %get3A_622] {strides = array<i32>} : memref<40x128xf32, #tpu.memory_space<vmem>>, vector<1x16xf32>,
        %get3A_624 = vector.shape_cast %get3A_623 : vector<1x16xf32> to vector<16xf32>
        %add3A_625 = arith.addf %get3A_620, %get3A_624 : vector<16xf32>
        %max3A_626 = arith.constant 0.000000e+00 : f32
        %max3A_627 = vector.broadcast %max3A_626 : f32 to vector<16xf32>
        %max3A_628 = arith.maximumf %add3A_625, %max3A_627 : vector<16xf32>
        %swap3A_629 = arith.index_cast %scan3A_516 : i32 to index
        %swap3A_630 = arith.constant 96 : index
        %swap3A_631 = tpu.vector_load %arg15[%swap3A_629, %swap3A_630] {strides = array<i32>} : memref<40x128xf32, #tpu.memory_space<vmem>>, vector<1x16xf32>,
        %swap3A_632 = vector.shape_cast %swap3A_631 : vector<1x16xf32> to vector<16xf32>
        %swap3A_633 = vector.shape_cast %max3A_628 : vector<16xf32> to vector<1x16xf32>
        tpu.vector_store %arg15[%swap3A_629, %swap3A_630], %swap3A_633 {strides = array<i32>} : memref<40x128xf32, #tpu.memory_space<vmem>>, vector<1x16xf32>,
        %get3A_634 = arith.index_cast %scan3A_516 : i32 to index
        %get3A_635 = arith.constant 112 : index
        %get3A_636 = tpu.vector_load %arg13[%get3A_634, %get3A_635] {strides = array<i32>} : memref<40x128xf32, #tpu.memory_space<vmem>>, vector<1x16xf32>,
        %get3A_637 = vector.shape_cast %get3A_636 : vector<1x16xf32> to vector<16xf32>
        %get3A_638 = arith.index_cast %scan3A_516 : i32 to index
        %get3A_639 = arith.constant 112 : index
        %get3A_640 = tpu.vector_load %arg11[%get3A_638, %get3A_639] {strides = array<i32>} : memref<40x128xf32, #tpu.memory_space<vmem>>, vector<1x16xf32>,
        %get3A_641 = vector.shape_cast %get3A_640 : vector<1x16xf32> to vector<16xf32>
        %add3A_642 = arith.addf %get3A_637, %get3A_641 : vector<16xf32>
        %max3A_643 = arith.constant 0.000000e+00 : f32
        %max3A_644 = vector.broadcast %max3A_643 : f32 to vector<16xf32>
        %max3A_645 = arith.maximumf %add3A_642, %max3A_644 : vector<16xf32>
        %swap3A_646 = arith.index_cast %scan3A_516 : i32 to index
        %swap3A_647 = arith.constant 112 : index
        %swap3A_648 = tpu.vector_load %arg15[%swap3A_646, %swap3A_647] {strides = array<i32>} : memref<40x128xf32, #tpu.memory_space<vmem>>, vector<1x16xf32>,
        %swap3A_649 = vector.shape_cast %swap3A_648 : vector<1x16xf32> to vector<16xf32>
        %swap3A_650 = vector.shape_cast %max3A_645 : vector<16xf32> to vector<1x16xf32>
        tpu.vector_store %arg15[%swap3A_646, %swap3A_647], %swap3A_650 {strides = array<i32>} : memref<40x128xf32, #tpu.memory_space<vmem>>, vector<1x16xf32>,
        %scan3A_651 = arith.constant 0 : i32
        scf.yield %scan3A_651 : i32
      }
      %scan3A_502 = arith.constant 40 : i32
      %dma_start3A_503 = arith.constant 0 : i32
      %dma_start3A_504 = tpu.memref_slice %arg9[%add3A_477, %dma_start3A_503] : memref<50x40xi32, #tpu.memory_space<vmem>> -> memref<1x40xi32, #tpu.memory_space<vmem>>
      %dma_start3A_505 = tpu.memref_squeeze %dma_start3A_504 : memref<1x40xi32, #tpu.memory_space<vmem>> -> memref<40xi32, #tpu.memory_space<vmem>>
      %dma_start3A_506 = arith.constant 0 : i32
      %dma_start3A_507 = arith.constant 0 : i32
      %dma_start3A_508 = tpu.memref_slice %arg18[%dma_start3A_506, %dma_start3A_507] : memref<10240x128xf32, #tpu.memory_space<vmem_shared>> -> memref<10240x128xf32, #tpu.memory_space<vmem_shared>>
      tpu.enqueue_indirect_dma source(%arg15 : memref<40x128xf32, #tpu.memory_space<vmem>>) target(%dma_start3A_508 : memref<10240x128xf32, #tpu.memory_space<vmem_shared>>) offsets(%dma_start3A_505 : memref<40xi32, #tpu.memory_space<vmem>>) semaphore(%arg23 : memref<!tpu.dma_semaphore, #tpu.memory_space<semaphore_mem>>) {add = true}
      %dma_start3A_509 = arith.constant 0 : i32
      %dma_start3A_510 = tpu.memref_slice %arg9[%add3A_477, %dma_start3A_509] : memref<50x40xi32, #tpu.memory_space<vmem>> -> memref<1x40xi32, #tpu.memory_space<vmem>>
      %dma_start3A_511 = tpu.memref_squeeze %dma_start3A_510 : memref<1x40xi32, #tpu.memory_space<vmem>> -> memref<40xi32, #tpu.memory_space<vmem>>
      %dma_start3A_512 = arith.constant 0 : i32
      %dma_start3A_513 = arith.constant 0 : i32
      %dma_start3A_514 = tpu.memref_slice %arg19[%dma_start3A_512, %dma_start3A_513] : memref<10240x16xf32, #tpu.memory_space<vmem_shared>> -> memref<10240x16xf32, #tpu.memory_space<vmem_shared>>
      tpu.enqueue_indirect_dma source(%arg16 : memref<40x16xf32, #tpu.memory_space<vmem>>) target(%dma_start3A_514 : memref<10240x16xf32, #tpu.memory_space<vmem_shared>>) offsets(%dma_start3A_511 : memref<40xi32, #tpu.memory_space<vmem>>) semaphore(%arg23 : memref<!tpu.dma_semaphore, #tpu.memory_space<semaphore_mem>>) {add = true}
      %scan3A_515 = arith.constant 0 : i32
      scf.yield %scan3A_515 : i32
    }
    %scan3A_373 = arith.constant 25 : i32
    %dma_wait3A_374 = arith.constant 0 : i32
    %dma_wait3A_375 = arith.constant 0 : i32
    %dma_wait3A_376 = tpu.memref_slice %arg9[%dma_wait3A_374, %dma_wait3A_375] : memref<50x40xi32, #tpu.memory_space<vmem>> -> memref<1x40xi32, #tpu.memory_space<vmem>>
    %dma_wait3A_377 = tpu.memref_squeeze %dma_wait3A_376 : memref<1x40xi32, #tpu.memory_space<vmem>> -> memref<40xi32, #tpu.memory_space<vmem>>
    %dma_wait3A_378 = arith.constant 0 : i32
    %dma_wait3A_379 = arith.constant 0 : i32
    %dma_wait3A_380 = tpu.memref_slice %arg18[%dma_wait3A_378, %dma_wait3A_379] : memref<10240x128xf32, #tpu.memory_space<vmem_shared>> -> memref<10240x128xf32, #tpu.memory_space<vmem_shared>>
    tpu.wait_indirect_dma semaphore(%arg22 : memref<!tpu.dma_semaphore, #tpu.memory_space<semaphore_mem>>) src(%arg14 : memref<40x128xf32, #tpu.memory_space<vmem>>) dst(%dma_wait3A_380 : memref<10240x128xf32, #tpu.memory_space<vmem_shared>>)
    %dma_wait3A_381 = arith.constant 0 : i32
    %dma_wait3A_382 = arith.constant 0 : i32
    %dma_wait3A_383 = tpu.memref_slice %arg9[%dma_wait3A_381, %dma_wait3A_382] : memref<50x40xi32, #tpu.memory_space<vmem>> -> memref<1x40xi32, #tpu.memory_space<vmem>>
    %dma_wait3A_384 = tpu.memref_squeeze %dma_wait3A_383 : memref<1x40xi32, #tpu.memory_space<vmem>> -> memref<40xi32, #tpu.memory_space<vmem>>
    %dma_wait3A_385 = arith.constant 0 : i32
    %dma_wait3A_386 = arith.constant 0 : i32
    %dma_wait3A_387 = tpu.memref_slice %arg19[%dma_wait3A_385, %dma_wait3A_386] : memref<10240x16xf32, #tpu.memory_space<vmem_shared>> -> memref<10240x16xf32, #tpu.memory_space<vmem_shared>>
    tpu.wait_indirect_dma semaphore(%arg22 : memref<!tpu.dma_semaphore, #tpu.memory_space<semaphore_mem>>) src(%arg16 : memref<40x16xf32, #tpu.memory_space<vmem>>) dst(%dma_wait3A_387 : memref<10240x16xf32, #tpu.memory_space<vmem_shared>>)
    %dma_wait3A_388 = arith.constant 0 : i32
    %dma_wait3A_389 = arith.constant 0 : i32
    %dma_wait3A_390 = tpu.memref_slice %arg9[%dma_wait3A_388, %dma_wait3A_389] : memref<50x40xi32, #tpu.memory_space<vmem>> -> memref<1x40xi32, #tpu.memory_space<vmem>>
    %dma_wait3A_391 = tpu.memref_squeeze %dma_wait3A_390 : memref<1x40xi32, #tpu.memory_space<vmem>> -> memref<40xi32, #tpu.memory_space<vmem>>
    %dma_wait3A_392 = arith.constant 0 : i32
    %dma_wait3A_393 = arith.constant 0 : i32
    %dma_wait3A_394 = tpu.memref_slice %arg18[%dma_wait3A_392, %dma_wait3A_393] : memref<10240x128xf32, #tpu.memory_space<vmem_shared>> -> memref<10240x128xf32, #tpu.memory_space<vmem_shared>>
    tpu.wait_indirect_dma semaphore(%arg23 : memref<!tpu.dma_semaphore, #tpu.memory_space<semaphore_mem>>) src(%arg15 : memref<40x128xf32, #tpu.memory_space<vmem>>) dst(%dma_wait3A_394 : memref<10240x128xf32, #tpu.memory_space<vmem_shared>>)
    %dma_wait3A_395 = arith.constant 0 : i32
    %dma_wait3A_396 = arith.constant 0 : i32
    %dma_wait3A_397 = tpu.memref_slice %arg9[%dma_wait3A_395, %dma_wait3A_396] : memref<50x40xi32, #tpu.memory_space<vmem>> -> memref<1x40xi32, #tpu.memory_space<vmem>>
    %dma_wait3A_398 = tpu.memref_squeeze %dma_wait3A_397 : memref<1x40xi32, #tpu.memory_space<vmem>> -> memref<40xi32, #tpu.memory_space<vmem>>
    %dma_wait3A_399 = arith.constant 0 : i32
    %dma_wait3A_400 = arith.constant 0 : i32
    %dma_wait3A_401 = tpu.memref_slice %arg19[%dma_wait3A_399, %dma_wait3A_400] : memref<10240x16xf32, #tpu.memory_space<vmem_shared>> -> memref<10240x16xf32, #tpu.memory_space<vmem_shared>>
    tpu.wait_indirect_dma semaphore(%arg23 : memref<!tpu.dma_semaphore, #tpu.memory_space<semaphore_mem>>) src(%arg16 : memref<40x16xf32, #tpu.memory_space<vmem>>) dst(%dma_wait3A_401 : memref<10240x16xf32, #tpu.memory_space<vmem_shared>>)
    %barrier3A_402 = arith.constant 0 : index
    tpu.barrier barrier_id(%barrier3A_402)
    %mul3A_403 = arith.constant 640 : i32
    %mul3A_404 = arith.muli %arg1, %mul3A_403 : i32
    %mul3A_405 = arith.constant 640 : i32
    %mul3A_406 = arith.muli %arg1, %mul3A_405 : i32
    "tpu.region"() ({
      %run_scoped3A_411 = tpu.sem_alloc : memref<!tpu.dma_semaphore, #tpu.memory_space<semaphore_mem>>
      %dma_start3A_412 = arith.constant 0 : i32
      %dma_start3A_413 = tpu.memref_slice %arg6[%arg0, %mul3A_406, %dma_start3A_412] : memref<2x10240x128xf32, #tpu.memory_space<hbm>> -> memref<1x640x128xf32, #tpu.memory_space<hbm>>
      %dma_start3A_414 = tpu.memref_squeeze %dma_start3A_413 : memref<1x640x128xf32, #tpu.memory_space<hbm>> -> memref<640x128xf32, #tpu.memory_space<hbm>>
      %dma_start3A_415 = arith.constant 0 : i32
      %dma_start3A_416 = tpu.memref_slice %arg18[%mul3A_404, %dma_start3A_415] : memref<10240x128xf32, #tpu.memory_space<vmem_shared>> -> memref<640x128xf32, #tpu.memory_space<vmem_shared>>
      tpu.enqueue_dma source(%dma_start3A_416 : memref<640x128xf32, #tpu.memory_space<vmem_shared>>) target(%dma_start3A_414 : memref<640x128xf32, #tpu.memory_space<hbm>>) target_semaphore(%run_scoped3A_411 : memref<!tpu.dma_semaphore, #tpu.memory_space<semaphore_mem>>)
      %dma_wait3A_417 = arith.constant 0 : i32
      %dma_wait3A_418 = tpu.memref_slice %arg6[%arg0, %mul3A_406, %dma_wait3A_417] : memref<2x10240x128xf32, #tpu.memory_space<hbm>> -> memref<1x640x128xf32, #tpu.memory_space<hbm>>
      %dma_wait3A_419 = tpu.memref_squeeze %dma_wait3A_418 : memref<1x640x128xf32, #tpu.memory_space<hbm>> -> memref<640x128xf32, #tpu.memory_space<hbm>>
      %dma_wait3A_420 = arith.constant 0 : i32
      %dma_wait3A_421 = tpu.memref_slice %arg18[%mul3A_404, %dma_wait3A_420] : memref<10240x128xf32, #tpu.memory_space<vmem_shared>> -> memref<640x128xf32, #tpu.memory_space<vmem_shared>>
      tpu.wait_dma2 semaphore(%run_scoped3A_411 : memref<!tpu.dma_semaphore, #tpu.memory_space<semaphore_mem>>) src(%dma_wait3A_421 : memref<640x128xf32, #tpu.memory_space<vmem_shared>>) dst(%dma_wait3A_419 : memref<640x128xf32, #tpu.memory_space<hbm>>)
      tpu.yield
    }) : () -> ()
    %mul3A_407 = arith.constant 640 : i32
    %mul3A_408 = arith.muli %arg1, %mul3A_407 : i32
    %mul3A_409 = arith.constant 640 : i32
    %mul3A_410 = arith.muli %arg1, %mul3A_409 : i32
    "tpu.region"() ({
      %run_scoped3A_411 = tpu.sem_alloc : memref<!tpu.dma_semaphore, #tpu.memory_space<semaphore_mem>>
      %dma_start3A_412 = arith.constant 0 : i32
      %dma_start3A_413 = tpu.memref_slice %arg7[%arg0, %mul3A_410, %dma_start3A_412] : memref<2x10240x16xf32, #tpu.memory_space<hbm>> -> memref<1x640x16xf32, #tpu.memory_space<hbm>>
      %dma_start3A_414 = tpu.memref_squeeze %dma_start3A_413 : memref<1x640x16xf32, #tpu.memory_space<hbm>> -> memref<640x16xf32, #tpu.memory_space<hbm>>
      %dma_start3A_415 = arith.constant 0 : i32
      %dma_start3A_416 = tpu.memref_slice %arg19[%mul3A_408, %dma_start3A_415] : memref<10240x16xf32, #tpu.memory_space<vmem_shared>> -> memref<640x16xf32, #tpu.memory_space<vmem_shared>>
      tpu.enqueue_dma source(%dma_start3A_416 : memref<640x16xf32, #tpu.memory_space<vmem_shared>>) target(%dma_start3A_414 : memref<640x16xf32, #tpu.memory_space<hbm>>) target_semaphore(%run_scoped3A_411 : memref<!tpu.dma_semaphore, #tpu.memory_space<semaphore_mem>>)
      %dma_wait3A_417 = arith.constant 0 : i32
      %dma_wait3A_418 = tpu.memref_slice %arg7[%arg0, %mul3A_410, %dma_wait3A_417] : memref<2x10240x16xf32, #tpu.memory_space<hbm>> -> memref<1x640x16xf32, #tpu.memory_space<hbm>>
      %dma_wait3A_419 = tpu.memref_squeeze %dma_wait3A_418 : memref<1x640x16xf32, #tpu.memory_space<hbm>> -> memref<640x16xf32, #tpu.memory_space<hbm>>
      %dma_wait3A_420 = arith.constant 0 : i32
      %dma_wait3A_421 = tpu.memref_slice %arg19[%mul3A_408, %dma_wait3A_420] : memref<10240x16xf32, #tpu.memory_space<vmem_shared>> -> memref<640x16xf32, #tpu.memory_space<vmem_shared>>
      tpu.wait_dma2 semaphore(%run_scoped3A_411 : memref<!tpu.dma_semaphore, #tpu.memory_space<semaphore_mem>>) src(%dma_wait3A_421 : memref<640x16xf32, #tpu.memory_space<vmem_shared>>) dst(%dma_wait3A_419 : memref<640x16xf32, #tpu.memory_space<hbm>>)
      tpu.yield
    }) : () -> ()
    return
  }
}

module attributes {stable_mosaic.version = 14 : i64} {
  func.func @_mm_body(%arg0: i32, %arg1: memref<1000x128xf32, #tpu.memory_space<vmem>>, %arg2: memref<128x128xf32, #tpu.memory_space<vmem>>, %arg3: memref<1x128xf32, #tpu.memory_space<vmem>>, %arg4: memref<1000x128xf32, #tpu.memory_space<vmem>>) attributes {dimension_semantics = [#tpu.dimension_semantics<arbitrary>], iteration_bounds = array<i64: 10>, scalar_prefetch = 0 : i64, scratch_operands = 0 : i64, tpu.core_type = #tpu.core_type<tc>, window_params = [{transform_indices = @transform_0, window_bounds = array<i64: 1000, 128>}, {pipeline_mode = #tpu.pipeline_mode<synchronous>, transform_indices = @transform_1, window_bounds = array<i64: 128, 128>}, {pipeline_mode = #tpu.pipeline_mode<synchronous>, transform_indices = @transform_2, window_bounds = array<i64: 1, 128>}, {transform_indices = @transform_3, window_bounds = array<i64: 1000, 128>}]} {
    %get3A = arith.constant 0 : index
    %get3A_0 = arith.constant 0 : index
    %get3A_1 = vector.load %arg1[%get3A, %get3A_0] : memref<1000x128xf32, #tpu.memory_space<vmem>>, vector<1000x128xf32>
    %convert_element_type3A = arith.truncf %get3A_1 : vector<1000x128xf32> to vector<1000x128xbf16>
    %get3A_2 = arith.constant 0 : index
    %get3A_3 = arith.constant 0 : index
    %get3A_4 = vector.load %arg2[%get3A_2, %get3A_3] : memref<128x128xf32, #tpu.memory_space<vmem>>, vector<128x128xf32>
    %convert_element_type3A_5 = arith.truncf %get3A_4 : vector<128x128xf32> to vector<128x128xbf16>
    %dot_general3A = arith.constant dense<0.000000e+00> : vector<1000x128xf32>
    %dot_general3A_6 = tpu.matmul %convert_element_type3A, %convert_element_type3A_5, %dot_general3A {dimension_numbers = #tpu.dot_dimension_numbers<[1], [0], [0], [1], [0, 0, 1, 1], [], []>, transpose_lhs_hint = false} : vector<1000x128xbf16>, vector<128x128xbf16>, vector<1000x128xf32> -> vector<1000x128xf32>
    %get3A_7 = arith.constant 0 : index
    %get3A_8 = arith.constant 0 : index
    %get3A_9 = vector.load %arg3[%get3A_7, %get3A_8] : memref<1x128xf32, #tpu.memory_space<vmem>>, vector<1x128xf32>
    %add3A = vector.broadcast %get3A_9 : vector<1x128xf32> to vector<1000x128xf32>
    %add3A_10 = arith.addf %dot_general3A_6, %add3A : vector<1000x128xf32>
    %swap3A = arith.constant 0 : index
    %swap3A_11 = arith.constant 0 : index
    %swap3A_12 = vector.load %arg4[%swap3A, %swap3A_11] : memref<1000x128xf32, #tpu.memory_space<vmem>>, vector<1000x128xf32>
    tpu.vector_store %arg4[%swap3A, %swap3A_11], %add3A_10 {strides = array<i32>} : memref<1000x128xf32, #tpu.memory_space<vmem>>, vector<1000x128xf32>,
    return
  }
  func.func @transform_0(%arg0: i32) -> (i32, i32) {
    %c0_i32 = arith.constant 0 : i32
    %c0_i32_0 = arith.constant 0 : i32
    return %arg0, %c0_i32 : i32, i32
  }
  func.func @transform_1(%arg0: i32) -> (i32, i32) {
    %c0_i32 = arith.constant 0 : i32
    %c0_i32_0 = arith.constant 0 : i32
    %c0_i32_1 = arith.constant 0 : i32
    return %c0_i32, %c0_i32_0 : i32, i32
  }
  func.func @transform_2(%arg0: i32) -> (i32, i32) {
    %c0_i32 = arith.constant 0 : i32
    %c0_i32_0 = arith.constant 0 : i32
    %c0_i32_1 = arith.constant 0 : i32
    return %c0_i32, %c0_i32_0 : i32, i32
  }
  func.func @transform_3(%arg0: i32) -> (i32, i32) {
    %c0_i32 = arith.constant 0 : i32
    %c0_i32_0 = arith.constant 0 : i32
    return %arg0, %c0_i32 : i32, i32
  }
}

module attributes {stable_mosaic.version = 14 : i64} {
  func.func @_mm_body(%arg0: i32, %arg1: memref<16000x128xf32, #tpu.memory_space<vmem>>, %arg2: memref<128x128xf32, #tpu.memory_space<vmem>>, %arg3: memref<1x128xf32, #tpu.memory_space<vmem>>, %arg4: memref<16000x128xf32, #tpu.memory_space<vmem>>) attributes {dimension_semantics = [#tpu.dimension_semantics<arbitrary>], iteration_bounds = array<i64: 20>, scalar_prefetch = 0 : i64, scratch_operands = 0 : i64, tpu.core_type = #tpu.core_type<tc>, window_params = [{transform_indices = @transform_0, window_bounds = array<i64: 16000, 128>}, {pipeline_mode = #tpu.pipeline_mode<synchronous>, transform_indices = @transform_1, window_bounds = array<i64: 128, 128>}, {pipeline_mode = #tpu.pipeline_mode<synchronous>, transform_indices = @transform_2, window_bounds = array<i64: 1, 128>}, {transform_indices = @transform_3, window_bounds = array<i64: 16000, 128>}]} {
    %get3A = arith.constant 0 : index
    %get3A_0 = arith.constant 0 : index
    %get3A_1 = vector.load %arg1[%get3A, %get3A_0] : memref<16000x128xf32, #tpu.memory_space<vmem>>, vector<16000x128xf32>
    %convert_element_type3A = arith.truncf %get3A_1 : vector<16000x128xf32> to vector<16000x128xbf16>
    %get3A_2 = arith.constant 0 : index
    %get3A_3 = arith.constant 0 : index
    %get3A_4 = vector.load %arg2[%get3A_2, %get3A_3] : memref<128x128xf32, #tpu.memory_space<vmem>>, vector<128x128xf32>
    %convert_element_type3A_5 = arith.truncf %get3A_4 : vector<128x128xf32> to vector<128x128xbf16>
    %dot_general3A = arith.constant dense<0.000000e+00> : vector<16000x128xf32>
    %dot_general3A_6 = tpu.matmul %convert_element_type3A, %convert_element_type3A_5, %dot_general3A {dimension_numbers = #tpu.dot_dimension_numbers<[1], [0], [0], [1], [0, 0, 1, 1], [], []>, transpose_lhs_hint = false} : vector<16000x128xbf16>, vector<128x128xbf16>, vector<16000x128xf32> -> vector<16000x128xf32>
    %get3A_7 = arith.constant 0 : index
    %get3A_8 = arith.constant 0 : index
    %get3A_9 = vector.load %arg3[%get3A_7, %get3A_8] : memref<1x128xf32, #tpu.memory_space<vmem>>, vector<1x128xf32>
    %add3A = vector.broadcast %get3A_9 : vector<1x128xf32> to vector<16000x128xf32>
    %add3A_10 = arith.addf %dot_general3A_6, %add3A : vector<16000x128xf32>
    %swap3A = arith.constant 0 : index
    %swap3A_11 = arith.constant 0 : index
    %swap3A_12 = vector.load %arg4[%swap3A, %swap3A_11] : memref<16000x128xf32, #tpu.memory_space<vmem>>, vector<16000x128xf32>
    tpu.vector_store %arg4[%swap3A, %swap3A_11], %add3A_10 {strides = array<i32>} : memref<16000x128xf32, #tpu.memory_space<vmem>>, vector<16000x128xf32>,
    return
  }
  func.func @transform_0(%arg0: i32) -> (i32, i32) {
    %c0_i32 = arith.constant 0 : i32
    %c0_i32_0 = arith.constant 0 : i32
    return %arg0, %c0_i32 : i32, i32
  }
  func.func @transform_1(%arg0: i32) -> (i32, i32) {
    %c0_i32 = arith.constant 0 : i32
    %c0_i32_0 = arith.constant 0 : i32
    %c0_i32_1 = arith.constant 0 : i32
    return %c0_i32, %c0_i32_0 : i32, i32
  }
  func.func @transform_2(%arg0: i32) -> (i32, i32) {
    %c0_i32 = arith.constant 0 : i32
    %c0_i32_0 = arith.constant 0 : i32
    %c0_i32_1 = arith.constant 0 : i32
    return %c0_i32, %c0_i32_0 : i32, i32
  }
  func.func @transform_3(%arg0: i32) -> (i32, i32) {
    %c0_i32 = arith.constant 0 : i32
    %c0_i32_0 = arith.constant 0 : i32
    return %arg0, %c0_i32 : i32, i32
  }
}

module attributes {stable_mosaic.version = 14 : i64} {
  func.func @_finish_body(%arg0: i32, %arg1: memref<2x1000x128xf32, #tpu.memory_space<vmem>>, %arg2: memref<2x1000x16xf32, #tpu.memory_space<vmem>>, %arg3: memref<1000x128xf32, #tpu.memory_space<vmem>>, %arg4: memref<128x128xf32, #tpu.memory_space<vmem>>, %arg5: memref<1x128xf32, #tpu.memory_space<vmem>>, %arg6: memref<256x128xf32, #tpu.memory_space<vmem>>, %arg7: memref<1x128xf32, #tpu.memory_space<vmem>>, %arg8: memref<128x128xf32, #tpu.memory_space<vmem>>, %arg9: memref<1x128xf32, #tpu.memory_space<vmem>>, %arg10: memref<1000x128xf32, #tpu.memory_space<vmem>>, %arg11: memref<1xf32, #tpu.memory_space<smem>>) attributes {dimension_semantics = [#tpu.dimension_semantics<arbitrary>], iteration_bounds = array<i64: 10>, scalar_prefetch = 0 : i64, scratch_operands = 1 : i64, tpu.core_type = #tpu.core_type<tc>, window_params = [{transform_indices = @transform_0, window_bounds = array<i64: 2, 1000, 128>}, {transform_indices = @transform_1, window_bounds = array<i64: 2, 1000, 16>}, {transform_indices = @transform_2, window_bounds = array<i64: 1000, 128>}, {pipeline_mode = #tpu.pipeline_mode<synchronous>, transform_indices = @transform_3, window_bounds = array<i64: 128, 128>}, {pipeline_mode = #tpu.pipeline_mode<synchronous>, transform_indices = @transform_4, window_bounds = array<i64: 1, 128>}, {pipeline_mode = #tpu.pipeline_mode<synchronous>, transform_indices = @transform_5, window_bounds = array<i64: 256, 128>}, {pipeline_mode = #tpu.pipeline_mode<synchronous>, transform_indices = @transform_6, window_bounds = array<i64: 1, 128>}, {pipeline_mode = #tpu.pipeline_mode<synchronous>, transform_indices = @transform_7, window_bounds = array<i64: 128, 128>}, {pipeline_mode = #tpu.pipeline_mode<synchronous>, transform_indices = @transform_8, window_bounds = array<i64: 1, 128>}, {transform_indices = @transform_9, window_bounds = array<i64: 1000, 128>}]} {
    %get3A = arith.constant 0 : index
    %get3A_0 = arith.constant 0 : index
    %get3A_1 = arith.constant 0 : index
    %get3A_2 = vector.load %arg1[%get3A, %get3A_0, %get3A_1] : memref<2x1000x128xf32, #tpu.memory_space<vmem>>, vector<1x1000x128xf32>
    %get3A_3 = vector.shape_cast %get3A_2 : vector<1x1000x128xf32> to vector<1000x128xf32>
    %get3A_4 = arith.constant 1 : index
    %get3A_5 = arith.constant 0 : index
    %get3A_6 = arith.constant 0 : index
    %get3A_7 = vector.load %arg1[%get3A_4, %get3A_5, %get3A_6] : memref<2x1000x128xf32, #tpu.memory_space<vmem>>, vector<1x1000x128xf32>
    %get3A_8 = vector.shape_cast %get3A_7 : vector<1x1000x128xf32> to vector<1000x128xf32>
    %add3A = arith.addf %get3A_3, %get3A_8 : vector<1000x128xf32>
    %get3A_9 = arith.constant 0 : index
    %get3A_10 = arith.constant 0 : index
    %get3A_11 = arith.constant 0 : index
    %get3A_12 = vector.load %arg2[%get3A_9, %get3A_10, %get3A_11] : memref<2x1000x16xf32, #tpu.memory_space<vmem>>, vector<1x1000x1xf32>
    %get3A_13 = vector.shape_cast %get3A_12 : vector<1x1000x1xf32> to vector<1000xf32>
    %get3A_14 = arith.constant 1 : index
    %get3A_15 = arith.constant 0 : index
    %get3A_16 = arith.constant 0 : index
    %get3A_17 = vector.load %arg2[%get3A_14, %get3A_15, %get3A_16] : memref<2x1000x16xf32, #tpu.memory_space<vmem>>, vector<1x1000x1xf32>
    %get3A_18 = vector.shape_cast %get3A_17 : vector<1x1000x1xf32> to vector<1000xf32>
    %add3A_19 = arith.addf %get3A_13, %get3A_18 : vector<1000xf32>
    %add3A_20 = arith.constant 9.99999993E-9 : f32
    %add3A_21 = vector.broadcast %add3A_20 : f32 to vector<1000xf32>
    %add3A_22 = arith.addf %add3A_19, %add3A_21 : vector<1000xf32>
    %broadcast_in_dim3A = vector.shape_cast %add3A_22 : vector<1000xf32> to vector<1000x1xf32>
    %get3A_23 = arith.constant 0 : index
    %get3A_24 = arith.constant 0 : index
    %get3A_25 = vector.load %arg4[%get3A_23, %get3A_24] : memref<128x128xf32, #tpu.memory_space<vmem>>, vector<128x128xf32>
    %dot_general3A = arith.constant dense<0.000000e+00> : vector<1000x128xf32>
    %dot_general3A_26 = tpu.matmul %add3A, %get3A_25, %dot_general3A {dimension_numbers = #tpu.dot_dimension_numbers<[1], [0], [0], [1], [0, 0, 1, 1], [], []>, transpose_lhs_hint = false} : vector<1000x128xf32>, vector<128x128xf32>, vector<1000x128xf32> -> vector<1000x128xf32>
    %broadcast_in_dim3A_27 = vector.shape_cast %add3A_19 : vector<1000xf32> to vector<1000x1xf32>
    %get3A_28 = arith.constant 0 : index
    %get3A_29 = arith.constant 0 : index
    %get3A_30 = vector.load %arg5[%get3A_28, %get3A_29] : memref<1x128xf32, #tpu.memory_space<vmem>>, vector<1x128xf32>
    %mul3A = vector.broadcast %broadcast_in_dim3A_27 : vector<1000x1xf32> to vector<1000x128xf32>
    %mul3A_31 = vector.broadcast %get3A_30 : vector<1x128xf32> to vector<1000x128xf32>
    %mul3A_32 = arith.mulf %mul3A, %mul3A_31 : vector<1000x128xf32>
    %add3A_33 = arith.addf %dot_general3A_26, %mul3A_32 : vector<1000x128xf32>
    %div3A = vector.broadcast %broadcast_in_dim3A : vector<1000x1xf32> to vector<1000x128xf32>
    %div3A_34 = arith.divf %add3A_33, %div3A : vector<1000x128xf32>
    %get3A_35 = arith.constant 0 : index
    %get3A_36 = arith.constant 0 : index
    %get3A_37 = vector.load %arg3[%get3A_35, %get3A_36] : memref<1000x128xf32, #tpu.memory_space<vmem>>, vector<1000x128xf32>
    %get3A_38 = arith.constant 0 : index
    %get3A_39 = arith.constant 0 : index
    %get3A_40 = vector.load %arg6[%get3A_38, %get3A_39] : memref<256x128xf32, #tpu.memory_space<vmem>>, vector<128x128xf32>
    %dot_general3A_41 = arith.constant dense<0.000000e+00> : vector<1000x128xf32>
    %dot_general3A_42 = tpu.matmul %get3A_37, %get3A_40, %dot_general3A_41 {dimension_numbers = #tpu.dot_dimension_numbers<[1], [0], [0], [1], [0, 0, 1, 1], [], []>, transpose_lhs_hint = false} : vector<1000x128xf32>, vector<128x128xf32>, vector<1000x128xf32> -> vector<1000x128xf32>
    %get3A_43 = arith.constant 128 : index
    %get3A_44 = arith.constant 0 : index
    %get3A_45 = vector.load %arg6[%get3A_43, %get3A_44] : memref<256x128xf32, #tpu.memory_space<vmem>>, vector<128x128xf32>
    %dot_general3A_46 = arith.constant dense<0.000000e+00> : vector<1000x128xf32>
    %dot_general3A_47 = tpu.matmul %div3A_34, %get3A_45, %dot_general3A_46 {dimension_numbers = #tpu.dot_dimension_numbers<[1], [0], [0], [1], [0, 0, 1, 1], [], []>, transpose_lhs_hint = false} : vector<1000x128xf32>, vector<128x128xf32>, vector<1000x128xf32> -> vector<1000x128xf32>
    %add3A_48 = arith.addf %dot_general3A_42, %dot_general3A_47 : vector<1000x128xf32>
    %get3A_49 = arith.constant 0 : index
    %get3A_50 = arith.constant 0 : index
    %get3A_51 = vector.load %arg7[%get3A_49, %get3A_50] : memref<1x128xf32, #tpu.memory_space<vmem>>, vector<1x128xf32>
    %add3A_52 = vector.broadcast %get3A_51 : vector<1x128xf32> to vector<1000x128xf32>
    %add3A_53 = arith.addf %add3A_48, %add3A_52 : vector<1000x128xf32>
    %max3A = arith.constant 0.000000e+00 : f32
    %max3A_54 = vector.broadcast %max3A : f32 to vector<1000x128xf32>
    %max3A_55 = arith.maximumf %add3A_53, %max3A_54 : vector<1000x128xf32>
    %get3A_56 = arith.constant 0 : index
    %get3A_57 = arith.constant 0 : index
    %get3A_58 = vector.load %arg8[%get3A_56, %get3A_57] : memref<128x128xf32, #tpu.memory_space<vmem>>, vector<128x128xf32>
    %dot_general3A_59 = arith.constant dense<0.000000e+00> : vector<1000x128xf32>
    %dot_general3A_60 = tpu.matmul %max3A_55, %get3A_58, %dot_general3A_59 {dimension_numbers = #tpu.dot_dimension_numbers<[1], [0], [0], [1], [0, 0, 1, 1], [], []>, transpose_lhs_hint = false} : vector<1000x128xf32>, vector<128x128xf32>, vector<1000x128xf32> -> vector<1000x128xf32>
    %get3A_61 = arith.constant 0 : index
    %get3A_62 = arith.constant 0 : index
    %get3A_63 = vector.load %arg9[%get3A_61, %get3A_62] : memref<1x128xf32, #tpu.memory_space<vmem>>, vector<1x128xf32>
    %add3A_64 = vector.broadcast %get3A_63 : vector<1x128xf32> to vector<1000x128xf32>
    %add3A_65 = arith.addf %dot_general3A_60, %add3A_64 : vector<1000x128xf32>
    %mul3A_66 = arith.mulf %add3A_65, %add3A_65 : vector<1000x128xf32>
    %reduce_sum3A = arith.constant dense<0.000000e+00> : vector<1000xf32>
    %reduce_sum3A_67 = vector.multi_reduction <add>, %mul3A_66, %reduce_sum3A [1] : vector<1000x128xf32> to vector<1000xf32>
    %broadcast_in_dim3A_68 = vector.shape_cast %reduce_sum3A_67 : vector<1000xf32> to vector<1000x1xf32>
    %sqrt3A = math.sqrt %broadcast_in_dim3A_68 : vector<1000x1xf32>
    %add3A_69 = arith.constant 9.99999993E-9 : f32
    %add3A_70 = vector.broadcast %add3A_69 : f32 to vector<1000x1xf32>
    %add3A_71 = arith.addf %sqrt3A, %add3A_70 : vector<1000x1xf32>
    %div3A_72 = vector.broadcast %add3A_71 : vector<1000x1xf32> to vector<1000x128xf32>
    %div3A_73 = arith.divf %add3A_65, %div3A_72 : vector<1000x128xf32>
    %eq3A = arith.constant 0 : i32
    %eq3A_74 = arith.cmpi eq, %arg0, %eq3A : i32
    %convert_element_type3A = arith.extui %eq3A_74 : i1 to i32
    %cond3A = arith.constant 0 : i32
    %cond3A_75 = arith.cmpi ne, %convert_element_type3A, %cond3A : i32
    scf.if %cond3A_75 {
      %slice3A = vector.extract_strided_slice %get3A_37 {offsets = [0, 0], sizes = [1, 128], strides = [1, 1]} : vector<1000x128xf32> to vector<1x128xf32>
      %squeeze3A = vector.shape_cast %slice3A : vector<1x128xf32> to vector<128xf32>
      %slice3A_82 = vector.extract_strided_slice %get3A_37 {offsets = [1, 0], sizes = [1, 128], strides = [1, 1]} : vector<1000x128xf32> to vector<1x128xf32>
      %squeeze3A_83 = vector.shape_cast %slice3A_82 : vector<1x128xf32> to vector<128xf32>
      %slice3A_84 = vector.extract_strided_slice %get3A_37 {offsets = [2, 0], sizes = [1, 128], strides = [1, 1]} : vector<1000x128xf32> to vector<1x128xf32>
      %squeeze3A_85 = vector.shape_cast %slice3A_84 : vector<1x128xf32> to vector<128xf32>
      %slice3A_86 = vector.extract_strided_slice %get3A_37 {offsets = [3, 0], sizes = [1, 128], strides = [1, 1]} : vector<1000x128xf32> to vector<1x128xf32>
      %squeeze3A_87 = vector.shape_cast %slice3A_86 : vector<1x128xf32> to vector<128xf32>
      %sub3A = arith.subf %squeeze3A, %squeeze3A_85 : vector<128xf32>
      %integer_pow3A = arith.mulf %sub3A, %sub3A : vector<128xf32>
      %reduce_sum3A_88 = vector.shape_cast %integer_pow3A : vector<128xf32> to vector<1x128xf32>
      %reduce_sum3A_89 = arith.constant dense<0.000000e+00> : vector<1xf32>
      %reduce_sum3A_90 = vector.multi_reduction <add>, %reduce_sum3A_88, %reduce_sum3A_89 [1] : vector<1x128xf32> to vector<1xf32>
      %reduce_sum3A_91 = vector.shape_cast %reduce_sum3A_90 : vector<1xf32> to vector<1x1xf32>
      %reduce_sum3A_92 = vector.extract %reduce_sum3A_91[0, 0] : f32 from vector<1x1xf32>
      %sqrt3A_93 = math.sqrt %reduce_sum3A_92 : f32
      %add3A_94 = arith.constant 9.99999993E-9 : f32
      %add3A_95 = arith.addf %sqrt3A_93, %add3A_94 : f32
      %sub3A_96 = arith.subf %squeeze3A_83, %squeeze3A_87 : vector<128xf32>
      %integer_pow3A_97 = arith.mulf %sub3A_96, %sub3A_96 : vector<128xf32>
      %reduce_sum3A_98 = vector.shape_cast %integer_pow3A_97 : vector<128xf32> to vector<1x128xf32>
      %reduce_sum3A_99 = arith.constant dense<0.000000e+00> : vector<1xf32>
      %reduce_sum3A_100 = vector.multi_reduction <add>, %reduce_sum3A_98, %reduce_sum3A_99 [1] : vector<1x128xf32> to vector<1xf32>
      %reduce_sum3A_101 = vector.shape_cast %reduce_sum3A_100 : vector<1xf32> to vector<1x1xf32>
      %reduce_sum3A_102 = vector.extract %reduce_sum3A_101[0, 0] : f32 from vector<1x1xf32>
      %sqrt3A_103 = math.sqrt %reduce_sum3A_102 : f32
      %add3A_104 = arith.constant 9.99999993E-9 : f32
      %add3A_105 = arith.addf %sqrt3A_103, %add3A_104 : f32
      %sub3A_106 = arith.subf %squeeze3A, %squeeze3A_87 : vector<128xf32>
      %integer_pow3A_107 = arith.mulf %sub3A_106, %sub3A_106 : vector<128xf32>
      %reduce_sum3A_108 = vector.shape_cast %integer_pow3A_107 : vector<128xf32> to vector<1x128xf32>
      %reduce_sum3A_109 = arith.constant dense<0.000000e+00> : vector<1xf32>
      %reduce_sum3A_110 = vector.multi_reduction <add>, %reduce_sum3A_108, %reduce_sum3A_109 [1] : vector<1x128xf32> to vector<1xf32>
      %reduce_sum3A_111 = vector.shape_cast %reduce_sum3A_110 : vector<1xf32> to vector<1x1xf32>
      %reduce_sum3A_112 = vector.extract %reduce_sum3A_111[0, 0] : f32 from vector<1x1xf32>
      %sqrt3A_113 = math.sqrt %reduce_sum3A_112 : f32
      %add3A_114 = arith.constant 9.99999993E-9 : f32
      %add3A_115 = arith.addf %sqrt3A_113, %add3A_114 : f32
      %sub3A_116 = arith.subf %squeeze3A_83, %squeeze3A_85 : vector<128xf32>
      %integer_pow3A_117 = arith.mulf %sub3A_116, %sub3A_116 : vector<128xf32>
      %reduce_sum3A_118 = vector.shape_cast %integer_pow3A_117 : vector<128xf32> to vector<1x128xf32>
      %reduce_sum3A_119 = arith.constant dense<0.000000e+00> : vector<1xf32>
      %reduce_sum3A_120 = vector.multi_reduction <add>, %reduce_sum3A_118, %reduce_sum3A_119 [1] : vector<1x128xf32> to vector<1xf32>
      %reduce_sum3A_121 = vector.shape_cast %reduce_sum3A_120 : vector<1xf32> to vector<1x1xf32>
      %reduce_sum3A_122 = vector.extract %reduce_sum3A_121[0, 0] : f32 from vector<1x1xf32>
      %sqrt3A_123 = math.sqrt %reduce_sum3A_122 : f32
      %add3A_124 = arith.constant 9.99999993E-9 : f32
      %add3A_125 = arith.addf %sqrt3A_123, %add3A_124 : f32
      %mul3A_126 = arith.mulf %add3A_95, %add3A_105 : f32
      %mul3A_127 = arith.mulf %add3A_115, %add3A_125 : f32
      %div3A_128 = arith.divf %mul3A_126, %mul3A_127 : f32
      %slice3A_129 = vector.extract_strided_slice %div3A_73 {offsets = [0, 0], sizes = [1, 128], strides = [1, 1]} : vector<1000x128xf32> to vector<1x128xf32>
      %squeeze3A_130 = vector.shape_cast %slice3A_129 : vector<1x128xf32> to vector<128xf32>
      %slice3A_131 = vector.extract_strided_slice %div3A_73 {offsets = [1, 0], sizes = [1, 128], strides = [1, 1]} : vector<1000x128xf32> to vector<1x128xf32>
      %squeeze3A_132 = vector.shape_cast %slice3A_131 : vector<1x128xf32> to vector<128xf32>
      %slice3A_133 = vector.extract_strided_slice %div3A_73 {offsets = [2, 0], sizes = [1, 128], strides = [1, 1]} : vector<1000x128xf32> to vector<1x128xf32>
      %squeeze3A_134 = vector.shape_cast %slice3A_133 : vector<1x128xf32> to vector<128xf32>
      %slice3A_135 = vector.extract_strided_slice %div3A_73 {offsets = [3, 0], sizes = [1, 128], strides = [1, 1]} : vector<1000x128xf32> to vector<1x128xf32>
      %squeeze3A_136 = vector.shape_cast %slice3A_135 : vector<1x128xf32> to vector<128xf32>
      %sub3A_137 = arith.subf %squeeze3A_130, %squeeze3A_134 : vector<128xf32>
      %integer_pow3A_138 = arith.mulf %sub3A_137, %sub3A_137 : vector<128xf32>
      %reduce_sum3A_139 = vector.shape_cast %integer_pow3A_138 : vector<128xf32> to vector<1x128xf32>
      %reduce_sum3A_140 = arith.constant dense<0.000000e+00> : vector<1xf32>
      %reduce_sum3A_141 = vector.multi_reduction <add>, %reduce_sum3A_139, %reduce_sum3A_140 [1] : vector<1x128xf32> to vector<1xf32>
      %reduce_sum3A_142 = vector.shape_cast %reduce_sum3A_141 : vector<1xf32> to vector<1x1xf32>
      %reduce_sum3A_143 = vector.extract %reduce_sum3A_142[0, 0] : f32 from vector<1x1xf32>
      %sqrt3A_144 = math.sqrt %reduce_sum3A_143 : f32
      %add3A_145 = arith.constant 9.99999993E-9 : f32
      %add3A_146 = arith.addf %sqrt3A_144, %add3A_145 : f32
      %sub3A_147 = arith.subf %squeeze3A_132, %squeeze3A_136 : vector<128xf32>
      %integer_pow3A_148 = arith.mulf %sub3A_147, %sub3A_147 : vector<128xf32>
      %reduce_sum3A_149 = vector.shape_cast %integer_pow3A_148 : vector<128xf32> to vector<1x128xf32>
      %reduce_sum3A_150 = arith.constant dense<0.000000e+00> : vector<1xf32>
      %reduce_sum3A_151 = vector.multi_reduction <add>, %reduce_sum3A_149, %reduce_sum3A_150 [1] : vector<1x128xf32> to vector<1xf32>
      %reduce_sum3A_152 = vector.shape_cast %reduce_sum3A_151 : vector<1xf32> to vector<1x1xf32>
      %reduce_sum3A_153 = vector.extract %reduce_sum3A_152[0, 0] : f32 from vector<1x1xf32>
      %sqrt3A_154 = math.sqrt %reduce_sum3A_153 : f32
      %add3A_155 = arith.constant 9.99999993E-9 : f32
      %add3A_156 = arith.addf %sqrt3A_154, %add3A_155 : f32
      %sub3A_157 = arith.subf %squeeze3A_130, %squeeze3A_136 : vector<128xf32>
      %integer_pow3A_158 = arith.mulf %sub3A_157, %sub3A_157 : vector<128xf32>
      %reduce_sum3A_159 = vector.shape_cast %integer_pow3A_158 : vector<128xf32> to vector<1x128xf32>
      %reduce_sum3A_160 = arith.constant dense<0.000000e+00> : vector<1xf32>
      %reduce_sum3A_161 = vector.multi_reduction <add>, %reduce_sum3A_159, %reduce_sum3A_160 [1] : vector<1x128xf32> to vector<1xf32>
      %reduce_sum3A_162 = vector.shape_cast %reduce_sum3A_161 : vector<1xf32> to vector<1x1xf32>
      %reduce_sum3A_163 = vector.extract %reduce_sum3A_162[0, 0] : f32 from vector<1x1xf32>
      %sqrt3A_164 = math.sqrt %reduce_sum3A_163 : f32
      %add3A_165 = arith.constant 9.99999993E-9 : f32
      %add3A_166 = arith.addf %sqrt3A_164, %add3A_165 : f32
      %sub3A_167 = arith.subf %squeeze3A_132, %squeeze3A_134 : vector<128xf32>
      %integer_pow3A_168 = arith.mulf %sub3A_167, %sub3A_167 : vector<128xf32>
      %reduce_sum3A_169 = vector.shape_cast %integer_pow3A_168 : vector<128xf32> to vector<1x128xf32>
      %reduce_sum3A_170 = arith.constant dense<0.000000e+00> : vector<1xf32>
      %reduce_sum3A_171 = vector.multi_reduction <add>, %reduce_sum3A_169, %reduce_sum3A_170 [1] : vector<1x128xf32> to vector<1xf32>
      %reduce_sum3A_172 = vector.shape_cast %reduce_sum3A_171 : vector<1xf32> to vector<1x1xf32>
      %reduce_sum3A_173 = vector.extract %reduce_sum3A_172[0, 0] : f32 from vector<1x1xf32>
      %sqrt3A_174 = math.sqrt %reduce_sum3A_173 : f32
      %add3A_175 = arith.constant 9.99999993E-9 : f32
      %add3A_176 = arith.addf %sqrt3A_174, %add3A_175 : f32
      %mul3A_177 = arith.mulf %add3A_146, %add3A_156 : f32
      %mul3A_178 = arith.mulf %add3A_166, %add3A_176 : f32
      %div3A_179 = arith.divf %mul3A_177, %mul3A_178 : f32
      %add3A_180 = arith.constant 9.99999993E-9 : f32
      %add3A_181 = arith.addf %div3A_179, %add3A_180 : f32
      %div3A_182 = arith.divf %div3A_128, %add3A_181 : f32
      %abs3A = math.absf %div3A_182 : f32
      %sqrt3A_183 = math.sqrt %abs3A : f32
      %swap3A_184 = arith.constant 0 : index
      %swap3A_185 = memref.load %arg11[%swap3A_184] : memref<1xf32, #tpu.memory_space<smem>>
      memref.store %sqrt3A_183, %arg11[%swap3A_184] : memref<1xf32, #tpu.memory_space<smem>>
    } else {
    }
    %get3A_76 = arith.constant 0 : index
    %get3A_77 = memref.load %arg11[%get3A_76] : memref<1xf32, #tpu.memory_space<smem>>
    %mul3A_78 = vector.broadcast %get3A_77 : f32 to vector<1000x128xf32>
    %mul3A_79 = arith.mulf %div3A_73, %mul3A_78 : vector<1000x128xf32>
    %swap3A = arith.constant 0 : index
    %swap3A_80 = arith.constant 0 : index
    %swap3A_81 = vector.load %arg10[%swap3A, %swap3A_80] : memref<1000x128xf32, #tpu.memory_space<vmem>>, vector<1000x128xf32>
    tpu.vector_store %arg10[%swap3A, %swap3A_80], %mul3A_79 {strides = array<i32>} : memref<1000x128xf32, #tpu.memory_space<vmem>>, vector<1000x128xf32>,
    return
  }
  func.func @transform_0(%arg0: i32) -> (i32, i32, i32) {
    %c0_i32 = arith.constant 0 : i32
    %c0_i32_0 = arith.constant 0 : i32
    %c0_i32_1 = arith.constant 0 : i32
    return %c0_i32, %arg0, %c0_i32_0 : i32, i32, i32
  }
  func.func @transform_1(%arg0: i32) -> (i32, i32, i32) {
    %c0_i32 = arith.constant 0 : i32
    %c0_i32_0 = arith.constant 0 : i32
    %c0_i32_1 = arith.constant 0 : i32
    return %c0_i32, %arg0, %c0_i32_0 : i32, i32, i32
  }
  func.func @transform_2(%arg0: i32) -> (i32, i32) {
    %c0_i32 = arith.constant 0 : i32
    %c0_i32_0 = arith.constant 0 : i32
    return %arg0, %c0_i32 : i32, i32
  }
  func.func @transform_3(%arg0: i32) -> (i32, i32) {
    %c0_i32 = arith.constant 0 : i32
    %c0_i32_0 = arith.constant 0 : i32
    %c0_i32_1 = arith.constant 0 : i32
    return %c0_i32, %c0_i32_0 : i32, i32
  }
  func.func @transform_4(%arg0: i32) -> (i32, i32) {
    %c0_i32 = arith.constant 0 : i32
    %c0_i32_0 = arith.constant 0 : i32
    %c0_i32_1 = arith.constant 0 : i32
    return %c0_i32, %c0_i32_0 : i32, i32
  }
  func.func @transform_5(%arg0: i32) -> (i32, i32) {
    %c0_i32 = arith.constant 0 : i32
    %c0_i32_0 = arith.constant 0 : i32
    %c0_i32_1 = arith.constant 0 : i32
    return %c0_i32, %c0_i32_0 : i32, i32
  }
  func.func @transform_6(%arg0: i32) -> (i32, i32) {
    %c0_i32 = arith.constant 0 : i32
    %c0_i32_0 = arith.constant 0 : i32
    %c0_i32_1 = arith.constant 0 : i32
    return %c0_i32, %c0_i32_0 : i32, i32
  }
  func.func @transform_7(%arg0: i32) -> (i32, i32) {
    %c0_i32 = arith.constant 0 : i32
    %c0_i32_0 = arith.constant 0 : i32
    %c0_i32_1 = arith.constant 0 : i32
    return %c0_i32, %c0_i32_0 : i32, i32
  }
  func.func @transform_8(%arg0: i32) -> (i32, i32) {
    %c0_i32 = arith.constant 0 : i32
    %c0_i32_0 = arith.constant 0 : i32
    %c0_i32_1 = arith.constant 0 : i32
    return %c0_i32, %c0_i32_0 : i32, i32
  }
  func.func @transform_9(%arg0: i32) -> (i32, i32) {
    %c0_i32 = arith.constant 0 : i32
    %c0_i32_0 = arith.constant 0 : i32
    return %arg0, %c0_i32 : i32, i32
  }
}

</mosaic_0001>

<sc_bundles>
// kernel: kernel.6.cloned.1.call-start
scs
__scs_entry_jumppad:
0x0: {  	(pc) =	sbr.rel $0x88, $3  }
0x1: {  	(tag) =	ssettag $0x0;
	lr =	simm.s32 $0x1  }
0x2: {  	[smem:$0x3F96] =	sst lr;
	_ =	strace $0xD0000000  }
0x3: {  	_ = 	snop  }
0x4: {  	_ = 	snop  }
0x5: {  	_ = 	snop  }
0x6: {  	_ = 	snop  }
0x7: {  	_ = 	snop  }
__scs_overlays_trampoline_lowered:
0x8: {  	[smem:$0x3FA5] =	sst s0  }
0x9: {  	[smem:$0x3FA6] =	sst s1  }
0xa: {  	[smem:$0x3FA7] =	sst s2  }
0xb: {  	[smem:$0x3FA8] =	sst s3  }
0xc: {  	[smem:$0x3FA9] =	sst s4  }
0xd: {  	[smem:$0x3FAA] =	sst s5  }
0xe: {  	[smem:$0x3FAB] =	sst s6  }
0xf: {  	[smem:$0x3FAC] =	sst s7  }
0x10: {  	[smem:$0x3FAD] =	sst s8  }
0x11: {  	[smem:$0x3FAE] =	sst s9;
	s0 =	simm.s32 @!p0 $0x0  }
0x12: {  	s1 =	sld [smem:$0x3F94];
	s0 =	simm.s32 @p0 $0x1  }
0x13: {  	[smem:$0x3FAF] =	sst s0;
	s0 =	simm.s32 @!p1 $0x0  }
0x14: {  	s2 =	sld [smem:$0x3F93];
	s0 =	simm.s32 @p1 $0x1  }
0x15: {  	[smem:$0x3FB0] =	sst s0;
	s0 =	simm.s32 @!p2 $0x0  }
0x16: {  	s3 =	sld [smem:$0x3FDB];
	s0 =	simm.s32 @p2 $0x1  }
0x17: {  	s4 =	simm.s32 $0x1BF5;
	[smem:$0x3FB2] =	sst s0  }
0x18: {  	s0 =	sld [smem:$0x3F95];
	_ =	swait.ge [sflag:s4], $0x0  }
0x19: {  	s7 =	sld [smem:$0x3F96]  }
0x1a: {  	s8 =	sadd.s32 $0xFFFFE003, lr  }
0x1b: {  	s9 =	sadd.s32 $0xFFFFFEF7, lr;
	s5 =	simm.s32 $0xFFFFFFFF;
	p2 =	slt.u32 s8, $0xFFFFF086  }
0x1c: {  	p1 =	slt.u32 s9, $0xF7A;
	s5 =	simm.s32 @!p2 $0x0  }
0x1d: {  	s5 =	simm.s32 @p1 $0x1;
	p0 =	seq.s32 s7, s2  }
0x1e: {  	s7 =	smul.u32 @!p0 $0xF7A, s2;
	p2 =	seq.s32 @!p0 s5, $0x0  }
0x1f: {  	s9 =	smul.u32 $0xF7A, s1;
	s8 =	simm.s32 @!p0 $0x1BF5;
	p2 =	por !p2, p0  }
0x20: {  	[sflag:s8] =	ssyncset.s32 @!p0 $0xFFFFF086;
	s6 =	sadd.s32 @!p0 s3, s7;
	s7 =	simm.s32 @!p0 $0x108  }
0x21: {  	s3 =	sadd.s32 s3, s9;
	s6 =	sadd.s32 @!p0 $0x88, s6;
	s7 =	simm.s32 @p2 $0x1082  }
0x22: {  	[simem:s7], [sflag:s8] =	dma.local @!p0 [hbm:s6], $0xF7A  }
0x23: {  	s9 =	sor.u32 $0xD0000000, s2;
	s6 =	simm.s32 $0x108;
	_ =	swait.ge @!p0 [sflag:s8], $0x0  }
0x24: {  	s3 =	sadd.s32 $0x88, s3;
	s6 =	simm.s32 @!p1 $0x1082;
	[sflag:s4] =	ssyncset.s32 $0xFFFFF086  }
0x25: {  	[simem:s6], [sflag:s4] =	dma.local [hbm:s3], $0xF7A  }
0x26: {  	[smem:$0x3F96] =	sst s1;
	(tag) =	ssettag s2;
	_ =	strace s9  }
0x27: {  	s1 =	sld [smem:$0x3FA6]  }
0x28: {  	s2 =	sld [smem:$0x3FA7]  }
0x29: {  	s4 =	sld [smem:$0x3FA9]  }
0x2a: {  	p0 =	seq.s32 s5, $0x0;
	s5 =	sld [smem:$0x3FAA]  }
0x2b: {  	s6 =	sld [smem:$0x3FAB]  }
0x2c: {  	s7 =	sld [smem:$0x3FAC]  }
0x2d: {  	s3 =	simm.s32 $0x108;
	s8 =	sld [smem:$0x3FAD]  }
0x2e: {  	s3 =	simm.s32 @!p0 $0x1082;
	s9 =	sld [smem:$0x3FAE]  }
0x2f: {  	lr =	sadd.s32 s0, s3;
	s0 =	sld [smem:$0x3FA5]  }
0x30: {  	s3 =	sld [smem:$0x3FA8]  }
0x31: {  	[smem:$0x3FB1] =	sst s10  }
0x32: {  	s10 =	sld [smem:$0x3FAF];
	_ =	sdelay $0x3  }
0x33: {  	p0 =	seq.s32 s10, $0x1;
	s10 =	sld [smem:$0x3FB1];
	_ =	sdelay $0x3  }
0x34: {  	[smem:$0x3FB1] =	sst s10  }
0x35: {  	s10 =	sld [smem:$0x3FB0];
	_ =	sdelay $0x3  }
0x36: {  	p1 =	seq.s32 s10, $0x1;
	s10 =	sld [smem:$0x3FB1];
	_ =	sdelay $0x3  }
0x37: {  	[smem:$0x3FB1] =	sst s10  }
0x38: {  	s10 =	sld [smem:$0x3FB2]  }
0x39: {  	_ = 	snop;
	(pc) =	sbr.ind lr, $3  }
0x3a: {  	_ = 	snop  }
0x3b: {  	_ = 	snop  }
0x3c: {  	p2 =	seq.s32 s10, $0x1;
	s10 =	sld [smem:$0x3FB1]  }
0x3d: {  	_ =	shalt  }
0x3e: {  	_ =	shalt  }
0x3f: {  	_ =	shalt  }
0x40: {  	_ =	shalt  }
0x41: {  	_ =	shalt  }
0x42: {  	_ =	shalt  }
0x43: {  	_ =	shalt  }
0x44: {  	_ =	shalt  }
0x45: {  	_ =	shalt  }
0x46: {  	_ =	shalt  }
0x47: {  	_ =	shalt  }
0x48: {  	_ =	shalt  }
0x49: {  	_ =	shalt  }
0x4a: {  	_ =	shalt  }
0x4b: {  	_ =	shalt  }
0x4c: {  	_ =	shalt  }
0x4d: {  	_ =	shalt  }
0x4e: {  	_ =	shalt  }
0x4f: {  	_ =	shalt  }
0x50: {  	_ =	shalt  }
0x51: {  	_ =	shalt  }
0x52: {  	_ =	shalt  }
0x53: {  	_ =	shalt  }
0x54: {  	_ =	shalt  }
0x55: {  	_ =	shalt  }
0x56: {  	_ =	shalt  }
0x57: {  	_ =	shalt  }
0x58: {  	_ =	shalt  }
0x59: {  	_ =	shalt  }
0x5a: {  	_ =	shalt  }
0x5b: {  	_ =	shalt  }
0x5c: {  	_ =	shalt  }
0x5d: {  	_ =	shalt  }
0x5e: {  	_ =	shalt  }
0x5f: {  	_ =	shalt  }
0x60: {  	_ =	shalt  }
0x61: {  	_ =	shalt  }
0x62: {  	_ =	shalt  }
0x63: {  	_ =	shalt  }
0x64: {  	_ =	shalt  }
0x65: {  	_ =	shalt  }
0x66: {  	_ =	shalt  }
0x67: {  	_ =	shalt  }
0x68: {  	_ =	shalt  }
0x69: {  	_ =	shalt  }
0x6a: {  	_ =	shalt  }
0x6b: {  	_ =	shalt  }
0x6c: {  	_ =	shalt  }
0x6d: {  	_ =	shalt  }
0x6e: {  	_ =	shalt  }
0x6f: {  	_ =	shalt  }
0x70: {  	_ =	shalt  }
0x71: {  	_ =	shalt  }
0x72: {  	_ =	shalt  }
0x73: {  	_ =	shalt  }
0x74: {  	_ =	shalt  }
0x75: {  	_ =	shalt  }
0x76: {  	_ =	shalt  }
0x77: {  	_ =	shalt  }
0x78: {  	_ =	shalt  }
0x79: {  	_ =	shalt  }
0x7a: {  	_ =	shalt  }
0x7b: {  	_ =	shalt  }
0x7c: {  	_ =	shalt  }
0x7d: {  	_ =	shalt  }
0x7e: {  	_ =	shalt  }
0x7f: {  	_ =	shalt  }
0x80: {  	_ =	shalt  }
0x81: {  	_ =	shalt  }
0x82: {  	_ =	shalt  }
0x83: {  	_ =	shalt  }
0x84: {  	_ =	shalt  }
0x85: {  	_ =	shalt  }
0x86: {  	_ =	shalt  }
0x87: {  	_ =	shalt  }
.Lfunc_end0:
.L_simem_size_0:
called_computation_lowered:
.L_overlay_start_0:
0x88: {  	s2 =	sld [smem:$0x3FD9]  }
0x89: {  	s3 =	sld [smem:$0x3FFE];
	_ =	sdelay $0x1  }
0x8a: {  	s1 =	srdreg.scid  }
0x8b: {  	s0 =	sand.u32 $0x1, s1  }
0x8c: {  	s17 =	sshll.u32 s0, $0xA;
	s2 =	sadd.s32 s3, s2  }
0x8d: {  	s2 =	sadd.s32 s2, s17  }
0x8e: {  	[smem:$0x3FBD] =	sst s2  }
0x8f: {  	_ = 	snop  }
0x90: {  	s2 =	sld [smem:$0x3FD0];
	(tm) =	ssettm $0x1  }
0x91: {  	s18 =	sld [smem:$0x3FFB];
	_ =	sdelay $0x3  }
0x92: {  	_ =	strace s18  }
0x93: {  	s3 =	sld [smem:$0x3FFC];
	_ =	sdelay $0x3  }
0x94: {  	_ =	strace s3  }
0x95: {  	s3 =	sld [smem:$0x3FFD];
	_ =	sdelay $0x3  }
0x96: {  	_ =	strace s3  }
0x97: {  	_ =	strace $0x8FFFFFFF  }
0x98: {  	s19 =	sld [smem:$0x3FDB];
	_ =	sdelay $0x1  }
0x99: {  	s4 =	simm.s32 $_scs_section_size  }
0x9a: {  	s5 =	simm.s32 $_size__tile_overlayer_lowered;
	s6 =	simm.s32 $_tile_overlayer_lowered  }
0x9b: {  	s22 =	simm.s32 $0x1BFF;
	s21 =	sshll.u32 s6, $0x1;
	s3 =	sadd.s32 s4, s19  }
0x9c: {  	s7 =	simm.s32 $0x0;
	s20 =	sshll.u32 s5, $0x1;
	s5 =	sadd.s32 s21, s3  }
0x9d: {  	[timem:s7], [sflag:s22] =	dma.local [hbm:s5], s20  }
0x9e: {  	_ =	swait.ge [sflag:s22], s20  }
0x9f: {  	s4 =	ssub.s32 $0x0, s20;
	[sflag:s22] =	ssyncset.done $0x0  }
0xa0: {  	[sflag:s22] =	ssyncadd.s32 s4;
	_ =	sdelay $0x1  }
0xa1: {  	s23 =	simm.s32 $0x1B8B  }
0xa2: {  	_ =	swait.ge [sflag:s23], $0x1  }
0xa3: {  	[sflag:s23] =	ssyncset.done $0x0  }
0xa4: {  	s25 =	simm.s32 $0x1B8E;
	s24 =	sld [smem:$0x3FFE];
	[sflag:s23] =	ssyncadd.s32 $0xFFFFFFFF  }
0xa5: {  	s26 =	simm.s32 $execute0_lowered;
	[smem:$0x3FD2] =	sst s25  }
0xa6: {  	s5 =	sshll.u32 s26, $0x1;
	_ =	strace $0x80000046;
	[dreg:$0x1] =	wrdreg $0xFFFFFFFF  }
0xa7: {  	s28 =	simm.s32 $_size_execute0_lowered;
	s3 =	sadd.s32 s3, s5;
	[dreg:$0x0] =	wrdreg $0x0  }
0xa8: {  	s5 =	sshll.u32 s28, $0x1;
	[dreg:$0x2] =	wrdreg s3  }
0xa9: {  	[dreg:$0x3] =	wrdreg s5  }
0xaa: {  	[dreg:$0x4] =	wrdreg $0xC0  }
0xab: {  	_ =	task [dreg:s7], $0x5FFFF  }
0xac: {  	[dreg:$0x1] =	wrdreg $0xFFFFFFFF  }
0xad: {  	[dreg:$0x0] =	wrdreg $0x60  }
0xae: {  	[dreg:$0x2] =	wrdreg s24  }
0xaf: {  	[dreg:$0x3] =	wrdreg s2  }
0xb0: {  	[dreg:$0x4] =	wrdreg $0x8CA00  }
0xb1: {  	[dreg:$0x5] =	wrdreg $0x1CCA00  }
0xb2: {  	[dreg:$0x6] =	wrdreg $0x9  }
0xb3: {  	_ =	task.clear_ibuf [dreg:s7], $0x7FFFF;
	_ =	strace $0x90000046  }
0xb4: {  	s29 =	simm.s32 $0x9;
	_ =	strace $0x80000048  }
0xb5: {  	_ =	swait.ge [sflag:s29], $0x1  }
0xb6: {  	[sflag:s29] =	ssyncadd.s32 $0xFFFFFFFF  }
0xb7: {  	_ =	strace $0x90000048  }
0xb8: {  	_ =	sfence  }
0xb9: {  	s30 =	sld [smem:$0x0];
	_ =	sdelay $0x2  }
0xba: {  	s31 =	sshll.u32 s1, $0xD;
	s1 =	sshrl.u32 s1, $0x2  }
0xbb: {  	s3 =	sand.u32 $0x4000, s31;
	s1 =	sadd.s32 s1, s30  }
0xbc: {  	s0 =	sor.u32 s3, s0;
	s1 =	sshll.u32 s1, $0x11  }
0xbd: {  	s0 =	sor.u32 s1, s0  }
0xbe: {  	s0 =	sadd.s32 $0x8F2B, s0  }
0xbf: {  	[sflag:s0] =	ssyncadd.remote.s32 $0x1  }
0xc0: {  	_ =	sfence.sel $0xFFFF  }
0xc1: {  	[dreg:$0x0] =	wrdreg $0xFFFFFFFF;
	(pc) =	sbr.abs _section_cstart, $3  }
0xc2: {  	[dreg:$0x1] =	wrdreg $0xFFFFFFFF  }
0xc3: {  	_ =	task.clear_ibuf [dreg:s7], $0x2FFFF;
	_ =	strace $0x9FFFFFFF  }
0xc4: {  	(tm) =	ssettm $0x7FFFFFFF  }
0xc5: {  	_ =	shalt  }
tec
execute0_lowered:
.L_overlay_start_1:
0x0: {  	(tag) =	ssettag $0x1  }
0x1: {  	s14 =	rddreg [dreg:$0x0]  }
0x2: {  	s0 =	rddreg [dreg:$0x1]  }
0x3: {  	s2 =	rddreg [dreg:$0x2]  }
0x4: {  	s1 =	srdreg.scid;
	s3 =	rddreg [dreg:$0x3]  }
0x5: {  	s19 =	stileid.u32;
	s4 =	simm.s32 $0x0;
	s28 =	simm.s32 $0x23A0  }
0x6: {  	s29 =	simm.s32 $0x4BA0;
	s30 =	simm.s32 $0x1;
	s15 =	smul.u32 $0x14000, s19  }
0x7: {  	s31 =	simm.s32 $0x87A0;
	s1 =	sand.u32 $0x1, s1;
	s25 =	smul.u32 $0x2800, s19  }
0x8: {  	[smem:$0x7FF] =	sst s4;
	s5 =	sshll.u32 s1, $0x4;
	s13 =	smul.u32 $0x140000, s1  }
0x9: {  	s7 =	ssub.s32 $0x2, s1;
	s16 =	smul.u32 $0x28000, s1;
	s6 =	sor.u32 s19, s5  }
0xa: {  	s11 =	sadd.s32 $0xBC00, s14;
	s10 =	sshrl.u32 s7, $0x1;
	s5 =	smul.u32 $0x2710, s6  }
0xb: {  	s12 =	sadd.s32 $0x1E00, s14;
	s1 =	ssub.s32 s7, s10;
	s6 =	smul.u32 $0x27100, s6  }
0xc: {  	s1 =	smax.u32 s1, $0x1;
	s9 =	sshrl.u32 s5, $0x3;
	s8 =	sadd.s32 $0x7D0, s5  }
0xd: {  	s7 =	sadd.s32 $0xFA0, s5;
	s17 =	sadd.s32 s11, s9;
	s18 =	sadd.s32 s12, s9  }
0xe: {  	s10 =	sshrl.u32 s8, $0x3;
	s9 =	sadd.s32 $0x1770, s5;
	[dreg:$0x5] =	wrdreg s17  }
0xf: {  	s8 =	sshll.u32 s8, $0x4;
	[dreg:$0x6] =	wrdreg s18;
	s20 =	sadd.s32 s11, s10  }
0x10: {  	s17 =	sshrl.u32 s7, $0x3;
	s10 =	sadd.s32 s12, s10;
	[dreg:$0x7] =	wrdreg s20  }
0x11: {  	s18 =	sshrl.u32 s9, $0x3;
	[dreg:$0x8] =	wrdreg s10;
	s21 =	sadd.s32 s11, s17  }
0x12: {  	s22 =	sadd.s32 s12, s17;
	s23 =	sadd.s32 s11, s18;
	[dreg:$0x9] =	wrdreg s21  }
0x13: {  	s10 =	sadd.s32 $0x1F40, s5;
	s24 =	sadd.s32 s12, s18;
	[dreg:$0xa] =	wrdreg s22  }
0x14: {  	s20 =	sadd.s32 s15, s13;
	s13 =	smul.u32 $0x280, s19;
	[dreg:$0xb] =	wrdreg s23  }
0x15: {  	[dreg:$0xc] =	wrdreg s24;
	s26 =	sshrl.u32 s10, $0x3;
	s21 =	sadd.s32 s25, s16  }
0x16: {  	s23 =	sadd.s32 s15, s2;
	s24 =	sadd.s32 s25, s3;
	s11 =	sadd.s32 s11, s26  }
0x17: {  	s17 =	sadd.s32 s12, s26;
	s12 =	sshrl.u32 s21, $0x3;
	s22 =	sor.u32 $0x28, s13  }
0x18: {  	s26 =	sor.u32 $0x50, s13;
	s19 =	sor.u32 $0x78, s13;
	[dreg:$0xd] =	wrdreg s11  }
0x19: {  	[dreg:$0xe] =	wrdreg s17;
	s11 =	sshrl.u32 s20, $0x3;
	s12 =	sadd.s32 s12, s14  }
0x1a: {  	s17 =	sadd.s32 $0x15A00, s14;
	s25 =	sshll.u32 s22, $0x7;
	s18 =	sshll.u32 s26, $0x4  }
0x1b: {  	s20 =	sshll.u32 s19, $0x7;
	_ =	strace $0x80000047;
	[smem:$0x7FD] =	sst s1  }
0x1c: {  	s11 =	sadd.s32 s11, s14;
	s14 =	sshll.u32 s22, $0x4;
	[dreg:$0xf] =	wrdreg s23  }
0x1d: {  	s15 =	sadd.s32 s25, s2;
	s22 =	sadd.s32 $0xA0, s13;
	[dreg:$0x10] =	wrdreg s24  }
0x1e: {  	s6 =	sadd.s32 s17, s6;
	s1 =	simm.s32 $0x73A0;
	[dreg:$0x11] =	wrdreg s15  }
0x1f: {  	s14 =	sadd.s32 s14, s3;
	s15 =	sshll.u32 s26, $0x7;
	[smem:$0x7F6] =	sst s6  }
0x20: {  	s25 =	sshll.u32 s22, $0x7;
	[dreg:$0x12] =	wrdreg s14;
	s14 =	sadd.s32 s15, s2  }
0x21: {  	s15 =	sshll.u32 s19, $0x4;
	[dreg:$0x13] =	wrdreg s14;
	s14 =	sadd.s32 s18, s3  }
0x22: {  	s26 =	sadd.s32 $0xC8, s13;
	s21 =	sadd.s32 s15, s3;
	[dreg:$0x14] =	wrdreg s14  }
0x23: {  	s19 =	sadd.s32 $0xF0, s13;
	s15 =	sadd.s32 s25, s2;
	[dreg:$0x16] =	wrdreg s21  }
0x24: {  	s18 =	sshll.u32 s26, $0x4;
	s14 =	sadd.s32 s20, s2;
	[dreg:$0x17] =	wrdreg s15  }
0x25: {  	s15 =	sshll.u32 s26, $0x7;
	s20 =	sshll.u32 s19, $0x7;
	s26 =	sadd.s32 $0x140, s13  }
0x26: {  	[dreg:$0x15] =	wrdreg s14;
	s14 =	sshll.u32 s22, $0x4;
	s22 =	sadd.s32 $0x118, s13  }
0x27: {  	s16 =	sshll.u32 s26, $0x4;
	s14 =	sadd.s32 s14, s3;
	s25 =	sshll.u32 s22, $0x7  }
0x28: {  	[dreg:$0x18] =	wrdreg s14;
	s14 =	sadd.s32 s15, s2;
	s15 =	sshll.u32 s19, $0x4  }
0x29: {  	[dreg:$0x19] =	wrdreg s14;
	s14 =	sadd.s32 s18, s3;
	s21 =	sadd.s32 s15, s3  }
0x2a: {  	s15 =	sadd.s32 s25, s2;
	s18 =	sadd.s32 $0x168, s13;
	[dreg:$0x1a] =	wrdreg s14  }
0x2b: {  	s25 =	sadd.s32 $0x1B8, s13;
	s14 =	sadd.s32 s20, s2;
	[dreg:$0x1c] =	wrdreg s21  }
0x2c: {  	[dreg:$0x1d] =	wrdreg s15;
	s15 =	sshll.u32 s26, $0x7;
	s19 =	sshll.u32 s18, $0x7  }
0x2d: {  	s21 =	sadd.s32 $0x190, s13;
	[dreg:$0x1b] =	wrdreg s14;
	s14 =	sshll.u32 s22, $0x4  }
0x2e: {  	s26 =	sshll.u32 s25, $0x7;
	s22 =	sshll.u32 s21, $0x7;
	s14 =	sadd.s32 s14, s3  }
0x2f: {  	[dreg:$0x1e] =	wrdreg s14;
	s14 =	sadd.s32 s15, s2;
	s15 =	sshll.u32 s18, $0x4  }
0x30: {  	[dreg:$0x1f] =	wrdreg s14;
	s14 =	sadd.s32 s16, s3;
	s20 =	sadd.s32 s15, s3  }
0x31: {  	s15 =	sadd.s32 s22, s2;
	s16 =	sadd.s32 $0x1E0, s13;
	[smem:$0x7E7] =	sst s14  }
0x32: {  	s22 =	sadd.s32 $0x230, s13;
	s14 =	sadd.s32 s19, s2;
	[smem:$0x7E9] =	sst s20  }
0x33: {  	[smem:$0x7EA] =	sst s15;
	s15 =	sshll.u32 s25, $0x4;
	s18 =	sshll.u32 s16, $0x7  }
0x34: {  	s20 =	sadd.s32 $0x208, s13;
	[smem:$0x7E8] =	sst s14;
	s14 =	sshll.u32 s21, $0x4  }
0x35: {  	s25 =	sshll.u32 s22, $0x7;
	s13 =	sadd.s32 $0x258, s13;
	s14 =	sadd.s32 s14, s3  }
0x36: {  	s21 =	sshll.u32 s20, $0x7;
	[smem:$0x7EB] =	sst s14;
	s14 =	sadd.s32 s26, s2  }
0x37: {  	s26 =	sshll.u32 s22, $0x4;
	[smem:$0x7EC] =	sst s14;
	s14 =	sadd.s32 s15, s3  }
0x38: {  	s15 =	sshll.u32 s16, $0x4;
	s16 =	sadd.s32 s17, s8;
	[smem:$0x7ED] =	sst s14  }
0x39: {  	s8 =	sadd.s32 $0x7F8, s5;
	s14 =	sadd.s32 s18, s2;
	[smem:$0x7F7] =	sst s16  }
0x3a: {  	s19 =	sadd.s32 s15, s3;
	s15 =	sadd.s32 s21, s2;
	[smem:$0x7EE] =	sst s14  }
0x3b: {  	s18 =	sshll.u32 s7, $0x4;
	s16 =	sadd.s32 $0x1F90, s5;
	[smem:$0x7EF] =	sst s19  }
0x3c: {  	s7 =	simm.s32 $0x4;
	s14 =	sshll.u32 s20, $0x4;
	[smem:$0x7F0] =	sst s15  }
0x3d: {  	s15 =	sshll.u32 s13, $0x7;
	s13 =	sshll.u32 s13, $0x4;
	s19 =	sshll.u32 s9, $0x4  }
0x3e: {  	s20 =	sshll.u32 s10, $0x4;
	s6 =	sadd.s32 s17, s18;
	s9 =	sadd.s32 $0x820, s5  }
0x3f: {  	s10 =	sadd.s32 $0xFC8, s5;
	s14 =	sadd.s32 s14, s3;
	[smem:$0x7F8] =	sst s6  }
0x40: {  	s13 =	sadd.s32 s13, s3;
	s21 =	sadd.s32 s17, s19;
	[smem:$0x7F1] =	sst s14  }
0x41: {  	s22 =	sadd.s32 s17, s20;
	s20 =	simm.s32 $0x5FA0;
	[smem:$0x7F5] =	sst s13  }
0x42: {  	s6 =	simm.s32 $0x3;
	s19 =	simm.s32 $0x0;
	[smem:$0x7F9] =	sst s21  }
0x43: {  	s14 =	sadd.s32 s25, s2;
	[smem:$0x7FA] =	sst s22;
	s25 =	sadd.s32 $0x501A00, s11  }
0x44: {  	s11 =	sadd.s32 $0xFF0, s5;
	s21 =	simm.s32 $0x5;
	[smem:$0x7F2] =	sst s14  }
0x45: {  	s13 =	simm.s32 $0x2;
	s14 =	sadd.s32 s26, s3;
	[smem:$0x7FB] =	sst s25  }
0x46: {  	s26 =	sadd.s32 $0x4F7A00, s12;
	s12 =	sadd.s32 $0x1798, s5;
	[smem:$0x7F3] =	sst s14  }
0x47: {  	s25 =	simm.s32 $0x28;
	s14 =	sadd.s32 s15, s2;
	[smem:$0x7FC] =	sst s26  }
0x48: {  	v0 =	vimm.f32 $0.0e+00;
	v1 =	vimm.f32 $1.000000000e+00;
	s15 =	sadd.s32 $0x1F68, s5;
	[smem:$0x7F4] =	sst s14;
	s14 =	sadd.s32 $0x17C0, s5  }
.LBB2_1:
0x49: {  	[smem:$0x7E6] =	sst s19;
	s18 =	simm.s32 $0x0;
	s19 =	simm.s32 $0x200  }
.LBB2_2:
0x4a: {  	p0 =	sne.s32 s19, $0x4E00;
	[tilespmem:s18+$0x6010] =	vst v0  }
0x4b: {  	[tilespmem:s18+$0x5FA0] =	vst v0  }
0x4c: {  	[tilespmem:s18+$0x5FB0] =	vst v0  }
.Ltmp0:
0x4d: {  	[tilespmem:s18+$0x5FC0] =	vst v0;
	(pc) =	sbr.rel @p0 .LBB2_2-.Ltmp0, $4  }
0x4e: {  	[tilespmem:s18+$0x5FD0] =	vst v0  }
0x4f: {  	[tilespmem:s18+$0x5FE0] =	vst v0  }
0x50: {  	[tilespmem:s18+$0x5FF0] =	vst v0  }
0x51: {  	[tilespmem:s18+$0x6000] =	vst v0;
	s18 =	sshra.s32 s19, $0x2;
	s19 =	sadd.s32 $0x200, s19  }
0x52: {  	[tilespmem:s18+$0x6010] =	vst v0  }
0x53: {  	[tilespmem:s18+$0x5FA0] =	vst v0  }
0x54: {  	[tilespmem:s18+$0x5FB0] =	vst v0  }
0x55: {  	[tilespmem:s18+$0x5FC0] =	vst v0  }
0x56: {  	[tilespmem:s18+$0x5FD0] =	vst v0  }
0x57: {  	[tilespmem:s18+$0x5FE0] =	vst v0  }
0x58: {  	[tilespmem:s18+$0x5FF0] =	vst v0  }
0x59: {  	[tilespmem:s18+$0x6000] =	vst v0;
	s18 =	simm.s32 $0x40;
	s19 =	simm.s32 $0x0  }
.LBB2_4:
0x5a: {  	p0 =	sne.s32 s18, $0x9C0;
	[tilespmem:s19+$0x87A0] =	vst v1;
	s22 =	smov.u32 s18;
	s18 =	sadd.s32 $0x40, s18  }
.Ltmp1:
0x5b: {  	[tilespmem:s19+$0x8A20] =	vst v0;
	(pc) =	sbr.rel @p0 .LBB2_4-.Ltmp1, $2  }
0x5c: {  	_ =	sdelay $0x2  }
0x5d: {  	s19 =	sshra.s32 s22, $0x2  }
0x5e: {  	[tilespmem:s19+$0x87A0] =	vst v1  }
0x5f: {  	[tilespmem:s19+$0x8A20] =	vst v0  }
0x60: {  	[spmem:s23] =	stream.linear.scatter [tilespmem:s20], [sflag:$0x5], $0x1400, $0x38;
	[tilespmem:$0x1F4A0] =	vst v63  }
0x61: {  	_ =	swait.ge [sflag:s21], $0x1400  }
0x62: {  	[sflag:s21] =	ssyncset.done $0x0  }
0x63: {  	s19 =	simm.s32 $0x8A20;
	[sflag:s21] =	ssyncadd.s32 $0xFFFFEC00  }
0x64: {  	[spmem:s24] =	stream.linear.scatter [tilespmem:s19], [sflag:$0x5], $0x280, $0x38;
	[tilespmem:$0x1F4A0] =	vst v63  }
0x65: {  	_ =	swait.ge [sflag:s21], $0x280  }
0x66: {  	[sflag:s21] =	ssyncset.done $0x0  }
0x67: {  	s18 =	rddreg [dreg:$0x11];
	[sflag:s21] =	ssyncadd.s32 $0xFFFFFD80  }
0x68: {  	[spmem:s18] =	stream.linear.scatter [tilespmem:s20], [sflag:$0x5], $0x1400, $0x38;
	[tilespmem:$0x1F4A0] =	vst v63  }
0x69: {  	_ =	swait.ge [sflag:s21], $0x1400  }
0x6a: {  	[sflag:s21] =	ssyncset.done $0x0  }
0x6b: {  	s23 =	rddreg [dreg:$0x12];
	[sflag:s21] =	ssyncadd.s32 $0xFFFFEC00  }
0x6c: {  	[spmem:s23] =	stream.linear.scatter [tilespmem:s19], [sflag:$0x5], $0x280, $0x38;
	[tilespmem:$0x1F4A0] =	vst v63  }
0x6d: {  	_ =	swait.ge [sflag:s21], $0x280  }
0x6e: {  	[sflag:s21] =	ssyncset.done $0x0  }
0x6f: {  	s24 =	rddreg [dreg:$0x13];
	[sflag:s21] =	ssyncadd.s32 $0xFFFFFD80  }
0x70: {  	[spmem:s24] =	stream.linear.scatter [tilespmem:s20], [sflag:$0x5], $0x1400, $0x38;
	[tilespmem:$0x1F4A0] =	vst v63  }
0x71: {  	_ =	swait.ge [sflag:s21], $0x1400  }
0x72: {  	[sflag:s21] =	ssyncset.done $0x0  }
0x73: {  	s26 =	rddreg [dreg:$0x14];
	[sflag:s21] =	ssyncadd.s32 $0xFFFFEC00  }
0x74: {  	[spmem:s26] =	stream.linear.scatter [tilespmem:s19], [sflag:$0x5], $0x280, $0x38;
	[tilespmem:$0x1F4A0] =	vst v63  }
0x75: {  	_ =	swait.ge [sflag:s21], $0x280  }
0x76: {  	[sflag:s21] =	ssyncset.done $0x0  }
0x77: {  	s22 =	rddreg [dreg:$0x15];
	[sflag:s21] =	ssyncadd.s32 $0xFFFFFD80  }
0x78: {  	[spmem:s22] =	stream.linear.scatter [tilespmem:s20], [sflag:$0x5], $0x1400, $0x38;
	[tilespmem:$0x1F4A0] =	vst v63  }
0x79: {  	_ =	swait.ge [sflag:s21], $0x1400  }
0x7a: {  	[sflag:s21] =	ssyncset.done $0x0  }
0x7b: {  	s23 =	rddreg [dreg:$0x16];
	[sflag:s21] =	ssyncadd.s32 $0xFFFFEC00  }
0x7c: {  	[spmem:s23] =	stream.linear.scatter [tilespmem:s19], [sflag:$0x5], $0x280, $0x38;
	[tilespmem:$0x1F4A0] =	vst v63  }
0x7d: {  	_ =	swait.ge [sflag:s21], $0x280  }
0x7e: {  	[sflag:s21] =	ssyncset.done $0x0  }
0x7f: {  	s24 =	rddreg [dreg:$0x17];
	[sflag:s21] =	ssyncadd.s32 $0xFFFFFD80  }
0x80: {  	[spmem:s24] =	stream.linear.scatter [tilespmem:s20], [sflag:$0x5], $0x1400, $0x38;
	[tilespmem:$0x1F4A0] =	vst v63  }
0x81: {  	_ =	swait.ge [sflag:s21], $0x1400  }
0x82: {  	[sflag:s21] =	ssyncset.done $0x0  }
0x83: {  	s26 =	rddreg [dreg:$0x18];
	[sflag:s21] =	ssyncadd.s32 $0xFFFFEC00  }
0x84: {  	[spmem:s26] =	stream.linear.scatter [tilespmem:s19], [sflag:$0x5], $0x280, $0x38;
	[tilespmem:$0x1F4A0] =	vst v63  }
0x85: {  	_ =	swait.ge [sflag:s21], $0x280  }
0x86: {  	[sflag:s21] =	ssyncset.done $0x0  }
0x87: {  	s22 =	rddreg [dreg:$0x19];
	[sflag:s21] =	ssyncadd.s32 $0xFFFFFD80  }
0x88: {  	[spmem:s22] =	stream.linear.scatter [tilespmem:s20], [sflag:$0x5], $0x1400, $0x38;
	[tilespmem:$0x1F4A0] =	vst v63  }
0x89: {  	_ =	swait.ge [sflag:s21], $0x1400  }
0x8a: {  	[sflag:s21] =	ssyncset.done $0x0  }
0x8b: {  	s23 =	rddreg [dreg:$0x1a];
	[sflag:s21] =	ssyncadd.s32 $0xFFFFEC00  }
0x8c: {  	[spmem:s23] =	stream.linear.scatter [tilespmem:s19], [sflag:$0x5], $0x280, $0x38;
	[tilespmem:$0x1F4A0] =	vst v63  }
0x8d: {  	_ =	swait.ge [sflag:s21], $0x280  }
0x8e: {  	[sflag:s21] =	ssyncset.done $0x0  }
0x8f: {  	s24 =	rddreg [dreg:$0x1b];
	[sflag:s21] =	ssyncadd.s32 $0xFFFFFD80  }
0x90: {  	[spmem:s24] =	stream.linear.scatter [tilespmem:s20], [sflag:$0x5], $0x1400, $0x38;
	[tilespmem:$0x1F4A0] =	vst v63  }
0x91: {  	_ =	swait.ge [sflag:s21], $0x1400  }
0x92: {  	[sflag:s21] =	ssyncset.done $0x0  }
0x93: {  	s26 =	rddreg [dreg:$0x1c];
	[sflag:s21] =	ssyncadd.s32 $0xFFFFEC00  }
0x94: {  	[spmem:s26] =	stream.linear.scatter [tilespmem:s19], [sflag:$0x5], $0x280, $0x38;
	[tilespmem:$0x1F4A0] =	vst v63  }
0x95: {  	_ =	swait.ge [sflag:s21], $0x280  }
0x96: {  	[sflag:s21] =	ssyncset.done $0x0  }
0x97: {  	s22 =	rddreg [dreg:$0x1d];
	[sflag:s21] =	ssyncadd.s32 $0xFFFFFD80  }
0x98: {  	[spmem:s22] =	stream.linear.scatter [tilespmem:s20], [sflag:$0x5], $0x1400, $0x38;
	[tilespmem:$0x1F4A0] =	vst v63  }
0x99: {  	_ =	swait.ge [sflag:s21], $0x1400  }
0x9a: {  	[sflag:s21] =	ssyncset.done $0x0  }
0x9b: {  	s23 =	rddreg [dreg:$0x1e];
	[sflag:s21] =	ssyncadd.s32 $0xFFFFEC00  }
0x9c: {  	[spmem:s23] =	stream.linear.scatter [tilespmem:s19], [sflag:$0x5], $0x280, $0x38;
	[tilespmem:$0x1F4A0] =	vst v63  }
0x9d: {  	_ =	swait.ge [sflag:s21], $0x280  }
0x9e: {  	[sflag:s21] =	ssyncset.done $0x0  }
0x9f: {  	s24 =	rddreg [dreg:$0x1f];
	[sflag:s21] =	ssyncadd.s32 $0xFFFFFD80  }
0xa0: {  	[spmem:s24] =	stream.linear.scatter [tilespmem:s20], [sflag:$0x5], $0x1400, $0x38;
	[tilespmem:$0x1F4A0] =	vst v63  }
0xa1: {  	_ =	swait.ge [sflag:s21], $0x1400  }
0xa2: {  	s26 =	sld [smem:$0x7E7]  }
0xa3: {  	[sflag:s21] =	ssyncset.done $0x0  }
0xa4: {  	[sflag:s21] =	ssyncadd.s32 $0xFFFFEC00  }
0xa5: {  	[spmem:s26] =	stream.linear.scatter [tilespmem:s19], [sflag:$0x5], $0x280, $0x38;
	[tilespmem:$0x1F4A0] =	vst v63  }
0xa6: {  	_ =	swait.ge [sflag:s21], $0x280  }
0xa7: {  	s22 =	sld [smem:$0x7E8]  }
0xa8: {  	[sflag:s21] =	ssyncset.done $0x0  }
0xa9: {  	[sflag:s21] =	ssyncadd.s32 $0xFFFFFD80  }
0xaa: {  	[spmem:s22] =	stream.linear.scatter [tilespmem:s20], [sflag:$0x5], $0x1400, $0x38;
	[tilespmem:$0x1F4A0] =	vst v63  }
0xab: {  	_ =	swait.ge [sflag:s21], $0x1400  }
0xac: {  	s23 =	sld [smem:$0x7E9]  }
0xad: {  	[sflag:s21] =	ssyncset.done $0x0  }
0xae: {  	[sflag:s21] =	ssyncadd.s32 $0xFFFFEC00  }
0xaf: {  	[spmem:s23] =	stream.linear.scatter [tilespmem:s19], [sflag:$0x5], $0x280, $0x38;
	[tilespmem:$0x1F4A0] =	vst v63  }
0xb0: {  	_ =	swait.ge [sflag:s21], $0x280  }
0xb1: {  	s24 =	sld [smem:$0x7EA]  }
0xb2: {  	[sflag:s21] =	ssyncset.done $0x0  }
0xb3: {  	[sflag:s21] =	ssyncadd.s32 $0xFFFFFD80  }
0xb4: {  	[spmem:s24] =	stream.linear.scatter [tilespmem:s20], [sflag:$0x5], $0x1400, $0x38;
	[tilespmem:$0x1F4A0] =	vst v63  }
0xb5: {  	_ =	swait.ge [sflag:s21], $0x1400  }
0xb6: {  	s26 =	sld [smem:$0x7EB]  }
0xb7: {  	[sflag:s21] =	ssyncset.done $0x0  }
0xb8: {  	[sflag:s21] =	ssyncadd.s32 $0xFFFFEC00  }
0xb9: {  	[spmem:s26] =	stream.linear.scatter [tilespmem:s19], [sflag:$0x5], $0x280, $0x38;
	[tilespmem:$0x1F4A0] =	vst v63  }
0xba: {  	_ =	swait.ge [sflag:s21], $0x280  }
0xbb: {  	s22 =	sld [smem:$0x7EC]  }
0xbc: {  	[sflag:s21] =	ssyncset.done $0x0  }
0xbd: {  	[sflag:s21] =	ssyncadd.s32 $0xFFFFFD80  }
0xbe: {  	[spmem:s22] =	stream.linear.scatter [tilespmem:s20], [sflag:$0x5], $0x1400, $0x38;
	[tilespmem:$0x1F4A0] =	vst v63  }
0xbf: {  	_ =	swait.ge [sflag:s21], $0x1400  }
0xc0: {  	s23 =	sld [smem:$0x7ED]  }
0xc1: {  	[sflag:s21] =	ssyncset.done $0x0  }
0xc2: {  	[sflag:s21] =	ssyncadd.s32 $0xFFFFEC00  }
0xc3: {  	[spmem:s23] =	stream.linear.scatter [tilespmem:s19], [sflag:$0x5], $0x280, $0x38;
	[tilespmem:$0x1F4A0] =	vst v63  }
0xc4: {  	_ =	swait.ge [sflag:s21], $0x280  }
0xc5: {  	s24 =	sld [smem:$0x7EE]  }
0xc6: {  	[sflag:s21] =	ssyncset.done $0x0  }
0xc7: {  	[sflag:s21] =	ssyncadd.s32 $0xFFFFFD80  }
0xc8: {  	[spmem:s24] =	stream.linear.scatter [tilespmem:s20], [sflag:$0x5], $0x1400, $0x38;
	[tilespmem:$0x1F4A0] =	vst v63  }
0xc9: {  	_ =	swait.ge [sflag:s21], $0x1400  }
0xca: {  	s26 =	sld [smem:$0x7EF]  }
0xcb: {  	[sflag:s21] =	ssyncset.done $0x0  }
0xcc: {  	[sflag:s21] =	ssyncadd.s32 $0xFFFFEC00  }
0xcd: {  	[spmem:s26] =	stream.linear.scatter [tilespmem:s19], [sflag:$0x5], $0x280, $0x38;
	[tilespmem:$0x1F4A0] =	vst v63  }
0xce: {  	_ =	swait.ge [sflag:s21], $0x280  }
0xcf: {  	s22 =	sld [smem:$0x7F0]  }
0xd0: {  	[sflag:s21] =	ssyncset.done $0x0  }
0xd1: {  	[sflag:s21] =	ssyncadd.s32 $0xFFFFFD80  }
0xd2: {  	[spmem:s22] =	stream.linear.scatter [tilespmem:s20], [sflag:$0x5], $0x1400, $0x38;
	[tilespmem:$0x1F4A0] =	vst v63  }
0xd3: {  	_ =	swait.ge [sflag:s21], $0x1400  }
0xd4: {  	s23 =	sld [smem:$0x7F1]  }
0xd5: {  	[sflag:s21] =	ssyncset.done $0x0  }
0xd6: {  	[sflag:s21] =	ssyncadd.s32 $0xFFFFEC00  }
0xd7: {  	[spmem:s23] =	stream.linear.scatter [tilespmem:s19], [sflag:$0x5], $0x280, $0x38;
	[tilespmem:$0x1F4A0] =	vst v63  }
0xd8: {  	_ =	swait.ge [sflag:s21], $0x280  }
0xd9: {  	s24 =	sld [smem:$0x7F2]  }
0xda: {  	[sflag:s21] =	ssyncset.done $0x0  }
0xdb: {  	[sflag:s21] =	ssyncadd.s32 $0xFFFFFD80  }
0xdc: {  	[spmem:s24] =	stream.linear.scatter [tilespmem:s20], [sflag:$0x5], $0x1400, $0x38;
	[tilespmem:$0x1F4A0] =	vst v63  }
0xdd: {  	_ =	swait.ge [sflag:s21], $0x1400  }
0xde: {  	s26 =	sld [smem:$0x7F3]  }
0xdf: {  	[sflag:s21] =	ssyncset.done $0x0  }
0xe0: {  	[sflag:s21] =	ssyncadd.s32 $0xFFFFEC00  }
0xe1: {  	[spmem:s26] =	stream.linear.scatter [tilespmem:s19], [sflag:$0x5], $0x280, $0x38;
	[tilespmem:$0x1F4A0] =	vst v63  }
0xe2: {  	_ =	swait.ge [sflag:s21], $0x280  }
0xe3: {  	s22 =	sld [smem:$0x7F4]  }
0xe4: {  	[sflag:s21] =	ssyncset.done $0x0  }
0xe5: {  	[sflag:s21] =	ssyncadd.s32 $0xFFFFFD80  }
0xe6: {  	[spmem:s22] =	stream.linear.scatter [tilespmem:s20], [sflag:$0x5], $0x1400, $0x38;
	[tilespmem:$0x1F4A0] =	vst v63  }
0xe7: {  	_ =	swait.ge [sflag:s21], $0x1400  }
0xe8: {  	s23 =	sld [smem:$0x7F5]  }
0xe9: {  	[sflag:s21] =	ssyncset.done $0x0  }
0xea: {  	[sflag:s21] =	ssyncadd.s32 $0xFFFFEC00  }
0xeb: {  	[spmem:s23] =	stream.linear.scatter [tilespmem:s19], [sflag:$0x5], $0x280, $0x38;
	[tilespmem:$0x1F4A0] =	vst v63  }
0xec: {  	_ =	swait.ge [sflag:s21], $0x280  }
0xed: {  	[sflag:s21] =	ssyncset.done $0x0  }
0xee: {  	[sflag:s21] =	ssyncadd.s32 $0xFFFFFD80  }
0xef: {  	[bflag:$0x0] =	sbarrier.arrive $0xFFFF  }
0xf0: {  	s19 =	simm.s32 $0x0;
	s24 =	rddreg [dreg:$0x5]  }
0xf1: {  	[tilespmem:s19], [sflag:$0x5] =	stream.linear.gather [hbm4b:s24+s19], $0x7D0, $0x38;
	[tilespmem:$0x1F4A0] =	vst v63  }
0xf2: {  	_ =	swait.ge [sflag:s21], $0x7D0  }
0xf3: {  	[sflag:s21] =	ssyncset.done $0x0  }
0xf4: {  	s22 =	simm.s32 $0x7D0;
	s26 =	rddreg [dreg:$0x6];
	[sflag:s21] =	ssyncadd.s32 $0xFFFFF830  }
0xf5: {  	[tilespmem:s22], [sflag:$0x5] =	stream.linear.gather [hbm4b:s26+s19], $0x7D0, $0x38;
	[tilespmem:$0x1F4A0] =	vst v63  }
0xf6: {  	_ =	swait.ge [sflag:s21], $0x7D0  }
0xf7: {  	s23 =	sld [smem:$0x7F6]  }
0xf8: {  	[sflag:s21] =	ssyncset.done $0x0  }
0xf9: {  	s24 =	simm.s32 $0xFA0;
	[sflag:s21] =	ssyncadd.s32 $0xFFFFF830  }
0xfa: {  	[tilespmem:s24], [sflag:$0x1] =	stream.linear.gather [hbm4b:s23+s19], $0x1400, $0x38;
	[tilespmem:$0x1F4A0] =	vst v63  }
0xfb: {  	s26 =	simm.s32 $0x37A0  }
0xfc: {  	[tilespmem:s26], [sflag:$0x1] =	stream.indirect.gather [hbm4b:s0+s25], $0x80, s19, s25, $0xb8;
	[tilespmem:$0x1F4A0] =	vst v63  }
.LBB2_6:
0xfd: {  	s24 =	smul.u32 $0x50, s19;
	_ =	sdelay $0x1  }
0xfe: {  	s23 =	sadd.s32 $0x28, s24  }
0xff: {  	s18 =	sadd.s32 s5, s23  }
0x100: {  	s18 =	sshll.u32 s18, $0x4  }
0x101: {  	s18 =	sand.u32 $0x1FFFFF80, s18  }
0x102: {  	s18 =	sadd.s32 s17, s18  }
0x103: {  	[tilespmem:s28], [sflag:$0x2] =	stream.linear.gather [hbm4b:s18+s4], $0x1400, $0x38;
	[tilespmem:$0x1F4A0] =	vst v63  }
0x104: {  	_ = 	snop  }
0x105: {  	[tilespmem:s29], [sflag:$0x2] =	stream.indirect.gather [hbm4b:s0+s25], $0x80, s23, s25, $0xb8;
	[tilespmem:$0x1F4A0] =	vst v63  }
0x106: {  	_ =	swait.ge [sflag:s30], $0x1400  }
0x107: {  	[sflag:s30] =	ssyncset.done $0x0  }
0x108: {  	[sflag:s30] =	ssyncadd.s32 $0xFFFFEC00  }
0x109: {  	_ =	swait.ge [sflag:s30], $0x1400  }
0x10a: {  	p0 =	seq.s32 s19, $0x0;
	[sflag:s30] =	ssyncset.done $0x0  }
0x10b: {  	s18 =	simm.s32 @!p0 $0x3;
	[sflag:s30] =	ssyncadd.s32 $0xFFFFEC00  }
0x10c: {  	_ =	swait.ge @!p0 [sflag:s18], $0x1400  }
0x10d: {  	[sflag:s18] =	ssyncset.done @!p0 $0x0  }
0x10e: {  	[sflag:s18] =	ssyncadd.s32 @!p0 $0xFFFFEC00  }
0x10f: {  	_ =	swait.ge @!p0 [sflag:s18], $0x280  }
0x110: {  	[sflag:s18] =	ssyncset.done @!p0 $0x0  }
0x111: {  	s26 =	simm.s32 $0x0;
	[sflag:s18] =	ssyncadd.s32 @!p0 $0xFFFFFD80  }
0x112: {  	v2 =	vld [tilespmem:s26+$0x3810]  }
0x113: {  	v3 =	vld [tilespmem:s26+$0x1010]  }
0x114: {  	v4 =	vld [tilespmem:s26+$0x37A0]  }
0x115: {  	v5 =	vld [tilespmem:s26+$0xFA0]  }
0x116: {  	v6 =	vld [tilespmem:s26+$0x37B0]  }
0x117: {  	v7 =	vld [tilespmem:s26+$0xFB0]  }
0x118: {  	v8 =	vld [tilespmem:s26+$0x37C0]  }
0x119: {  	v2 =	vadd.f32 v3, v2;
	v3 =	vld [tilespmem:s26+$0xFC0]  }
0x11a: {  	v9 =	vld [tilespmem:s26+$0x37D0]  }
0x11b: {  	v10 =	vld [tilespmem:s26+$0xFD0];
	v4 =	vadd.f32 v5, v4  }
0x11c: {  	v11 =	vld [tilespmem:s26+$0x37E0];
	v2 =	vmax.f32 v2, $0.0e+00  }
0x11d: {  	[tilespmem:s26+$0x6010] =	vst v2;
	v2 =	vmax.f32 v4, $0.0e+00;
	v4 =	vadd.f32 v7, v6;
	v7 =	vld [tilespmem:s26+$0xFE0]  }
0x11e: {  	v5 =	vld [tilespmem:s26+$0xFF0];
	v3 =	vadd.f32 v3, v8  }
0x11f: {  	[tilespmem:s26+$0x5FA0] =	vst v2;
	v2 =	vld [tilespmem:s26+$0x37F0];
	v4 =	vmax.f32 v4, $0.0e+00  }
0x120: {  	v6 =	vld [tilespmem:s26+$0x1000];
	v8 =	vadd.f32 v10, v9;
	[tilespmem:s26+$0x5FB0] =	vst v4;
	v4 =	vmax.f32 v3, $0.0e+00  }
0x121: {  	s18 =	simm.s32 $0x80;
	v3 =	vld [tilespmem:s26+$0x3800];
	[tilespmem:s26+$0x5FC0] =	vst v4  }
0x122: {  	s22 =	simm.s32 $0x400;
	v8 =	vmax.f32 v8, $0.0e+00;
	v7 =	vadd.f32 v7, v11;
	v4 =	vld [tilespmem:s18+$0x3810]  }
.LBB2_7:
0x123: {  	p1 =	sne.s32 s22, $0x4E00;
	v9 =	vld [tilespmem:s18+$0x1010];
	[tilespmem:s26+$0x5FD0] =	vst v8  }
0x124: {  	v8 =	vld [tilespmem:s18+$0x37A0];
	v7 =	vmax.f32 v7, $0.0e+00;
	v2 =	vadd.f32 v5, v2  }
0x125: {  	v5 =	vld [tilespmem:s18+$0xFA0];
	[tilespmem:s26+$0x5FE0] =	vst v7  }
0x126: {  	v7 =	vld [tilespmem:s18+$0x37B0];
	v2 =	vmax.f32 v2, $0.0e+00;
	v3 =	vadd.f32 v6, v3  }
0x127: {  	v6 =	vld [tilespmem:s18+$0xFB0];
	[tilespmem:s26+$0x5FF0] =	vst v2  }
0x128: {  	v2 =	vld [tilespmem:s18+$0x37C0];
	v4 =	vadd.f32 v9, v4;
	v3 =	vmax.f32 v3, $0.0e+00  }
0x129: {  	v9 =	vld [tilespmem:s18+$0xFC0];
	[tilespmem:s26+$0x6000] =	vst v3;
	s26 =	smov.u32 s18  }
0x12a: {  	v3 =	vadd.f32 v5, v8;
	v8 =	vld [tilespmem:s26+$0x37D0];
	v4 =	vmax.f32 v4, $0.0e+00  }
0x12b: {  	v10 =	vld [tilespmem:s26+$0xFD0];
	[tilespmem:s26+$0x6010] =	vst v4  }
0x12c: {  	v3 =	vmax.f32 v3, $0.0e+00;
	v4 =	vadd.f32 v6, v7;
	v7 =	vld [tilespmem:s26+$0x37E0]  }
0x12d: {  	[tilespmem:s26+$0x5FA0] =	vst v3;
	v11 =	vld [tilespmem:s26+$0xFE0]  }
.Ltmp2:
0x12e: {  	v3 =	vmax.f32 v4, $0.0e+00;
	v4 =	vadd.f32 v9, v2;
	v2 =	vld [tilespmem:s26+$0x37F0];
	(pc) =	sbr.rel @p1 .LBB2_7-.Ltmp2, $4  }
0x12f: {  	[tilespmem:s26+$0x5FB0] =	vst v3;
	v5 =	vld [tilespmem:s26+$0xFF0]  }
0x130: {  	v4 =	vmax.f32 v4, $0.0e+00;
	v8 =	vadd.f32 v10, v8;
	v3 =	vld [tilespmem:s26+$0x3800]  }
0x131: {  	s18 =	sshra.s32 s22, $0x2;
	[tilespmem:s26+$0x5FC0] =	vst v4;
	v6 =	vld [tilespmem:s26+$0x1000]  }
0x132: {  	s22 =	sadd.s32 $0x200, s22;
	v4 =	vld [tilespmem:s18+$0x3810];
	v8 =	vmax.f32 v8, $0.0e+00;
	v7 =	vadd.f32 v11, v7  }
0x133: {  	v9 =	vld [tilespmem:s18+$0x1010];
	[tilespmem:s26+$0x5FD0] =	vst v8  }
0x134: {  	v8 =	vld [tilespmem:s18+$0x37A0];
	v7 =	vmax.f32 v7, $0.0e+00;
	v2 =	vadd.f32 v5, v2  }
0x135: {  	v10 =	vld [tilespmem:s18+$0xFA0];
	[tilespmem:s26+$0x5FE0] =	vst v7  }
0x136: {  	v5 =	vld [tilespmem:s18+$0x37B0];
	v2 =	vmax.f32 v2, $0.0e+00;
	v3 =	vadd.f32 v6, v3  }
0x137: {  	v7 =	vld [tilespmem:s18+$0xFB0];
	[tilespmem:s26+$0x5FF0] =	vst v2  }
0x138: {  	v2 =	vld [tilespmem:s18+$0x37C0];
	v3 =	vmax.f32 v3, $0.0e+00  }
0x139: {  	v6 =	vld [tilespmem:s18+$0xFC0];
	v4 =	vadd.f32 v9, v4;
	[tilespmem:s26+$0x6000] =	vst v3  }
0x13a: {  	v8 =	vadd.f32 v10, v8;
	v3 =	vld [tilespmem:s18+$0x37D0]  }
0x13b: {  	v4 =	vmax.f32 v4, $0.0e+00;
	v9 =	vld [tilespmem:s18+$0xFD0]  }
0x13c: {  	[tilespmem:s18+$0x6010] =	vst v4;
	v4 =	vmax.f32 v8, $0.0e+00;
	v8 =	vld [tilespmem:s18+$0x37E0]  }
0x13d: {  	v5 =	vadd.f32 v7, v5;
	v7 =	vld [tilespmem:s18+$0x37F0]  }
0x13e: {  	[tilespmem:s18+$0x5FA0] =	vst v4;
	v4 =	vld [tilespmem:s18+$0xFE0];
	v2 =	vadd.f32 v6, v2  }
0x13f: {  	v5 =	vmax.f32 v5, $0.0e+00;
	v6 =	vld [tilespmem:s18+$0x3800]  }
0x140: {  	[tilespmem:s18+$0x5FB0] =	vst v5;
	v5 =	vld [tilespmem:s18+$0xFF0];
	v2 =	vmax.f32 v2, $0.0e+00  }
0x141: {  	[tilespmem:s18+$0x5FC0] =	vst v2;
	v2 =	vld [tilespmem:s18+$0x1000];
	_ =	sdelay $0x1  }
0x142: {  	v3 =	vadd.f32 v9, v3  }
0x143: {  	v4 =	vadd.f32 v4, v8  }
0x144: {  	v3 =	vmax.f32 v3, $0.0e+00;
	v5 =	vadd.f32 v5, v7  }
0x145: {  	s22 =	smul.u32 $0x140, s19;
	[tilespmem:s18+$0x5FD0] =	vst v3;
	v3 =	vmax.f32 v4, $0.0e+00;
	v2 =	vadd.f32 v2, v6  }
0x146: {  	[tilespmem:s18+$0x5FE0] =	vst v3;
	v3 =	vmax.f32 v5, $0.0e+00  }
0x147: {  	p1 =	seq.s32 s19, $0x18;
	s22 =	sshra.s32 s22, $0x2;
	[tilespmem:s18+$0x5FF0] =	vst v3;
	v2 =	vmax.f32 v2, $0.0e+00  }
0x148: {  	s26 =	sadd.s32 $0x7D0, s22;
	[tilespmem:s18+$0x6000] =	vst v2;
	s18 =	sadd.s32 @!p1 $0x50, s24  }
0x149: {  	[spmem:s2] =	stream.indirect.scatter.add.f32 [tilespmem:s20], [sflag:$0x3], $0x80, s26, s25, $0xb8;
	[tilespmem:$0x1F4A0] =	vst v63  }
0x14a: {  	s22 =	sadd.s32 @!p1 s5, s18  }
0x14b: {  	s22 =	sshll.u32 @!p1 s22, $0x4  }
0x14c: {  	[spmem:s3] =	stream.indirect.scatter.add.f32 [tilespmem:s31], [sflag:$0x3], $0x10, s26, s25, $0xb8;
	[tilespmem:$0x1F4A0] =	vst v63  }
0x14d: {  	s22 =	sand.u32 @!p1 $0x1FFFFF00, s22  }
0x14e: {  	s24 =	simm.s32 @!p1 $0x0;
	s26 =	simm.s32 @!p1 $0xFA0;
	s22 =	sadd.s32 @!p1 s17, s22  }
0x14f: {  	[tilespmem:s26], [sflag:$0x1] =	stream.linear.gather @!p1 [hbm4b:s22+s24], $0x1400, $0x38;
	[tilespmem:$0x1F4A0] =	vst v63  }
0x150: {  	s22 =	simm.s32 @!p1 $0x28;
	s24 =	simm.s32 @!p1 $0x37A0  }
0x151: {  	[tilespmem:s24], [sflag:$0x1] =	stream.indirect.gather @!p1 [hbm4b:s0+s22], $0x80, s18, s22, $0xb8;
	[tilespmem:$0x1F4A0] =	vst v63  }
0x152: {  	_ =	swait.ge [sflag:s13], $0x1400  }
0x153: {  	[sflag:s13] =	ssyncset.done $0x0  }
0x154: {  	[sflag:s13] =	ssyncadd.s32 $0xFFFFEC00  }
0x155: {  	_ =	swait.ge [sflag:s13], $0x1400  }
0x156: {  	[sflag:s13] =	ssyncset.done $0x0  }
0x157: {  	s18 =	simm.s32 @!p0 $0x4;
	[sflag:s13] =	ssyncadd.s32 $0xFFFFEC00  }
0x158: {  	_ =	swait.ge @!p0 [sflag:s18], $0x1400  }
0x159: {  	[sflag:s18] =	ssyncset.done @!p0 $0x0  }
0x15a: {  	[sflag:s18] =	ssyncadd.s32 @!p0 $0xFFFFEC00  }
0x15b: {  	_ =	swait.ge @!p0 [sflag:s18], $0x280  }
0x15c: {  	[sflag:s18] =	ssyncset.done @!p0 $0x0  }
0x15d: {  	s24 =	simm.s32 $0x0;
	[sflag:s18] =	ssyncadd.s32 @!p0 $0xFFFFFD80  }
0x15e: {  	v2 =	vld [tilespmem:s24+$0x4C10]  }
0x15f: {  	v3 =	vld [tilespmem:s24+$0x2410]  }
0x160: {  	v4 =	vld [tilespmem:s24+$0x4BA0]  }
0x161: {  	v5 =	vld [tilespmem:s24+$0x23A0]  }
0x162: {  	v6 =	vld [tilespmem:s24+$0x4BB0]  }
0x163: {  	v7 =	vld [tilespmem:s24+$0x23B0]  }
0x164: {  	v8 =	vld [tilespmem:s24+$0x4BC0]  }
0x165: {  	v2 =	vadd.f32 v3, v2;
	v3 =	vld [tilespmem:s24+$0x23C0]  }
0x166: {  	v9 =	vld [tilespmem:s24+$0x4BD0]  }
0x167: {  	v10 =	vld [tilespmem:s24+$0x23D0];
	v4 =	vadd.f32 v5, v4  }
0x168: {  	v11 =	vld [tilespmem:s24+$0x4BE0];
	v2 =	vmax.f32 v2, $0.0e+00  }
0x169: {  	[tilespmem:s24+$0x7410] =	vst v2;
	v2 =	vmax.f32 v4, $0.0e+00;
	v4 =	vadd.f32 v7, v6;
	v7 =	vld [tilespmem:s24+$0x23E0]  }
0x16a: {  	v5 =	vld [tilespmem:s24+$0x23F0];
	v3 =	vadd.f32 v3, v8  }
0x16b: {  	[tilespmem:s24+$0x73A0] =	vst v2;
	v2 =	vld [tilespmem:s24+$0x4BF0];
	v4 =	vmax.f32 v4, $0.0e+00  }
0x16c: {  	v6 =	vld [tilespmem:s24+$0x2400];
	v8 =	vadd.f32 v10, v9;
	[tilespmem:s24+$0x73B0] =	vst v4;
	v4 =	vmax.f32 v3, $0.0e+00  }
0x16d: {  	s18 =	simm.s32 $0x80;
	v3 =	vld [tilespmem:s24+$0x4C00];
	[tilespmem:s24+$0x73C0] =	vst v4  }
0x16e: {  	s22 =	simm.s32 $0x400;
	v8 =	vmax.f32 v8, $0.0e+00;
	v7 =	vadd.f32 v7, v11;
	v4 =	vld [tilespmem:s18+$0x4C10]  }
.LBB2_9:
0x16f: {  	p0 =	sne.s32 s22, $0x4E00;
	v9 =	vld [tilespmem:s18+$0x2410];
	[tilespmem:s24+$0x73D0] =	vst v8  }
0x170: {  	v8 =	vld [tilespmem:s18+$0x4BA0];
	v7 =	vmax.f32 v7, $0.0e+00;
	v2 =	vadd.f32 v5, v2  }
0x171: {  	v5 =	vld [tilespmem:s18+$0x23A0];
	[tilespmem:s24+$0x73E0] =	vst v7  }
0x172: {  	v7 =	vld [tilespmem:s18+$0x4BB0];
	v2 =	vmax.f32 v2, $0.0e+00;
	v3 =	vadd.f32 v6, v3  }
0x173: {  	v6 =	vld [tilespmem:s18+$0x23B0];
	[tilespmem:s24+$0x73F0] =	vst v2  }
0x174: {  	v2 =	vld [tilespmem:s18+$0x4BC0];
	v4 =	vadd.f32 v9, v4;
	v3 =	vmax.f32 v3, $0.0e+00  }
0x175: {  	v9 =	vld [tilespmem:s18+$0x23C0];
	[tilespmem:s24+$0x7400] =	vst v3;
	s24 =	smov.u32 s18  }
0x176: {  	v3 =	vadd.f32 v5, v8;
	v8 =	vld [tilespmem:s24+$0x4BD0];
	v4 =	vmax.f32 v4, $0.0e+00  }
0x177: {  	v10 =	vld [tilespmem:s24+$0x23D0];
	[tilespmem:s24+$0x7410] =	vst v4  }
0x178: {  	v3 =	vmax.f32 v3, $0.0e+00;
	v4 =	vadd.f32 v6, v7;
	v7 =	vld [tilespmem:s24+$0x4BE0]  }
0x179: {  	[tilespmem:s24+$0x73A0] =	vst v3;
	v11 =	vld [tilespmem:s24+$0x23E0]  }
.Ltmp3:
0x17a: {  	v3 =	vmax.f32 v4, $0.0e+00;
	v4 =	vadd.f32 v9, v2;
	v2 =	vld [tilespmem:s24+$0x4BF0];
	(pc) =	sbr.rel @p0 .LBB2_9-.Ltmp3, $4  }
0x17b: {  	[tilespmem:s24+$0x73B0] =	vst v3;
	v5 =	vld [tilespmem:s24+$0x23F0]  }
0x17c: {  	v4 =	vmax.f32 v4, $0.0e+00;
	v8 =	vadd.f32 v10, v8;
	v3 =	vld [tilespmem:s24+$0x4C00]  }
0x17d: {  	s18 =	sshra.s32 s22, $0x2;
	[tilespmem:s24+$0x73C0] =	vst v4;
	v6 =	vld [tilespmem:s24+$0x2400]  }
0x17e: {  	s22 =	sadd.s32 $0x200, s22;
	v4 =	vld [tilespmem:s18+$0x4C10];
	v8 =	vmax.f32 v8, $0.0e+00;
	v7 =	vadd.f32 v11, v7  }
0x17f: {  	v9 =	vld [tilespmem:s18+$0x2410];
	[tilespmem:s24+$0x73D0] =	vst v8  }
0x180: {  	v8 =	vld [tilespmem:s18+$0x4BA0];
	v7 =	vmax.f32 v7, $0.0e+00;
	v2 =	vadd.f32 v5, v2  }
0x181: {  	v10 =	vld [tilespmem:s18+$0x23A0];
	[tilespmem:s24+$0x73E0] =	vst v7  }
0x182: {  	v55 =	vld [tilespmem:s18+$0x4BB0];
	v2 =	vmax.f32 v2, $0.0e+00;
	v3 =	vadd.f32 v6, v3  }
0x183: {  	v7 =	vld [tilespmem:s18+$0x23B0];
	[tilespmem:s24+$0x73F0] =	vst v2  }
0x184: {  	v2 =	vld [tilespmem:s18+$0x4BC0];
	v3 =	vmax.f32 v3, $0.0e+00  }
0x185: {  	v56 =	vld [tilespmem:s18+$0x23C0];
	[tilespmem:s24+$0x7400] =	vst v3  }
0x186: {  	v3 =	vld [tilespmem:s18+$0x4BD0]  }
0x187: {  	v57 =	vld [tilespmem:s18+$0x23D0]  }
0x188: {  	v59 =	vld [tilespmem:s18+$0x4BE0]  }
0x189: {  	v60 =	vld [tilespmem:s18+$0x23E0]  }
0x18a: {  	v61 =	vld [tilespmem:s18+$0x4BF0];
	v2 =	vadd.f32 v56, v2  }
0x18b: {  	v62 =	vld [tilespmem:s18+$0x23F0]  }
0x18c: {  	v4 =	vadd.f32 v9, v4;
	v63 =	vld [tilespmem:s18+$0x4C00];
	v2 =	vmax.f32 v2, $0.0e+00  }
0x18d: {  	v8 =	vadd.f32 v10, v8;
	[tilespmem:s18+$0x73C0] =	vst v2;
	v2 =	vld [tilespmem:s18+$0x2400]  }
0x18e: {  	v4 =	vmax.f32 v4, $0.0e+00;
	v5 =	vadd.f32 v7, v55  }
0x18f: {  	[tilespmem:s18+$0x7410] =	vst v4;
	v58 =	vmax.f32 v8, $0.0e+00;
	v3 =	vadd.f32 v57, v3  }
0x190: {  	[tilespmem:s18+$0x73A0] =	vst v58;
	v5 =	vmax.f32 v5, $0.0e+00;
	v4 =	vadd.f32 v60, v59  }
0x191: {  	[tilespmem:s18+$0x73B0] =	vst v5;
	v5 =	vadd.f32 v62, v61;
	v3 =	vmax.f32 v3, $0.0e+00  }
0x192: {  	s19 =	sadd.s32 $0x1, s19;
	[tilespmem:s18+$0x73D0] =	vst v3;
	v3 =	vmax.f32 v4, $0.0e+00;
	v2 =	vadd.f32 v2, v63  }
0x193: {  	p0 =	sne.s32 s19, $0x19;
	[tilespmem:s18+$0x73E0] =	vst v3;
	v3 =	vmax.f32 v5, $0.0e+00  }
.Ltmp4:
0x194: {  	[tilespmem:s18+$0x73F0] =	vst v3;
	v2 =	vmax.f32 v2, $0.0e+00;
	(pc) =	sbr.rel @p0 .LBB2_6-.Ltmp4, $4  }
0x195: {  	s26 =	sadd.s32 $0x7D0, s23;
	[tilespmem:s18+$0x7400] =	vst v2  }
0x196: {  	[spmem:s2] =	stream.indirect.scatter.add.f32 [tilespmem:s1], [sflag:$0x4], $0x80, s26, s25, $0xb8;
	[tilespmem:$0x1F4A0] =	vst v63  }
0x197: {  	_ = 	snop  }
0x198: {  	[spmem:s3] =	stream.indirect.scatter.add.f32 [tilespmem:s31], [sflag:$0x4], $0x10, s26, s25, $0xb8;
	[tilespmem:$0x1F4A0] =	vst v63  }
0x199: {  	_ =	swait.ge [sflag:s6], $0x1400  }
0x19a: {  	[sflag:s6] =	ssyncset.done $0x0  }
0x19b: {  	[sflag:s6] =	ssyncadd.s32 $0xFFFFEC00  }
0x19c: {  	_ =	swait.ge [sflag:s6], $0x280  }
0x19d: {  	[sflag:s6] =	ssyncset.done $0x0  }
0x19e: {  	[sflag:s6] =	ssyncadd.s32 $0xFFFFFD80  }
0x19f: {  	_ =	swait.ge [sflag:s7], $0x1400  }
0x1a0: {  	[sflag:s7] =	ssyncset.done $0x0  }
0x1a1: {  	[sflag:s7] =	ssyncadd.s32 $0xFFFFEC00  }
0x1a2: {  	_ =	swait.ge [sflag:s7], $0x280  }
0x1a3: {  	[sflag:s7] =	ssyncset.done $0x0  }
0x1a4: {  	s19 =	simm.s32 $0x0;
	s18 =	rddreg [dreg:$0x7];
	[sflag:s7] =	ssyncadd.s32 $0xFFFFFD80  }
0x1a5: {  	[tilespmem:s19], [sflag:$0x5] =	stream.linear.gather [hbm4b:s18+s19], $0x7D0, $0x38;
	[tilespmem:$0x1F4A0] =	vst v63  }
0x1a6: {  	_ =	swait.ge [sflag:s21], $0x7D0  }
0x1a7: {  	[sflag:s21] =	ssyncset.done $0x0  }
0x1a8: {  	s22 =	simm.s32 $0x7D0;
	s26 =	rddreg [dreg:$0x8];
	[sflag:s21] =	ssyncadd.s32 $0xFFFFF830  }
0x1a9: {  	[tilespmem:s22], [sflag:$0x5] =	stream.linear.gather [hbm4b:s26+s19], $0x7D0, $0x38;
	[tilespmem:$0x1F4A0] =	vst v63  }
0x1aa: {  	_ =	swait.ge [sflag:s21], $0x7D0  }
0x1ab: {  	s23 =	sld [smem:$0x7F7]  }
0x1ac: {  	[sflag:s21] =	ssyncset.done $0x0  }
0x1ad: {  	s24 =	simm.s32 $0xFA0;
	[sflag:s21] =	ssyncadd.s32 $0xFFFFF830  }
0x1ae: {  	[tilespmem:s24], [sflag:$0x1] =	stream.linear.gather [hbm4b:s23+s19], $0x1400, $0x38;
	[tilespmem:$0x1F4A0] =	vst v63  }
0x1af: {  	s26 =	simm.s32 $0x37A0  }
0x1b0: {  	[tilespmem:s26], [sflag:$0x1] =	stream.indirect.gather [hbm4b:s0+s25], $0x80, s19, s25, $0xb8;
	[tilespmem:$0x1F4A0] =	vst v63  }
.LBB2_12:
0x1b1: {  	s24 =	smul.u32 $0x50, s19;
	_ =	sdelay $0x1  }
0x1b2: {  	s18 =	sadd.s32 s24, s8  }
0x1b3: {  	s18 =	sshll.u32 s18, $0x4  }
0x1b4: {  	s18 =	sand.u32 $0x1FFFFF80, s18  }
0x1b5: {  	s18 =	sadd.s32 s17, s18  }
0x1b6: {  	[tilespmem:s28], [sflag:$0x2] =	stream.linear.gather [hbm4b:s18+s4], $0x1400, $0x38;
	[tilespmem:$0x1F4A0] =	vst v63  }
0x1b7: {  	s23 =	sadd.s32 $0x28, s24  }
0x1b8: {  	[tilespmem:s29], [sflag:$0x2] =	stream.indirect.gather [hbm4b:s0+s25], $0x80, s23, s25, $0xb8;
	[tilespmem:$0x1F4A0] =	vst v63  }
0x1b9: {  	_ =	swait.ge [sflag:s30], $0x1400  }
0x1ba: {  	[sflag:s30] =	ssyncset.done $0x0  }
0x1bb: {  	[sflag:s30] =	ssyncadd.s32 $0xFFFFEC00  }
0x1bc: {  	_ =	swait.ge [sflag:s30], $0x1400  }
0x1bd: {  	p0 =	seq.s32 s19, $0x0;
	[sflag:s30] =	ssyncset.done $0x0  }
0x1be: {  	s18 =	simm.s32 @!p0 $0x3;
	[sflag:s30] =	ssyncadd.s32 $0xFFFFEC00  }
0x1bf: {  	_ =	swait.ge @!p0 [sflag:s18], $0x1400  }
0x1c0: {  	[sflag:s18] =	ssyncset.done @!p0 $0x0  }
0x1c1: {  	[sflag:s18] =	ssyncadd.s32 @!p0 $0xFFFFEC00  }
0x1c2: {  	_ =	swait.ge @!p0 [sflag:s18], $0x280  }
0x1c3: {  	[sflag:s18] =	ssyncset.done @!p0 $0x0  }
0x1c4: {  	s26 =	simm.s32 $0x0;
	[sflag:s18] =	ssyncadd.s32 @!p0 $0xFFFFFD80  }
0x1c5: {  	v2 =	vld [tilespmem:s26+$0x3810]  }
0x1c6: {  	v3 =	vld [tilespmem:s26+$0x1010]  }
0x1c7: {  	v4 =	vld [tilespmem:s26+$0x37A0]  }
0x1c8: {  	v5 =	vld [tilespmem:s26+$0xFA0]  }
0x1c9: {  	v6 =	vld [tilespmem:s26+$0x37B0]  }
0x1ca: {  	v7 =	vld [tilespmem:s26+$0xFB0]  }
0x1cb: {  	v8 =	vld [tilespmem:s26+$0x37C0]  }
0x1cc: {  	v2 =	vadd.f32 v3, v2;
	v3 =	vld [tilespmem:s26+$0xFC0]  }
0x1cd: {  	v9 =	vld [tilespmem:s26+$0x37D0]  }
0x1ce: {  	v10 =	vld [tilespmem:s26+$0xFD0];
	v4 =	vadd.f32 v5, v4  }
0x1cf: {  	v11 =	vld [tilespmem:s26+$0x37E0];
	v2 =	vmax.f32 v2, $0.0e+00  }
0x1d0: {  	[tilespmem:s26+$0x6010] =	vst v2;
	v2 =	vmax.f32 v4, $0.0e+00;
	v4 =	vadd.f32 v7, v6;
	v7 =	vld [tilespmem:s26+$0xFE0]  }
0x1d1: {  	v5 =	vld [tilespmem:s26+$0xFF0];
	v3 =	vadd.f32 v3, v8  }
0x1d2: {  	[tilespmem:s26+$0x5FA0] =	vst v2;
	v2 =	vld [tilespmem:s26+$0x37F0];
	v4 =	vmax.f32 v4, $0.0e+00  }
0x1d3: {  	v6 =	vld [tilespmem:s26+$0x1000];
	v8 =	vadd.f32 v10, v9;
	[tilespmem:s26+$0x5FB0] =	vst v4;
	v4 =	vmax.f32 v3, $0.0e+00  }
0x1d4: {  	s18 =	simm.s32 $0x80;
	v3 =	vld [tilespmem:s26+$0x3800];
	[tilespmem:s26+$0x5FC0] =	vst v4  }
0x1d5: {  	s22 =	simm.s32 $0x400;
	v8 =	vmax.f32 v8, $0.0e+00;
	v7 =	vadd.f32 v7, v11;
	v4 =	vld [tilespmem:s18+$0x3810]  }
.LBB2_13:
0x1d6: {  	p1 =	sne.s32 s22, $0x4E00;
	v9 =	vld [tilespmem:s18+$0x1010];
	[tilespmem:s26+$0x5FD0] =	vst v8  }
0x1d7: {  	v8 =	vld [tilespmem:s18+$0x37A0];
	v7 =	vmax.f32 v7, $0.0e+00;
	v2 =	vadd.f32 v5, v2  }
0x1d8: {  	v5 =	vld [tilespmem:s18+$0xFA0];
	[tilespmem:s26+$0x5FE0] =	vst v7  }
0x1d9: {  	v7 =	vld [tilespmem:s18+$0x37B0];
	v2 =	vmax.f32 v2, $0.0e+00;
	v3 =	vadd.f32 v6, v3  }
0x1da: {  	v6 =	vld [tilespmem:s18+$0xFB0];
	[tilespmem:s26+$0x5FF0] =	vst v2  }
0x1db: {  	v2 =	vld [tilespmem:s18+$0x37C0];
	v4 =	vadd.f32 v9, v4;
	v3 =	vmax.f32 v3, $0.0e+00  }
0x1dc: {  	v9 =	vld [tilespmem:s18+$0xFC0];
	[tilespmem:s26+$0x6000] =	vst v3;
	s26 =	smov.u32 s18  }
0x1dd: {  	v3 =	vadd.f32 v5, v8;
	v8 =	vld [tilespmem:s26+$0x37D0];
	v4 =	vmax.f32 v4, $0.0e+00  }
0x1de: {  	v10 =	vld [tilespmem:s26+$0xFD0];
	[tilespmem:s26+$0x6010] =	vst v4  }
0x1df: {  	v3 =	vmax.f32 v3, $0.0e+00;
	v4 =	vadd.f32 v6, v7;
	v7 =	vld [tilespmem:s26+$0x37E0]  }
0x1e0: {  	[tilespmem:s26+$0x5FA0] =	vst v3;
	v11 =	vld [tilespmem:s26+$0xFE0]  }
.Ltmp5:
0x1e1: {  	v3 =	vmax.f32 v4, $0.0e+00;
	v4 =	vadd.f32 v9, v2;
	v2 =	vld [tilespmem:s26+$0x37F0];
	(pc) =	sbr.rel @p1 .LBB2_13-.Ltmp5, $4  }
0x1e2: {  	[tilespmem:s26+$0x5FB0] =	vst v3;
	v5 =	vld [tilespmem:s26+$0xFF0]  }
0x1e3: {  	v4 =	vmax.f32 v4, $0.0e+00;
	v8 =	vadd.f32 v10, v8;
	v3 =	vld [tilespmem:s26+$0x3800]  }
0x1e4: {  	s18 =	sshra.s32 s22, $0x2;
	[tilespmem:s26+$0x5FC0] =	vst v4;
	v6 =	vld [tilespmem:s26+$0x1000]  }
0x1e5: {  	s22 =	sadd.s32 $0x200, s22;
	v4 =	vld [tilespmem:s18+$0x3810];
	v8 =	vmax.f32 v8, $0.0e+00;
	v7 =	vadd.f32 v11, v7  }
0x1e6: {  	v9 =	vld [tilespmem:s18+$0x1010];
	[tilespmem:s26+$0x5FD0] =	vst v8  }
0x1e7: {  	v8 =	vld [tilespmem:s18+$0x37A0];
	v7 =	vmax.f32 v7, $0.0e+00;
	v2 =	vadd.f32 v5, v2  }
0x1e8: {  	v10 =	vld [tilespmem:s18+$0xFA0];
	[tilespmem:s26+$0x5FE0] =	vst v7  }
0x1e9: {  	v5 =	vld [tilespmem:s18+$0x37B0];
	v2 =	vmax.f32 v2, $0.0e+00;
	v3 =	vadd.f32 v6, v3  }
0x1ea: {  	v7 =	vld [tilespmem:s18+$0xFB0];
	[tilespmem:s26+$0x5FF0] =	vst v2  }
0x1eb: {  	v2 =	vld [tilespmem:s18+$0x37C0];
	v3 =	vmax.f32 v3, $0.0e+00  }
0x1ec: {  	v6 =	vld [tilespmem:s18+$0xFC0];
	v4 =	vadd.f32 v9, v4;
	[tilespmem:s26+$0x6000] =	vst v3  }
0x1ed: {  	v8 =	vadd.f32 v10, v8;
	v3 =	vld [tilespmem:s18+$0x37D0]  }
0x1ee: {  	v4 =	vmax.f32 v4, $0.0e+00;
	v9 =	vld [tilespmem:s18+$0xFD0]  }
0x1ef: {  	[tilespmem:s18+$0x6010] =	vst v4;
	v4 =	vmax.f32 v8, $0.0e+00;
	v8 =	vld [tilespmem:s18+$0x37E0]  }
0x1f0: {  	v5 =	vadd.f32 v7, v5;
	v7 =	vld [tilespmem:s18+$0x37F0]  }
0x1f1: {  	[tilespmem:s18+$0x5FA0] =	vst v4;
	v4 =	vld [tilespmem:s18+$0xFE0];
	v2 =	vadd.f32 v6, v2  }
0x1f2: {  	v5 =	vmax.f32 v5, $0.0e+00;
	v6 =	vld [tilespmem:s18+$0x3800]  }
0x1f3: {  	[tilespmem:s18+$0x5FB0] =	vst v5;
	v5 =	vld [tilespmem:s18+$0xFF0];
	v2 =	vmax.f32 v2, $0.0e+00  }
0x1f4: {  	[tilespmem:s18+$0x5FC0] =	vst v2;
	v2 =	vld [tilespmem:s18+$0x1000];
	_ =	sdelay $0x1  }
0x1f5: {  	v3 =	vadd.f32 v9, v3  }
0x1f6: {  	v4 =	vadd.f32 v4, v8  }
0x1f7: {  	v3 =	vmax.f32 v3, $0.0e+00;
	v5 =	vadd.f32 v5, v7  }
0x1f8: {  	s22 =	smul.u32 $0x140, s19;
	[tilespmem:s18+$0x5FD0] =	vst v3;
	v3 =	vmax.f32 v4, $0.0e+00;
	v2 =	vadd.f32 v2, v6  }
0x1f9: {  	[tilespmem:s18+$0x5FE0] =	vst v3;
	v3 =	vmax.f32 v5, $0.0e+00  }
0x1fa: {  	p1 =	seq.s32 s19, $0x18;
	s26 =	sshra.s32 s22, $0x2;
	[tilespmem:s18+$0x5FF0] =	vst v3;
	v2 =	vmax.f32 v2, $0.0e+00  }
0x1fb: {  	s26 =	sadd.s32 $0x7D0, s26;
	[tilespmem:s18+$0x6000] =	vst v2;
	s18 =	sadd.s32 @!p1 s24, s9  }
0x1fc: {  	[spmem:s2] =	stream.indirect.scatter.add.f32 [tilespmem:s20], [sflag:$0x3], $0x80, s26, s25, $0xb8;
	[tilespmem:$0x1F4A0] =	vst v63  }
0x1fd: {  	s18 =	sshll.u32 @!p1 s18, $0x4  }
0x1fe: {  	s18 =	sand.u32 @!p1 $0x1FFFFF00, s18  }
0x1ff: {  	[spmem:s3] =	stream.indirect.scatter.add.f32 [tilespmem:s31], [sflag:$0x3], $0x10, s26, s25, $0xb8;
	[tilespmem:$0x1F4A0] =	vst v63  }
0x200: {  	s24 =	simm.s32 @!p1 $0x0;
	s18 =	sadd.s32 @!p1 s17, s18;
	s26 =	simm.s32 @!p1 $0xFA0  }
0x201: {  	[tilespmem:s26], [sflag:$0x1] =	stream.linear.gather @!p1 [hbm4b:s18+s24], $0x1400, $0x38;
	[tilespmem:$0x1F4A0] =	vst v63  }
0x202: {  	s18 =	sshra.s32 @!p1 s22, $0x2  }
0x203: {  	s22 =	simm.s32 @!p1 $0x28;
	s24 =	simm.s32 @!p1 $0x37A0;
	s18 =	sadd.s32 @!p1 $0x50, s18  }
0x204: {  	[tilespmem:s24], [sflag:$0x1] =	stream.indirect.gather @!p1 [hbm4b:s0+s22], $0x80, s18, s22, $0xb8;
	[tilespmem:$0x1F4A0] =	vst v63  }
0x205: {  	_ =	swait.ge [sflag:s13], $0x1400  }
0x206: {  	[sflag:s13] =	ssyncset.done $0x0  }
0x207: {  	[sflag:s13] =	ssyncadd.s32 $0xFFFFEC00  }
0x208: {  	_ =	swait.ge [sflag:s13], $0x1400  }
0x209: {  	[sflag:s13] =	ssyncset.done $0x0  }
0x20a: {  	s18 =	simm.s32 @!p0 $0x4;
	[sflag:s13] =	ssyncadd.s32 $0xFFFFEC00  }
0x20b: {  	_ =	swait.ge @!p0 [sflag:s18], $0x1400  }
0x20c: {  	[sflag:s18] =	ssyncset.done @!p0 $0x0  }
0x20d: {  	[sflag:s18] =	ssyncadd.s32 @!p0 $0xFFFFEC00  }
0x20e: {  	_ =	swait.ge @!p0 [sflag:s18], $0x280  }
0x20f: {  	[sflag:s18] =	ssyncset.done @!p0 $0x0  }
0x210: {  	s24 =	simm.s32 $0x0;
	[sflag:s18] =	ssyncadd.s32 @!p0 $0xFFFFFD80  }
0x211: {  	v2 =	vld [tilespmem:s24+$0x4C10]  }
0x212: {  	v3 =	vld [tilespmem:s24+$0x2410]  }
0x213: {  	v4 =	vld [tilespmem:s24+$0x4BA0]  }
0x214: {  	v5 =	vld [tilespmem:s24+$0x23A0]  }
0x215: {  	v6 =	vld [tilespmem:s24+$0x4BB0]  }
0x216: {  	v7 =	vld [tilespmem:s24+$0x23B0]  }
0x217: {  	v8 =	vld [tilespmem:s24+$0x4BC0]  }
0x218: {  	v2 =	vadd.f32 v3, v2;
	v3 =	vld [tilespmem:s24+$0x23C0]  }
0x219: {  	v9 =	vld [tilespmem:s24+$0x4BD0]  }
0x21a: {  	v10 =	vld [tilespmem:s24+$0x23D0];
	v4 =	vadd.f32 v5, v4  }
0x21b: {  	v11 =	vld [tilespmem:s24+$0x4BE0];
	v2 =	vmax.f32 v2, $0.0e+00  }
0x21c: {  	[tilespmem:s24+$0x7410] =	vst v2;
	v2 =	vmax.f32 v4, $0.0e+00;
	v4 =	vadd.f32 v7, v6;
	v7 =	vld [tilespmem:s24+$0x23E0]  }
0x21d: {  	v5 =	vld [tilespmem:s24+$0x23F0];
	v3 =	vadd.f32 v3, v8  }
0x21e: {  	[tilespmem:s24+$0x73A0] =	vst v2;
	v2 =	vld [tilespmem:s24+$0x4BF0];
	v4 =	vmax.f32 v4, $0.0e+00  }
0x21f: {  	v6 =	vld [tilespmem:s24+$0x2400];
	v8 =	vadd.f32 v10, v9;
	[tilespmem:s24+$0x73B0] =	vst v4;
	v4 =	vmax.f32 v3, $0.0e+00  }
0x220: {  	s18 =	simm.s32 $0x80;
	v3 =	vld [tilespmem:s24+$0x4C00];
	[tilespmem:s24+$0x73C0] =	vst v4  }
0x221: {  	s22 =	simm.s32 $0x400;
	v8 =	vmax.f32 v8, $0.0e+00;
	v7 =	vadd.f32 v7, v11;
	v4 =	vld [tilespmem:s18+$0x4C10]  }
.LBB2_15:
0x222: {  	p0 =	sne.s32 s22, $0x4E00;
	v9 =	vld [tilespmem:s18+$0x2410];
	[tilespmem:s24+$0x73D0] =	vst v8  }
0x223: {  	v8 =	vld [tilespmem:s18+$0x4BA0];
	v7 =	vmax.f32 v7, $0.0e+00;
	v2 =	vadd.f32 v5, v2  }
0x224: {  	v5 =	vld [tilespmem:s18+$0x23A0];
	[tilespmem:s24+$0x73E0] =	vst v7  }
0x225: {  	v7 =	vld [tilespmem:s18+$0x4BB0];
	v2 =	vmax.f32 v2, $0.0e+00;
	v3 =	vadd.f32 v6, v3  }
0x226: {  	v6 =	vld [tilespmem:s18+$0x23B0];
	[tilespmem:s24+$0x73F0] =	vst v2  }
0x227: {  	v2 =	vld [tilespmem:s18+$0x4BC0];
	v4 =	vadd.f32 v9, v4;
	v3 =	vmax.f32 v3, $0.0e+00  }
0x228: {  	v9 =	vld [tilespmem:s18+$0x23C0];
	[tilespmem:s24+$0x7400] =	vst v3;
	s24 =	smov.u32 s18  }
0x229: {  	v3 =	vadd.f32 v5, v8;
	v8 =	vld [tilespmem:s24+$0x4BD0];
	v4 =	vmax.f32 v4, $0.0e+00  }
0x22a: {  	v10 =	vld [tilespmem:s24+$0x23D0];
	[tilespmem:s24+$0x7410] =	vst v4  }
0x22b: {  	v3 =	vmax.f32 v3, $0.0e+00;
	v4 =	vadd.f32 v6, v7;
	v7 =	vld [tilespmem:s24+$0x4BE0]  }
0x22c: {  	[tilespmem:s24+$0x73A0] =	vst v3;
	v11 =	vld [tilespmem:s24+$0x23E0]  }
.Ltmp6:
0x22d: {  	v3 =	vmax.f32 v4, $0.0e+00;
	v4 =	vadd.f32 v9, v2;
	v2 =	vld [tilespmem:s24+$0x4BF0];
	(pc) =	sbr.rel @p0 .LBB2_15-.Ltmp6, $4  }
0x22e: {  	[tilespmem:s24+$0x73B0] =	vst v3;
	v5 =	vld [tilespmem:s24+$0x23F0]  }
0x22f: {  	v4 =	vmax.f32 v4, $0.0e+00;
	v8 =	vadd.f32 v10, v8;
	v3 =	vld [tilespmem:s24+$0x4C00]  }
0x230: {  	s18 =	sshra.s32 s22, $0x2;
	[tilespmem:s24+$0x73C0] =	vst v4;
	v6 =	vld [tilespmem:s24+$0x2400]  }
0x231: {  	s22 =	sadd.s32 $0x200, s22;
	v4 =	vld [tilespmem:s18+$0x4C10];
	v8 =	vmax.f32 v8, $0.0e+00;
	v7 =	vadd.f32 v11, v7  }
0x232: {  	v9 =	vld [tilespmem:s18+$0x2410];
	[tilespmem:s24+$0x73D0] =	vst v8  }
0x233: {  	v8 =	vld [tilespmem:s18+$0x4BA0];
	v7 =	vmax.f32 v7, $0.0e+00;
	v2 =	vadd.f32 v5, v2  }
0x234: {  	v10 =	vld [tilespmem:s18+$0x23A0];
	[tilespmem:s24+$0x73E0] =	vst v7  }
0x235: {  	v55 =	vld [tilespmem:s18+$0x4BB0];
	v2 =	vmax.f32 v2, $0.0e+00;
	v3 =	vadd.f32 v6, v3  }
0x236: {  	v7 =	vld [tilespmem:s18+$0x23B0];
	[tilespmem:s24+$0x73F0] =	vst v2  }
0x237: {  	v2 =	vld [tilespmem:s18+$0x4BC0];
	v3 =	vmax.f32 v3, $0.0e+00  }
0x238: {  	v56 =	vld [tilespmem:s18+$0x23C0];
	[tilespmem:s24+$0x7400] =	vst v3  }
0x239: {  	v3 =	vld [tilespmem:s18+$0x4BD0]  }
0x23a: {  	v57 =	vld [tilespmem:s18+$0x23D0]  }
0x23b: {  	v59 =	vld [tilespmem:s18+$0x4BE0]  }
0x23c: {  	v60 =	vld [tilespmem:s18+$0x23E0]  }
0x23d: {  	v61 =	vld [tilespmem:s18+$0x4BF0];
	v2 =	vadd.f32 v56, v2  }
0x23e: {  	v62 =	vld [tilespmem:s18+$0x23F0]  }
0x23f: {  	v4 =	vadd.f32 v9, v4;
	v63 =	vld [tilespmem:s18+$0x4C00];
	v2 =	vmax.f32 v2, $0.0e+00  }
0x240: {  	v8 =	vadd.f32 v10, v8;
	[tilespmem:s18+$0x73C0] =	vst v2;
	v2 =	vld [tilespmem:s18+$0x2400]  }
0x241: {  	v4 =	vmax.f32 v4, $0.0e+00;
	v5 =	vadd.f32 v7, v55  }
0x242: {  	[tilespmem:s18+$0x7410] =	vst v4;
	v58 =	vmax.f32 v8, $0.0e+00;
	v3 =	vadd.f32 v57, v3  }
0x243: {  	[tilespmem:s18+$0x73A0] =	vst v58;
	v5 =	vmax.f32 v5, $0.0e+00;
	v4 =	vadd.f32 v60, v59  }
0x244: {  	[tilespmem:s18+$0x73B0] =	vst v5;
	v5 =	vadd.f32 v62, v61;
	v3 =	vmax.f32 v3, $0.0e+00  }
0x245: {  	s19 =	sadd.s32 $0x1, s19;
	[tilespmem:s18+$0x73D0] =	vst v3;
	v3 =	vmax.f32 v4, $0.0e+00;
	v2 =	vadd.f32 v2, v63  }
0x246: {  	p0 =	sne.s32 s19, $0x19;
	[tilespmem:s18+$0x73E0] =	vst v3;
	v3 =	vmax.f32 v5, $0.0e+00  }
.Ltmp7:
0x247: {  	[tilespmem:s18+$0x73F0] =	vst v3;
	v2 =	vmax.f32 v2, $0.0e+00;
	(pc) =	sbr.rel @p0 .LBB2_12-.Ltmp7, $4  }
0x248: {  	s26 =	sadd.s32 $0x7D0, s23;
	[tilespmem:s18+$0x7400] =	vst v2  }
0x249: {  	[spmem:s2] =	stream.indirect.scatter.add.f32 [tilespmem:s1], [sflag:$0x4], $0x80, s26, s25, $0xb8;
	[tilespmem:$0x1F4A0] =	vst v63  }
0x24a: {  	_ = 	snop  }
0x24b: {  	[spmem:s3] =	stream.indirect.scatter.add.f32 [tilespmem:s31], [sflag:$0x4], $0x10, s26, s25, $0xb8;
	[tilespmem:$0x1F4A0] =	vst v63  }
0x24c: {  	_ =	swait.ge [sflag:s6], $0x1400  }
0x24d: {  	[sflag:s6] =	ssyncset.done $0x0  }
0x24e: {  	[sflag:s6] =	ssyncadd.s32 $0xFFFFEC00  }
0x24f: {  	_ =	swait.ge [sflag:s6], $0x280  }
0x250: {  	[sflag:s6] =	ssyncset.done $0x0  }
0x251: {  	[sflag:s6] =	ssyncadd.s32 $0xFFFFFD80  }
0x252: {  	_ =	swait.ge [sflag:s7], $0x1400  }
0x253: {  	[sflag:s7] =	ssyncset.done $0x0  }
0x254: {  	[sflag:s7] =	ssyncadd.s32 $0xFFFFEC00  }
0x255: {  	_ =	swait.ge [sflag:s7], $0x280  }
0x256: {  	[sflag:s7] =	ssyncset.done $0x0  }
0x257: {  	s19 =	simm.s32 $0x0;
	s18 =	rddreg [dreg:$0x9];
	[sflag:s7] =	ssyncadd.s32 $0xFFFFFD80  }
0x258: {  	[tilespmem:s19], [sflag:$0x5] =	stream.linear.gather [hbm4b:s18+s19], $0x7D0, $0x38;
	[tilespmem:$0x1F4A0] =	vst v63  }
0x259: {  	_ =	swait.ge [sflag:s21], $0x7D0  }
0x25a: {  	[sflag:s21] =	ssyncset.done $0x0  }
0x25b: {  	s22 =	simm.s32 $0x7D0;
	s26 =	rddreg [dreg:$0xa];
	[sflag:s21] =	ssyncadd.s32 $0xFFFFF830  }
0x25c: {  	[tilespmem:s22], [sflag:$0x5] =	stream.linear.gather [hbm4b:s26+s19], $0x7D0, $0x38;
	[tilespmem:$0x1F4A0] =	vst v63  }
0x25d: {  	_ =	swait.ge [sflag:s21], $0x7D0  }
0x25e: {  	s23 =	sld [smem:$0x7F8]  }
0x25f: {  	[sflag:s21] =	ssyncset.done $0x0  }
0x260: {  	s24 =	simm.s32 $0xFA0;
	[sflag:s21] =	ssyncadd.s32 $0xFFFFF830  }
0x261: {  	[tilespmem:s24], [sflag:$0x1] =	stream.linear.gather [hbm4b:s23+s19], $0x1400, $0x38;
	[tilespmem:$0x1F4A0] =	vst v63  }
0x262: {  	s26 =	simm.s32 $0x37A0  }
0x263: {  	[tilespmem:s26], [sflag:$0x1] =	stream.indirect.gather [hbm4b:s0+s25], $0x80, s19, s25, $0xb8;
	[tilespmem:$0x1F4A0] =	vst v63  }
.LBB2_18:
0x264: {  	s24 =	smul.u32 $0x50, s19;
	_ =	sdelay $0x1  }
0x265: {  	s18 =	sadd.s32 s24, s10  }
0x266: {  	s18 =	sshll.u32 s18, $0x4  }
0x267: {  	s18 =	sand.u32 $0x1FFFFF80, s18  }
0x268: {  	s18 =	sadd.s32 s17, s18  }
0x269: {  	[tilespmem:s28], [sflag:$0x2] =	stream.linear.gather [hbm4b:s18+s4], $0x1400, $0x38;
	[tilespmem:$0x1F4A0] =	vst v63  }
0x26a: {  	s23 =	sadd.s32 $0x28, s24  }
0x26b: {  	[tilespmem:s29], [sflag:$0x2] =	stream.indirect.gather [hbm4b:s0+s25], $0x80, s23, s25, $0xb8;
	[tilespmem:$0x1F4A0] =	vst v63  }
0x26c: {  	_ =	swait.ge [sflag:s30], $0x1400  }
0x26d: {  	[sflag:s30] =	ssyncset.done $0x0  }
0x26e: {  	[sflag:s30] =	ssyncadd.s32 $0xFFFFEC00  }
0x26f: {  	_ =	swait.ge [sflag:s30], $0x1400  }
0x270: {  	p0 =	seq.s32 s19, $0x0;
	[sflag:s30] =	ssyncset.done $0x0  }
0x271: {  	s18 =	simm.s32 @!p0 $0x3;
	[sflag:s30] =	ssyncadd.s32 $0xFFFFEC00  }
0x272: {  	_ =	swait.ge @!p0 [sflag:s18], $0x1400  }
0x273: {  	[sflag:s18] =	ssyncset.done @!p0 $0x0  }
0x274: {  	[sflag:s18] =	ssyncadd.s32 @!p0 $0xFFFFEC00  }
0x275: {  	_ =	swait.ge @!p0 [sflag:s18], $0x280  }
0x276: {  	[sflag:s18] =	ssyncset.done @!p0 $0x0  }
0x277: {  	s26 =	simm.s32 $0x0;
	[sflag:s18] =	ssyncadd.s32 @!p0 $0xFFFFFD80  }
0x278: {  	v2 =	vld [tilespmem:s26+$0x3810]  }
0x279: {  	v3 =	vld [tilespmem:s26+$0x1010]  }
0x27a: {  	v4 =	vld [tilespmem:s26+$0x37A0]  }
0x27b: {  	v5 =	vld [tilespmem:s26+$0xFA0]  }
0x27c: {  	v6 =	vld [tilespmem:s26+$0x37B0]  }
0x27d: {  	v7 =	vld [tilespmem:s26+$0xFB0]  }
0x27e: {  	v8 =	vld [tilespmem:s26+$0x37C0]  }
0x27f: {  	v2 =	vadd.f32 v3, v2;
	v3 =	vld [tilespmem:s26+$0xFC0]  }
0x280: {  	v9 =	vld [tilespmem:s26+$0x37D0]  }
0x281: {  	v10 =	vld [tilespmem:s26+$0xFD0];
	v4 =	vadd.f32 v5, v4  }
0x282: {  	v11 =	vld [tilespmem:s26+$0x37E0];
	v2 =	vmax.f32 v2, $0.0e+00  }
0x283: {  	[tilespmem:s26+$0x6010] =	vst v2;
	v2 =	vmax.f32 v4, $0.0e+00;
	v4 =	vadd.f32 v7, v6;
	v7 =	vld [tilespmem:s26+$0xFE0]  }
0x284: {  	v5 =	vld [tilespmem:s26+$0xFF0];
	v3 =	vadd.f32 v3, v8  }
0x285: {  	[tilespmem:s26+$0x5FA0] =	vst v2;
	v2 =	vld [tilespmem:s26+$0x37F0];
	v4 =	vmax.f32 v4, $0.0e+00  }
0x286: {  	v6 =	vld [tilespmem:s26+$0x1000];
	v8 =	vadd.f32 v10, v9;
	[tilespmem:s26+$0x5FB0] =	vst v4;
	v4 =	vmax.f32 v3, $0.0e+00  }
0x287: {  	s18 =	simm.s32 $0x80;
	v3 =	vld [tilespmem:s26+$0x3800];
	[tilespmem:s26+$0x5FC0] =	vst v4  }
0x288: {  	s22 =	simm.s32 $0x400;
	v8 =	vmax.f32 v8, $0.0e+00;
	v7 =	vadd.f32 v7, v11;
	v4 =	vld [tilespmem:s18+$0x3810]  }
.LBB2_19:
0x289: {  	p1 =	sne.s32 s22, $0x4E00;
	v9 =	vld [tilespmem:s18+$0x1010];
	[tilespmem:s26+$0x5FD0] =	vst v8  }
0x28a: {  	v8 =	vld [tilespmem:s18+$0x37A0];
	v7 =	vmax.f32 v7, $0.0e+00;
	v2 =	vadd.f32 v5, v2  }
0x28b: {  	v5 =	vld [tilespmem:s18+$0xFA0];
	[tilespmem:s26+$0x5FE0] =	vst v7  }
0x28c: {  	v7 =	vld [tilespmem:s18+$0x37B0];
	v2 =	vmax.f32 v2, $0.0e+00;
	v3 =	vadd.f32 v6, v3  }
0x28d: {  	v6 =	vld [tilespmem:s18+$0xFB0];
	[tilespmem:s26+$0x5FF0] =	vst v2  }
0x28e: {  	v2 =	vld [tilespmem:s18+$0x37C0];
	v4 =	vadd.f32 v9, v4;
	v3 =	vmax.f32 v3, $0.0e+00  }
0x28f: {  	v9 =	vld [tilespmem:s18+$0xFC0];
	[tilespmem:s26+$0x6000] =	vst v3;
	s26 =	smov.u32 s18  }
0x290: {  	v3 =	vadd.f32 v5, v8;
	v8 =	vld [tilespmem:s26+$0x37D0];
	v4 =	vmax.f32 v4, $0.0e+00  }
0x291: {  	v10 =	vld [tilespmem:s26+$0xFD0];
	[tilespmem:s26+$0x6010] =	vst v4  }
0x292: {  	v3 =	vmax.f32 v3, $0.0e+00;
	v4 =	vadd.f32 v6, v7;
	v7 =	vld [tilespmem:s26+$0x37E0]  }
0x293: {  	[tilespmem:s26+$0x5FA0] =	vst v3;
	v11 =	vld [tilespmem:s26+$0xFE0]  }
.Ltmp8:
0x294: {  	v3 =	vmax.f32 v4, $0.0e+00;
	v4 =	vadd.f32 v9, v2;
	v2 =	vld [tilespmem:s26+$0x37F0];
	(pc) =	sbr.rel @p1 .LBB2_19-.Ltmp8, $4  }
0x295: {  	[tilespmem:s26+$0x5FB0] =	vst v3;
	v5 =	vld [tilespmem:s26+$0xFF0]  }
0x296: {  	v4 =	vmax.f32 v4, $0.0e+00;
	v8 =	vadd.f32 v10, v8;
	v3 =	vld [tilespmem:s26+$0x3800]  }
0x297: {  	s18 =	sshra.s32 s22, $0x2;
	[tilespmem:s26+$0x5FC0] =	vst v4;
	v6 =	vld [tilespmem:s26+$0x1000]  }
0x298: {  	s22 =	sadd.s32 $0x200, s22;
	v4 =	vld [tilespmem:s18+$0x3810];
	v8 =	vmax.f32 v8, $0.0e+00;
	v7 =	vadd.f32 v11, v7  }
0x299: {  	v9 =	vld [tilespmem:s18+$0x1010];
	[tilespmem:s26+$0x5FD0] =	vst v8  }
0x29a: {  	v8 =	vld [tilespmem:s18+$0x37A0];
	v7 =	vmax.f32 v7, $0.0e+00;
	v2 =	vadd.f32 v5, v2  }
0x29b: {  	v10 =	vld [tilespmem:s18+$0xFA0];
	[tilespmem:s26+$0x5FE0] =	vst v7  }
0x29c: {  	v5 =	vld [tilespmem:s18+$0x37B0];
	v2 =	vmax.f32 v2, $0.0e+00;
	v3 =	vadd.f32 v6, v3  }
0x29d: {  	v7 =	vld [tilespmem:s18+$0xFB0];
	[tilespmem:s26+$0x5FF0] =	vst v2  }
0x29e: {  	v2 =	vld [tilespmem:s18+$0x37C0];
	v3 =	vmax.f32 v3, $0.0e+00  }
0x29f: {  	v6 =	vld [tilespmem:s18+$0xFC0];
	v4 =	vadd.f32 v9, v4;
	[tilespmem:s26+$0x6000] =	vst v3  }
0x2a0: {  	v8 =	vadd.f32 v10, v8;
	v3 =	vld [tilespmem:s18+$0x37D0]  }
0x2a1: {  	v4 =	vmax.f32 v4, $0.0e+00;
	v9 =	vld [tilespmem:s18+$0xFD0]  }
0x2a2: {  	[tilespmem:s18+$0x6010] =	vst v4;
	v4 =	vmax.f32 v8, $0.0e+00;
	v8 =	vld [tilespmem:s18+$0x37E0]  }
0x2a3: {  	v5 =	vadd.f32 v7, v5;
	v7 =	vld [tilespmem:s18+$0x37F0]  }
0x2a4: {  	[tilespmem:s18+$0x5FA0] =	vst v4;
	v4 =	vld [tilespmem:s18+$0xFE0];
	v2 =	vadd.f32 v6, v2  }
0x2a5: {  	v5 =	vmax.f32 v5, $0.0e+00;
	v6 =	vld [tilespmem:s18+$0x3800]  }
0x2a6: {  	[tilespmem:s18+$0x5FB0] =	vst v5;
	v5 =	vld [tilespmem:s18+$0xFF0];
	v2 =	vmax.f32 v2, $0.0e+00  }
0x2a7: {  	[tilespmem:s18+$0x5FC0] =	vst v2;
	v2 =	vld [tilespmem:s18+$0x1000];
	_ =	sdelay $0x1  }
0x2a8: {  	v3 =	vadd.f32 v9, v3  }
0x2a9: {  	v4 =	vadd.f32 v4, v8  }
0x2aa: {  	v3 =	vmax.f32 v3, $0.0e+00;
	v5 =	vadd.f32 v5, v7  }
0x2ab: {  	s22 =	smul.u32 $0x140, s19;
	[tilespmem:s18+$0x5FD0] =	vst v3;
	v3 =	vmax.f32 v4, $0.0e+00;
	v2 =	vadd.f32 v2, v6  }
0x2ac: {  	[tilespmem:s18+$0x5FE0] =	vst v3;
	v3 =	vmax.f32 v5, $0.0e+00  }
0x2ad: {  	p1 =	seq.s32 s19, $0x18;
	s26 =	sshra.s32 s22, $0x2;
	[tilespmem:s18+$0x5FF0] =	vst v3;
	v2 =	vmax.f32 v2, $0.0e+00  }
0x2ae: {  	s26 =	sadd.s32 $0x7D0, s26;
	[tilespmem:s18+$0x6000] =	vst v2;
	s18 =	sadd.s32 @!p1 s24, s11  }
0x2af: {  	[spmem:s2] =	stream.indirect.scatter.add.f32 [tilespmem:s20], [sflag:$0x3], $0x80, s26, s25, $0xb8;
	[tilespmem:$0x1F4A0] =	vst v63  }
0x2b0: {  	s18 =	sshll.u32 @!p1 s18, $0x4  }
0x2b1: {  	s18 =	sand.u32 @!p1 $0x1FFFFF00, s18  }
0x2b2: {  	[spmem:s3] =	stream.indirect.scatter.add.f32 [tilespmem:s31], [sflag:$0x3], $0x10, s26, s25, $0xb8;
	[tilespmem:$0x1F4A0] =	vst v63  }
0x2b3: {  	s24 =	simm.s32 @!p1 $0x0;
	s18 =	sadd.s32 @!p1 s17, s18;
	s26 =	simm.s32 @!p1 $0xFA0  }
0x2b4: {  	[tilespmem:s26], [sflag:$0x1] =	stream.linear.gather @!p1 [hbm4b:s18+s24], $0x1400, $0x38;
	[tilespmem:$0x1F4A0] =	vst v63  }
0x2b5: {  	s18 =	sshra.s32 @!p1 s22, $0x2  }
0x2b6: {  	s22 =	simm.s32 @!p1 $0x28;
	s24 =	simm.s32 @!p1 $0x37A0;
	s18 =	sadd.s32 @!p1 $0x50, s18  }
0x2b7: {  	[tilespmem:s24], [sflag:$0x1] =	stream.indirect.gather @!p1 [hbm4b:s0+s22], $0x80, s18, s22, $0xb8;
	[tilespmem:$0x1F4A0] =	vst v63  }
0x2b8: {  	_ =	swait.ge [sflag:s13], $0x1400  }
0x2b9: {  	[sflag:s13] =	ssyncset.done $0x0  }
0x2ba: {  	[sflag:s13] =	ssyncadd.s32 $0xFFFFEC00  }
0x2bb: {  	_ =	swait.ge [sflag:s13], $0x1400  }
0x2bc: {  	[sflag:s13] =	ssyncset.done $0x0  }
0x2bd: {  	s18 =	simm.s32 @!p0 $0x4;
	[sflag:s13] =	ssyncadd.s32 $0xFFFFEC00  }
0x2be: {  	_ =	swait.ge @!p0 [sflag:s18], $0x1400  }
0x2bf: {  	[sflag:s18] =	ssyncset.done @!p0 $0x0  }
0x2c0: {  	[sflag:s18] =	ssyncadd.s32 @!p0 $0xFFFFEC00  }
0x2c1: {  	_ =	swait.ge @!p0 [sflag:s18], $0x280  }
0x2c2: {  	[sflag:s18] =	ssyncset.done @!p0 $0x0  }
0x2c3: {  	s24 =	simm.s32 $0x0;
	[sflag:s18] =	ssyncadd.s32 @!p0 $0xFFFFFD80  }
0x2c4: {  	v2 =	vld [tilespmem:s24+$0x4C10]  }
0x2c5: {  	v3 =	vld [tilespmem:s24+$0x2410]  }
0x2c6: {  	v4 =	vld [tilespmem:s24+$0x4BA0]  }
0x2c7: {  	v5 =	vld [tilespmem:s24+$0x23A0]  }
0x2c8: {  	v6 =	vld [tilespmem:s24+$0x4BB0]  }
0x2c9: {  	v7 =	vld [tilespmem:s24+$0x23B0]  }
0x2ca: {  	v8 =	vld [tilespmem:s24+$0x4BC0]  }
0x2cb: {  	v2 =	vadd.f32 v3, v2;
	v3 =	vld [tilespmem:s24+$0x23C0]  }
0x2cc: {  	v9 =	vld [tilespmem:s24+$0x4BD0]  }
0x2cd: {  	v10 =	vld [tilespmem:s24+$0x23D0];
	v4 =	vadd.f32 v5, v4  }
0x2ce: {  	v11 =	vld [tilespmem:s24+$0x4BE0];
	v2 =	vmax.f32 v2, $0.0e+00  }
0x2cf: {  	[tilespmem:s24+$0x7410] =	vst v2;
	v2 =	vmax.f32 v4, $0.0e+00;
	v4 =	vadd.f32 v7, v6;
	v7 =	vld [tilespmem:s24+$0x23E0]  }
0x2d0: {  	v5 =	vld [tilespmem:s24+$0x23F0];
	v3 =	vadd.f32 v3, v8  }
0x2d1: {  	[tilespmem:s24+$0x73A0] =	vst v2;
	v2 =	vld [tilespmem:s24+$0x4BF0];
	v4 =	vmax.f32 v4, $0.0e+00  }
0x2d2: {  	v6 =	vld [tilespmem:s24+$0x2400];
	v8 =	vadd.f32 v10, v9;
	[tilespmem:s24+$0x73B0] =	vst v4;
	v4 =	vmax.f32 v3, $0.0e+00  }
0x2d3: {  	s18 =	simm.s32 $0x80;
	v3 =	vld [tilespmem:s24+$0x4C00];
	[tilespmem:s24+$0x73C0] =	vst v4  }
0x2d4: {  	s22 =	simm.s32 $0x400;
	v8 =	vmax.f32 v8, $0.0e+00;
	v7 =	vadd.f32 v7, v11;
	v4 =	vld [tilespmem:s18+$0x4C10]  }
.LBB2_21:
0x2d5: {  	p0 =	sne.s32 s22, $0x4E00;
	v9 =	vld [tilespmem:s18+$0x2410];
	[tilespmem:s24+$0x73D0] =	vst v8  }
0x2d6: {  	v8 =	vld [tilespmem:s18+$0x4BA0];
	v7 =	vmax.f32 v7, $0.0e+00;
	v2 =	vadd.f32 v5, v2  }
0x2d7: {  	v5 =	vld [tilespmem:s18+$0x23A0];
	[tilespmem:s24+$0x73E0] =	vst v7  }
0x2d8: {  	v7 =	vld [tilespmem:s18+$0x4BB0];
	v2 =	vmax.f32 v2, $0.0e+00;
	v3 =	vadd.f32 v6, v3  }
0x2d9: {  	v6 =	vld [tilespmem:s18+$0x23B0];
	[tilespmem:s24+$0x73F0] =	vst v2  }
0x2da: {  	v2 =	vld [tilespmem:s18+$0x4BC0];
	v4 =	vadd.f32 v9, v4;
	v3 =	vmax.f32 v3, $0.0e+00  }
0x2db: {  	v9 =	vld [tilespmem:s18+$0x23C0];
	[tilespmem:s24+$0x7400] =	vst v3;
	s24 =	smov.u32 s18  }
0x2dc: {  	v3 =	vadd.f32 v5, v8;
	v8 =	vld [tilespmem:s24+$0x4BD0];
	v4 =	vmax.f32 v4, $0.0e+00  }
0x2dd: {  	v10 =	vld [tilespmem:s24+$0x23D0];
	[tilespmem:s24+$0x7410] =	vst v4  }
0x2de: {  	v3 =	vmax.f32 v3, $0.0e+00;
	v4 =	vadd.f32 v6, v7;
	v7 =	vld [tilespmem:s24+$0x4BE0]  }
0x2df: {  	[tilespmem:s24+$0x73A0] =	vst v3;
	v11 =	vld [tilespmem:s24+$0x23E0]  }
.Ltmp9:
0x2e0: {  	v3 =	vmax.f32 v4, $0.0e+00;
	v4 =	vadd.f32 v9, v2;
	v2 =	vld [tilespmem:s24+$0x4BF0];
	(pc) =	sbr.rel @p0 .LBB2_21-.Ltmp9, $4  }
0x2e1: {  	[tilespmem:s24+$0x73B0] =	vst v3;
	v5 =	vld [tilespmem:s24+$0x23F0]  }
0x2e2: {  	v4 =	vmax.f32 v4, $0.0e+00;
	v8 =	vadd.f32 v10, v8;
	v3 =	vld [tilespmem:s24+$0x4C00]  }
0x2e3: {  	s18 =	sshra.s32 s22, $0x2;
	[tilespmem:s24+$0x73C0] =	vst v4;
	v6 =	vld [tilespmem:s24+$0x2400]  }
0x2e4: {  	s22 =	sadd.s32 $0x200, s22;
	v4 =	vld [tilespmem:s18+$0x4C10];
	v8 =	vmax.f32 v8, $0.0e+00;
	v7 =	vadd.f32 v11, v7  }
0x2e5: {  	v9 =	vld [tilespmem:s18+$0x2410];
	[tilespmem:s24+$0x73D0] =	vst v8  }
0x2e6: {  	v8 =	vld [tilespmem:s18+$0x4BA0];
	v7 =	vmax.f32 v7, $0.0e+00;
	v2 =	vadd.f32 v5, v2  }
0x2e7: {  	v10 =	vld [tilespmem:s18+$0x23A0];
	[tilespmem:s24+$0x73E0] =	vst v7  }
0x2e8: {  	v55 =	vld [tilespmem:s18+$0x4BB0];
	v2 =	vmax.f32 v2, $0.0e+00;
	v3 =	vadd.f32 v6, v3  }
0x2e9: {  	v7 =	vld [tilespmem:s18+$0x23B0];
	[tilespmem:s24+$0x73F0] =	vst v2  }
0x2ea: {  	v2 =	vld [tilespmem:s18+$0x4BC0];
	v3 =	vmax.f32 v3, $0.0e+00  }
0x2eb: {  	v56 =	vld [tilespmem:s18+$0x23C0];
	[tilespmem:s24+$0x7400] =	vst v3  }
0x2ec: {  	v3 =	vld [tilespmem:s18+$0x4BD0]  }
0x2ed: {  	v57 =	vld [tilespmem:s18+$0x23D0]  }
0x2ee: {  	v59 =	vld [tilespmem:s18+$0x4BE0]  }
0x2ef: {  	v60 =	vld [tilespmem:s18+$0x23E0]  }
0x2f0: {  	v61 =	vld [tilespmem:s18+$0x4BF0];
	v2 =	vadd.f32 v56, v2  }
0x2f1: {  	v62 =	vld [tilespmem:s18+$0x23F0]  }
0x2f2: {  	v4 =	vadd.f32 v9, v4;
	v63 =	vld [tilespmem:s18+$0x4C00];
	v2 =	vmax.f32 v2, $0.0e+00  }
0x2f3: {  	v8 =	vadd.f32 v10, v8;
	[tilespmem:s18+$0x73C0] =	vst v2;
	v2 =	vld [tilespmem:s18+$0x2400]  }
0x2f4: {  	v4 =	vmax.f32 v4, $0.0e+00;
	v5 =	vadd.f32 v7, v55  }
0x2f5: {  	[tilespmem:s18+$0x7410] =	vst v4;
	v58 =	vmax.f32 v8, $0.0e+00;
	v3 =	vadd.f32 v57, v3  }
0x2f6: {  	[tilespmem:s18+$0x73A0] =	vst v58;
	v5 =	vmax.f32 v5, $0.0e+00;
	v4 =	vadd.f32 v60, v59  }
0x2f7: {  	[tilespmem:s18+$0x73B0] =	vst v5;
	v5 =	vadd.f32 v62, v61;
	v3 =	vmax.f32 v3, $0.0e+00  }
0x2f8: {  	s19 =	sadd.s32 $0x1, s19;
	[tilespmem:s18+$0x73D0] =	vst v3;
	v3 =	vmax.f32 v4, $0.0e+00;
	v2 =	vadd.f32 v2, v63  }
0x2f9: {  	p0 =	sne.s32 s19, $0x19;
	[tilespmem:s18+$0x73E0] =	vst v3;
	v3 =	vmax.f32 v5, $0.0e+00  }
.Ltmp10:
0x2fa: {  	[tilespmem:s18+$0x73F0] =	vst v3;
	v2 =	vmax.f32 v2, $0.0e+00;
	(pc) =	sbr.rel @p0 .LBB2_18-.Ltmp10, $4  }
0x2fb: {  	s26 =	sadd.s32 $0x7D0, s23;
	[tilespmem:s18+$0x7400] =	vst v2  }
0x2fc: {  	[spmem:s2] =	stream.indirect.scatter.add.f32 [tilespmem:s1], [sflag:$0x4], $0x80, s26, s25, $0xb8;
	[tilespmem:$0x1F4A0] =	vst v63  }
0x2fd: {  	_ = 	snop  }
0x2fe: {  	[spmem:s3] =	stream.indirect.scatter.add.f32 [tilespmem:s31], [sflag:$0x4], $0x10, s26, s25, $0xb8;
	[tilespmem:$0x1F4A0] =	vst v63  }
0x2ff: {  	_ =	swait.ge [sflag:s6], $0x1400  }
0x300: {  	[sflag:s6] =	ssyncset.done $0x0  }
0x301: {  	[sflag:s6] =	ssyncadd.s32 $0xFFFFEC00  }
0x302: {  	_ =	swait.ge [sflag:s6], $0x280  }
0x303: {  	[sflag:s6] =	ssyncset.done $0x0  }
0x304: {  	[sflag:s6] =	ssyncadd.s32 $0xFFFFFD80  }
0x305: {  	_ =	swait.ge [sflag:s7], $0x1400  }
0x306: {  	[sflag:s7] =	ssyncset.done $0x0  }
0x307: {  	[sflag:s7] =	ssyncadd.s32 $0xFFFFEC00  }
0x308: {  	_ =	swait.ge [sflag:s7], $0x280  }
0x309: {  	[sflag:s7] =	ssyncset.done $0x0  }
0x30a: {  	s19 =	simm.s32 $0x0;
	s18 =	rddreg [dreg:$0xb];
	[sflag:s7] =	ssyncadd.s32 $0xFFFFFD80  }
0x30b: {  	[tilespmem:s19], [sflag:$0x5] =	stream.linear.gather [hbm4b:s18+s19], $0x7D0, $0x38;
	[tilespmem:$0x1F4A0] =	vst v63  }
0x30c: {  	_ =	swait.ge [sflag:s21], $0x7D0  }
0x30d: {  	[sflag:s21] =	ssyncset.done $0x0  }
0x30e: {  	s22 =	simm.s32 $0x7D0;
	s26 =	rddreg [dreg:$0xc];
	[sflag:s21] =	ssyncadd.s32 $0xFFFFF830  }
0x30f: {  	[tilespmem:s22], [sflag:$0x5] =	stream.linear.gather [hbm4b:s26+s19], $0x7D0, $0x38;
	[tilespmem:$0x1F4A0] =	vst v63  }
0x310: {  	_ =	swait.ge [sflag:s21], $0x7D0  }
0x311: {  	s23 =	sld [smem:$0x7F9]  }
0x312: {  	[sflag:s21] =	ssyncset.done $0x0  }
0x313: {  	s24 =	simm.s32 $0xFA0;
	[sflag:s21] =	ssyncadd.s32 $0xFFFFF830  }
0x314: {  	[tilespmem:s24], [sflag:$0x1] =	stream.linear.gather [hbm4b:s23+s19], $0x1400, $0x38;
	[tilespmem:$0x1F4A0] =	vst v63  }
0x315: {  	s26 =	simm.s32 $0x37A0  }
0x316: {  	[tilespmem:s26], [sflag:$0x1] =	stream.indirect.gather [hbm4b:s0+s25], $0x80, s19, s25, $0xb8;
	[tilespmem:$0x1F4A0] =	vst v63  }
.LBB2_24:
0x317: {  	s24 =	smul.u32 $0x50, s19;
	_ =	sdelay $0x1  }
0x318: {  	s18 =	sadd.s32 s24, s12  }
0x319: {  	s18 =	sshll.u32 s18, $0x4  }
0x31a: {  	s18 =	sand.u32 $0x1FFFFF80, s18  }
0x31b: {  	s18 =	sadd.s32 s17, s18  }
0x31c: {  	[tilespmem:s28], [sflag:$0x2] =	stream.linear.gather [hbm4b:s18+s4], $0x1400, $0x38;
	[tilespmem:$0x1F4A0] =	vst v63  }
0x31d: {  	s23 =	sadd.s32 $0x28, s24  }
0x31e: {  	[tilespmem:s29], [sflag:$0x2] =	stream.indirect.gather [hbm4b:s0+s25], $0x80, s23, s25, $0xb8;
	[tilespmem:$0x1F4A0] =	vst v63  }
0x31f: {  	_ =	swait.ge [sflag:s30], $0x1400  }
0x320: {  	[sflag:s30] =	ssyncset.done $0x0  }
0x321: {  	[sflag:s30] =	ssyncadd.s32 $0xFFFFEC00  }
0x322: {  	_ =	swait.ge [sflag:s30], $0x1400  }
0x323: {  	p0 =	seq.s32 s19, $0x0;
	[sflag:s30] =	ssyncset.done $0x0  }
0x324: {  	s18 =	simm.s32 @!p0 $0x3;
	[sflag:s30] =	ssyncadd.s32 $0xFFFFEC00  }
0x325: {  	_ =	swait.ge @!p0 [sflag:s18], $0x1400  }
0x326: {  	[sflag:s18] =	ssyncset.done @!p0 $0x0  }
0x327: {  	[sflag:s18] =	ssyncadd.s32 @!p0 $0xFFFFEC00  }
0x328: {  	_ =	swait.ge @!p0 [sflag:s18], $0x280  }
0x329: {  	[sflag:s18] =	ssyncset.done @!p0 $0x0  }
0x32a: {  	s26 =	simm.s32 $0x0;
	[sflag:s18] =	ssyncadd.s32 @!p0 $0xFFFFFD80  }
0x32b: {  	v2 =	vld [tilespmem:s26+$0x3810]  }
0x32c: {  	v3 =	vld [tilespmem:s26+$0x1010]  }
0x32d: {  	v4 =	vld [tilespmem:s26+$0x37A0]  }
0x32e: {  	v5 =	vld [tilespmem:s26+$0xFA0]  }
0x32f: {  	v6 =	vld [tilespmem:s26+$0x37B0]  }
0x330: {  	v7 =	vld [tilespmem:s26+$0xFB0]  }
0x331: {  	v8 =	vld [tilespmem:s26+$0x37C0]  }
0x332: {  	v2 =	vadd.f32 v3, v2;
	v3 =	vld [tilespmem:s26+$0xFC0]  }
0x333: {  	v9 =	vld [tilespmem:s26+$0x37D0]  }
0x334: {  	v10 =	vld [tilespmem:s26+$0xFD0];
	v4 =	vadd.f32 v5, v4  }
0x335: {  	v11 =	vld [tilespmem:s26+$0x37E0];
	v2 =	vmax.f32 v2, $0.0e+00  }
0x336: {  	[tilespmem:s26+$0x6010] =	vst v2;
	v2 =	vmax.f32 v4, $0.0e+00;
	v4 =	vadd.f32 v7, v6;
	v7 =	vld [tilespmem:s26+$0xFE0]  }
0x337: {  	v5 =	vld [tilespmem:s26+$0xFF0];
	v3 =	vadd.f32 v3, v8  }
0x338: {  	[tilespmem:s26+$0x5FA0] =	vst v2;
	v2 =	vld [tilespmem:s26+$0x37F0];
	v4 =	vmax.f32 v4, $0.0e+00  }
0x339: {  	v6 =	vld [tilespmem:s26+$0x1000];
	v8 =	vadd.f32 v10, v9;
	[tilespmem:s26+$0x5FB0] =	vst v4;
	v4 =	vmax.f32 v3, $0.0e+00  }
0x33a: {  	s18 =	simm.s32 $0x80;
	v3 =	vld [tilespmem:s26+$0x3800];
	[tilespmem:s26+$0x5FC0] =	vst v4  }
0x33b: {  	s22 =	simm.s32 $0x400;
	v8 =	vmax.f32 v8, $0.0e+00;
	v7 =	vadd.f32 v7, v11;
	v4 =	vld [tilespmem:s18+$0x3810]  }
.LBB2_25:
0x33c: {  	p1 =	sne.s32 s22, $0x4E00;
	v9 =	vld [tilespmem:s18+$0x1010];
	[tilespmem:s26+$0x5FD0] =	vst v8  }
0x33d: {  	v8 =	vld [tilespmem:s18+$0x37A0];
	v7 =	vmax.f32 v7, $0.0e+00;
	v2 =	vadd.f32 v5, v2  }
0x33e: {  	v5 =	vld [tilespmem:s18+$0xFA0];
	[tilespmem:s26+$0x5FE0] =	vst v7  }
0x33f: {  	v7 =	vld [tilespmem:s18+$0x37B0];
	v2 =	vmax.f32 v2, $0.0e+00;
	v3 =	vadd.f32 v6, v3  }
0x340: {  	v6 =	vld [tilespmem:s18+$0xFB0];
	[tilespmem:s26+$0x5FF0] =	vst v2  }
0x341: {  	v2 =	vld [tilespmem:s18+$0x37C0];
	v4 =	vadd.f32 v9, v4;
	v3 =	vmax.f32 v3, $0.0e+00  }
0x342: {  	v9 =	vld [tilespmem:s18+$0xFC0];
	[tilespmem:s26+$0x6000] =	vst v3;
	s26 =	smov.u32 s18  }
0x343: {  	v3 =	vadd.f32 v5, v8;
	v8 =	vld [tilespmem:s26+$0x37D0];
	v4 =	vmax.f32 v4, $0.0e+00  }
0x344: {  	v10 =	vld [tilespmem:s26+$0xFD0];
	[tilespmem:s26+$0x6010] =	vst v4  }
0x345: {  	v3 =	vmax.f32 v3, $0.0e+00;
	v4 =	vadd.f32 v6, v7;
	v7 =	vld [tilespmem:s26+$0x37E0]  }
0x346: {  	[tilespmem:s26+$0x5FA0] =	vst v3;
	v11 =	vld [tilespmem:s26+$0xFE0]  }
.Ltmp11:
0x347: {  	v3 =	vmax.f32 v4, $0.0e+00;
	v4 =	vadd.f32 v9, v2;
	v2 =	vld [tilespmem:s26+$0x37F0];
	(pc) =	sbr.rel @p1 .LBB2_25-.Ltmp11, $4  }
0x348: {  	[tilespmem:s26+$0x5FB0] =	vst v3;
	v5 =	vld [tilespmem:s26+$0xFF0]  }
0x349: {  	v4 =	vmax.f32 v4, $0.0e+00;
	v8 =	vadd.f32 v10, v8;
	v3 =	vld [tilespmem:s26+$0x3800]  }
0x34a: {  	s18 =	sshra.s32 s22, $0x2;
	[tilespmem:s26+$0x5FC0] =	vst v4;
	v6 =	vld [tilespmem:s26+$0x1000]  }
0x34b: {  	s22 =	sadd.s32 $0x200, s22;
	v4 =	vld [tilespmem:s18+$0x3810];
	v8 =	vmax.f32 v8, $0.0e+00;
	v7 =	vadd.f32 v11, v7  }
0x34c: {  	v9 =	vld [tilespmem:s18+$0x1010];
	[tilespmem:s26+$0x5FD0] =	vst v8  }
0x34d: {  	v8 =	vld [tilespmem:s18+$0x37A0];
	v7 =	vmax.f32 v7, $0.0e+00;
	v2 =	vadd.f32 v5, v2  }
0x34e: {  	v10 =	vld [tilespmem:s18+$0xFA0];
	[tilespmem:s26+$0x5FE0] =	vst v7  }
0x34f: {  	v5 =	vld [tilespmem:s18+$0x37B0];
	v2 =	vmax.f32 v2, $0.0e+00;
	v3 =	vadd.f32 v6, v3  }
0x350: {  	v7 =	vld [tilespmem:s18+$0xFB0];
	[tilespmem:s26+$0x5FF0] =	vst v2  }
0x351: {  	v2 =	vld [tilespmem:s18+$0x37C0];
	v3 =	vmax.f32 v3, $0.0e+00  }
0x352: {  	v6 =	vld [tilespmem:s18+$0xFC0];
	v4 =	vadd.f32 v9, v4;
	[tilespmem:s26+$0x6000] =	vst v3  }
0x353: {  	v8 =	vadd.f32 v10, v8;
	v3 =	vld [tilespmem:s18+$0x37D0]  }
0x354: {  	v4 =	vmax.f32 v4, $0.0e+00;
	v9 =	vld [tilespmem:s18+$0xFD0]  }
0x355: {  	[tilespmem:s18+$0x6010] =	vst v4;
	v4 =	vmax.f32 v8, $0.0e+00;
	v8 =	vld [tilespmem:s18+$0x37E0]  }
0x356: {  	v5 =	vadd.f32 v7, v5;
	v7 =	vld [tilespmem:s18+$0x37F0]  }
0x357: {  	[tilespmem:s18+$0x5FA0] =	vst v4;
	v4 =	vld [tilespmem:s18+$0xFE0];
	v2 =	vadd.f32 v6, v2  }
0x358: {  	v5 =	vmax.f32 v5, $0.0e+00;
	v6 =	vld [tilespmem:s18+$0x3800]  }
0x359: {  	[tilespmem:s18+$0x5FB0] =	vst v5;
	v5 =	vld [tilespmem:s18+$0xFF0];
	v2 =	vmax.f32 v2, $0.0e+00  }
0x35a: {  	[tilespmem:s18+$0x5FC0] =	vst v2;
	v2 =	vld [tilespmem:s18+$0x1000];
	_ =	sdelay $0x1  }
0x35b: {  	v3 =	vadd.f32 v9, v3  }
0x35c: {  	v4 =	vadd.f32 v4, v8  }
0x35d: {  	v3 =	vmax.f32 v3, $0.0e+00;
	v5 =	vadd.f32 v5, v7  }
0x35e: {  	s22 =	smul.u32 $0x140, s19;
	[tilespmem:s18+$0x5FD0] =	vst v3;
	v3 =	vmax.f32 v4, $0.0e+00;
	v2 =	vadd.f32 v2, v6  }
0x35f: {  	[tilespmem:s18+$0x5FE0] =	vst v3;
	v3 =	vmax.f32 v5, $0.0e+00  }
0x360: {  	p1 =	seq.s32 s19, $0x18;
	s26 =	sshra.s32 s22, $0x2;
	[tilespmem:s18+$0x5FF0] =	vst v3;
	v2 =	vmax.f32 v2, $0.0e+00  }
0x361: {  	s26 =	sadd.s32 $0x7D0, s26;
	[tilespmem:s18+$0x6000] =	vst v2;
	s18 =	sadd.s32 @!p1 s24, s14  }
0x362: {  	[spmem:s2] =	stream.indirect.scatter.add.f32 [tilespmem:s20], [sflag:$0x3], $0x80, s26, s25, $0xb8;
	[tilespmem:$0x1F4A0] =	vst v63  }
0x363: {  	s18 =	sshll.u32 @!p1 s18, $0x4  }
0x364: {  	s18 =	sand.u32 @!p1 $0x1FFFFF00, s18  }
0x365: {  	[spmem:s3] =	stream.indirect.scatter.add.f32 [tilespmem:s31], [sflag:$0x3], $0x10, s26, s25, $0xb8;
	[tilespmem:$0x1F4A0] =	vst v63  }
0x366: {  	s24 =	simm.s32 @!p1 $0x0;
	s18 =	sadd.s32 @!p1 s17, s18;
	s26 =	simm.s32 @!p1 $0xFA0  }
0x367: {  	[tilespmem:s26], [sflag:$0x1] =	stream.linear.gather @!p1 [hbm4b:s18+s24], $0x1400, $0x38;
	[tilespmem:$0x1F4A0] =	vst v63  }
0x368: {  	s18 =	sshra.s32 @!p1 s22, $0x2  }
0x369: {  	s22 =	simm.s32 @!p1 $0x28;
	s24 =	simm.s32 @!p1 $0x37A0;
	s18 =	sadd.s32 @!p1 $0x50, s18  }
0x36a: {  	[tilespmem:s24], [sflag:$0x1] =	stream.indirect.gather @!p1 [hbm4b:s0+s22], $0x80, s18, s22, $0xb8;
	[tilespmem:$0x1F4A0] =	vst v63  }
0x36b: {  	_ =	swait.ge [sflag:s13], $0x1400  }
0x36c: {  	[sflag:s13] =	ssyncset.done $0x0  }
0x36d: {  	[sflag:s13] =	ssyncadd.s32 $0xFFFFEC00  }
0x36e: {  	_ =	swait.ge [sflag:s13], $0x1400  }
0x36f: {  	[sflag:s13] =	ssyncset.done $0x0  }
0x370: {  	s18 =	simm.s32 @!p0 $0x4;
	[sflag:s13] =	ssyncadd.s32 $0xFFFFEC00  }
0x371: {  	_ =	swait.ge @!p0 [sflag:s18], $0x1400  }
0x372: {  	[sflag:s18] =	ssyncset.done @!p0 $0x0  }
0x373: {  	[sflag:s18] =	ssyncadd.s32 @!p0 $0xFFFFEC00  }
0x374: {  	_ =	swait.ge @!p0 [sflag:s18], $0x280  }
0x375: {  	[sflag:s18] =	ssyncset.done @!p0 $0x0  }
0x376: {  	s24 =	simm.s32 $0x0;
	[sflag:s18] =	ssyncadd.s32 @!p0 $0xFFFFFD80  }
0x377: {  	v2 =	vld [tilespmem:s24+$0x4C10]  }
0x378: {  	v3 =	vld [tilespmem:s24+$0x2410]  }
0x379: {  	v4 =	vld [tilespmem:s24+$0x4BA0]  }
0x37a: {  	v5 =	vld [tilespmem:s24+$0x23A0]  }
0x37b: {  	v6 =	vld [tilespmem:s24+$0x4BB0]  }
0x37c: {  	v7 =	vld [tilespmem:s24+$0x23B0]  }
0x37d: {  	v8 =	vld [tilespmem:s24+$0x4BC0]  }
0x37e: {  	v2 =	vadd.f32 v3, v2;
	v3 =	vld [tilespmem:s24+$0x23C0]  }
0x37f: {  	v9 =	vld [tilespmem:s24+$0x4BD0]  }
0x380: {  	v10 =	vld [tilespmem:s24+$0x23D0];
	v4 =	vadd.f32 v5, v4  }
0x381: {  	v11 =	vld [tilespmem:s24+$0x4BE0];
	v2 =	vmax.f32 v2, $0.0e+00  }
0x382: {  	[tilespmem:s24+$0x7410] =	vst v2;
	v2 =	vmax.f32 v4, $0.0e+00;
	v4 =	vadd.f32 v7, v6;
	v7 =	vld [tilespmem:s24+$0x23E0]  }
0x383: {  	v5 =	vld [tilespmem:s24+$0x23F0];
	v3 =	vadd.f32 v3, v8  }
0x384: {  	[tilespmem:s24+$0x73A0] =	vst v2;
	v2 =	vld [tilespmem:s24+$0x4BF0];
	v4 =	vmax.f32 v4, $0.0e+00  }
0x385: {  	v6 =	vld [tilespmem:s24+$0x2400];
	v8 =	vadd.f32 v10, v9;
	[tilespmem:s24+$0x73B0] =	vst v4;
	v4 =	vmax.f32 v3, $0.0e+00  }
0x386: {  	s18 =	simm.s32 $0x80;
	v3 =	vld [tilespmem:s24+$0x4C00];
	[tilespmem:s24+$0x73C0] =	vst v4  }
0x387: {  	s22 =	simm.s32 $0x400;
	v8 =	vmax.f32 v8, $0.0e+00;
	v7 =	vadd.f32 v7, v11;
	v4 =	vld [tilespmem:s18+$0x4C10]  }
.LBB2_27:
0x388: {  	p0 =	sne.s32 s22, $0x4E00;
	v9 =	vld [tilespmem:s18+$0x2410];
	[tilespmem:s24+$0x73D0] =	vst v8  }
0x389: {  	v8 =	vld [tilespmem:s18+$0x4BA0];
	v7 =	vmax.f32 v7, $0.0e+00;
	v2 =	vadd.f32 v5, v2  }
0x38a: {  	v5 =	vld [tilespmem:s18+$0x23A0];
	[tilespmem:s24+$0x73E0] =	vst v7  }
0x38b: {  	v7 =	vld [tilespmem:s18+$0x4BB0];
	v2 =	vmax.f32 v2, $0.0e+00;
	v3 =	vadd.f32 v6, v3  }
0x38c: {  	v6 =	vld [tilespmem:s18+$0x23B0];
	[tilespmem:s24+$0x73F0] =	vst v2  }
0x38d: {  	v2 =	vld [tilespmem:s18+$0x4BC0];
	v4 =	vadd.f32 v9, v4;
	v3 =	vmax.f32 v3, $0.0e+00  }
0x38e: {  	v9 =	vld [tilespmem:s18+$0x23C0];
	[tilespmem:s24+$0x7400] =	vst v3;
	s24 =	smov.u32 s18  }
0x38f: {  	v3 =	vadd.f32 v5, v8;
	v8 =	vld [tilespmem:s24+$0x4BD0];
	v4 =	vmax.f32 v4, $0.0e+00  }
0x390: {  	v10 =	vld [tilespmem:s24+$0x23D0];
	[tilespmem:s24+$0x7410] =	vst v4  }
0x391: {  	v3 =	vmax.f32 v3, $0.0e+00;
	v4 =	vadd.f32 v6, v7;
	v7 =	vld [tilespmem:s24+$0x4BE0]  }
0x392: {  	[tilespmem:s24+$0x73A0] =	vst v3;
	v11 =	vld [tilespmem:s24+$0x23E0]  }
.Ltmp12:
0x393: {  	v3 =	vmax.f32 v4, $0.0e+00;
	v4 =	vadd.f32 v9, v2;
	v2 =	vld [tilespmem:s24+$0x4BF0];
	(pc) =	sbr.rel @p0 .LBB2_27-.Ltmp12, $4  }
0x394: {  	[tilespmem:s24+$0x73B0] =	vst v3;
	v5 =	vld [tilespmem:s24+$0x23F0]  }
0x395: {  	v4 =	vmax.f32 v4, $0.0e+00;
	v8 =	vadd.f32 v10, v8;
	v3 =	vld [tilespmem:s24+$0x4C00]  }
0x396: {  	s18 =	sshra.s32 s22, $0x2;
	[tilespmem:s24+$0x73C0] =	vst v4;
	v6 =	vld [tilespmem:s24+$0x2400]  }
0x397: {  	s22 =	sadd.s32 $0x200, s22;
	v4 =	vld [tilespmem:s18+$0x4C10];
	v8 =	vmax.f32 v8, $0.0e+00;
	v7 =	vadd.f32 v11, v7  }
0x398: {  	v9 =	vld [tilespmem:s18+$0x2410];
	[tilespmem:s24+$0x73D0] =	vst v8  }
0x399: {  	v8 =	vld [tilespmem:s18+$0x4BA0];
	v7 =	vmax.f32 v7, $0.0e+00;
	v2 =	vadd.f32 v5, v2  }
0x39a: {  	v10 =	vld [tilespmem:s18+$0x23A0];
	[tilespmem:s24+$0x73E0] =	vst v7  }
0x39b: {  	v55 =	vld [tilespmem:s18+$0x4BB0];
	v2 =	vmax.f32 v2, $0.0e+00;
	v3 =	vadd.f32 v6, v3  }
0x39c: {  	v7 =	vld [tilespmem:s18+$0x23B0];
	[tilespmem:s24+$0x73F0] =	vst v2  }
0x39d: {  	v2 =	vld [tilespmem:s18+$0x4BC0];
	v3 =	vmax.f32 v3, $0.0e+00  }
0x39e: {  	v56 =	vld [tilespmem:s18+$0x23C0];
	[tilespmem:s24+$0x7400] =	vst v3  }
0x39f: {  	v3 =	vld [tilespmem:s18+$0x4BD0]  }
0x3a0: {  	v57 =	vld [tilespmem:s18+$0x23D0]  }
0x3a1: {  	v59 =	vld [tilespmem:s18+$0x4BE0]  }
0x3a2: {  	v60 =	vld [tilespmem:s18+$0x23E0]  }
0x3a3: {  	v61 =	vld [tilespmem:s18+$0x4BF0];
	v2 =	vadd.f32 v56, v2  }
0x3a4: {  	v62 =	vld [tilespmem:s18+$0x23F0]  }
0x3a5: {  	v4 =	vadd.f32 v9, v4;
	v63 =	vld [tilespmem:s18+$0x4C00];
	v2 =	vmax.f32 v2, $0.0e+00  }
0x3a6: {  	v8 =	vadd.f32 v10, v8;
	[tilespmem:s18+$0x73C0] =	vst v2;
	v2 =	vld [tilespmem:s18+$0x2400]  }
0x3a7: {  	v4 =	vmax.f32 v4, $0.0e+00;
	v5 =	vadd.f32 v7, v55  }
0x3a8: {  	[tilespmem:s18+$0x7410] =	vst v4;
	v58 =	vmax.f32 v8, $0.0e+00;
	v3 =	vadd.f32 v57, v3  }
0x3a9: {  	[tilespmem:s18+$0x73A0] =	vst v58;
	v5 =	vmax.f32 v5, $0.0e+00;
	v4 =	vadd.f32 v60, v59  }
0x3aa: {  	[tilespmem:s18+$0x73B0] =	vst v5;
	v5 =	vadd.f32 v62, v61;
	v3 =	vmax.f32 v3, $0.0e+00  }
0x3ab: {  	s19 =	sadd.s32 $0x1, s19;
	[tilespmem:s18+$0x73D0] =	vst v3;
	v3 =	vmax.f32 v4, $0.0e+00;
	v2 =	vadd.f32 v2, v63  }
0x3ac: {  	p0 =	sne.s32 s19, $0x19;
	[tilespmem:s18+$0x73E0] =	vst v3;
	v3 =	vmax.f32 v5, $0.0e+00  }
.Ltmp13:
0x3ad: {  	[tilespmem:s18+$0x73F0] =	vst v3;
	v2 =	vmax.f32 v2, $0.0e+00;
	(pc) =	sbr.rel @p0 .LBB2_24-.Ltmp13, $4  }
0x3ae: {  	s26 =	sadd.s32 $0x7D0, s23;
	[tilespmem:s18+$0x7400] =	vst v2  }
0x3af: {  	[spmem:s2] =	stream.indirect.scatter.add.f32 [tilespmem:s1], [sflag:$0x4], $0x80, s26, s25, $0xb8;
	[tilespmem:$0x1F4A0] =	vst v63  }
0x3b0: {  	_ = 	snop  }
0x3b1: {  	[spmem:s3] =	stream.indirect.scatter.add.f32 [tilespmem:s31], [sflag:$0x4], $0x10, s26, s25, $0xb8;
	[tilespmem:$0x1F4A0] =	vst v63  }
0x3b2: {  	_ =	swait.ge [sflag:s6], $0x1400  }
0x3b3: {  	[sflag:s6] =	ssyncset.done $0x0  }
0x3b4: {  	[sflag:s6] =	ssyncadd.s32 $0xFFFFEC00  }
0x3b5: {  	_ =	swait.ge [sflag:s6], $0x280  }
0x3b6: {  	[sflag:s6] =	ssyncset.done $0x0  }
0x3b7: {  	[sflag:s6] =	ssyncadd.s32 $0xFFFFFD80  }
0x3b8: {  	_ =	swait.ge [sflag:s7], $0x1400  }
0x3b9: {  	[sflag:s7] =	ssyncset.done $0x0  }
0x3ba: {  	[sflag:s7] =	ssyncadd.s32 $0xFFFFEC00  }
0x3bb: {  	_ =	swait.ge [sflag:s7], $0x280  }
0x3bc: {  	[sflag:s7] =	ssyncset.done $0x0  }
0x3bd: {  	s19 =	simm.s32 $0x0;
	s18 =	rddreg [dreg:$0xd];
	[sflag:s7] =	ssyncadd.s32 $0xFFFFFD80  }
0x3be: {  	[tilespmem:s19], [sflag:$0x5] =	stream.linear.gather [hbm4b:s18+s19], $0x7D0, $0x38;
	[tilespmem:$0x1F4A0] =	vst v63  }
0x3bf: {  	_ =	swait.ge [sflag:s21], $0x7D0  }
0x3c0: {  	[sflag:s21] =	ssyncset.done $0x0  }
0x3c1: {  	s22 =	simm.s32 $0x7D0;
	s26 =	rddreg [dreg:$0xe];
	[sflag:s21] =	ssyncadd.s32 $0xFFFFF830  }
0x3c2: {  	[tilespmem:s22], [sflag:$0x5] =	stream.linear.gather [hbm4b:s26+s19], $0x7D0, $0x38;
	[tilespmem:$0x1F4A0] =	vst v63  }
0x3c3: {  	_ =	swait.ge [sflag:s21], $0x7D0  }
0x3c4: {  	s23 =	sld [smem:$0x7FA]  }
0x3c5: {  	[sflag:s21] =	ssyncset.done $0x0  }
0x3c6: {  	s24 =	simm.s32 $0xFA0;
	[sflag:s21] =	ssyncadd.s32 $0xFFFFF830  }
0x3c7: {  	[tilespmem:s24], [sflag:$0x1] =	stream.linear.gather [hbm4b:s23+s19], $0x1400, $0x38;
	[tilespmem:$0x1F4A0] =	vst v63  }
0x3c8: {  	s26 =	simm.s32 $0x37A0  }
0x3c9: {  	[tilespmem:s26], [sflag:$0x1] =	stream.indirect.gather [hbm4b:s0+s25], $0x80, s19, s25, $0xb8;
	[tilespmem:$0x1F4A0] =	vst v63  }
.LBB2_30:
0x3ca: {  	s24 =	smul.u32 $0x50, s19;
	_ =	sdelay $0x1  }
0x3cb: {  	s18 =	sadd.s32 s24, s15  }
0x3cc: {  	s18 =	sshll.u32 s18, $0x4  }
0x3cd: {  	s18 =	sand.u32 $0x1FFFFF80, s18  }
0x3ce: {  	s18 =	sadd.s32 s17, s18  }
0x3cf: {  	[tilespmem:s28], [sflag:$0x2] =	stream.linear.gather [hbm4b:s18+s4], $0x1400, $0x38;
	[tilespmem:$0x1F4A0] =	vst v63  }
0x3d0: {  	s23 =	sadd.s32 $0x28, s24  }
0x3d1: {  	[tilespmem:s29], [sflag:$0x2] =	stream.indirect.gather [hbm4b:s0+s25], $0x80, s23, s25, $0xb8;
	[tilespmem:$0x1F4A0] =	vst v63  }
0x3d2: {  	_ =	swait.ge [sflag:s30], $0x1400  }
0x3d3: {  	[sflag:s30] =	ssyncset.done $0x0  }
0x3d4: {  	[sflag:s30] =	ssyncadd.s32 $0xFFFFEC00  }
0x3d5: {  	_ =	swait.ge [sflag:s30], $0x1400  }
0x3d6: {  	p0 =	seq.s32 s19, $0x0;
	[sflag:s30] =	ssyncset.done $0x0  }
0x3d7: {  	s18 =	simm.s32 @!p0 $0x3;
	[sflag:s30] =	ssyncadd.s32 $0xFFFFEC00  }
0x3d8: {  	_ =	swait.ge @!p0 [sflag:s18], $0x1400  }
0x3d9: {  	[sflag:s18] =	ssyncset.done @!p0 $0x0  }
0x3da: {  	[sflag:s18] =	ssyncadd.s32 @!p0 $0xFFFFEC00  }
0x3db: {  	_ =	swait.ge @!p0 [sflag:s18], $0x280  }
0x3dc: {  	[sflag:s18] =	ssyncset.done @!p0 $0x0  }
0x3dd: {  	s26 =	simm.s32 $0x0;
	[sflag:s18] =	ssyncadd.s32 @!p0 $0xFFFFFD80  }
0x3de: {  	v2 =	vld [tilespmem:s26+$0x3810]  }
0x3df: {  	v3 =	vld [tilespmem:s26+$0x1010]  }
0x3e0: {  	v4 =	vld [tilespmem:s26+$0x37A0]  }
0x3e1: {  	v5 =	vld [tilespmem:s26+$0xFA0]  }
0x3e2: {  	v6 =	vld [tilespmem:s26+$0x37B0]  }
0x3e3: {  	v7 =	vld [tilespmem:s26+$0xFB0]  }
0x3e4: {  	v8 =	vld [tilespmem:s26+$0x37C0]  }
0x3e5: {  	v2 =	vadd.f32 v3, v2;
	v3 =	vld [tilespmem:s26+$0xFC0]  }
0x3e6: {  	v9 =	vld [tilespmem:s26+$0x37D0]  }
0x3e7: {  	v10 =	vld [tilespmem:s26+$0xFD0];
	v4 =	vadd.f32 v5, v4  }
0x3e8: {  	v11 =	vld [tilespmem:s26+$0x37E0];
	v2 =	vmax.f32 v2, $0.0e+00  }
0x3e9: {  	[tilespmem:s26+$0x6010] =	vst v2;
	v2 =	vmax.f32 v4, $0.0e+00;
	v4 =	vadd.f32 v7, v6;
	v7 =	vld [tilespmem:s26+$0xFE0]  }
0x3ea: {  	v5 =	vld [tilespmem:s26+$0xFF0];
	v3 =	vadd.f32 v3, v8  }
0x3eb: {  	[tilespmem:s26+$0x5FA0] =	vst v2;
	v2 =	vld [tilespmem:s26+$0x37F0];
	v4 =	vmax.f32 v4, $0.0e+00  }
0x3ec: {  	v6 =	vld [tilespmem:s26+$0x1000];
	v8 =	vadd.f32 v10, v9;
	[tilespmem:s26+$0x5FB0] =	vst v4;
	v4 =	vmax.f32 v3, $0.0e+00  }
0x3ed: {  	s18 =	simm.s32 $0x80;
	v3 =	vld [tilespmem:s26+$0x3800];
	[tilespmem:s26+$0x5FC0] =	vst v4  }
0x3ee: {  	s22 =	simm.s32 $0x400;
	v8 =	vmax.f32 v8, $0.0e+00;
	v7 =	vadd.f32 v7, v11;
	v4 =	vld [tilespmem:s18+$0x3810]  }
.LBB2_31:
0x3ef: {  	p1 =	sne.s32 s22, $0x4E00;
	v9 =	vld [tilespmem:s18+$0x1010];
	[tilespmem:s26+$0x5FD0] =	vst v8  }
0x3f0: {  	v8 =	vld [tilespmem:s18+$0x37A0];
	v7 =	vmax.f32 v7, $0.0e+00;
	v2 =	vadd.f32 v5, v2  }
0x3f1: {  	v5 =	vld [tilespmem:s18+$0xFA0];
	[tilespmem:s26+$0x5FE0] =	vst v7  }
0x3f2: {  	v7 =	vld [tilespmem:s18+$0x37B0];
	v2 =	vmax.f32 v2, $0.0e+00;
	v3 =	vadd.f32 v6, v3  }
0x3f3: {  	v6 =	vld [tilespmem:s18+$0xFB0];
	[tilespmem:s26+$0x5FF0] =	vst v2  }
0x3f4: {  	v2 =	vld [tilespmem:s18+$0x37C0];
	v4 =	vadd.f32 v9, v4;
	v3 =	vmax.f32 v3, $0.0e+00  }
0x3f5: {  	v9 =	vld [tilespmem:s18+$0xFC0];
	[tilespmem:s26+$0x6000] =	vst v3;
	s26 =	smov.u32 s18  }
0x3f6: {  	v3 =	vadd.f32 v5, v8;
	v8 =	vld [tilespmem:s26+$0x37D0];
	v4 =	vmax.f32 v4, $0.0e+00  }
0x3f7: {  	v10 =	vld [tilespmem:s26+$0xFD0];
	[tilespmem:s26+$0x6010] =	vst v4  }
0x3f8: {  	v3 =	vmax.f32 v3, $0.0e+00;
	v4 =	vadd.f32 v6, v7;
	v7 =	vld [tilespmem:s26+$0x37E0]  }
0x3f9: {  	[tilespmem:s26+$0x5FA0] =	vst v3;
	v11 =	vld [tilespmem:s26+$0xFE0]  }
.Ltmp14:
0x3fa: {  	v3 =	vmax.f32 v4, $0.0e+00;
	v4 =	vadd.f32 v9, v2;
	v2 =	vld [tilespmem:s26+$0x37F0];
	(pc) =	sbr.rel @p1 .LBB2_31-.Ltmp14, $4  }
0x3fb: {  	[tilespmem:s26+$0x5FB0] =	vst v3;
	v5 =	vld [tilespmem:s26+$0xFF0]  }
0x3fc: {  	v4 =	vmax.f32 v4, $0.0e+00;
	v8 =	vadd.f32 v10, v8;
	v3 =	vld [tilespmem:s26+$0x3800]  }
0x3fd: {  	s18 =	sshra.s32 s22, $0x2;
	[tilespmem:s26+$0x5FC0] =	vst v4;
	v6 =	vld [tilespmem:s26+$0x1000]  }
0x3fe: {  	s22 =	sadd.s32 $0x200, s22;
	v4 =	vld [tilespmem:s18+$0x3810];
	v8 =	vmax.f32 v8, $0.0e+00;
	v7 =	vadd.f32 v11, v7  }
0x3ff: {  	v9 =	vld [tilespmem:s18+$0x1010];
	[tilespmem:s26+$0x5FD0] =	vst v8  }
0x400: {  	v8 =	vld [tilespmem:s18+$0x37A0];
	v7 =	vmax.f32 v7, $0.0e+00;
	v2 =	vadd.f32 v5, v2  }
0x401: {  	v10 =	vld [tilespmem:s18+$0xFA0];
	[tilespmem:s26+$0x5FE0] =	vst v7  }
0x402: {  	v5 =	vld [tilespmem:s18+$0x37B0];
	v2 =	vmax.f32 v2, $0.0e+00;
	v3 =	vadd.f32 v6, v3  }
0x403: {  	v7 =	vld [tilespmem:s18+$0xFB0];
	[tilespmem:s26+$0x5FF0] =	vst v2  }
0x404: {  	v2 =	vld [tilespmem:s18+$0x37C0];
	v3 =	vmax.f32 v3, $0.0e+00  }
0x405: {  	v6 =	vld [tilespmem:s18+$0xFC0];
	v4 =	vadd.f32 v9, v4;
	[tilespmem:s26+$0x6000] =	vst v3  }
0x406: {  	v8 =	vadd.f32 v10, v8;
	v3 =	vld [tilespmem:s18+$0x37D0]  }
0x407: {  	v4 =	vmax.f32 v4, $0.0e+00;
	v9 =	vld [tilespmem:s18+$0xFD0]  }
0x408: {  	[tilespmem:s18+$0x6010] =	vst v4;
	v4 =	vmax.f32 v8, $0.0e+00;
	v8 =	vld [tilespmem:s18+$0x37E0]  }
0x409: {  	v5 =	vadd.f32 v7, v5;
	v7 =	vld [tilespmem:s18+$0x37F0]  }
0x40a: {  	[tilespmem:s18+$0x5FA0] =	vst v4;
	v4 =	vld [tilespmem:s18+$0xFE0];
	v2 =	vadd.f32 v6, v2  }
0x40b: {  	v5 =	vmax.f32 v5, $0.0e+00;
	v6 =	vld [tilespmem:s18+$0x3800]  }
0x40c: {  	[tilespmem:s18+$0x5FB0] =	vst v5;
	v5 =	vld [tilespmem:s18+$0xFF0];
	v2 =	vmax.f32 v2, $0.0e+00  }
0x40d: {  	[tilespmem:s18+$0x5FC0] =	vst v2;
	v2 =	vld [tilespmem:s18+$0x1000];
	_ =	sdelay $0x1  }
0x40e: {  	v3 =	vadd.f32 v9, v3  }
0x40f: {  	v4 =	vadd.f32 v4, v8  }
0x410: {  	v3 =	vmax.f32 v3, $0.0e+00;
	v5 =	vadd.f32 v5, v7  }
0x411: {  	s22 =	smul.u32 $0x140, s19;
	[tilespmem:s18+$0x5FD0] =	vst v3;
	v3 =	vmax.f32 v4, $0.0e+00;
	v2 =	vadd.f32 v2, v6  }
0x412: {  	[tilespmem:s18+$0x5FE0] =	vst v3;
	v3 =	vmax.f32 v5, $0.0e+00  }
0x413: {  	p1 =	seq.s32 s19, $0x18;
	s26 =	sshra.s32 s22, $0x2;
	[tilespmem:s18+$0x5FF0] =	vst v3;
	v2 =	vmax.f32 v2, $0.0e+00  }
0x414: {  	s26 =	sadd.s32 $0x7D0, s26;
	[tilespmem:s18+$0x6000] =	vst v2;
	s18 =	sadd.s32 @!p1 s24, s16  }
0x415: {  	[spmem:s2] =	stream.indirect.scatter.add.f32 [tilespmem:s20], [sflag:$0x3], $0x80, s26, s25, $0xb8;
	[tilespmem:$0x1F4A0] =	vst v63  }
0x416: {  	s18 =	sshll.u32 @!p1 s18, $0x4  }
0x417: {  	s18 =	sand.u32 @!p1 $0x1FFFFF00, s18  }
0x418: {  	[spmem:s3] =	stream.indirect.scatter.add.f32 [tilespmem:s31], [sflag:$0x3], $0x10, s26, s25, $0xb8;
	[tilespmem:$0x1F4A0] =	vst v63  }
0x419: {  	s24 =	simm.s32 @!p1 $0x0;
	s18 =	sadd.s32 @!p1 s17, s18;
	s26 =	simm.s32 @!p1 $0xFA0  }
0x41a: {  	[tilespmem:s26], [sflag:$0x1] =	stream.linear.gather @!p1 [hbm4b:s18+s24], $0x1400, $0x38;
	[tilespmem:$0x1F4A0] =	vst v63  }
0x41b: {  	s18 =	sshra.s32 @!p1 s22, $0x2  }
0x41c: {  	s22 =	simm.s32 @!p1 $0x28;
	s24 =	simm.s32 @!p1 $0x37A0;
	s18 =	sadd.s32 @!p1 $0x50, s18  }
0x41d: {  	[tilespmem:s24], [sflag:$0x1] =	stream.indirect.gather @!p1 [hbm4b:s0+s22], $0x80, s18, s22, $0xb8;
	[tilespmem:$0x1F4A0] =	vst v63  }
0x41e: {  	_ =	swait.ge [sflag:s13], $0x1400  }
0x41f: {  	[sflag:s13] =	ssyncset.done $0x0  }
0x420: {  	[sflag:s13] =	ssyncadd.s32 $0xFFFFEC00  }
0x421: {  	_ =	swait.ge [sflag:s13], $0x1400  }
0x422: {  	[sflag:s13] =	ssyncset.done $0x0  }
0x423: {  	s18 =	simm.s32 @!p0 $0x4;
	[sflag:s13] =	ssyncadd.s32 $0xFFFFEC00  }
0x424: {  	_ =	swait.ge @!p0 [sflag:s18], $0x1400  }
0x425: {  	[sflag:s18] =	ssyncset.done @!p0 $0x0  }
0x426: {  	[sflag:s18] =	ssyncadd.s32 @!p0 $0xFFFFEC00  }
0x427: {  	_ =	swait.ge @!p0 [sflag:s18], $0x280  }
0x428: {  	[sflag:s18] =	ssyncset.done @!p0 $0x0  }
0x429: {  	s24 =	simm.s32 $0x0;
	[sflag:s18] =	ssyncadd.s32 @!p0 $0xFFFFFD80  }
0x42a: {  	v2 =	vld [tilespmem:s24+$0x4C10]  }
0x42b: {  	v3 =	vld [tilespmem:s24+$0x2410]  }
0x42c: {  	v4 =	vld [tilespmem:s24+$0x4BA0]  }
0x42d: {  	v5 =	vld [tilespmem:s24+$0x23A0]  }
0x42e: {  	v6 =	vld [tilespmem:s24+$0x4BB0]  }
0x42f: {  	v7 =	vld [tilespmem:s24+$0x23B0]  }
0x430: {  	v8 =	vld [tilespmem:s24+$0x4BC0]  }
0x431: {  	v2 =	vadd.f32 v3, v2;
	v3 =	vld [tilespmem:s24+$0x23C0]  }
0x432: {  	v9 =	vld [tilespmem:s24+$0x4BD0]  }
0x433: {  	v10 =	vld [tilespmem:s24+$0x23D0];
	v4 =	vadd.f32 v5, v4  }
0x434: {  	v11 =	vld [tilespmem:s24+$0x4BE0];
	v2 =	vmax.f32 v2, $0.0e+00  }
0x435: {  	[tilespmem:s24+$0x7410] =	vst v2;
	v2 =	vmax.f32 v4, $0.0e+00;
	v4 =	vadd.f32 v7, v6;
	v7 =	vld [tilespmem:s24+$0x23E0]  }
0x436: {  	v5 =	vld [tilespmem:s24+$0x23F0];
	v3 =	vadd.f32 v3, v8  }
0x437: {  	[tilespmem:s24+$0x73A0] =	vst v2;
	v2 =	vld [tilespmem:s24+$0x4BF0];
	v4 =	vmax.f32 v4, $0.0e+00  }
0x438: {  	v6 =	vld [tilespmem:s24+$0x2400];
	v8 =	vadd.f32 v10, v9;
	[tilespmem:s24+$0x73B0] =	vst v4;
	v4 =	vmax.f32 v3, $0.0e+00  }
0x439: {  	s18 =	simm.s32 $0x80;
	v3 =	vld [tilespmem:s24+$0x4C00];
	[tilespmem:s24+$0x73C0] =	vst v4  }
0x43a: {  	s22 =	simm.s32 $0x400;
	v8 =	vmax.f32 v8, $0.0e+00;
	v7 =	vadd.f32 v7, v11;
	v4 =	vld [tilespmem:s18+$0x4C10]  }
.LBB2_33:
0x43b: {  	p0 =	sne.s32 s22, $0x4E00;
	v9 =	vld [tilespmem:s18+$0x2410];
	[tilespmem:s24+$0x73D0] =	vst v8  }
0x43c: {  	v8 =	vld [tilespmem:s18+$0x4BA0];
	v7 =	vmax.f32 v7, $0.0e+00;
	v2 =	vadd.f32 v5, v2  }
0x43d: {  	v5 =	vld [tilespmem:s18+$0x23A0];
	[tilespmem:s24+$0x73E0] =	vst v7  }
0x43e: {  	v7 =	vld [tilespmem:s18+$0x4BB0];
	v2 =	vmax.f32 v2, $0.0e+00;
	v3 =	vadd.f32 v6, v3  }
0x43f: {  	v6 =	vld [tilespmem:s18+$0x23B0];
	[tilespmem:s24+$0x73F0] =	vst v2  }
0x440: {  	v2 =	vld [tilespmem:s18+$0x4BC0];
	v4 =	vadd.f32 v9, v4;
	v3 =	vmax.f32 v3, $0.0e+00  }
0x441: {  	v9 =	vld [tilespmem:s18+$0x23C0];
	[tilespmem:s24+$0x7400] =	vst v3;
	s24 =	smov.u32 s18  }
0x442: {  	v3 =	vadd.f32 v5, v8;
	v8 =	vld [tilespmem:s24+$0x4BD0];
	v4 =	vmax.f32 v4, $0.0e+00  }
0x443: {  	v10 =	vld [tilespmem:s24+$0x23D0];
	[tilespmem:s24+$0x7410] =	vst v4  }
0x444: {  	v3 =	vmax.f32 v3, $0.0e+00;
	v4 =	vadd.f32 v6, v7;
	v7 =	vld [tilespmem:s24+$0x4BE0]  }
0x445: {  	[tilespmem:s24+$0x73A0] =	vst v3;
	v11 =	vld [tilespmem:s24+$0x23E0]  }
.Ltmp15:
0x446: {  	v3 =	vmax.f32 v4, $0.0e+00;
	v4 =	vadd.f32 v9, v2;
	v2 =	vld [tilespmem:s24+$0x4BF0];
	(pc) =	sbr.rel @p0 .LBB2_33-.Ltmp15, $4  }
0x447: {  	[tilespmem:s24+$0x73B0] =	vst v3;
	v5 =	vld [tilespmem:s24+$0x23F0]  }
0x448: {  	v4 =	vmax.f32 v4, $0.0e+00;
	v8 =	vadd.f32 v10, v8;
	v3 =	vld [tilespmem:s24+$0x4C00]  }
0x449: {  	s18 =	sshra.s32 s22, $0x2;
	[tilespmem:s24+$0x73C0] =	vst v4;
	v6 =	vld [tilespmem:s24+$0x2400]  }
0x44a: {  	s22 =	sadd.s32 $0x200, s22;
	v4 =	vld [tilespmem:s18+$0x4C10];
	v8 =	vmax.f32 v8, $0.0e+00;
	v7 =	vadd.f32 v11, v7  }
0x44b: {  	v9 =	vld [tilespmem:s18+$0x2410];
	[tilespmem:s24+$0x73D0] =	vst v8  }
0x44c: {  	v8 =	vld [tilespmem:s18+$0x4BA0];
	v7 =	vmax.f32 v7, $0.0e+00;
	v2 =	vadd.f32 v5, v2  }
0x44d: {  	v10 =	vld [tilespmem:s18+$0x23A0];
	[tilespmem:s24+$0x73E0] =	vst v7  }
0x44e: {  	v55 =	vld [tilespmem:s18+$0x4BB0];
	v2 =	vmax.f32 v2, $0.0e+00;
	v3 =	vadd.f32 v6, v3  }
0x44f: {  	v7 =	vld [tilespmem:s18+$0x23B0];
	[tilespmem:s24+$0x73F0] =	vst v2  }
0x450: {  	v2 =	vld [tilespmem:s18+$0x4BC0];
	v3 =	vmax.f32 v3, $0.0e+00  }
0x451: {  	v56 =	vld [tilespmem:s18+$0x23C0];
	[tilespmem:s24+$0x7400] =	vst v3  }
0x452: {  	v3 =	vld [tilespmem:s18+$0x4BD0]  }
0x453: {  	v57 =	vld [tilespmem:s18+$0x23D0]  }
0x454: {  	v59 =	vld [tilespmem:s18+$0x4BE0]  }
0x455: {  	v60 =	vld [tilespmem:s18+$0x23E0]  }
0x456: {  	v61 =	vld [tilespmem:s18+$0x4BF0];
	v2 =	vadd.f32 v56, v2  }
0x457: {  	v62 =	vld [tilespmem:s18+$0x23F0]  }
0x458: {  	v4 =	vadd.f32 v9, v4;
	v63 =	vld [tilespmem:s18+$0x4C00];
	v2 =	vmax.f32 v2, $0.0e+00  }
0x459: {  	v8 =	vadd.f32 v10, v8;
	[tilespmem:s18+$0x73C0] =	vst v2;
	v2 =	vld [tilespmem:s18+$0x2400]  }
0x45a: {  	v4 =	vmax.f32 v4, $0.0e+00;
	v5 =	vadd.f32 v7, v55  }
0x45b: {  	[tilespmem:s18+$0x7410] =	vst v4;
	v58 =	vmax.f32 v8, $0.0e+00;
	v3 =	vadd.f32 v57, v3  }
0x45c: {  	[tilespmem:s18+$0x73A0] =	vst v58;
	v5 =	vmax.f32 v5, $0.0e+00;
	v4 =	vadd.f32 v60, v59  }
0x45d: {  	[tilespmem:s18+$0x73B0] =	vst v5;
	v5 =	vadd.f32 v62, v61;
	v3 =	vmax.f32 v3, $0.0e+00  }
0x45e: {  	s19 =	sadd.s32 $0x1, s19;
	[tilespmem:s18+$0x73D0] =	vst v3;
	v3 =	vmax.f32 v4, $0.0e+00;
	v2 =	vadd.f32 v2, v63  }
0x45f: {  	p0 =	sne.s32 s19, $0x19;
	[tilespmem:s18+$0x73E0] =	vst v3;
	v3 =	vmax.f32 v5, $0.0e+00  }
.Ltmp16:
0x460: {  	[tilespmem:s18+$0x73F0] =	vst v3;
	v2 =	vmax.f32 v2, $0.0e+00;
	(pc) =	sbr.rel @p0 .LBB2_30-.Ltmp16, $4  }
0x461: {  	s26 =	sadd.s32 $0x7D0, s23;
	[tilespmem:s18+$0x7400] =	vst v2  }
0x462: {  	[spmem:s2] =	stream.indirect.scatter.add.f32 [tilespmem:s1], [sflag:$0x4], $0x80, s26, s25, $0xb8;
	[tilespmem:$0x1F4A0] =	vst v63  }
0x463: {  	_ = 	snop  }
0x464: {  	[spmem:s3] =	stream.indirect.scatter.add.f32 [tilespmem:s31], [sflag:$0x4], $0x10, s26, s25, $0xb8;
	[tilespmem:$0x1F4A0] =	vst v63  }
0x465: {  	_ =	swait.ge [sflag:s6], $0x1400  }
0x466: {  	[sflag:s6] =	ssyncset.done $0x0  }
0x467: {  	[sflag:s6] =	ssyncadd.s32 $0xFFFFEC00  }
0x468: {  	_ =	swait.ge [sflag:s6], $0x280  }
0x469: {  	[sflag:s6] =	ssyncset.done $0x0  }
0x46a: {  	[sflag:s6] =	ssyncadd.s32 $0xFFFFFD80  }
0x46b: {  	_ =	swait.ge [sflag:s7], $0x1400  }
0x46c: {  	[sflag:s7] =	ssyncset.done $0x0  }
0x46d: {  	[sflag:s7] =	ssyncadd.s32 $0xFFFFEC00  }
0x46e: {  	_ =	swait.ge [sflag:s7], $0x280  }
0x46f: {  	[sflag:s7] =	ssyncset.done $0x0  }
0x470: {  	[sflag:s7] =	ssyncadd.s32 $0xFFFFFD80  }
0x471: {  	[bflag:$0x0] =	sbarrier.arrive $0xFFFF  }
0x472: {  	s18 =	stileid.u32;
	s22 =	sld [smem:$0x7FB]  }
0x473: {  	s18 =	sshll.u32 s18, $0x6;
	s23 =	rddreg [dreg:$0xf]  }
0x474: {  	s18 =	sor.u32 $0x1C05, s18;
	s19 =	sshrl.u32 s23, $0x3  }
0x475: {  	[hbm:s22], [sflag:s18] =	dma.local [spmem:s19], $0x2800  }
0x476: {  	_ =	swait.ge [sflag:s21], $0x2800  }
0x477: {  	s26 =	sld [smem:$0x7FC]  }
0x478: {  	[sflag:s21] =	ssyncset.done $0x0;
	s24 =	rddreg [dreg:$0x10]  }
0x479: {  	[sflag:s21] =	ssyncadd.s32 $0xFFFFD800;
	s22 =	sshrl.u32 s24, $0x3  }
0x47a: {  	[hbm:s26], [sflag:s18] =	dma.local [spmem:s22], $0x500  }
0x47b: {  	_ =	swait.ge [sflag:s21], $0x500  }
0x47c: {  	s22 =	sld [smem:$0x7E6]  }
0x47d: {  	s26 =	sld [smem:$0x7FD];
	_ =	sdelay $0x1  }
0x47e: {  	s19 =	sadd.s32 $0x1, s22  }
0x47f: {  	p0 =	sne.s32 s19, s26  }
.Ltmp17:
0x480: {  	_ = 	snop;
	(pc) =	sbr.rel @p0 .LBB2_1-.Ltmp17, $3  }
0x481: {  	_ =	sdelay $0x1  }
0x482: {  	[sflag:s21] =	ssyncset.done $0x0  }
0x483: {  	[sflag:s21] =	ssyncadd.s32 $0xFFFFFB00  }
0x484: {  	_ =	sfence.sel $0x180000  }
0x485: {  	[bflag:$0x0] =	sbarrier.arrive $0xFFFF  }
0x486: {  	_ =	strace $0x90000047  }
0x487: {  	s0 =	stileid.u32;
	[bflag:$0x2] =	sbarrier.arrive $0xFFFF  }
0x488: {  	p0 =	sne.s32 s0, $0x0;
	s0 =	rddreg [dreg:$0x4]  }
0x489: {  	s0 =	sadd.s32 @!p0 $0x100000, s0  }
0x48a: {  	[sflag:s0] =	ssyncadd.tile.s32 @!p0 $0x1;
	_ =	shalt  }
.Lfunc_end2:
_tile_overlayer_lowered:
.L_overlay_start_2:
0x48b: {  	(tag) =	ssettag $0x2  }
0x48c: {  	s0 =	rddreg [dreg:$0x0];
	s2 =	stileid.u32  }
0x48d: {  	s1 =	rddreg [dreg:$0x1];
	p0 =	sne.s32 s2, $0x0  }
0x48e: {  	s3 =	rddreg [dreg:$0x2];
	[bflag:$0x3] =	sbarrier.arrive $0xFFFF;
	s2 =	simm.s32 @!p0 $0x1C05  }
0x48f: {  	[timem:s3], [sflag:s2] =	dma.local @!p0 [hbm:s0], s1  }
0x490: {  	s0 =	simm.s32 @!p0 $0x5  }
0x491: {  	_ =	swait.ge @!p0 [sflag:s0], s1  }
0x492: {  	s1 =	ssub.s32 @!p0 $0x0, s1;
	[sflag:s0] =	ssyncset.done @!p0 $0x0  }
0x493: {  	[sflag:s0] =	ssyncadd.s32 @!p0 s1  }
0x494: {  	[bflag:$0x3] =	sbarrier.arrive $0xFFFF  }
0x495: {  	_ =	shalt  }

</sc_bundles>
